<compile_context>
chip_gen: v7x
topology: tpu7x:2x2x1
jax: 0.10.2.dev20260603
libtpu: 0.0.44.dev20260713+nightly
codegen_flags: <defaults>
</compile_context>

<pallas_src>
import jax
import jax.numpy as jnp
from jax import lax
from jax.experimental import pallas as pl
from jax.experimental.pallas import tpu as pltpu
from jax.experimental.pallas import tpu_sc as plsc

D = 16
CH = 32


def _sc_geometry():
    try:
        info = plsc.get_sparse_core_info()
        return info.num_cores, info.num_subcores
    except Exception:
        return 2, 16


def _sc_gather(user_idx, item_idx, tab_u, tab_i, B):
    NC, NS = _sc_geometry()
    NW = NC * NS
    rpw = B // NW
    n_ch = rpw // CH

    mesh = plsc.VectorSubcoreMesh(core_axis_name="c", subcore_axis_name="s")

    def body(uidx_hbm, iidx_hbm, tabu_hbm, tabi_hbm,
             out_u, out_ib, out_i,
             idxu_v, idxi_v, pb, ob, sem):
        wid = lax.axis_index("s") * NC + lax.axis_index("c")
        base = wid * rpw
        pltpu.sync_copy(uidx_hbm.at[pl.ds(base, rpw)], idxu_v)
        pltpu.sync_copy(iidx_hbm.at[pl.ds(base, rpw)], idxi_v)

        def run_stream(idx_v, tab, out):
            def wave(j, _):
                vecs = [idx_v[pl.ds(j * CH + g * D, D)] for g in range(CH // D)]
                for g, vec in enumerate(vecs):
                    for l in range(D):
                        v = vec[l]
                        row8 = pl.multiple_of(
                            lax.shift_left(lax.shift_right_logical(v, 3), 3), 8)
                        slot = (g * D + l) * 8
                        pltpu.async_copy(tab.at[pl.ds(row8, 8), :],
                                         pb.at[pl.ds(slot, 8), :], sem)
                pltpu.make_async_copy(tab.at[pl.ds(0, CH * 8), :], pb,
                                      sem).wait()
                for g, vec in enumerate(vecs):
                    for l in range(D):
                        r = vec[l] & 7
                        val = pb[(g * D + l) * 8 + r, :]
                        ob[g * D + l, :] = val
                pltpu.sync_copy(ob, out.at[pl.ds(base + j * CH, CH)])
                return 0

            lax.fori_loop(0, n_ch, wave, 0)

        run_stream(idxu_v, tabu_hbm, out_u)
        run_stream(idxi_v, tabu_hbm, out_ib)
        run_stream(idxi_v, tabi_hbm, out_i)

    out_sds = jax.ShapeDtypeStruct((B, D), jnp.float32)
    k = pl.kernel(
        body,
        out_type=(out_sds, out_sds, out_sds),
        mesh=mesh,
        scratch_types=[
            pltpu.VMEM((rpw,), jnp.int32),
            pltpu.VMEM((rpw,), jnp.int32),
            pltpu.VMEM((CH * 8, D), jnp.float32),
            pltpu.VMEM((CH, D), jnp.float32),
            pltpu.SemaphoreType.DMA,
        ],
    )
    return k(user_idx, item_idx, tab_u, tab_i)


def _mlp_body(ru, rib, ri, w1t, b1, w2t, b2, w3t, b3, womf, womlp, bo, out):
    u = ru[...]
    x = jnp.concatenate([u, ri[...]], axis=1)
    hp = jax.lax.Precision.HIGHEST
    h = jnp.maximum(jnp.dot(x, w1t[...], precision=hp) + b1[...], 0.0)
    h = jnp.maximum(jnp.dot(h, w2t[...], precision=hp) + b2[...], 0.0)
    h = jnp.maximum(jnp.dot(h, w3t[...], precision=hp) + b3[...], 0.0)
    mf = u * rib[...]
    logit = (jnp.dot(mf, womf[...], precision=hp)
             + jnp.dot(h, womlp[...], precision=hp) + bo[...])
    out[...] = jax.nn.sigmoid(logit)


def _tc_mlp(ru, rib, ri, W1, b1, W2, b2, W3, b3, Wo, bo, B):
    blk = 4096
    grid = B // blk
    full = lambda shape: pl.BlockSpec(shape, lambda i: (0, 0))
    row = lambda: pl.BlockSpec((blk, D), lambda i: (i, 0))
    return pl.pallas_call(
        _mlp_body,
        grid=(grid,),
        in_specs=[
            row(), row(), row(),
            full((32, 32)), full((1, 32)),
            full((32, 16)), full((1, 16)),
            full((16, 8)), full((1, 8)),
            full((16, 1)), full((8, 1)), full((1, 1)),
        ],
        out_specs=pl.BlockSpec((blk, 1), lambda i: (i, 0)),
        out_shape=jax.ShapeDtypeStruct((B, 1), jnp.float32),
    )(ru, rib, ri,
      W1.T, b1.reshape(1, 32),
      W2.T, b2.reshape(1, 16),
      W3.T, b3.reshape(1, 8),
      Wo[:, :D].T, Wo[:, D:].T, bo.reshape(1, 1))


def kernel(user_input, item_input, mf_user_table, mf_item_table,
           W1, b1, W2, b2, W3, b3, Wo, bo):
    B = user_input.shape[0]
    ru, rib, ri = _sc_gather(user_input, item_input,
                             mf_user_table, mf_item_table, B)
    return _tc_mlp(ru, rib, ri, W1, b1, W2, b2, W3, b3, Wo, bo, B)

# --- scband reference (transcript-rebuilt; emitter-appended) ---
"""Pipeline reference for scband-neural-collaborative-filtering-90159953478244 (READ-ONLY COPY).

The authoritative reference and input builder live on the scoring server;
editing this copy changes nothing except your own understanding.
"""

import jax, jax.numpy as jnp
import numpy as np

NUM_USERS = 1000000
NUM_ITEMS = 1000000
MF_DIM = 16
BATCH = 16384
# layers = [64, 32, 16, 8] -> mlp: 32->32, 32->16, 16->8; output: 24->1 (mf_dim 16 + 8)

def setup_inputs(seed: int = 0) -> dict:
    key = jax.random.key(seed)
    ks = jax.random.split(key, 14)
    user_input = jax.random.randint(ks[0], (BATCH,), 0, NUM_USERS, dtype=jnp.int64 if jax.config.jax_enable_x64 else jnp.int32).astype(jnp.int32)
    item_input = jax.random.randint(ks[1], (BATCH,), 0, NUM_ITEMS, dtype=jnp.int32)
    mf_user_table = jax.random.normal(ks[2], (NUM_USERS, MF_DIM), dtype=jnp.float32) * 0.01
    mf_item_table = jax.random.normal(ks[3], (NUM_ITEMS, MF_DIM), dtype=jnp.float32) * 0.01
    W1 = jax.random.normal(ks[4], (32, 32), dtype=jnp.float32) * 0.05
    b1 = jnp.zeros((32,), dtype=jnp.float32)
    W2 = jax.random.normal(ks[5], (16, 32), dtype=jnp.float32) * 0.05
    b2 = jnp.zeros((16,), dtype=jnp.float32)
    W3 = jax.random.normal(ks[6], (8, 16), dtype=jnp.float32) * 0.05
    b3 = jnp.zeros((8,), dtype=jnp.float32)
    Wo = jax.random.normal(ks[7], (1, 24), dtype=jnp.float32) * 0.05
    bo = jnp.zeros((1,), dtype=jnp.float32)
    return {"user_input": user_input, "item_input": item_input,
            "mf_user_table": mf_user_table, "mf_item_table": mf_item_table,
            "W1": W1, "b1": b1, "W2": W2, "b2": b2, "W3": W3, "b3": b3,
            "Wo": Wo, "bo": bo}


def reference(user_input, item_input, mf_user_table, mf_item_table,
              W1, b1, W2, b2, W3, b3, Wo, bo):
    # NOTE: faithful to original torch code, including its quirks:
    #  - mf_item_latent uses mf_embedding_user (not item table)
    #  - mlp_user_latent uses mf_embedding_user, mlp_item_latent uses mf_embedding_item
    #  - mlp_embedding_user / mlp_embedding_item are defined but never used in forward
    mf_user_latent = jnp.take(mf_user_table, user_input, axis=0)   # [B, 16]
    mf_item_latent = jnp.take(mf_user_table, item_input, axis=0)   # [B, 16] (bug kept)
    mf_vector = mf_user_latent * mf_item_latent                     # [B, 16]

    mlp_user_latent = jnp.take(mf_user_table, user_input, axis=0)  # [B, 16]
    mlp_item_latent = jnp.take(mf_item_table, item_input, axis=0)  # [B, 16]
    mlp_vector = jnp.concatenate([mlp_user_latent, mlp_item_latent], axis=1)  # [B, 32]

    mlp_vector = jax.nn.relu(mlp_vector @ W1.T + b1)  # [B, 32]
    mlp_vector = jax.nn.relu(mlp_vector @ W2.T + b2)  # [B, 16]
    mlp_vector = jax.nn.relu(mlp_vector @ W3.T + b3)  # [B, 8]

    predict_vector = jnp.concatenate([mf_vector, mlp_vector], axis=1)  # [B, 24]
    logits = predict_vector @ Wo.T + bo                                # [B, 1]
    return jax.nn.sigmoid(logits)

if __name__ == "__main__":
    import jax
    _d = setup_inputs()
    print(jax.jit(kernel)(*tuple(_d.values())))

</pallas_src>

<mosaic_0001>
#map = affine_map<(d0, d1) -> (0)>
#map1 = affine_map<(d0, d1) -> (0, 0)>
module attributes {stable_mosaic.version = 14 : i64} {
  func.func @body(%arg0: i32, %arg1: i32, %arg2: memref<16384xi32, #tpu.memory_space<hbm>>, %arg3: memref<16384xi32, #tpu.memory_space<hbm>>, %arg4: memref<1000000x16xf32, #tpu.memory_space<hbm>>, %arg5: memref<1000000x16xf32, #tpu.memory_space<hbm>>, %arg6: memref<16384x16xf32, #tpu.memory_space<hbm>>, %arg7: memref<16384x16xf32, #tpu.memory_space<hbm>>, %arg8: memref<16384x16xf32, #tpu.memory_space<hbm>>, %arg9: memref<512xi32, #tpu.memory_space<vmem>>, %arg10: memref<512xi32, #tpu.memory_space<vmem>>, %arg11: memref<256x16xf32, #tpu.memory_space<vmem>>, %arg12: memref<32x16xf32, #tpu.memory_space<vmem>>, %arg13: memref<!tpu.dma_semaphore, #tpu.memory_space<semaphore_mem>>) attributes {dimension_semantics = [#tpu.dimension_semantics<core_parallel>, #tpu.dimension_semantics<subcore_parallel>], iteration_bounds = array<i64: 2, 16>, scalar_prefetch = 0 : i64, scratch_operands = 5 : i64, tpu.core_type = #tpu.core_type<sc_vector_subcore>, window_params = [{transform_indices = #map}, {transform_indices = #map}, {transform_indices = #map1}, {transform_indices = #map1}, {transform_indices = #map1}, {transform_indices = #map1}, {transform_indices = #map1}]} {
    %mul3A = arith.constant 2 : i32
    %mul3A_0 = arith.muli %arg1, %mul3A : i32
    %add3A = arith.addi %mul3A_0, %arg0 : i32
    %mul3A_1 = arith.constant 512 : i32
    %mul3A_2 = arith.muli %add3A, %mul3A_1 : i32
    "tpu.region"() ({
      %run_scoped3A = tpu.sem_alloc : memref<!tpu.dma_semaphore, #tpu.memory_space<semaphore_mem>>
      %dma_start3A = tpu.memref_slice %arg2[%mul3A_2] : memref<16384xi32, #tpu.memory_space<hbm>> -> memref<512xi32, #tpu.memory_space<hbm>>
      %dma_start3A_23 = tpu.memref_slice %arg2[%mul3A_2] : memref<16384xi32, #tpu.memory_space<hbm>> -> memref<512xi32, #tpu.memory_space<hbm>>
      tpu.enqueue_dma source(%dma_start3A_23 : memref<512xi32, #tpu.memory_space<hbm>>) target(%arg9 : memref<512xi32, #tpu.memory_space<vmem>>) target_semaphore(%run_scoped3A : memref<!tpu.dma_semaphore, #tpu.memory_space<semaphore_mem>>)
      %dma_wait3A = tpu.memref_slice %arg2[%mul3A_2] : memref<16384xi32, #tpu.memory_space<hbm>> -> memref<512xi32, #tpu.memory_space<hbm>>
      %dma_wait3A_24 = tpu.memref_slice %arg2[%mul3A_2] : memref<16384xi32, #tpu.memory_space<hbm>> -> memref<512xi32, #tpu.memory_space<hbm>>
      tpu.wait_dma2 semaphore(%run_scoped3A : memref<!tpu.dma_semaphore, #tpu.memory_space<semaphore_mem>>) src(%dma_wait3A_24 : memref<512xi32, #tpu.memory_space<hbm>>) dst(%arg9 : memref<512xi32, #tpu.memory_space<vmem>>)
      tpu.yield
    }) : () -> ()
    "tpu.region"() ({
      %run_scoped3A = tpu.sem_alloc : memref<!tpu.dma_semaphore, #tpu.memory_space<semaphore_mem>>
      %dma_start3A = tpu.memref_slice %arg3[%mul3A_2] : memref<16384xi32, #tpu.memory_space<hbm>> -> memref<512xi32, #tpu.memory_space<hbm>>
      %dma_start3A_23 = tpu.memref_slice %arg3[%mul3A_2] : memref<16384xi32, #tpu.memory_space<hbm>> -> memref<512xi32, #tpu.memory_space<hbm>>
      tpu.enqueue_dma source(%dma_start3A_23 : memref<512xi32, #tpu.memory_space<hbm>>) target(%arg10 : memref<512xi32, #tpu.memory_space<vmem>>) target_semaphore(%run_scoped3A : memref<!tpu.dma_semaphore, #tpu.memory_space<semaphore_mem>>)
      %dma_wait3A = tpu.memref_slice %arg3[%mul3A_2] : memref<16384xi32, #tpu.memory_space<hbm>> -> memref<512xi32, #tpu.memory_space<hbm>>
      %dma_wait3A_24 = tpu.memref_slice %arg3[%mul3A_2] : memref<16384xi32, #tpu.memory_space<hbm>> -> memref<512xi32, #tpu.memory_space<hbm>>
      tpu.wait_dma2 semaphore(%run_scoped3A : memref<!tpu.dma_semaphore, #tpu.memory_space<semaphore_mem>>) src(%dma_wait3A_24 : memref<512xi32, #tpu.memory_space<hbm>>) dst(%arg10 : memref<512xi32, #tpu.memory_space<vmem>>)
      tpu.yield
    }) : () -> ()
    %scan3A = arith.constant 0 : i32
    %scan3A_3 = arith.constant 0 : i32
    %scan3A_4 = arith.constant 16 : i32
    %scan3A_5 = arith.addi %scan3A_3, %scan3A_4 : i32
    %scan3A_6 = arith.constant 1 : i32
    %scan3A_7 = scf.for %scan3A_23 = %scan3A_3 to %scan3A_5 step %scan3A_6 iter_args(%scan3A_24 = %scan3A) -> (i32)  : i32 {
      %mul3A_25 = arith.constant 32 : i32
      %mul3A_26 = arith.muli %scan3A_23, %mul3A_25 : i32
      %add3A_27 = arith.constant 0 : i32
      %add3A_28 = arith.addi %mul3A_26, %add3A_27 : i32
      %get3A = arith.index_cast %add3A_28 : i32 to index
      %get3A_29 = tpu.vector_load %arg9[%get3A] {strides = array<i32>} : memref<512xi32, #tpu.memory_space<vmem>>, vector<16xi32>,
      %get3A_30 = vector.shape_cast %get3A_29 : vector<16xi32> to vector<16xi32>
      %mul3A_31 = arith.constant 32 : i32
      %mul3A_32 = arith.muli %scan3A_23, %mul3A_31 : i32
      %add3A_33 = arith.constant 16 : i32
      %add3A_34 = arith.addi %mul3A_32, %add3A_33 : i32
      %get3A_35 = arith.index_cast %add3A_34 : i32 to index
      %get3A_36 = tpu.vector_load %arg9[%get3A_35] {strides = array<i32>} : memref<512xi32, #tpu.memory_space<vmem>>, vector<16xi32>,
      %get3A_37 = vector.shape_cast %get3A_36 : vector<16xi32> to vector<16xi32>
      %slice3A = vector.extract_strided_slice %get3A_30 {offsets = [0], sizes = [1], strides = [1]} : vector<16xi32> to vector<1xi32>
      %squeeze3A = vector.extract %slice3A[0] : i32 from vector<1xi32>
      %shift_right_logical3A = arith.constant 3 : i32
      %shift_right_logical3A_38 = arith.shrui %squeeze3A, %shift_right_logical3A : i32
      %shift_left3A = arith.constant 3 : i32
      %shift_left3A_39 = arith.shli %shift_right_logical3A_38, %shift_left3A : i32
      %multiple_of3A = tpu.assume_multiple %shift_left3A_39, 8 : i32
      %dma_start3A = arith.constant 0 : i32
      %dma_start3A_40 = arith.constant 0 : i32
      %dma_start3A_41 = tpu.memref_slice %arg11[%dma_start3A, %dma_start3A_40] : memref<256x16xf32, #tpu.memory_space<vmem>> -> memref<8x16xf32, #tpu.memory_space<vmem>>
      %dma_start3A_42 = arith.constant 0 : i32
      %dma_start3A_43 = tpu.memref_slice %arg4[%multiple_of3A, %dma_start3A_42] : memref<1000000x16xf32, #tpu.memory_space<hbm>> -> memref<8x16xf32, #tpu.memory_space<hbm>>
      %dma_start3A_44 = arith.constant 0 : i32
      %dma_start3A_45 = arith.constant 0 : i32
      %dma_start3A_46 = tpu.memref_slice %arg11[%dma_start3A_44, %dma_start3A_45] : memref<256x16xf32, #tpu.memory_space<vmem>> -> memref<8x16xf32, #tpu.memory_space<vmem>>
      %dma_start3A_47 = arith.constant 0 : i32
      %dma_start3A_48 = tpu.memref_slice %arg4[%multiple_of3A, %dma_start3A_47] : memref<1000000x16xf32, #tpu.memory_space<hbm>> -> memref<8x16xf32, #tpu.memory_space<hbm>>
      tpu.enqueue_dma source(%dma_start3A_48 : memref<8x16xf32, #tpu.memory_space<hbm>>) target(%dma_start3A_46 : memref<8x16xf32, #tpu.memory_space<vmem>>) target_semaphore(%arg13 : memref<!tpu.dma_semaphore, #tpu.memory_space<semaphore_mem>>)
      %slice3A_49 = vector.extract_strided_slice %get3A_30 {offsets = [1], sizes = [1], strides = [1]} : vector<16xi32> to vector<1xi32>
      %squeeze3A_50 = vector.extract %slice3A_49[0] : i32 from vector<1xi32>
      %shift_right_logical3A_51 = arith.constant 3 : i32
      %shift_right_logical3A_52 = arith.shrui %squeeze3A_50, %shift_right_logical3A_51 : i32
      %shift_left3A_53 = arith.constant 3 : i32
      %shift_left3A_54 = arith.shli %shift_right_logical3A_52, %shift_left3A_53 : i32
      %multiple_of3A_55 = tpu.assume_multiple %shift_left3A_54, 8 : i32
      %dma_start3A_56 = arith.constant 8 : i32
      %dma_start3A_57 = arith.constant 0 : i32
      %dma_start3A_58 = tpu.memref_slice %arg11[%dma_start3A_56, %dma_start3A_57] : memref<256x16xf32, #tpu.memory_space<vmem>> -> memref<8x16xf32, #tpu.memory_space<vmem>>
      %dma_start3A_59 = arith.constant 0 : i32
      %dma_start3A_60 = tpu.memref_slice %arg4[%multiple_of3A_55, %dma_start3A_59] : memref<1000000x16xf32, #tpu.memory_space<hbm>> -> memref<8x16xf32, #tpu.memory_space<hbm>>
      %dma_start3A_61 = arith.constant 8 : i32
      %dma_start3A_62 = arith.constant 0 : i32
      %dma_start3A_63 = tpu.memref_slice %arg11[%dma_start3A_61, %dma_start3A_62] : memref<256x16xf32, #tpu.memory_space<vmem>> -> memref<8x16xf32, #tpu.memory_space<vmem>>
      %dma_start3A_64 = arith.constant 0 : i32
      %dma_start3A_65 = tpu.memref_slice %arg4[%multiple_of3A_55, %dma_start3A_64] : memref<1000000x16xf32, #tpu.memory_space<hbm>> -> memref<8x16xf32, #tpu.memory_space<hbm>>
      tpu.enqueue_dma source(%dma_start3A_65 : memref<8x16xf32, #tpu.memory_space<hbm>>) target(%dma_start3A_63 : memref<8x16xf32, #tpu.memory_space<vmem>>) target_semaphore(%arg13 : memref<!tpu.dma_semaphore, #tpu.memory_space<semaphore_mem>>)
      %slice3A_66 = vector.extract_strided_slice %get3A_30 {offsets = [2], sizes = [1], strides = [1]} : vector<16xi32> to vector<1xi32>
      %squeeze3A_67 = vector.extract %slice3A_66[0] : i32 from vector<1xi32>
      %shift_right_logical3A_68 = arith.constant 3 : i32
      %shift_right_logical3A_69 = arith.shrui %squeeze3A_67, %shift_right_logical3A_68 : i32
      %shift_left3A_70 = arith.constant 3 : i32
      %shift_left3A_71 = arith.shli %shift_right_logical3A_69, %shift_left3A_70 : i32
      %multiple_of3A_72 = tpu.assume_multiple %shift_left3A_71, 8 : i32
      %dma_start3A_73 = arith.constant 16 : i32
      %dma_start3A_74 = arith.constant 0 : i32
      %dma_start3A_75 = tpu.memref_slice %arg11[%dma_start3A_73, %dma_start3A_74] : memref<256x16xf32, #tpu.memory_space<vmem>> -> memref<8x16xf32, #tpu.memory_space<vmem>>
      %dma_start3A_76 = arith.constant 0 : i32
      %dma_start3A_77 = tpu.memref_slice %arg4[%multiple_of3A_72, %dma_start3A_76] : memref<1000000x16xf32, #tpu.memory_space<hbm>> -> memref<8x16xf32, #tpu.memory_space<hbm>>
      %dma_start3A_78 = arith.constant 16 : i32
      %dma_start3A_79 = arith.constant 0 : i32
      %dma_start3A_80 = tpu.memref_slice %arg11[%dma_start3A_78, %dma_start3A_79] : memref<256x16xf32, #tpu.memory_space<vmem>> -> memref<8x16xf32, #tpu.memory_space<vmem>>
      %dma_start3A_81 = arith.constant 0 : i32
      %dma_start3A_82 = tpu.memref_slice %arg4[%multiple_of3A_72, %dma_start3A_81] : memref<1000000x16xf32, #tpu.memory_space<hbm>> -> memref<8x16xf32, #tpu.memory_space<hbm>>
      tpu.enqueue_dma source(%dma_start3A_82 : memref<8x16xf32, #tpu.memory_space<hbm>>) target(%dma_start3A_80 : memref<8x16xf32, #tpu.memory_space<vmem>>) target_semaphore(%arg13 : memref<!tpu.dma_semaphore, #tpu.memory_space<semaphore_mem>>)
      %slice3A_83 = vector.extract_strided_slice %get3A_30 {offsets = [3], sizes = [1], strides = [1]} : vector<16xi32> to vector<1xi32>
      %squeeze3A_84 = vector.extract %slice3A_83[0] : i32 from vector<1xi32>
      %shift_right_logical3A_85 = arith.constant 3 : i32
      %shift_right_logical3A_86 = arith.shrui %squeeze3A_84, %shift_right_logical3A_85 : i32
      %shift_left3A_87 = arith.constant 3 : i32
      %shift_left3A_88 = arith.shli %shift_right_logical3A_86, %shift_left3A_87 : i32
      %multiple_of3A_89 = tpu.assume_multiple %shift_left3A_88, 8 : i32
      %dma_start3A_90 = arith.constant 24 : i32
      %dma_start3A_91 = arith.constant 0 : i32
      %dma_start3A_92 = tpu.memref_slice %arg11[%dma_start3A_90, %dma_start3A_91] : memref<256x16xf32, #tpu.memory_space<vmem>> -> memref<8x16xf32, #tpu.memory_space<vmem>>
      %dma_start3A_93 = arith.constant 0 : i32
      %dma_start3A_94 = tpu.memref_slice %arg4[%multiple_of3A_89, %dma_start3A_93] : memref<1000000x16xf32, #tpu.memory_space<hbm>> -> memref<8x16xf32, #tpu.memory_space<hbm>>
      %dma_start3A_95 = arith.constant 24 : i32
      %dma_start3A_96 = arith.constant 0 : i32
      %dma_start3A_97 = tpu.memref_slice %arg11[%dma_start3A_95, %dma_start3A_96] : memref<256x16xf32, #tpu.memory_space<vmem>> -> memref<8x16xf32, #tpu.memory_space<vmem>>
      %dma_start3A_98 = arith.constant 0 : i32
      %dma_start3A_99 = tpu.memref_slice %arg4[%multiple_of3A_89, %dma_start3A_98] : memref<1000000x16xf32, #tpu.memory_space<hbm>> -> memref<8x16xf32, #tpu.memory_space<hbm>>
      tpu.enqueue_dma source(%dma_start3A_99 : memref<8x16xf32, #tpu.memory_space<hbm>>) target(%dma_start3A_97 : memref<8x16xf32, #tpu.memory_space<vmem>>) target_semaphore(%arg13 : memref<!tpu.dma_semaphore, #tpu.memory_space<semaphore_mem>>)
      %slice3A_100 = vector.extract_strided_slice %get3A_30 {offsets = [4], sizes = [1], strides = [1]} : vector<16xi32> to vector<1xi32>
      %squeeze3A_101 = vector.extract %slice3A_100[0] : i32 from vector<1xi32>
      %shift_right_logical3A_102 = arith.constant 3 : i32
      %shift_right_logical3A_103 = arith.shrui %squeeze3A_101, %shift_right_logical3A_102 : i32
      %shift_left3A_104 = arith.constant 3 : i32
      %shift_left3A_105 = arith.shli %shift_right_logical3A_103, %shift_left3A_104 : i32
      %multiple_of3A_106 = tpu.assume_multiple %shift_left3A_105, 8 : i32
      %dma_start3A_107 = arith.constant 32 : i32
      %dma_start3A_108 = arith.constant 0 : i32
      %dma_start3A_109 = tpu.memref_slice %arg11[%dma_start3A_107, %dma_start3A_108] : memref<256x16xf32, #tpu.memory_space<vmem>> -> memref<8x16xf32, #tpu.memory_space<vmem>>
      %dma_start3A_110 = arith.constant 0 : i32
      %dma_start3A_111 = tpu.memref_slice %arg4[%multiple_of3A_106, %dma_start3A_110] : memref<1000000x16xf32, #tpu.memory_space<hbm>> -> memref<8x16xf32, #tpu.memory_space<hbm>>
      %dma_start3A_112 = arith.constant 32 : i32
      %dma_start3A_113 = arith.constant 0 : i32
      %dma_start3A_114 = tpu.memref_slice %arg11[%dma_start3A_112, %dma_start3A_113] : memref<256x16xf32, #tpu.memory_space<vmem>> -> memref<8x16xf32, #tpu.memory_space<vmem>>
      %dma_start3A_115 = arith.constant 0 : i32
      %dma_start3A_116 = tpu.memref_slice %arg4[%multiple_of3A_106, %dma_start3A_115] : memref<1000000x16xf32, #tpu.memory_space<hbm>> -> memref<8x16xf32, #tpu.memory_space<hbm>>
      tpu.enqueue_dma source(%dma_start3A_116 : memref<8x16xf32, #tpu.memory_space<hbm>>) target(%dma_start3A_114 : memref<8x16xf32, #tpu.memory_space<vmem>>) target_semaphore(%arg13 : memref<!tpu.dma_semaphore, #tpu.memory_space<semaphore_mem>>)
      %slice3A_117 = vector.extract_strided_slice %get3A_30 {offsets = [5], sizes = [1], strides = [1]} : vector<16xi32> to vector<1xi32>
      %squeeze3A_118 = vector.extract %slice3A_117[0] : i32 from vector<1xi32>
      %shift_right_logical3A_119 = arith.constant 3 : i32
      %shift_right_logical3A_120 = arith.shrui %squeeze3A_118, %shift_right_logical3A_119 : i32
      %shift_left3A_121 = arith.constant 3 : i32
      %shift_left3A_122 = arith.shli %shift_right_logical3A_120, %shift_left3A_121 : i32
      %multiple_of3A_123 = tpu.assume_multiple %shift_left3A_122, 8 : i32
      %dma_start3A_124 = arith.constant 40 : i32
      %dma_start3A_125 = arith.constant 0 : i32
      %dma_start3A_126 = tpu.memref_slice %arg11[%dma_start3A_124, %dma_start3A_125] : memref<256x16xf32, #tpu.memory_space<vmem>> -> memref<8x16xf32, #tpu.memory_space<vmem>>
      %dma_start3A_127 = arith.constant 0 : i32
      %dma_start3A_128 = tpu.memref_slice %arg4[%multiple_of3A_123, %dma_start3A_127] : memref<1000000x16xf32, #tpu.memory_space<hbm>> -> memref<8x16xf32, #tpu.memory_space<hbm>>
      %dma_start3A_129 = arith.constant 40 : i32
      %dma_start3A_130 = arith.constant 0 : i32
      %dma_start3A_131 = tpu.memref_slice %arg11[%dma_start3A_129, %dma_start3A_130] : memref<256x16xf32, #tpu.memory_space<vmem>> -> memref<8x16xf32, #tpu.memory_space<vmem>>
      %dma_start3A_132 = arith.constant 0 : i32
      %dma_start3A_133 = tpu.memref_slice %arg4[%multiple_of3A_123, %dma_start3A_132] : memref<1000000x16xf32, #tpu.memory_space<hbm>> -> memref<8x16xf32, #tpu.memory_space<hbm>>
      tpu.enqueue_dma source(%dma_start3A_133 : memref<8x16xf32, #tpu.memory_space<hbm>>) target(%dma_start3A_131 : memref<8x16xf32, #tpu.memory_space<vmem>>) target_semaphore(%arg13 : memref<!tpu.dma_semaphore, #tpu.memory_space<semaphore_mem>>)
      %slice3A_134 = vector.extract_strided_slice %get3A_30 {offsets = [6], sizes = [1], strides = [1]} : vector<16xi32> to vector<1xi32>
      %squeeze3A_135 = vector.extract %slice3A_134[0] : i32 from vector<1xi32>
      %shift_right_logical3A_136 = arith.constant 3 : i32
      %shift_right_logical3A_137 = arith.shrui %squeeze3A_135, %shift_right_logical3A_136 : i32
      %shift_left3A_138 = arith.constant 3 : i32
      %shift_left3A_139 = arith.shli %shift_right_logical3A_137, %shift_left3A_138 : i32
      %multiple_of3A_140 = tpu.assume_multiple %shift_left3A_139, 8 : i32
      %dma_start3A_141 = arith.constant 48 : i32
      %dma_start3A_142 = arith.constant 0 : i32
      %dma_start3A_143 = tpu.memref_slice %arg11[%dma_start3A_141, %dma_start3A_142] : memref<256x16xf32, #tpu.memory_space<vmem>> -> memref<8x16xf32, #tpu.memory_space<vmem>>
      %dma_start3A_144 = arith.constant 0 : i32
      %dma_start3A_145 = tpu.memref_slice %arg4[%multiple_of3A_140, %dma_start3A_144] : memref<1000000x16xf32, #tpu.memory_space<hbm>> -> memref<8x16xf32, #tpu.memory_space<hbm>>
      %dma_start3A_146 = arith.constant 48 : i32
      %dma_start3A_147 = arith.constant 0 : i32
      %dma_start3A_148 = tpu.memref_slice %arg11[%dma_start3A_146, %dma_start3A_147] : memref<256x16xf32, #tpu.memory_space<vmem>> -> memref<8x16xf32, #tpu.memory_space<vmem>>
      %dma_start3A_149 = arith.constant 0 : i32
      %dma_start3A_150 = tpu.memref_slice %arg4[%multiple_of3A_140, %dma_start3A_149] : memref<1000000x16xf32, #tpu.memory_space<hbm>> -> memref<8x16xf32, #tpu.memory_space<hbm>>
      tpu.enqueue_dma source(%dma_start3A_150 : memref<8x16xf32, #tpu.memory_space<hbm>>) target(%dma_start3A_148 : memref<8x16xf32, #tpu.memory_space<vmem>>) target_semaphore(%arg13 : memref<!tpu.dma_semaphore, #tpu.memory_space<semaphore_mem>>)
      %slice3A_151 = vector.extract_strided_slice %get3A_30 {offsets = [7], sizes = [1], strides = [1]} : vector<16xi32> to vector<1xi32>
      %squeeze3A_152 = vector.extract %slice3A_151[0] : i32 from vector<1xi32>
      %shift_right_logical3A_153 = arith.constant 3 : i32
      %shift_right_logical3A_154 = arith.shrui %squeeze3A_152, %shift_right_logical3A_153 : i32
      %shift_left3A_155 = arith.constant 3 : i32
      %shift_left3A_156 = arith.shli %shift_right_logical3A_154, %shift_left3A_155 : i32
      %multiple_of3A_157 = tpu.assume_multiple %shift_left3A_156, 8 : i32
      %dma_start3A_158 = arith.constant 56 : i32
      %dma_start3A_159 = arith.constant 0 : i32
      %dma_start3A_160 = tpu.memref_slice %arg11[%dma_start3A_158, %dma_start3A_159] : memref<256x16xf32, #tpu.memory_space<vmem>> -> memref<8x16xf32, #tpu.memory_space<vmem>>
      %dma_start3A_161 = arith.constant 0 : i32
      %dma_start3A_162 = tpu.memref_slice %arg4[%multiple_of3A_157, %dma_start3A_161] : memref<1000000x16xf32, #tpu.memory_space<hbm>> -> memref<8x16xf32, #tpu.memory_space<hbm>>
      %dma_start3A_163 = arith.constant 56 : i32
      %dma_start3A_164 = arith.constant 0 : i32
      %dma_start3A_165 = tpu.memref_slice %arg11[%dma_start3A_163, %dma_start3A_164] : memref<256x16xf32, #tpu.memory_space<vmem>> -> memref<8x16xf32, #tpu.memory_space<vmem>>
      %dma_start3A_166 = arith.constant 0 : i32
      %dma_start3A_167 = tpu.memref_slice %arg4[%multiple_of3A_157, %dma_start3A_166] : memref<1000000x16xf32, #tpu.memory_space<hbm>> -> memref<8x16xf32, #tpu.memory_space<hbm>>
      tpu.enqueue_dma source(%dma_start3A_167 : memref<8x16xf32, #tpu.memory_space<hbm>>) target(%dma_start3A_165 : memref<8x16xf32, #tpu.memory_space<vmem>>) target_semaphore(%arg13 : memref<!tpu.dma_semaphore, #tpu.memory_space<semaphore_mem>>)
      %slice3A_168 = vector.extract_strided_slice %get3A_30 {offsets = [8], sizes = [1], strides = [1]} : vector<16xi32> to vector<1xi32>
      %squeeze3A_169 = vector.extract %slice3A_168[0] : i32 from vector<1xi32>
      %shift_right_logical3A_170 = arith.constant 3 : i32
      %shift_right_logical3A_171 = arith.shrui %squeeze3A_169, %shift_right_logical3A_170 : i32
      %shift_left3A_172 = arith.constant 3 : i32
      %shift_left3A_173 = arith.shli %shift_right_logical3A_171, %shift_left3A_172 : i32
      %multiple_of3A_174 = tpu.assume_multiple %shift_left3A_173, 8 : i32
      %dma_start3A_175 = arith.constant 64 : i32
      %dma_start3A_176 = arith.constant 0 : i32
      %dma_start3A_177 = tpu.memref_slice %arg11[%dma_start3A_175, %dma_start3A_176] : memref<256x16xf32, #tpu.memory_space<vmem>> -> memref<8x16xf32, #tpu.memory_space<vmem>>
      %dma_start3A_178 = arith.constant 0 : i32
      %dma_start3A_179 = tpu.memref_slice %arg4[%multiple_of3A_174, %dma_start3A_178] : memref<1000000x16xf32, #tpu.memory_space<hbm>> -> memref<8x16xf32, #tpu.memory_space<hbm>>
      %dma_start3A_180 = arith.constant 64 : i32
      %dma_start3A_181 = arith.constant 0 : i32
      %dma_start3A_182 = tpu.memref_slice %arg11[%dma_start3A_180, %dma_start3A_181] : memref<256x16xf32, #tpu.memory_space<vmem>> -> memref<8x16xf32, #tpu.memory_space<vmem>>
      %dma_start3A_183 = arith.constant 0 : i32
      %dma_start3A_184 = tpu.memref_slice %arg4[%multiple_of3A_174, %dma_start3A_183] : memref<1000000x16xf32, #tpu.memory_space<hbm>> -> memref<8x16xf32, #tpu.memory_space<hbm>>
      tpu.enqueue_dma source(%dma_start3A_184 : memref<8x16xf32, #tpu.memory_space<hbm>>) target(%dma_start3A_182 : memref<8x16xf32, #tpu.memory_space<vmem>>) target_semaphore(%arg13 : memref<!tpu.dma_semaphore, #tpu.memory_space<semaphore_mem>>)
      %slice3A_185 = vector.extract_strided_slice %get3A_30 {offsets = [9], sizes = [1], strides = [1]} : vector<16xi32> to vector<1xi32>
      %squeeze3A_186 = vector.extract %slice3A_185[0] : i32 from vector<1xi32>
      %shift_right_logical3A_187 = arith.constant 3 : i32
      %shift_right_logical3A_188 = arith.shrui %squeeze3A_186, %shift_right_logical3A_187 : i32
      %shift_left3A_189 = arith.constant 3 : i32
      %shift_left3A_190 = arith.shli %shift_right_logical3A_188, %shift_left3A_189 : i32
      %multiple_of3A_191 = tpu.assume_multiple %shift_left3A_190, 8 : i32
      %dma_start3A_192 = arith.constant 72 : i32
      %dma_start3A_193 = arith.constant 0 : i32
      %dma_start3A_194 = tpu.memref_slice %arg11[%dma_start3A_192, %dma_start3A_193] : memref<256x16xf32, #tpu.memory_space<vmem>> -> memref<8x16xf32, #tpu.memory_space<vmem>>
      %dma_start3A_195 = arith.constant 0 : i32
      %dma_start3A_196 = tpu.memref_slice %arg4[%multiple_of3A_191, %dma_start3A_195] : memref<1000000x16xf32, #tpu.memory_space<hbm>> -> memref<8x16xf32, #tpu.memory_space<hbm>>
      %dma_start3A_197 = arith.constant 72 : i32
      %dma_start3A_198 = arith.constant 0 : i32
      %dma_start3A_199 = tpu.memref_slice %arg11[%dma_start3A_197, %dma_start3A_198] : memref<256x16xf32, #tpu.memory_space<vmem>> -> memref<8x16xf32, #tpu.memory_space<vmem>>
      %dma_start3A_200 = arith.constant 0 : i32
      %dma_start3A_201 = tpu.memref_slice %arg4[%multiple_of3A_191, %dma_start3A_200] : memref<1000000x16xf32, #tpu.memory_space<hbm>> -> memref<8x16xf32, #tpu.memory_space<hbm>>
      tpu.enqueue_dma source(%dma_start3A_201 : memref<8x16xf32, #tpu.memory_space<hbm>>) target(%dma_start3A_199 : memref<8x16xf32, #tpu.memory_space<vmem>>) target_semaphore(%arg13 : memref<!tpu.dma_semaphore, #tpu.memory_space<semaphore_mem>>)
      %slice3A_202 = vector.extract_strided_slice %get3A_30 {offsets = [10], sizes = [1], strides = [1]} : vector<16xi32> to vector<1xi32>
      %squeeze3A_203 = vector.extract %slice3A_202[0] : i32 from vector<1xi32>
      %shift_right_logical3A_204 = arith.constant 3 : i32
      %shift_right_logical3A_205 = arith.shrui %squeeze3A_203, %shift_right_logical3A_204 : i32
      %shift_left3A_206 = arith.constant 3 : i32
      %shift_left3A_207 = arith.shli %shift_right_logical3A_205, %shift_left3A_206 : i32
      %multiple_of3A_208 = tpu.assume_multiple %shift_left3A_207, 8 : i32
      %dma_start3A_209 = arith.constant 80 : i32
      %dma_start3A_210 = arith.constant 0 : i32
      %dma_start3A_211 = tpu.memref_slice %arg11[%dma_start3A_209, %dma_start3A_210] : memref<256x16xf32, #tpu.memory_space<vmem>> -> memref<8x16xf32, #tpu.memory_space<vmem>>
      %dma_start3A_212 = arith.constant 0 : i32
      %dma_start3A_213 = tpu.memref_slice %arg4[%multiple_of3A_208, %dma_start3A_212] : memref<1000000x16xf32, #tpu.memory_space<hbm>> -> memref<8x16xf32, #tpu.memory_space<hbm>>
      %dma_start3A_214 = arith.constant 80 : i32
      %dma_start3A_215 = arith.constant 0 : i32
      %dma_start3A_216 = tpu.memref_slice %arg11[%dma_start3A_214, %dma_start3A_215] : memref<256x16xf32, #tpu.memory_space<vmem>> -> memref<8x16xf32, #tpu.memory_space<vmem>>
      %dma_start3A_217 = arith.constant 0 : i32
      %dma_start3A_218 = tpu.memref_slice %arg4[%multiple_of3A_208, %dma_start3A_217] : memref<1000000x16xf32, #tpu.memory_space<hbm>> -> memref<8x16xf32, #tpu.memory_space<hbm>>
      tpu.enqueue_dma source(%dma_start3A_218 : memref<8x16xf32, #tpu.memory_space<hbm>>) target(%dma_start3A_216 : memref<8x16xf32, #tpu.memory_space<vmem>>) target_semaphore(%arg13 : memref<!tpu.dma_semaphore, #tpu.memory_space<semaphore_mem>>)
      %slice3A_219 = vector.extract_strided_slice %get3A_30 {offsets = [11], sizes = [1], strides = [1]} : vector<16xi32> to vector<1xi32>
      %squeeze3A_220 = vector.extract %slice3A_219[0] : i32 from vector<1xi32>
      %shift_right_logical3A_221 = arith.constant 3 : i32
      %shift_right_logical3A_222 = arith.shrui %squeeze3A_220, %shift_right_logical3A_221 : i32
      %shift_left3A_223 = arith.constant 3 : i32
      %shift_left3A_224 = arith.shli %shift_right_logical3A_222, %shift_left3A_223 : i32
      %multiple_of3A_225 = tpu.assume_multiple %shift_left3A_224, 8 : i32
      %dma_start3A_226 = arith.constant 88 : i32
      %dma_start3A_227 = arith.constant 0 : i32
      %dma_start3A_228 = tpu.memref_slice %arg11[%dma_start3A_226, %dma_start3A_227] : memref<256x16xf32, #tpu.memory_space<vmem>> -> memref<8x16xf32, #tpu.memory_space<vmem>>
      %dma_start3A_229 = arith.constant 0 : i32
      %dma_start3A_230 = tpu.memref_slice %arg4[%multiple_of3A_225, %dma_start3A_229] : memref<1000000x16xf32, #tpu.memory_space<hbm>> -> memref<8x16xf32, #tpu.memory_space<hbm>>
      %dma_start3A_231 = arith.constant 88 : i32
      %dma_start3A_232 = arith.constant 0 : i32
      %dma_start3A_233 = tpu.memref_slice %arg11[%dma_start3A_231, %dma_start3A_232] : memref<256x16xf32, #tpu.memory_space<vmem>> -> memref<8x16xf32, #tpu.memory_space<vmem>>
      %dma_start3A_234 = arith.constant 0 : i32
      %dma_start3A_235 = tpu.memref_slice %arg4[%multiple_of3A_225, %dma_start3A_234] : memref<1000000x16xf32, #tpu.memory_space<hbm>> -> memref<8x16xf32, #tpu.memory_space<hbm>>
      tpu.enqueue_dma source(%dma_start3A_235 : memref<8x16xf32, #tpu.memory_space<hbm>>) target(%dma_start3A_233 : memref<8x16xf32, #tpu.memory_space<vmem>>) target_semaphore(%arg13 : memref<!tpu.dma_semaphore, #tpu.memory_space<semaphore_mem>>)
      %slice3A_236 = vector.extract_strided_slice %get3A_30 {offsets = [12], sizes = [1], strides = [1]} : vector<16xi32> to vector<1xi32>
      %squeeze3A_237 = vector.extract %slice3A_236[0] : i32 from vector<1xi32>
      %shift_right_logical3A_238 = arith.constant 3 : i32
      %shift_right_logical3A_239 = arith.shrui %squeeze3A_237, %shift_right_logical3A_238 : i32
      %shift_left3A_240 = arith.constant 3 : i32
      %shift_left3A_241 = arith.shli %shift_right_logical3A_239, %shift_left3A_240 : i32
      %multiple_of3A_242 = tpu.assume_multiple %shift_left3A_241, 8 : i32
      %dma_start3A_243 = arith.constant 96 : i32
      %dma_start3A_244 = arith.constant 0 : i32
      %dma_start3A_245 = tpu.memref_slice %arg11[%dma_start3A_243, %dma_start3A_244] : memref<256x16xf32, #tpu.memory_space<vmem>> -> memref<8x16xf32, #tpu.memory_space<vmem>>
      %dma_start3A_246 = arith.constant 0 : i32
      %dma_start3A_247 = tpu.memref_slice %arg4[%multiple_of3A_242, %dma_start3A_246] : memref<1000000x16xf32, #tpu.memory_space<hbm>> -> memref<8x16xf32, #tpu.memory_space<hbm>>
      %dma_start3A_248 = arith.constant 96 : i32
      %dma_start3A_249 = arith.constant 0 : i32
      %dma_start3A_250 = tpu.memref_slice %arg11[%dma_start3A_248, %dma_start3A_249] : memref<256x16xf32, #tpu.memory_space<vmem>> -> memref<8x16xf32, #tpu.memory_space<vmem>>
      %dma_start3A_251 = arith.constant 0 : i32
      %dma_start3A_252 = tpu.memref_slice %arg4[%multiple_of3A_242, %dma_start3A_251] : memref<1000000x16xf32, #tpu.memory_space<hbm>> -> memref<8x16xf32, #tpu.memory_space<hbm>>
      tpu.enqueue_dma source(%dma_start3A_252 : memref<8x16xf32, #tpu.memory_space<hbm>>) target(%dma_start3A_250 : memref<8x16xf32, #tpu.memory_space<vmem>>) target_semaphore(%arg13 : memref<!tpu.dma_semaphore, #tpu.memory_space<semaphore_mem>>)
      %slice3A_253 = vector.extract_strided_slice %get3A_30 {offsets = [13], sizes = [1], strides = [1]} : vector<16xi32> to vector<1xi32>
      %squeeze3A_254 = vector.extract %slice3A_253[0] : i32 from vector<1xi32>
      %shift_right_logical3A_255 = arith.constant 3 : i32
      %shift_right_logical3A_256 = arith.shrui %squeeze3A_254, %shift_right_logical3A_255 : i32
      %shift_left3A_257 = arith.constant 3 : i32
      %shift_left3A_258 = arith.shli %shift_right_logical3A_256, %shift_left3A_257 : i32
      %multiple_of3A_259 = tpu.assume_multiple %shift_left3A_258, 8 : i32
      %dma_start3A_260 = arith.constant 104 : i32
      %dma_start3A_261 = arith.constant 0 : i32
      %dma_start3A_262 = tpu.memref_slice %arg11[%dma_start3A_260, %dma_start3A_261] : memref<256x16xf32, #tpu.memory_space<vmem>> -> memref<8x16xf32, #tpu.memory_space<vmem>>
      %dma_start3A_263 = arith.constant 0 : i32
      %dma_start3A_264 = tpu.memref_slice %arg4[%multiple_of3A_259, %dma_start3A_263] : memref<1000000x16xf32, #tpu.memory_space<hbm>> -> memref<8x16xf32, #tpu.memory_space<hbm>>
      %dma_start3A_265 = arith.constant 104 : i32
      %dma_start3A_266 = arith.constant 0 : i32
      %dma_start3A_267 = tpu.memref_slice %arg11[%dma_start3A_265, %dma_start3A_266] : memref<256x16xf32, #tpu.memory_space<vmem>> -> memref<8x16xf32, #tpu.memory_space<vmem>>
      %dma_start3A_268 = arith.constant 0 : i32
      %dma_start3A_269 = tpu.memref_slice %arg4[%multiple_of3A_259, %dma_start3A_268] : memref<1000000x16xf32, #tpu.memory_space<hbm>> -> memref<8x16xf32, #tpu.memory_space<hbm>>
      tpu.enqueue_dma source(%dma_start3A_269 : memref<8x16xf32, #tpu.memory_space<hbm>>) target(%dma_start3A_267 : memref<8x16xf32, #tpu.memory_space<vmem>>) target_semaphore(%arg13 : memref<!tpu.dma_semaphore, #tpu.memory_space<semaphore_mem>>)
      %slice3A_270 = vector.extract_strided_slice %get3A_30 {offsets = [14], sizes = [1], strides = [1]} : vector<16xi32> to vector<1xi32>
      %squeeze3A_271 = vector.extract %slice3A_270[0] : i32 from vector<1xi32>
      %shift_right_logical3A_272 = arith.constant 3 : i32
      %shift_right_logical3A_273 = arith.shrui %squeeze3A_271, %shift_right_logical3A_272 : i32
      %shift_left3A_274 = arith.constant 3 : i32
      %shift_left3A_275 = arith.shli %shift_right_logical3A_273, %shift_left3A_274 : i32
      %multiple_of3A_276 = tpu.assume_multiple %shift_left3A_275, 8 : i32
      %dma_start3A_277 = arith.constant 112 : i32
      %dma_start3A_278 = arith.constant 0 : i32
      %dma_start3A_279 = tpu.memref_slice %arg11[%dma_start3A_277, %dma_start3A_278] : memref<256x16xf32, #tpu.memory_space<vmem>> -> memref<8x16xf32, #tpu.memory_space<vmem>>
      %dma_start3A_280 = arith.constant 0 : i32
      %dma_start3A_281 = tpu.memref_slice %arg4[%multiple_of3A_276, %dma_start3A_280] : memref<1000000x16xf32, #tpu.memory_space<hbm>> -> memref<8x16xf32, #tpu.memory_space<hbm>>
      %dma_start3A_282 = arith.constant 112 : i32
      %dma_start3A_283 = arith.constant 0 : i32
      %dma_start3A_284 = tpu.memref_slice %arg11[%dma_start3A_282, %dma_start3A_283] : memref<256x16xf32, #tpu.memory_space<vmem>> -> memref<8x16xf32, #tpu.memory_space<vmem>>
      %dma_start3A_285 = arith.constant 0 : i32
      %dma_start3A_286 = tpu.memref_slice %arg4[%multiple_of3A_276, %dma_start3A_285] : memref<1000000x16xf32, #tpu.memory_space<hbm>> -> memref<8x16xf32, #tpu.memory_space<hbm>>
      tpu.enqueue_dma source(%dma_start3A_286 : memref<8x16xf32, #tpu.memory_space<hbm>>) target(%dma_start3A_284 : memref<8x16xf32, #tpu.memory_space<vmem>>) target_semaphore(%arg13 : memref<!tpu.dma_semaphore, #tpu.memory_space<semaphore_mem>>)
      %slice3A_287 = vector.extract_strided_slice %get3A_30 {offsets = [15], sizes = [1], strides = [1]} : vector<16xi32> to vector<1xi32>
      %squeeze3A_288 = vector.extract %slice3A_287[0] : i32 from vector<1xi32>
      %shift_right_logical3A_289 = arith.constant 3 : i32
      %shift_right_logical3A_290 = arith.shrui %squeeze3A_288, %shift_right_logical3A_289 : i32
      %shift_left3A_291 = arith.constant 3 : i32
      %shift_left3A_292 = arith.shli %shift_right_logical3A_290, %shift_left3A_291 : i32
      %multiple_of3A_293 = tpu.assume_multiple %shift_left3A_292, 8 : i32
      %dma_start3A_294 = arith.constant 120 : i32
      %dma_start3A_295 = arith.constant 0 : i32
      %dma_start3A_296 = tpu.memref_slice %arg11[%dma_start3A_294, %dma_start3A_295] : memref<256x16xf32, #tpu.memory_space<vmem>> -> memref<8x16xf32, #tpu.memory_space<vmem>>
      %dma_start3A_297 = arith.constant 0 : i32
      %dma_start3A_298 = tpu.memref_slice %arg4[%multiple_of3A_293, %dma_start3A_297] : memref<1000000x16xf32, #tpu.memory_space<hbm>> -> memref<8x16xf32, #tpu.memory_space<hbm>>
      %dma_start3A_299 = arith.constant 120 : i32
      %dma_start3A_300 = arith.constant 0 : i32
      %dma_start3A_301 = tpu.memref_slice %arg11[%dma_start3A_299, %dma_start3A_300] : memref<256x16xf32, #tpu.memory_space<vmem>> -> memref<8x16xf32, #tpu.memory_space<vmem>>
      %dma_start3A_302 = arith.constant 0 : i32
      %dma_start3A_303 = tpu.memref_slice %arg4[%multiple_of3A_293, %dma_start3A_302] : memref<1000000x16xf32, #tpu.memory_space<hbm>> -> memref<8x16xf32, #tpu.memory_space<hbm>>
      tpu.enqueue_dma source(%dma_start3A_303 : memref<8x16xf32, #tpu.memory_space<hbm>>) target(%dma_start3A_301 : memref<8x16xf32, #tpu.memory_space<vmem>>) target_semaphore(%arg13 : memref<!tpu.dma_semaphore, #tpu.memory_space<semaphore_mem>>)
      %slice3A_304 = vector.extract_strided_slice %get3A_37 {offsets = [0], sizes = [1], strides = [1]} : vector<16xi32> to vector<1xi32>
      %squeeze3A_305 = vector.extract %slice3A_304[0] : i32 from vector<1xi32>
      %shift_right_logical3A_306 = arith.constant 3 : i32
      %shift_right_logical3A_307 = arith.shrui %squeeze3A_305, %shift_right_logical3A_306 : i32
      %shift_left3A_308 = arith.constant 3 : i32
      %shift_left3A_309 = arith.shli %shift_right_logical3A_307, %shift_left3A_308 : i32
      %multiple_of3A_310 = tpu.assume_multiple %shift_left3A_309, 8 : i32
      %dma_start3A_311 = arith.constant 128 : i32
      %dma_start3A_312 = arith.constant 0 : i32
      %dma_start3A_313 = tpu.memref_slice %arg11[%dma_start3A_311, %dma_start3A_312] : memref<256x16xf32, #tpu.memory_space<vmem>> -> memref<8x16xf32, #tpu.memory_space<vmem>>
      %dma_start3A_314 = arith.constant 0 : i32
      %dma_start3A_315 = tpu.memref_slice %arg4[%multiple_of3A_310, %dma_start3A_314] : memref<1000000x16xf32, #tpu.memory_space<hbm>> -> memref<8x16xf32, #tpu.memory_space<hbm>>
      %dma_start3A_316 = arith.constant 128 : i32
      %dma_start3A_317 = arith.constant 0 : i32
      %dma_start3A_318 = tpu.memref_slice %arg11[%dma_start3A_316, %dma_start3A_317] : memref<256x16xf32, #tpu.memory_space<vmem>> -> memref<8x16xf32, #tpu.memory_space<vmem>>
      %dma_start3A_319 = arith.constant 0 : i32
      %dma_start3A_320 = tpu.memref_slice %arg4[%multiple_of3A_310, %dma_start3A_319] : memref<1000000x16xf32, #tpu.memory_space<hbm>> -> memref<8x16xf32, #tpu.memory_space<hbm>>
      tpu.enqueue_dma source(%dma_start3A_320 : memref<8x16xf32, #tpu.memory_space<hbm>>) target(%dma_start3A_318 : memref<8x16xf32, #tpu.memory_space<vmem>>) target_semaphore(%arg13 : memref<!tpu.dma_semaphore, #tpu.memory_space<semaphore_mem>>)
      %slice3A_321 = vector.extract_strided_slice %get3A_37 {offsets = [1], sizes = [1], strides = [1]} : vector<16xi32> to vector<1xi32>
      %squeeze3A_322 = vector.extract %slice3A_321[0] : i32 from vector<1xi32>
      %shift_right_logical3A_323 = arith.constant 3 : i32
      %shift_right_logical3A_324 = arith.shrui %squeeze3A_322, %shift_right_logical3A_323 : i32
      %shift_left3A_325 = arith.constant 3 : i32
      %shift_left3A_326 = arith.shli %shift_right_logical3A_324, %shift_left3A_325 : i32
      %multiple_of3A_327 = tpu.assume_multiple %shift_left3A_326, 8 : i32
      %dma_start3A_328 = arith.constant 136 : i32
      %dma_start3A_329 = arith.constant 0 : i32
      %dma_start3A_330 = tpu.memref_slice %arg11[%dma_start3A_328, %dma_start3A_329] : memref<256x16xf32, #tpu.memory_space<vmem>> -> memref<8x16xf32, #tpu.memory_space<vmem>>
      %dma_start3A_331 = arith.constant 0 : i32
      %dma_start3A_332 = tpu.memref_slice %arg4[%multiple_of3A_327, %dma_start3A_331] : memref<1000000x16xf32, #tpu.memory_space<hbm>> -> memref<8x16xf32, #tpu.memory_space<hbm>>
      %dma_start3A_333 = arith.constant 136 : i32
      %dma_start3A_334 = arith.constant 0 : i32
      %dma_start3A_335 = tpu.memref_slice %arg11[%dma_start3A_333, %dma_start3A_334] : memref<256x16xf32, #tpu.memory_space<vmem>> -> memref<8x16xf32, #tpu.memory_space<vmem>>
      %dma_start3A_336 = arith.constant 0 : i32
      %dma_start3A_337 = tpu.memref_slice %arg4[%multiple_of3A_327, %dma_start3A_336] : memref<1000000x16xf32, #tpu.memory_space<hbm>> -> memref<8x16xf32, #tpu.memory_space<hbm>>
      tpu.enqueue_dma source(%dma_start3A_337 : memref<8x16xf32, #tpu.memory_space<hbm>>) target(%dma_start3A_335 : memref<8x16xf32, #tpu.memory_space<vmem>>) target_semaphore(%arg13 : memref<!tpu.dma_semaphore, #tpu.memory_space<semaphore_mem>>)
      %slice3A_338 = vector.extract_strided_slice %get3A_37 {offsets = [2], sizes = [1], strides = [1]} : vector<16xi32> to vector<1xi32>
      %squeeze3A_339 = vector.extract %slice3A_338[0] : i32 from vector<1xi32>
      %shift_right_logical3A_340 = arith.constant 3 : i32
      %shift_right_logical3A_341 = arith.shrui %squeeze3A_339, %shift_right_logical3A_340 : i32
      %shift_left3A_342 = arith.constant 3 : i32
      %shift_left3A_343 = arith.shli %shift_right_logical3A_341, %shift_left3A_342 : i32
      %multiple_of3A_344 = tpu.assume_multiple %shift_left3A_343, 8 : i32
      %dma_start3A_345 = arith.constant 144 : i32
      %dma_start3A_346 = arith.constant 0 : i32
      %dma_start3A_347 = tpu.memref_slice %arg11[%dma_start3A_345, %dma_start3A_346] : memref<256x16xf32, #tpu.memory_space<vmem>> -> memref<8x16xf32, #tpu.memory_space<vmem>>
      %dma_start3A_348 = arith.constant 0 : i32
      %dma_start3A_349 = tpu.memref_slice %arg4[%multiple_of3A_344, %dma_start3A_348] : memref<1000000x16xf32, #tpu.memory_space<hbm>> -> memref<8x16xf32, #tpu.memory_space<hbm>>
      %dma_start3A_350 = arith.constant 144 : i32
      %dma_start3A_351 = arith.constant 0 : i32
      %dma_start3A_352 = tpu.memref_slice %arg11[%dma_start3A_350, %dma_start3A_351] : memref<256x16xf32, #tpu.memory_space<vmem>> -> memref<8x16xf32, #tpu.memory_space<vmem>>
      %dma_start3A_353 = arith.constant 0 : i32
      %dma_start3A_354 = tpu.memref_slice %arg4[%multiple_of3A_344, %dma_start3A_353] : memref<1000000x16xf32, #tpu.memory_space<hbm>> -> memref<8x16xf32, #tpu.memory_space<hbm>>
      tpu.enqueue_dma source(%dma_start3A_354 : memref<8x16xf32, #tpu.memory_space<hbm>>) target(%dma_start3A_352 : memref<8x16xf32, #tpu.memory_space<vmem>>) target_semaphore(%arg13 : memref<!tpu.dma_semaphore, #tpu.memory_space<semaphore_mem>>)
      %slice3A_355 = vector.extract_strided_slice %get3A_37 {offsets = [3], sizes = [1], strides = [1]} : vector<16xi32> to vector<1xi32>
      %squeeze3A_356 = vector.extract %slice3A_355[0] : i32 from vector<1xi32>
      %shift_right_logical3A_357 = arith.constant 3 : i32
      %shift_right_logical3A_358 = arith.shrui %squeeze3A_356, %shift_right_logical3A_357 : i32
      %shift_left3A_359 = arith.constant 3 : i32
      %shift_left3A_360 = arith.shli %shift_right_logical3A_358, %shift_left3A_359 : i32
      %multiple_of3A_361 = tpu.assume_multiple %shift_left3A_360, 8 : i32
      %dma_start3A_362 = arith.constant 152 : i32
      %dma_start3A_363 = arith.constant 0 : i32
      %dma_start3A_364 = tpu.memref_slice %arg11[%dma_start3A_362, %dma_start3A_363] : memref<256x16xf32, #tpu.memory_space<vmem>> -> memref<8x16xf32, #tpu.memory_space<vmem>>
      %dma_start3A_365 = arith.constant 0 : i32
      %dma_start3A_366 = tpu.memref_slice %arg4[%multiple_of3A_361, %dma_start3A_365] : memref<1000000x16xf32, #tpu.memory_space<hbm>> -> memref<8x16xf32, #tpu.memory_space<hbm>>
      %dma_start3A_367 = arith.constant 152 : i32
      %dma_start3A_368 = arith.constant 0 : i32
      %dma_start3A_369 = tpu.memref_slice %arg11[%dma_start3A_367, %dma_start3A_368] : memref<256x16xf32, #tpu.memory_space<vmem>> -> memref<8x16xf32, #tpu.memory_space<vmem>>
      %dma_start3A_370 = arith.constant 0 : i32
      %dma_start3A_371 = tpu.memref_slice %arg4[%multiple_of3A_361, %dma_start3A_370] : memref<1000000x16xf32, #tpu.memory_space<hbm>> -> memref<8x16xf32, #tpu.memory_space<hbm>>
      tpu.enqueue_dma source(%dma_start3A_371 : memref<8x16xf32, #tpu.memory_space<hbm>>) target(%dma_start3A_369 : memref<8x16xf32, #tpu.memory_space<vmem>>) target_semaphore(%arg13 : memref<!tpu.dma_semaphore, #tpu.memory_space<semaphore_mem>>)
      %slice3A_372 = vector.extract_strided_slice %get3A_37 {offsets = [4], sizes = [1], strides = [1]} : vector<16xi32> to vector<1xi32>
      %squeeze3A_373 = vector.extract %slice3A_372[0] : i32 from vector<1xi32>
      %shift_right_logical3A_374 = arith.constant 3 : i32
      %shift_right_logical3A_375 = arith.shrui %squeeze3A_373, %shift_right_logical3A_374 : i32
      %shift_left3A_376 = arith.constant 3 : i32
      %shift_left3A_377 = arith.shli %shift_right_logical3A_375, %shift_left3A_376 : i32
      %multiple_of3A_378 = tpu.assume_multiple %shift_left3A_377, 8 : i32
      %dma_start3A_379 = arith.constant 160 : i32
      %dma_start3A_380 = arith.constant 0 : i32
      %dma_start3A_381 = tpu.memref_slice %arg11[%dma_start3A_379, %dma_start3A_380] : memref<256x16xf32, #tpu.memory_space<vmem>> -> memref<8x16xf32, #tpu.memory_space<vmem>>
      %dma_start3A_382 = arith.constant 0 : i32
      %dma_start3A_383 = tpu.memref_slice %arg4[%multiple_of3A_378, %dma_start3A_382] : memref<1000000x16xf32, #tpu.memory_space<hbm>> -> memref<8x16xf32, #tpu.memory_space<hbm>>
      %dma_start3A_384 = arith.constant 160 : i32
      %dma_start3A_385 = arith.constant 0 : i32
      %dma_start3A_386 = tpu.memref_slice %arg11[%dma_start3A_384, %dma_start3A_385] : memref<256x16xf32, #tpu.memory_space<vmem>> -> memref<8x16xf32, #tpu.memory_space<vmem>>
      %dma_start3A_387 = arith.constant 0 : i32
      %dma_start3A_388 = tpu.memref_slice %arg4[%multiple_of3A_378, %dma_start3A_387] : memref<1000000x16xf32, #tpu.memory_space<hbm>> -> memref<8x16xf32, #tpu.memory_space<hbm>>
      tpu.enqueue_dma source(%dma_start3A_388 : memref<8x16xf32, #tpu.memory_space<hbm>>) target(%dma_start3A_386 : memref<8x16xf32, #tpu.memory_space<vmem>>) target_semaphore(%arg13 : memref<!tpu.dma_semaphore, #tpu.memory_space<semaphore_mem>>)
      %slice3A_389 = vector.extract_strided_slice %get3A_37 {offsets = [5], sizes = [1], strides = [1]} : vector<16xi32> to vector<1xi32>
      %squeeze3A_390 = vector.extract %slice3A_389[0] : i32 from vector<1xi32>
      %shift_right_logical3A_391 = arith.constant 3 : i32
      %shift_right_logical3A_392 = arith.shrui %squeeze3A_390, %shift_right_logical3A_391 : i32
      %shift_left3A_393 = arith.constant 3 : i32
      %shift_left3A_394 = arith.shli %shift_right_logical3A_392, %shift_left3A_393 : i32
      %multiple_of3A_395 = tpu.assume_multiple %shift_left3A_394, 8 : i32
      %dma_start3A_396 = arith.constant 168 : i32
      %dma_start3A_397 = arith.constant 0 : i32
      %dma_start3A_398 = tpu.memref_slice %arg11[%dma_start3A_396, %dma_start3A_397] : memref<256x16xf32, #tpu.memory_space<vmem>> -> memref<8x16xf32, #tpu.memory_space<vmem>>
      %dma_start3A_399 = arith.constant 0 : i32
      %dma_start3A_400 = tpu.memref_slice %arg4[%multiple_of3A_395, %dma_start3A_399] : memref<1000000x16xf32, #tpu.memory_space<hbm>> -> memref<8x16xf32, #tpu.memory_space<hbm>>
      %dma_start3A_401 = arith.constant 168 : i32
      %dma_start3A_402 = arith.constant 0 : i32
      %dma_start3A_403 = tpu.memref_slice %arg11[%dma_start3A_401, %dma_start3A_402] : memref<256x16xf32, #tpu.memory_space<vmem>> -> memref<8x16xf32, #tpu.memory_space<vmem>>
      %dma_start3A_404 = arith.constant 0 : i32
      %dma_start3A_405 = tpu.memref_slice %arg4[%multiple_of3A_395, %dma_start3A_404] : memref<1000000x16xf32, #tpu.memory_space<hbm>> -> memref<8x16xf32, #tpu.memory_space<hbm>>
      tpu.enqueue_dma source(%dma_start3A_405 : memref<8x16xf32, #tpu.memory_space<hbm>>) target(%dma_start3A_403 : memref<8x16xf32, #tpu.memory_space<vmem>>) target_semaphore(%arg13 : memref<!tpu.dma_semaphore, #tpu.memory_space<semaphore_mem>>)
      %slice3A_406 = vector.extract_strided_slice %get3A_37 {offsets = [6], sizes = [1], strides = [1]} : vector<16xi32> to vector<1xi32>
      %squeeze3A_407 = vector.extract %slice3A_406[0] : i32 from vector<1xi32>
      %shift_right_logical3A_408 = arith.constant 3 : i32
      %shift_right_logical3A_409 = arith.shrui %squeeze3A_407, %shift_right_logical3A_408 : i32
      %shift_left3A_410 = arith.constant 3 : i32
      %shift_left3A_411 = arith.shli %shift_right_logical3A_409, %shift_left3A_410 : i32
      %multiple_of3A_412 = tpu.assume_multiple %shift_left3A_411, 8 : i32
      %dma_start3A_413 = arith.constant 176 : i32
      %dma_start3A_414 = arith.constant 0 : i32
      %dma_start3A_415 = tpu.memref_slice %arg11[%dma_start3A_413, %dma_start3A_414] : memref<256x16xf32, #tpu.memory_space<vmem>> -> memref<8x16xf32, #tpu.memory_space<vmem>>
      %dma_start3A_416 = arith.constant 0 : i32
      %dma_start3A_417 = tpu.memref_slice %arg4[%multiple_of3A_412, %dma_start3A_416] : memref<1000000x16xf32, #tpu.memory_space<hbm>> -> memref<8x16xf32, #tpu.memory_space<hbm>>
      %dma_start3A_418 = arith.constant 176 : i32
      %dma_start3A_419 = arith.constant 0 : i32
      %dma_start3A_420 = tpu.memref_slice %arg11[%dma_start3A_418, %dma_start3A_419] : memref<256x16xf32, #tpu.memory_space<vmem>> -> memref<8x16xf32, #tpu.memory_space<vmem>>
      %dma_start3A_421 = arith.constant 0 : i32
      %dma_start3A_422 = tpu.memref_slice %arg4[%multiple_of3A_412, %dma_start3A_421] : memref<1000000x16xf32, #tpu.memory_space<hbm>> -> memref<8x16xf32, #tpu.memory_space<hbm>>
      tpu.enqueue_dma source(%dma_start3A_422 : memref<8x16xf32, #tpu.memory_space<hbm>>) target(%dma_start3A_420 : memref<8x16xf32, #tpu.memory_space<vmem>>) target_semaphore(%arg13 : memref<!tpu.dma_semaphore, #tpu.memory_space<semaphore_mem>>)
      %slice3A_423 = vector.extract_strided_slice %get3A_37 {offsets = [7], sizes = [1], strides = [1]} : vector<16xi32> to vector<1xi32>
      %squeeze3A_424 = vector.extract %slice3A_423[0] : i32 from vector<1xi32>
      %shift_right_logical3A_425 = arith.constant 3 : i32
      %shift_right_logical3A_426 = arith.shrui %squeeze3A_424, %shift_right_logical3A_425 : i32
      %shift_left3A_427 = arith.constant 3 : i32
      %shift_left3A_428 = arith.shli %shift_right_logical3A_426, %shift_left3A_427 : i32
      %multiple_of3A_429 = tpu.assume_multiple %shift_left3A_428, 8 : i32
      %dma_start3A_430 = arith.constant 184 : i32
      %dma_start3A_431 = arith.constant 0 : i32
      %dma_start3A_432 = tpu.memref_slice %arg11[%dma_start3A_430, %dma_start3A_431] : memref<256x16xf32, #tpu.memory_space<vmem>> -> memref<8x16xf32, #tpu.memory_space<vmem>>
      %dma_start3A_433 = arith.constant 0 : i32
      %dma_start3A_434 = tpu.memref_slice %arg4[%multiple_of3A_429, %dma_start3A_433] : memref<1000000x16xf32, #tpu.memory_space<hbm>> -> memref<8x16xf32, #tpu.memory_space<hbm>>
      %dma_start3A_435 = arith.constant 184 : i32
      %dma_start3A_436 = arith.constant 0 : i32
      %dma_start3A_437 = tpu.memref_slice %arg11[%dma_start3A_435, %dma_start3A_436] : memref<256x16xf32, #tpu.memory_space<vmem>> -> memref<8x16xf32, #tpu.memory_space<vmem>>
      %dma_start3A_438 = arith.constant 0 : i32
      %dma_start3A_439 = tpu.memref_slice %arg4[%multiple_of3A_429, %dma_start3A_438] : memref<1000000x16xf32, #tpu.memory_space<hbm>> -> memref<8x16xf32, #tpu.memory_space<hbm>>
      tpu.enqueue_dma source(%dma_start3A_439 : memref<8x16xf32, #tpu.memory_space<hbm>>) target(%dma_start3A_437 : memref<8x16xf32, #tpu.memory_space<vmem>>) target_semaphore(%arg13 : memref<!tpu.dma_semaphore, #tpu.memory_space<semaphore_mem>>)
      %slice3A_440 = vector.extract_strided_slice %get3A_37 {offsets = [8], sizes = [1], strides = [1]} : vector<16xi32> to vector<1xi32>
      %squeeze3A_441 = vector.extract %slice3A_440[0] : i32 from vector<1xi32>
      %shift_right_logical3A_442 = arith.constant 3 : i32
      %shift_right_logical3A_443 = arith.shrui %squeeze3A_441, %shift_right_logical3A_442 : i32
      %shift_left3A_444 = arith.constant 3 : i32
      %shift_left3A_445 = arith.shli %shift_right_logical3A_443, %shift_left3A_444 : i32
      %multiple_of3A_446 = tpu.assume_multiple %shift_left3A_445, 8 : i32
      %dma_start3A_447 = arith.constant 192 : i32
      %dma_start3A_448 = arith.constant 0 : i32
      %dma_start3A_449 = tpu.memref_slice %arg11[%dma_start3A_447, %dma_start3A_448] : memref<256x16xf32, #tpu.memory_space<vmem>> -> memref<8x16xf32, #tpu.memory_space<vmem>>
      %dma_start3A_450 = arith.constant 0 : i32
      %dma_start3A_451 = tpu.memref_slice %arg4[%multiple_of3A_446, %dma_start3A_450] : memref<1000000x16xf32, #tpu.memory_space<hbm>> -> memref<8x16xf32, #tpu.memory_space<hbm>>
      %dma_start3A_452 = arith.constant 192 : i32
      %dma_start3A_453 = arith.constant 0 : i32
      %dma_start3A_454 = tpu.memref_slice %arg11[%dma_start3A_452, %dma_start3A_453] : memref<256x16xf32, #tpu.memory_space<vmem>> -> memref<8x16xf32, #tpu.memory_space<vmem>>
      %dma_start3A_455 = arith.constant 0 : i32
      %dma_start3A_456 = tpu.memref_slice %arg4[%multiple_of3A_446, %dma_start3A_455] : memref<1000000x16xf32, #tpu.memory_space<hbm>> -> memref<8x16xf32, #tpu.memory_space<hbm>>
      tpu.enqueue_dma source(%dma_start3A_456 : memref<8x16xf32, #tpu.memory_space<hbm>>) target(%dma_start3A_454 : memref<8x16xf32, #tpu.memory_space<vmem>>) target_semaphore(%arg13 : memref<!tpu.dma_semaphore, #tpu.memory_space<semaphore_mem>>)
      %slice3A_457 = vector.extract_strided_slice %get3A_37 {offsets = [9], sizes = [1], strides = [1]} : vector<16xi32> to vector<1xi32>
      %squeeze3A_458 = vector.extract %slice3A_457[0] : i32 from vector<1xi32>
      %shift_right_logical3A_459 = arith.constant 3 : i32
      %shift_right_logical3A_460 = arith.shrui %squeeze3A_458, %shift_right_logical3A_459 : i32
      %shift_left3A_461 = arith.constant 3 : i32
      %shift_left3A_462 = arith.shli %shift_right_logical3A_460, %shift_left3A_461 : i32
      %multiple_of3A_463 = tpu.assume_multiple %shift_left3A_462, 8 : i32
      %dma_start3A_464 = arith.constant 200 : i32
      %dma_start3A_465 = arith.constant 0 : i32
      %dma_start3A_466 = tpu.memref_slice %arg11[%dma_start3A_464, %dma_start3A_465] : memref<256x16xf32, #tpu.memory_space<vmem>> -> memref<8x16xf32, #tpu.memory_space<vmem>>
      %dma_start3A_467 = arith.constant 0 : i32
      %dma_start3A_468 = tpu.memref_slice %arg4[%multiple_of3A_463, %dma_start3A_467] : memref<1000000x16xf32, #tpu.memory_space<hbm>> -> memref<8x16xf32, #tpu.memory_space<hbm>>
      %dma_start3A_469 = arith.constant 200 : i32
      %dma_start3A_470 = arith.constant 0 : i32
      %dma_start3A_471 = tpu.memref_slice %arg11[%dma_start3A_469, %dma_start3A_470] : memref<256x16xf32, #tpu.memory_space<vmem>> -> memref<8x16xf32, #tpu.memory_space<vmem>>
      %dma_start3A_472 = arith.constant 0 : i32
      %dma_start3A_473 = tpu.memref_slice %arg4[%multiple_of3A_463, %dma_start3A_472] : memref<1000000x16xf32, #tpu.memory_space<hbm>> -> memref<8x16xf32, #tpu.memory_space<hbm>>
      tpu.enqueue_dma source(%dma_start3A_473 : memref<8x16xf32, #tpu.memory_space<hbm>>) target(%dma_start3A_471 : memref<8x16xf32, #tpu.memory_space<vmem>>) target_semaphore(%arg13 : memref<!tpu.dma_semaphore, #tpu.memory_space<semaphore_mem>>)
      %slice3A_474 = vector.extract_strided_slice %get3A_37 {offsets = [10], sizes = [1], strides = [1]} : vector<16xi32> to vector<1xi32>
      %squeeze3A_475 = vector.extract %slice3A_474[0] : i32 from vector<1xi32>
      %shift_right_logical3A_476 = arith.constant 3 : i32
      %shift_right_logical3A_477 = arith.shrui %squeeze3A_475, %shift_right_logical3A_476 : i32
      %shift_left3A_478 = arith.constant 3 : i32
      %shift_left3A_479 = arith.shli %shift_right_logical3A_477, %shift_left3A_478 : i32
      %multiple_of3A_480 = tpu.assume_multiple %shift_left3A_479, 8 : i32
      %dma_start3A_481 = arith.constant 208 : i32
      %dma_start3A_482 = arith.constant 0 : i32
      %dma_start3A_483 = tpu.memref_slice %arg11[%dma_start3A_481, %dma_start3A_482] : memref<256x16xf32, #tpu.memory_space<vmem>> -> memref<8x16xf32, #tpu.memory_space<vmem>>
      %dma_start3A_484 = arith.constant 0 : i32
      %dma_start3A_485 = tpu.memref_slice %arg4[%multiple_of3A_480, %dma_start3A_484] : memref<1000000x16xf32, #tpu.memory_space<hbm>> -> memref<8x16xf32, #tpu.memory_space<hbm>>
      %dma_start3A_486 = arith.constant 208 : i32
      %dma_start3A_487 = arith.constant 0 : i32
      %dma_start3A_488 = tpu.memref_slice %arg11[%dma_start3A_486, %dma_start3A_487] : memref<256x16xf32, #tpu.memory_space<vmem>> -> memref<8x16xf32, #tpu.memory_space<vmem>>
      %dma_start3A_489 = arith.constant 0 : i32
      %dma_start3A_490 = tpu.memref_slice %arg4[%multiple_of3A_480, %dma_start3A_489] : memref<1000000x16xf32, #tpu.memory_space<hbm>> -> memref<8x16xf32, #tpu.memory_space<hbm>>
      tpu.enqueue_dma source(%dma_start3A_490 : memref<8x16xf32, #tpu.memory_space<hbm>>) target(%dma_start3A_488 : memref<8x16xf32, #tpu.memory_space<vmem>>) target_semaphore(%arg13 : memref<!tpu.dma_semaphore, #tpu.memory_space<semaphore_mem>>)
      %slice3A_491 = vector.extract_strided_slice %get3A_37 {offsets = [11], sizes = [1], strides = [1]} : vector<16xi32> to vector<1xi32>
      %squeeze3A_492 = vector.extract %slice3A_491[0] : i32 from vector<1xi32>
      %shift_right_logical3A_493 = arith.constant 3 : i32
      %shift_right_logical3A_494 = arith.shrui %squeeze3A_492, %shift_right_logical3A_493 : i32
      %shift_left3A_495 = arith.constant 3 : i32
      %shift_left3A_496 = arith.shli %shift_right_logical3A_494, %shift_left3A_495 : i32
      %multiple_of3A_497 = tpu.assume_multiple %shift_left3A_496, 8 : i32
      %dma_start3A_498 = arith.constant 216 : i32
      %dma_start3A_499 = arith.constant 0 : i32
      %dma_start3A_500 = tpu.memref_slice %arg11[%dma_start3A_498, %dma_start3A_499] : memref<256x16xf32, #tpu.memory_space<vmem>> -> memref<8x16xf32, #tpu.memory_space<vmem>>
      %dma_start3A_501 = arith.constant 0 : i32
      %dma_start3A_502 = tpu.memref_slice %arg4[%multiple_of3A_497, %dma_start3A_501] : memref<1000000x16xf32, #tpu.memory_space<hbm>> -> memref<8x16xf32, #tpu.memory_space<hbm>>
      %dma_start3A_503 = arith.constant 216 : i32
      %dma_start3A_504 = arith.constant 0 : i32
      %dma_start3A_505 = tpu.memref_slice %arg11[%dma_start3A_503, %dma_start3A_504] : memref<256x16xf32, #tpu.memory_space<vmem>> -> memref<8x16xf32, #tpu.memory_space<vmem>>
      %dma_start3A_506 = arith.constant 0 : i32
      %dma_start3A_507 = tpu.memref_slice %arg4[%multiple_of3A_497, %dma_start3A_506] : memref<1000000x16xf32, #tpu.memory_space<hbm>> -> memref<8x16xf32, #tpu.memory_space<hbm>>
      tpu.enqueue_dma source(%dma_start3A_507 : memref<8x16xf32, #tpu.memory_space<hbm>>) target(%dma_start3A_505 : memref<8x16xf32, #tpu.memory_space<vmem>>) target_semaphore(%arg13 : memref<!tpu.dma_semaphore, #tpu.memory_space<semaphore_mem>>)
      %slice3A_508 = vector.extract_strided_slice %get3A_37 {offsets = [12], sizes = [1], strides = [1]} : vector<16xi32> to vector<1xi32>
      %squeeze3A_509 = vector.extract %slice3A_508[0] : i32 from vector<1xi32>
      %shift_right_logical3A_510 = arith.constant 3 : i32
      %shift_right_logical3A_511 = arith.shrui %squeeze3A_509, %shift_right_logical3A_510 : i32
      %shift_left3A_512 = arith.constant 3 : i32
      %shift_left3A_513 = arith.shli %shift_right_logical3A_511, %shift_left3A_512 : i32
      %multiple_of3A_514 = tpu.assume_multiple %shift_left3A_513, 8 : i32
      %dma_start3A_515 = arith.constant 224 : i32
      %dma_start3A_516 = arith.constant 0 : i32
      %dma_start3A_517 = tpu.memref_slice %arg11[%dma_start3A_515, %dma_start3A_516] : memref<256x16xf32, #tpu.memory_space<vmem>> -> memref<8x16xf32, #tpu.memory_space<vmem>>
      %dma_start3A_518 = arith.constant 0 : i32
      %dma_start3A_519 = tpu.memref_slice %arg4[%multiple_of3A_514, %dma_start3A_518] : memref<1000000x16xf32, #tpu.memory_space<hbm>> -> memref<8x16xf32, #tpu.memory_space<hbm>>
      %dma_start3A_520 = arith.constant 224 : i32
      %dma_start3A_521 = arith.constant 0 : i32
      %dma_start3A_522 = tpu.memref_slice %arg11[%dma_start3A_520, %dma_start3A_521] : memref<256x16xf32, #tpu.memory_space<vmem>> -> memref<8x16xf32, #tpu.memory_space<vmem>>
      %dma_start3A_523 = arith.constant 0 : i32
      %dma_start3A_524 = tpu.memref_slice %arg4[%multiple_of3A_514, %dma_start3A_523] : memref<1000000x16xf32, #tpu.memory_space<hbm>> -> memref<8x16xf32, #tpu.memory_space<hbm>>
      tpu.enqueue_dma source(%dma_start3A_524 : memref<8x16xf32, #tpu.memory_space<hbm>>) target(%dma_start3A_522 : memref<8x16xf32, #tpu.memory_space<vmem>>) target_semaphore(%arg13 : memref<!tpu.dma_semaphore, #tpu.memory_space<semaphore_mem>>)
      %slice3A_525 = vector.extract_strided_slice %get3A_37 {offsets = [13], sizes = [1], strides = [1]} : vector<16xi32> to vector<1xi32>
      %squeeze3A_526 = vector.extract %slice3A_525[0] : i32 from vector<1xi32>
      %shift_right_logical3A_527 = arith.constant 3 : i32
      %shift_right_logical3A_528 = arith.shrui %squeeze3A_526, %shift_right_logical3A_527 : i32
      %shift_left3A_529 = arith.constant 3 : i32
      %shift_left3A_530 = arith.shli %shift_right_logical3A_528, %shift_left3A_529 : i32
      %multiple_of3A_531 = tpu.assume_multiple %shift_left3A_530, 8 : i32
      %dma_start3A_532 = arith.constant 232 : i32
      %dma_start3A_533 = arith.constant 0 : i32
      %dma_start3A_534 = tpu.memref_slice %arg11[%dma_start3A_532, %dma_start3A_533] : memref<256x16xf32, #tpu.memory_space<vmem>> -> memref<8x16xf32, #tpu.memory_space<vmem>>
      %dma_start3A_535 = arith.constant 0 : i32
      %dma_start3A_536 = tpu.memref_slice %arg4[%multiple_of3A_531, %dma_start3A_535] : memref<1000000x16xf32, #tpu.memory_space<hbm>> -> memref<8x16xf32, #tpu.memory_space<hbm>>
      %dma_start3A_537 = arith.constant 232 : i32
      %dma_start3A_538 = arith.constant 0 : i32
      %dma_start3A_539 = tpu.memref_slice %arg11[%dma_start3A_537, %dma_start3A_538] : memref<256x16xf32, #tpu.memory_space<vmem>> -> memref<8x16xf32, #tpu.memory_space<vmem>>
      %dma_start3A_540 = arith.constant 0 : i32
      %dma_start3A_541 = tpu.memref_slice %arg4[%multiple_of3A_531, %dma_start3A_540] : memref<1000000x16xf32, #tpu.memory_space<hbm>> -> memref<8x16xf32, #tpu.memory_space<hbm>>
      tpu.enqueue_dma source(%dma_start3A_541 : memref<8x16xf32, #tpu.memory_space<hbm>>) target(%dma_start3A_539 : memref<8x16xf32, #tpu.memory_space<vmem>>) target_semaphore(%arg13 : memref<!tpu.dma_semaphore, #tpu.memory_space<semaphore_mem>>)
      %slice3A_542 = vector.extract_strided_slice %get3A_37 {offsets = [14], sizes = [1], strides = [1]} : vector<16xi32> to vector<1xi32>
      %squeeze3A_543 = vector.extract %slice3A_542[0] : i32 from vector<1xi32>
      %shift_right_logical3A_544 = arith.constant 3 : i32
      %shift_right_logical3A_545 = arith.shrui %squeeze3A_543, %shift_right_logical3A_544 : i32
      %shift_left3A_546 = arith.constant 3 : i32
      %shift_left3A_547 = arith.shli %shift_right_logical3A_545, %shift_left3A_546 : i32
      %multiple_of3A_548 = tpu.assume_multiple %shift_left3A_547, 8 : i32
      %dma_start3A_549 = arith.constant 240 : i32
      %dma_start3A_550 = arith.constant 0 : i32
      %dma_start3A_551 = tpu.memref_slice %arg11[%dma_start3A_549, %dma_start3A_550] : memref<256x16xf32, #tpu.memory_space<vmem>> -> memref<8x16xf32, #tpu.memory_space<vmem>>
      %dma_start3A_552 = arith.constant 0 : i32
      %dma_start3A_553 = tpu.memref_slice %arg4[%multiple_of3A_548, %dma_start3A_552] : memref<1000000x16xf32, #tpu.memory_space<hbm>> -> memref<8x16xf32, #tpu.memory_space<hbm>>
      %dma_start3A_554 = arith.constant 240 : i32
      %dma_start3A_555 = arith.constant 0 : i32
      %dma_start3A_556 = tpu.memref_slice %arg11[%dma_start3A_554, %dma_start3A_555] : memref<256x16xf32, #tpu.memory_space<vmem>> -> memref<8x16xf32, #tpu.memory_space<vmem>>
      %dma_start3A_557 = arith.constant 0 : i32
      %dma_start3A_558 = tpu.memref_slice %arg4[%multiple_of3A_548, %dma_start3A_557] : memref<1000000x16xf32, #tpu.memory_space<hbm>> -> memref<8x16xf32, #tpu.memory_space<hbm>>
      tpu.enqueue_dma source(%dma_start3A_558 : memref<8x16xf32, #tpu.memory_space<hbm>>) target(%dma_start3A_556 : memref<8x16xf32, #tpu.memory_space<vmem>>) target_semaphore(%arg13 : memref<!tpu.dma_semaphore, #tpu.memory_space<semaphore_mem>>)
      %slice3A_559 = vector.extract_strided_slice %get3A_37 {offsets = [15], sizes = [1], strides = [1]} : vector<16xi32> to vector<1xi32>
      %squeeze3A_560 = vector.extract %slice3A_559[0] : i32 from vector<1xi32>
      %shift_right_logical3A_561 = arith.constant 3 : i32
      %shift_right_logical3A_562 = arith.shrui %squeeze3A_560, %shift_right_logical3A_561 : i32
      %shift_left3A_563 = arith.constant 3 : i32
      %shift_left3A_564 = arith.shli %shift_right_logical3A_562, %shift_left3A_563 : i32
      %multiple_of3A_565 = tpu.assume_multiple %shift_left3A_564, 8 : i32
      %dma_start3A_566 = arith.constant 248 : i32
      %dma_start3A_567 = arith.constant 0 : i32
      %dma_start3A_568 = tpu.memref_slice %arg11[%dma_start3A_566, %dma_start3A_567] : memref<256x16xf32, #tpu.memory_space<vmem>> -> memref<8x16xf32, #tpu.memory_space<vmem>>
      %dma_start3A_569 = arith.constant 0 : i32
      %dma_start3A_570 = tpu.memref_slice %arg4[%multiple_of3A_565, %dma_start3A_569] : memref<1000000x16xf32, #tpu.memory_space<hbm>> -> memref<8x16xf32, #tpu.memory_space<hbm>>
      %dma_start3A_571 = arith.constant 248 : i32
      %dma_start3A_572 = arith.constant 0 : i32
      %dma_start3A_573 = tpu.memref_slice %arg11[%dma_start3A_571, %dma_start3A_572] : memref<256x16xf32, #tpu.memory_space<vmem>> -> memref<8x16xf32, #tpu.memory_space<vmem>>
      %dma_start3A_574 = arith.constant 0 : i32
      %dma_start3A_575 = tpu.memref_slice %arg4[%multiple_of3A_565, %dma_start3A_574] : memref<1000000x16xf32, #tpu.memory_space<hbm>> -> memref<8x16xf32, #tpu.memory_space<hbm>>
      tpu.enqueue_dma source(%dma_start3A_575 : memref<8x16xf32, #tpu.memory_space<hbm>>) target(%dma_start3A_573 : memref<8x16xf32, #tpu.memory_space<vmem>>) target_semaphore(%arg13 : memref<!tpu.dma_semaphore, #tpu.memory_space<semaphore_mem>>)
      %dma_wait3A = arith.constant 0 : i32
      %dma_wait3A_576 = arith.constant 0 : i32
      %dma_wait3A_577 = tpu.memref_slice %arg4[%dma_wait3A, %dma_wait3A_576] : memref<1000000x16xf32, #tpu.memory_space<hbm>> -> memref<256x16xf32, #tpu.memory_space<hbm>>
      %dma_wait3A_578 = arith.constant 0 : i32
      %dma_wait3A_579 = arith.constant 0 : i32
      %dma_wait3A_580 = tpu.memref_slice %arg4[%dma_wait3A_578, %dma_wait3A_579] : memref<1000000x16xf32, #tpu.memory_space<hbm>> -> memref<256x16xf32, #tpu.memory_space<hbm>>
      tpu.wait_dma2 semaphore(%arg13 : memref<!tpu.dma_semaphore, #tpu.memory_space<semaphore_mem>>) src(%dma_wait3A_580 : memref<256x16xf32, #tpu.memory_space<hbm>>) dst(%arg11 : memref<256x16xf32, #tpu.memory_space<vmem>>)
      %slice3A_581 = vector.extract_strided_slice %get3A_30 {offsets = [0], sizes = [1], strides = [1]} : vector<16xi32> to vector<1xi32>
      %squeeze3A_582 = vector.extract %slice3A_581[0] : i32 from vector<1xi32>
      %and3A = arith.constant 7 : i32
      %and3A_583 = arith.andi %squeeze3A_582, %and3A : i32
      %add3A_584 = arith.constant 0 : i32
      %add3A_585 = arith.addi %add3A_584, %and3A_583 : i32
      %get3A_586 = arith.index_cast %add3A_585 : i32 to index
      %get3A_587 = arith.constant 0 : index
      %get3A_588 = tpu.vector_load %arg11[%get3A_586, %get3A_587] {strides = array<i32>} : memref<256x16xf32, #tpu.memory_space<vmem>>, vector<1x16xf32>,
      %get3A_589 = vector.shape_cast %get3A_588 : vector<1x16xf32> to vector<16xf32>
      %swap3A = arith.constant 0 : i32
      %swap3A_590 = arith.index_cast %swap3A : i32 to index
      %swap3A_591 = arith.constant 0 : index
      %swap3A_592 = tpu.vector_load %arg12[%swap3A_590, %swap3A_591] {strides = array<i32>} : memref<32x16xf32, #tpu.memory_space<vmem>>, vector<1x16xf32>,
      %swap3A_593 = vector.shape_cast %swap3A_592 : vector<1x16xf32> to vector<16xf32>
      %swap3A_594 = vector.shape_cast %get3A_589 : vector<16xf32> to vector<1x16xf32>
      tpu.vector_store %arg12[%swap3A_590, %swap3A_591], %swap3A_594 {strides = array<i32>} : memref<32x16xf32, #tpu.memory_space<vmem>>, vector<1x16xf32>,
      %slice3A_595 = vector.extract_strided_slice %get3A_30 {offsets = [1], sizes = [1], strides = [1]} : vector<16xi32> to vector<1xi32>
      %squeeze3A_596 = vector.extract %slice3A_595[0] : i32 from vector<1xi32>
      %and3A_597 = arith.constant 7 : i32
      %and3A_598 = arith.andi %squeeze3A_596, %and3A_597 : i32
      %add3A_599 = arith.constant 8 : i32
      %add3A_600 = arith.addi %add3A_599, %and3A_598 : i32
      %get3A_601 = arith.index_cast %add3A_600 : i32 to index
      %get3A_602 = arith.constant 0 : index
      %get3A_603 = tpu.vector_load %arg11[%get3A_601, %get3A_602] {strides = array<i32>} : memref<256x16xf32, #tpu.memory_space<vmem>>, vector<1x16xf32>,
      %get3A_604 = vector.shape_cast %get3A_603 : vector<1x16xf32> to vector<16xf32>
      %swap3A_605 = arith.constant 1 : i32
      %swap3A_606 = arith.index_cast %swap3A_605 : i32 to index
      %swap3A_607 = arith.constant 0 : index
      %swap3A_608 = tpu.vector_load %arg12[%swap3A_606, %swap3A_607] {strides = array<i32>} : memref<32x16xf32, #tpu.memory_space<vmem>>, vector<1x16xf32>,
      %swap3A_609 = vector.shape_cast %swap3A_608 : vector<1x16xf32> to vector<16xf32>
      %swap3A_610 = vector.shape_cast %get3A_604 : vector<16xf32> to vector<1x16xf32>
      tpu.vector_store %arg12[%swap3A_606, %swap3A_607], %swap3A_610 {strides = array<i32>} : memref<32x16xf32, #tpu.memory_space<vmem>>, vector<1x16xf32>,
      %slice3A_611 = vector.extract_strided_slice %get3A_30 {offsets = [2], sizes = [1], strides = [1]} : vector<16xi32> to vector<1xi32>
      %squeeze3A_612 = vector.extract %slice3A_611[0] : i32 from vector<1xi32>
      %and3A_613 = arith.constant 7 : i32
      %and3A_614 = arith.andi %squeeze3A_612, %and3A_613 : i32
      %add3A_615 = arith.constant 16 : i32
      %add3A_616 = arith.addi %add3A_615, %and3A_614 : i32
      %get3A_617 = arith.index_cast %add3A_616 : i32 to index
      %get3A_618 = arith.constant 0 : index
      %get3A_619 = tpu.vector_load %arg11[%get3A_617, %get3A_618] {strides = array<i32>} : memref<256x16xf32, #tpu.memory_space<vmem>>, vector<1x16xf32>,
      %get3A_620 = vector.shape_cast %get3A_619 : vector<1x16xf32> to vector<16xf32>
      %swap3A_621 = arith.constant 2 : i32
      %swap3A_622 = arith.index_cast %swap3A_621 : i32 to index
      %swap3A_623 = arith.constant 0 : index
      %swap3A_624 = tpu.vector_load %arg12[%swap3A_622, %swap3A_623] {strides = array<i32>} : memref<32x16xf32, #tpu.memory_space<vmem>>, vector<1x16xf32>,
      %swap3A_625 = vector.shape_cast %swap3A_624 : vector<1x16xf32> to vector<16xf32>
      %swap3A_626 = vector.shape_cast %get3A_620 : vector<16xf32> to vector<1x16xf32>
      tpu.vector_store %arg12[%swap3A_622, %swap3A_623], %swap3A_626 {strides = array<i32>} : memref<32x16xf32, #tpu.memory_space<vmem>>, vector<1x16xf32>,
      %slice3A_627 = vector.extract_strided_slice %get3A_30 {offsets = [3], sizes = [1], strides = [1]} : vector<16xi32> to vector<1xi32>
      %squeeze3A_628 = vector.extract %slice3A_627[0] : i32 from vector<1xi32>
      %and3A_629 = arith.constant 7 : i32
      %and3A_630 = arith.andi %squeeze3A_628, %and3A_629 : i32
      %add3A_631 = arith.constant 24 : i32
      %add3A_632 = arith.addi %add3A_631, %and3A_630 : i32
      %get3A_633 = arith.index_cast %add3A_632 : i32 to index
      %get3A_634 = arith.constant 0 : index
      %get3A_635 = tpu.vector_load %arg11[%get3A_633, %get3A_634] {strides = array<i32>} : memref<256x16xf32, #tpu.memory_space<vmem>>, vector<1x16xf32>,
      %get3A_636 = vector.shape_cast %get3A_635 : vector<1x16xf32> to vector<16xf32>
      %swap3A_637 = arith.constant 3 : i32
      %swap3A_638 = arith.index_cast %swap3A_637 : i32 to index
      %swap3A_639 = arith.constant 0 : index
      %swap3A_640 = tpu.vector_load %arg12[%swap3A_638, %swap3A_639] {strides = array<i32>} : memref<32x16xf32, #tpu.memory_space<vmem>>, vector<1x16xf32>,
      %swap3A_641 = vector.shape_cast %swap3A_640 : vector<1x16xf32> to vector<16xf32>
      %swap3A_642 = vector.shape_cast %get3A_636 : vector<16xf32> to vector<1x16xf32>
      tpu.vector_store %arg12[%swap3A_638, %swap3A_639], %swap3A_642 {strides = array<i32>} : memref<32x16xf32, #tpu.memory_space<vmem>>, vector<1x16xf32>,
      %slice3A_643 = vector.extract_strided_slice %get3A_30 {offsets = [4], sizes = [1], strides = [1]} : vector<16xi32> to vector<1xi32>
      %squeeze3A_644 = vector.extract %slice3A_643[0] : i32 from vector<1xi32>
      %and3A_645 = arith.constant 7 : i32
      %and3A_646 = arith.andi %squeeze3A_644, %and3A_645 : i32
      %add3A_647 = arith.constant 32 : i32
      %add3A_648 = arith.addi %add3A_647, %and3A_646 : i32
      %get3A_649 = arith.index_cast %add3A_648 : i32 to index
      %get3A_650 = arith.constant 0 : index
      %get3A_651 = tpu.vector_load %arg11[%get3A_649, %get3A_650] {strides = array<i32>} : memref<256x16xf32, #tpu.memory_space<vmem>>, vector<1x16xf32>,
      %get3A_652 = vector.shape_cast %get3A_651 : vector<1x16xf32> to vector<16xf32>
      %swap3A_653 = arith.constant 4 : i32
      %swap3A_654 = arith.index_cast %swap3A_653 : i32 to index
      %swap3A_655 = arith.constant 0 : index
      %swap3A_656 = tpu.vector_load %arg12[%swap3A_654, %swap3A_655] {strides = array<i32>} : memref<32x16xf32, #tpu.memory_space<vmem>>, vector<1x16xf32>,
      %swap3A_657 = vector.shape_cast %swap3A_656 : vector<1x16xf32> to vector<16xf32>
      %swap3A_658 = vector.shape_cast %get3A_652 : vector<16xf32> to vector<1x16xf32>
      tpu.vector_store %arg12[%swap3A_654, %swap3A_655], %swap3A_658 {strides = array<i32>} : memref<32x16xf32, #tpu.memory_space<vmem>>, vector<1x16xf32>,
      %slice3A_659 = vector.extract_strided_slice %get3A_30 {offsets = [5], sizes = [1], strides = [1]} : vector<16xi32> to vector<1xi32>
      %squeeze3A_660 = vector.extract %slice3A_659[0] : i32 from vector<1xi32>
      %and3A_661 = arith.constant 7 : i32
      %and3A_662 = arith.andi %squeeze3A_660, %and3A_661 : i32
      %add3A_663 = arith.constant 40 : i32
      %add3A_664 = arith.addi %add3A_663, %and3A_662 : i32
      %get3A_665 = arith.index_cast %add3A_664 : i32 to index
      %get3A_666 = arith.constant 0 : index
      %get3A_667 = tpu.vector_load %arg11[%get3A_665, %get3A_666] {strides = array<i32>} : memref<256x16xf32, #tpu.memory_space<vmem>>, vector<1x16xf32>,
      %get3A_668 = vector.shape_cast %get3A_667 : vector<1x16xf32> to vector<16xf32>
      %swap3A_669 = arith.constant 5 : i32
      %swap3A_670 = arith.index_cast %swap3A_669 : i32 to index
      %swap3A_671 = arith.constant 0 : index
      %swap3A_672 = tpu.vector_load %arg12[%swap3A_670, %swap3A_671] {strides = array<i32>} : memref<32x16xf32, #tpu.memory_space<vmem>>, vector<1x16xf32>,
      %swap3A_673 = vector.shape_cast %swap3A_672 : vector<1x16xf32> to vector<16xf32>
      %swap3A_674 = vector.shape_cast %get3A_668 : vector<16xf32> to vector<1x16xf32>
      tpu.vector_store %arg12[%swap3A_670, %swap3A_671], %swap3A_674 {strides = array<i32>} : memref<32x16xf32, #tpu.memory_space<vmem>>, vector<1x16xf32>,
      %slice3A_675 = vector.extract_strided_slice %get3A_30 {offsets = [6], sizes = [1], strides = [1]} : vector<16xi32> to vector<1xi32>
      %squeeze3A_676 = vector.extract %slice3A_675[0] : i32 from vector<1xi32>
      %and3A_677 = arith.constant 7 : i32
      %and3A_678 = arith.andi %squeeze3A_676, %and3A_677 : i32
      %add3A_679 = arith.constant 48 : i32
      %add3A_680 = arith.addi %add3A_679, %and3A_678 : i32
      %get3A_681 = arith.index_cast %add3A_680 : i32 to index
      %get3A_682 = arith.constant 0 : index
      %get3A_683 = tpu.vector_load %arg11[%get3A_681, %get3A_682] {strides = array<i32>} : memref<256x16xf32, #tpu.memory_space<vmem>>, vector<1x16xf32>,
      %get3A_684 = vector.shape_cast %get3A_683 : vector<1x16xf32> to vector<16xf32>
      %swap3A_685 = arith.constant 6 : i32
      %swap3A_686 = arith.index_cast %swap3A_685 : i32 to index
      %swap3A_687 = arith.constant 0 : index
      %swap3A_688 = tpu.vector_load %arg12[%swap3A_686, %swap3A_687] {strides = array<i32>} : memref<32x16xf32, #tpu.memory_space<vmem>>, vector<1x16xf32>,
      %swap3A_689 = vector.shape_cast %swap3A_688 : vector<1x16xf32> to vector<16xf32>
      %swap3A_690 = vector.shape_cast %get3A_684 : vector<16xf32> to vector<1x16xf32>
      tpu.vector_store %arg12[%swap3A_686, %swap3A_687], %swap3A_690 {strides = array<i32>} : memref<32x16xf32, #tpu.memory_space<vmem>>, vector<1x16xf32>,
      %slice3A_691 = vector.extract_strided_slice %get3A_30 {offsets = [7], sizes = [1], strides = [1]} : vector<16xi32> to vector<1xi32>
      %squeeze3A_692 = vector.extract %slice3A_691[0] : i32 from vector<1xi32>
      %and3A_693 = arith.constant 7 : i32
      %and3A_694 = arith.andi %squeeze3A_692, %and3A_693 : i32
      %add3A_695 = arith.constant 56 : i32
      %add3A_696 = arith.addi %add3A_695, %and3A_694 : i32
      %get3A_697 = arith.index_cast %add3A_696 : i32 to index
      %get3A_698 = arith.constant 0 : index
      %get3A_699 = tpu.vector_load %arg11[%get3A_697, %get3A_698] {strides = array<i32>} : memref<256x16xf32, #tpu.memory_space<vmem>>, vector<1x16xf32>,
      %get3A_700 = vector.shape_cast %get3A_699 : vector<1x16xf32> to vector<16xf32>
      %swap3A_701 = arith.constant 7 : i32
      %swap3A_702 = arith.index_cast %swap3A_701 : i32 to index
      %swap3A_703 = arith.constant 0 : index
      %swap3A_704 = tpu.vector_load %arg12[%swap3A_702, %swap3A_703] {strides = array<i32>} : memref<32x16xf32, #tpu.memory_space<vmem>>, vector<1x16xf32>,
      %swap3A_705 = vector.shape_cast %swap3A_704 : vector<1x16xf32> to vector<16xf32>
      %swap3A_706 = vector.shape_cast %get3A_700 : vector<16xf32> to vector<1x16xf32>
      tpu.vector_store %arg12[%swap3A_702, %swap3A_703], %swap3A_706 {strides = array<i32>} : memref<32x16xf32, #tpu.memory_space<vmem>>, vector<1x16xf32>,
      %slice3A_707 = vector.extract_strided_slice %get3A_30 {offsets = [8], sizes = [1], strides = [1]} : vector<16xi32> to vector<1xi32>
      %squeeze3A_708 = vector.extract %slice3A_707[0] : i32 from vector<1xi32>
      %and3A_709 = arith.constant 7 : i32
      %and3A_710 = arith.andi %squeeze3A_708, %and3A_709 : i32
      %add3A_711 = arith.constant 64 : i32
      %add3A_712 = arith.addi %add3A_711, %and3A_710 : i32
      %get3A_713 = arith.index_cast %add3A_712 : i32 to index
      %get3A_714 = arith.constant 0 : index
      %get3A_715 = tpu.vector_load %arg11[%get3A_713, %get3A_714] {strides = array<i32>} : memref<256x16xf32, #tpu.memory_space<vmem>>, vector<1x16xf32>,
      %get3A_716 = vector.shape_cast %get3A_715 : vector<1x16xf32> to vector<16xf32>
      %swap3A_717 = arith.constant 8 : i32
      %swap3A_718 = arith.index_cast %swap3A_717 : i32 to index
      %swap3A_719 = arith.constant 0 : index
      %swap3A_720 = tpu.vector_load %arg12[%swap3A_718, %swap3A_719] {strides = array<i32>} : memref<32x16xf32, #tpu.memory_space<vmem>>, vector<1x16xf32>,
      %swap3A_721 = vector.shape_cast %swap3A_720 : vector<1x16xf32> to vector<16xf32>
      %swap3A_722 = vector.shape_cast %get3A_716 : vector<16xf32> to vector<1x16xf32>
      tpu.vector_store %arg12[%swap3A_718, %swap3A_719], %swap3A_722 {strides = array<i32>} : memref<32x16xf32, #tpu.memory_space<vmem>>, vector<1x16xf32>,
      %slice3A_723 = vector.extract_strided_slice %get3A_30 {offsets = [9], sizes = [1], strides = [1]} : vector<16xi32> to vector<1xi32>
      %squeeze3A_724 = vector.extract %slice3A_723[0] : i32 from vector<1xi32>
      %and3A_725 = arith.constant 7 : i32
      %and3A_726 = arith.andi %squeeze3A_724, %and3A_725 : i32
      %add3A_727 = arith.constant 72 : i32
      %add3A_728 = arith.addi %add3A_727, %and3A_726 : i32
      %get3A_729 = arith.index_cast %add3A_728 : i32 to index
      %get3A_730 = arith.constant 0 : index
      %get3A_731 = tpu.vector_load %arg11[%get3A_729, %get3A_730] {strides = array<i32>} : memref<256x16xf32, #tpu.memory_space<vmem>>, vector<1x16xf32>,
      %get3A_732 = vector.shape_cast %get3A_731 : vector<1x16xf32> to vector<16xf32>
      %swap3A_733 = arith.constant 9 : i32
      %swap3A_734 = arith.index_cast %swap3A_733 : i32 to index
      %swap3A_735 = arith.constant 0 : index
      %swap3A_736 = tpu.vector_load %arg12[%swap3A_734, %swap3A_735] {strides = array<i32>} : memref<32x16xf32, #tpu.memory_space<vmem>>, vector<1x16xf32>,
      %swap3A_737 = vector.shape_cast %swap3A_736 : vector<1x16xf32> to vector<16xf32>
      %swap3A_738 = vector.shape_cast %get3A_732 : vector<16xf32> to vector<1x16xf32>
      tpu.vector_store %arg12[%swap3A_734, %swap3A_735], %swap3A_738 {strides = array<i32>} : memref<32x16xf32, #tpu.memory_space<vmem>>, vector<1x16xf32>,
      %slice3A_739 = vector.extract_strided_slice %get3A_30 {offsets = [10], sizes = [1], strides = [1]} : vector<16xi32> to vector<1xi32>
      %squeeze3A_740 = vector.extract %slice3A_739[0] : i32 from vector<1xi32>
      %and3A_741 = arith.constant 7 : i32
      %and3A_742 = arith.andi %squeeze3A_740, %and3A_741 : i32
      %add3A_743 = arith.constant 80 : i32
      %add3A_744 = arith.addi %add3A_743, %and3A_742 : i32
      %get3A_745 = arith.index_cast %add3A_744 : i32 to index
      %get3A_746 = arith.constant 0 : index
      %get3A_747 = tpu.vector_load %arg11[%get3A_745, %get3A_746] {strides = array<i32>} : memref<256x16xf32, #tpu.memory_space<vmem>>, vector<1x16xf32>,
      %get3A_748 = vector.shape_cast %get3A_747 : vector<1x16xf32> to vector<16xf32>
      %swap3A_749 = arith.constant 10 : i32
      %swap3A_750 = arith.index_cast %swap3A_749 : i32 to index
      %swap3A_751 = arith.constant 0 : index
      %swap3A_752 = tpu.vector_load %arg12[%swap3A_750, %swap3A_751] {strides = array<i32>} : memref<32x16xf32, #tpu.memory_space<vmem>>, vector<1x16xf32>,
      %swap3A_753 = vector.shape_cast %swap3A_752 : vector<1x16xf32> to vector<16xf32>
      %swap3A_754 = vector.shape_cast %get3A_748 : vector<16xf32> to vector<1x16xf32>
      tpu.vector_store %arg12[%swap3A_750, %swap3A_751], %swap3A_754 {strides = array<i32>} : memref<32x16xf32, #tpu.memory_space<vmem>>, vector<1x16xf32>,
      %slice3A_755 = vector.extract_strided_slice %get3A_30 {offsets = [11], sizes = [1], strides = [1]} : vector<16xi32> to vector<1xi32>
      %squeeze3A_756 = vector.extract %slice3A_755[0] : i32 from vector<1xi32>
      %and3A_757 = arith.constant 7 : i32
      %and3A_758 = arith.andi %squeeze3A_756, %and3A_757 : i32
      %add3A_759 = arith.constant 88 : i32
      %add3A_760 = arith.addi %add3A_759, %and3A_758 : i32
      %get3A_761 = arith.index_cast %add3A_760 : i32 to index
      %get3A_762 = arith.constant 0 : index
      %get3A_763 = tpu.vector_load %arg11[%get3A_761, %get3A_762] {strides = array<i32>} : memref<256x16xf32, #tpu.memory_space<vmem>>, vector<1x16xf32>,
      %get3A_764 = vector.shape_cast %get3A_763 : vector<1x16xf32> to vector<16xf32>
      %swap3A_765 = arith.constant 11 : i32
      %swap3A_766 = arith.index_cast %swap3A_765 : i32 to index
      %swap3A_767 = arith.constant 0 : index
      %swap3A_768 = tpu.vector_load %arg12[%swap3A_766, %swap3A_767] {strides = array<i32>} : memref<32x16xf32, #tpu.memory_space<vmem>>, vector<1x16xf32>,
      %swap3A_769 = vector.shape_cast %swap3A_768 : vector<1x16xf32> to vector<16xf32>
      %swap3A_770 = vector.shape_cast %get3A_764 : vector<16xf32> to vector<1x16xf32>
      tpu.vector_store %arg12[%swap3A_766, %swap3A_767], %swap3A_770 {strides = array<i32>} : memref<32x16xf32, #tpu.memory_space<vmem>>, vector<1x16xf32>,
      %slice3A_771 = vector.extract_strided_slice %get3A_30 {offsets = [12], sizes = [1], strides = [1]} : vector<16xi32> to vector<1xi32>
      %squeeze3A_772 = vector.extract %slice3A_771[0] : i32 from vector<1xi32>
      %and3A_773 = arith.constant 7 : i32
      %and3A_774 = arith.andi %squeeze3A_772, %and3A_773 : i32
      %add3A_775 = arith.constant 96 : i32
      %add3A_776 = arith.addi %add3A_775, %and3A_774 : i32
      %get3A_777 = arith.index_cast %add3A_776 : i32 to index
      %get3A_778 = arith.constant 0 : index
      %get3A_779 = tpu.vector_load %arg11[%get3A_777, %get3A_778] {strides = array<i32>} : memref<256x16xf32, #tpu.memory_space<vmem>>, vector<1x16xf32>,
      %get3A_780 = vector.shape_cast %get3A_779 : vector<1x16xf32> to vector<16xf32>
      %swap3A_781 = arith.constant 12 : i32
      %swap3A_782 = arith.index_cast %swap3A_781 : i32 to index
      %swap3A_783 = arith.constant 0 : index
      %swap3A_784 = tpu.vector_load %arg12[%swap3A_782, %swap3A_783] {strides = array<i32>} : memref<32x16xf32, #tpu.memory_space<vmem>>, vector<1x16xf32>,
      %swap3A_785 = vector.shape_cast %swap3A_784 : vector<1x16xf32> to vector<16xf32>
      %swap3A_786 = vector.shape_cast %get3A_780 : vector<16xf32> to vector<1x16xf32>
      tpu.vector_store %arg12[%swap3A_782, %swap3A_783], %swap3A_786 {strides = array<i32>} : memref<32x16xf32, #tpu.memory_space<vmem>>, vector<1x16xf32>,
      %slice3A_787 = vector.extract_strided_slice %get3A_30 {offsets = [13], sizes = [1], strides = [1]} : vector<16xi32> to vector<1xi32>
      %squeeze3A_788 = vector.extract %slice3A_787[0] : i32 from vector<1xi32>
      %and3A_789 = arith.constant 7 : i32
      %and3A_790 = arith.andi %squeeze3A_788, %and3A_789 : i32
      %add3A_791 = arith.constant 104 : i32
      %add3A_792 = arith.addi %add3A_791, %and3A_790 : i32
      %get3A_793 = arith.index_cast %add3A_792 : i32 to index
      %get3A_794 = arith.constant 0 : index
      %get3A_795 = tpu.vector_load %arg11[%get3A_793, %get3A_794] {strides = array<i32>} : memref<256x16xf32, #tpu.memory_space<vmem>>, vector<1x16xf32>,
      %get3A_796 = vector.shape_cast %get3A_795 : vector<1x16xf32> to vector<16xf32>
      %swap3A_797 = arith.constant 13 : i32
      %swap3A_798 = arith.index_cast %swap3A_797 : i32 to index
      %swap3A_799 = arith.constant 0 : index
      %swap3A_800 = tpu.vector_load %arg12[%swap3A_798, %swap3A_799] {strides = array<i32>} : memref<32x16xf32, #tpu.memory_space<vmem>>, vector<1x16xf32>,
      %swap3A_801 = vector.shape_cast %swap3A_800 : vector<1x16xf32> to vector<16xf32>
      %swap3A_802 = vector.shape_cast %get3A_796 : vector<16xf32> to vector<1x16xf32>
      tpu.vector_store %arg12[%swap3A_798, %swap3A_799], %swap3A_802 {strides = array<i32>} : memref<32x16xf32, #tpu.memory_space<vmem>>, vector<1x16xf32>,
      %slice3A_803 = vector.extract_strided_slice %get3A_30 {offsets = [14], sizes = [1], strides = [1]} : vector<16xi32> to vector<1xi32>
      %squeeze3A_804 = vector.extract %slice3A_803[0] : i32 from vector<1xi32>
      %and3A_805 = arith.constant 7 : i32
      %and3A_806 = arith.andi %squeeze3A_804, %and3A_805 : i32
      %add3A_807 = arith.constant 112 : i32
      %add3A_808 = arith.addi %add3A_807, %and3A_806 : i32
      %get3A_809 = arith.index_cast %add3A_808 : i32 to index
      %get3A_810 = arith.constant 0 : index
      %get3A_811 = tpu.vector_load %arg11[%get3A_809, %get3A_810] {strides = array<i32>} : memref<256x16xf32, #tpu.memory_space<vmem>>, vector<1x16xf32>,
      %get3A_812 = vector.shape_cast %get3A_811 : vector<1x16xf32> to vector<16xf32>
      %swap3A_813 = arith.constant 14 : i32
      %swap3A_814 = arith.index_cast %swap3A_813 : i32 to index
      %swap3A_815 = arith.constant 0 : index
      %swap3A_816 = tpu.vector_load %arg12[%swap3A_814, %swap3A_815] {strides = array<i32>} : memref<32x16xf32, #tpu.memory_space<vmem>>, vector<1x16xf32>,
      %swap3A_817 = vector.shape_cast %swap3A_816 : vector<1x16xf32> to vector<16xf32>
      %swap3A_818 = vector.shape_cast %get3A_812 : vector<16xf32> to vector<1x16xf32>
      tpu.vector_store %arg12[%swap3A_814, %swap3A_815], %swap3A_818 {strides = array<i32>} : memref<32x16xf32, #tpu.memory_space<vmem>>, vector<1x16xf32>,
      %slice3A_819 = vector.extract_strided_slice %get3A_30 {offsets = [15], sizes = [1], strides = [1]} : vector<16xi32> to vector<1xi32>
      %squeeze3A_820 = vector.extract %slice3A_819[0] : i32 from vector<1xi32>
      %and3A_821 = arith.constant 7 : i32
      %and3A_822 = arith.andi %squeeze3A_820, %and3A_821 : i32
      %add3A_823 = arith.constant 120 : i32
      %add3A_824 = arith.addi %add3A_823, %and3A_822 : i32
      %get3A_825 = arith.index_cast %add3A_824 : i32 to index
      %get3A_826 = arith.constant 0 : index
      %get3A_827 = tpu.vector_load %arg11[%get3A_825, %get3A_826] {strides = array<i32>} : memref<256x16xf32, #tpu.memory_space<vmem>>, vector<1x16xf32>,
      %get3A_828 = vector.shape_cast %get3A_827 : vector<1x16xf32> to vector<16xf32>
      %swap3A_829 = arith.constant 15 : i32
      %swap3A_830 = arith.index_cast %swap3A_829 : i32 to index
      %swap3A_831 = arith.constant 0 : index
      %swap3A_832 = tpu.vector_load %arg12[%swap3A_830, %swap3A_831] {strides = array<i32>} : memref<32x16xf32, #tpu.memory_space<vmem>>, vector<1x16xf32>,
      %swap3A_833 = vector.shape_cast %swap3A_832 : vector<1x16xf32> to vector<16xf32>
      %swap3A_834 = vector.shape_cast %get3A_828 : vector<16xf32> to vector<1x16xf32>
      tpu.vector_store %arg12[%swap3A_830, %swap3A_831], %swap3A_834 {strides = array<i32>} : memref<32x16xf32, #tpu.memory_space<vmem>>, vector<1x16xf32>,
      %slice3A_835 = vector.extract_strided_slice %get3A_37 {offsets = [0], sizes = [1], strides = [1]} : vector<16xi32> to vector<1xi32>
      %squeeze3A_836 = vector.extract %slice3A_835[0] : i32 from vector<1xi32>
      %and3A_837 = arith.constant 7 : i32
      %and3A_838 = arith.andi %squeeze3A_836, %and3A_837 : i32
      %add3A_839 = arith.constant 128 : i32
      %add3A_840 = arith.addi %add3A_839, %and3A_838 : i32
      %get3A_841 = arith.index_cast %add3A_840 : i32 to index
      %get3A_842 = arith.constant 0 : index
      %get3A_843 = tpu.vector_load %arg11[%get3A_841, %get3A_842] {strides = array<i32>} : memref<256x16xf32, #tpu.memory_space<vmem>>, vector<1x16xf32>,
      %get3A_844 = vector.shape_cast %get3A_843 : vector<1x16xf32> to vector<16xf32>
      %swap3A_845 = arith.constant 16 : i32
      %swap3A_846 = arith.index_cast %swap3A_845 : i32 to index
      %swap3A_847 = arith.constant 0 : index
      %swap3A_848 = tpu.vector_load %arg12[%swap3A_846, %swap3A_847] {strides = array<i32>} : memref<32x16xf32, #tpu.memory_space<vmem>>, vector<1x16xf32>,
      %swap3A_849 = vector.shape_cast %swap3A_848 : vector<1x16xf32> to vector<16xf32>
      %swap3A_850 = vector.shape_cast %get3A_844 : vector<16xf32> to vector<1x16xf32>
      tpu.vector_store %arg12[%swap3A_846, %swap3A_847], %swap3A_850 {strides = array<i32>} : memref<32x16xf32, #tpu.memory_space<vmem>>, vector<1x16xf32>,
      %slice3A_851 = vector.extract_strided_slice %get3A_37 {offsets = [1], sizes = [1], strides = [1]} : vector<16xi32> to vector<1xi32>
      %squeeze3A_852 = vector.extract %slice3A_851[0] : i32 from vector<1xi32>
      %and3A_853 = arith.constant 7 : i32
      %and3A_854 = arith.andi %squeeze3A_852, %and3A_853 : i32
      %add3A_855 = arith.constant 136 : i32
      %add3A_856 = arith.addi %add3A_855, %and3A_854 : i32
      %get3A_857 = arith.index_cast %add3A_856 : i32 to index
      %get3A_858 = arith.constant 0 : index
      %get3A_859 = tpu.vector_load %arg11[%get3A_857, %get3A_858] {strides = array<i32>} : memref<256x16xf32, #tpu.memory_space<vmem>>, vector<1x16xf32>,
      %get3A_860 = vector.shape_cast %get3A_859 : vector<1x16xf32> to vector<16xf32>
      %swap3A_861 = arith.constant 17 : i32
      %swap3A_862 = arith.index_cast %swap3A_861 : i32 to index
      %swap3A_863 = arith.constant 0 : index
      %swap3A_864 = tpu.vector_load %arg12[%swap3A_862, %swap3A_863] {strides = array<i32>} : memref<32x16xf32, #tpu.memory_space<vmem>>, vector<1x16xf32>,
      %swap3A_865 = vector.shape_cast %swap3A_864 : vector<1x16xf32> to vector<16xf32>
      %swap3A_866 = vector.shape_cast %get3A_860 : vector<16xf32> to vector<1x16xf32>
      tpu.vector_store %arg12[%swap3A_862, %swap3A_863], %swap3A_866 {strides = array<i32>} : memref<32x16xf32, #tpu.memory_space<vmem>>, vector<1x16xf32>,
      %slice3A_867 = vector.extract_strided_slice %get3A_37 {offsets = [2], sizes = [1], strides = [1]} : vector<16xi32> to vector<1xi32>
      %squeeze3A_868 = vector.extract %slice3A_867[0] : i32 from vector<1xi32>
      %and3A_869 = arith.constant 7 : i32
      %and3A_870 = arith.andi %squeeze3A_868, %and3A_869 : i32
      %add3A_871 = arith.constant 144 : i32
      %add3A_872 = arith.addi %add3A_871, %and3A_870 : i32
      %get3A_873 = arith.index_cast %add3A_872 : i32 to index
      %get3A_874 = arith.constant 0 : index
      %get3A_875 = tpu.vector_load %arg11[%get3A_873, %get3A_874] {strides = array<i32>} : memref<256x16xf32, #tpu.memory_space<vmem>>, vector<1x16xf32>,
      %get3A_876 = vector.shape_cast %get3A_875 : vector<1x16xf32> to vector<16xf32>
      %swap3A_877 = arith.constant 18 : i32
      %swap3A_878 = arith.index_cast %swap3A_877 : i32 to index
      %swap3A_879 = arith.constant 0 : index
      %swap3A_880 = tpu.vector_load %arg12[%swap3A_878, %swap3A_879] {strides = array<i32>} : memref<32x16xf32, #tpu.memory_space<vmem>>, vector<1x16xf32>,
      %swap3A_881 = vector.shape_cast %swap3A_880 : vector<1x16xf32> to vector<16xf32>
      %swap3A_882 = vector.shape_cast %get3A_876 : vector<16xf32> to vector<1x16xf32>
      tpu.vector_store %arg12[%swap3A_878, %swap3A_879], %swap3A_882 {strides = array<i32>} : memref<32x16xf32, #tpu.memory_space<vmem>>, vector<1x16xf32>,
      %slice3A_883 = vector.extract_strided_slice %get3A_37 {offsets = [3], sizes = [1], strides = [1]} : vector<16xi32> to vector<1xi32>
      %squeeze3A_884 = vector.extract %slice3A_883[0] : i32 from vector<1xi32>
      %and3A_885 = arith.constant 7 : i32
      %and3A_886 = arith.andi %squeeze3A_884, %and3A_885 : i32
      %add3A_887 = arith.constant 152 : i32
      %add3A_888 = arith.addi %add3A_887, %and3A_886 : i32
      %get3A_889 = arith.index_cast %add3A_888 : i32 to index
      %get3A_890 = arith.constant 0 : index
      %get3A_891 = tpu.vector_load %arg11[%get3A_889, %get3A_890] {strides = array<i32>} : memref<256x16xf32, #tpu.memory_space<vmem>>, vector<1x16xf32>,
      %get3A_892 = vector.shape_cast %get3A_891 : vector<1x16xf32> to vector<16xf32>
      %swap3A_893 = arith.constant 19 : i32
      %swap3A_894 = arith.index_cast %swap3A_893 : i32 to index
      %swap3A_895 = arith.constant 0 : index
      %swap3A_896 = tpu.vector_load %arg12[%swap3A_894, %swap3A_895] {strides = array<i32>} : memref<32x16xf32, #tpu.memory_space<vmem>>, vector<1x16xf32>,
      %swap3A_897 = vector.shape_cast %swap3A_896 : vector<1x16xf32> to vector<16xf32>
      %swap3A_898 = vector.shape_cast %get3A_892 : vector<16xf32> to vector<1x16xf32>
      tpu.vector_store %arg12[%swap3A_894, %swap3A_895], %swap3A_898 {strides = array<i32>} : memref<32x16xf32, #tpu.memory_space<vmem>>, vector<1x16xf32>,
      %slice3A_899 = vector.extract_strided_slice %get3A_37 {offsets = [4], sizes = [1], strides = [1]} : vector<16xi32> to vector<1xi32>
      %squeeze3A_900 = vector.extract %slice3A_899[0] : i32 from vector<1xi32>
      %and3A_901 = arith.constant 7 : i32
      %and3A_902 = arith.andi %squeeze3A_900, %and3A_901 : i32
      %add3A_903 = arith.constant 160 : i32
      %add3A_904 = arith.addi %add3A_903, %and3A_902 : i32
      %get3A_905 = arith.index_cast %add3A_904 : i32 to index
      %get3A_906 = arith.constant 0 : index
      %get3A_907 = tpu.vector_load %arg11[%get3A_905, %get3A_906] {strides = array<i32>} : memref<256x16xf32, #tpu.memory_space<vmem>>, vector<1x16xf32>,
      %get3A_908 = vector.shape_cast %get3A_907 : vector<1x16xf32> to vector<16xf32>
      %swap3A_909 = arith.constant 20 : i32
      %swap3A_910 = arith.index_cast %swap3A_909 : i32 to index
      %swap3A_911 = arith.constant 0 : index
      %swap3A_912 = tpu.vector_load %arg12[%swap3A_910, %swap3A_911] {strides = array<i32>} : memref<32x16xf32, #tpu.memory_space<vmem>>, vector<1x16xf32>,
      %swap3A_913 = vector.shape_cast %swap3A_912 : vector<1x16xf32> to vector<16xf32>
      %swap3A_914 = vector.shape_cast %get3A_908 : vector<16xf32> to vector<1x16xf32>
      tpu.vector_store %arg12[%swap3A_910, %swap3A_911], %swap3A_914 {strides = array<i32>} : memref<32x16xf32, #tpu.memory_space<vmem>>, vector<1x16xf32>,
      %slice3A_915 = vector.extract_strided_slice %get3A_37 {offsets = [5], sizes = [1], strides = [1]} : vector<16xi32> to vector<1xi32>
      %squeeze3A_916 = vector.extract %slice3A_915[0] : i32 from vector<1xi32>
      %and3A_917 = arith.constant 7 : i32
      %and3A_918 = arith.andi %squeeze3A_916, %and3A_917 : i32
      %add3A_919 = arith.constant 168 : i32
      %add3A_920 = arith.addi %add3A_919, %and3A_918 : i32
      %get3A_921 = arith.index_cast %add3A_920 : i32 to index
      %get3A_922 = arith.constant 0 : index
      %get3A_923 = tpu.vector_load %arg11[%get3A_921, %get3A_922] {strides = array<i32>} : memref<256x16xf32, #tpu.memory_space<vmem>>, vector<1x16xf32>,
      %get3A_924 = vector.shape_cast %get3A_923 : vector<1x16xf32> to vector<16xf32>
      %swap3A_925 = arith.constant 21 : i32
      %swap3A_926 = arith.index_cast %swap3A_925 : i32 to index
      %swap3A_927 = arith.constant 0 : index
      %swap3A_928 = tpu.vector_load %arg12[%swap3A_926, %swap3A_927] {strides = array<i32>} : memref<32x16xf32, #tpu.memory_space<vmem>>, vector<1x16xf32>,
      %swap3A_929 = vector.shape_cast %swap3A_928 : vector<1x16xf32> to vector<16xf32>
      %swap3A_930 = vector.shape_cast %get3A_924 : vector<16xf32> to vector<1x16xf32>
      tpu.vector_store %arg12[%swap3A_926, %swap3A_927], %swap3A_930 {strides = array<i32>} : memref<32x16xf32, #tpu.memory_space<vmem>>, vector<1x16xf32>,
      %slice3A_931 = vector.extract_strided_slice %get3A_37 {offsets = [6], sizes = [1], strides = [1]} : vector<16xi32> to vector<1xi32>
      %squeeze3A_932 = vector.extract %slice3A_931[0] : i32 from vector<1xi32>
      %and3A_933 = arith.constant 7 : i32
      %and3A_934 = arith.andi %squeeze3A_932, %and3A_933 : i32
      %add3A_935 = arith.constant 176 : i32
      %add3A_936 = arith.addi %add3A_935, %and3A_934 : i32
      %get3A_937 = arith.index_cast %add3A_936 : i32 to index
      %get3A_938 = arith.constant 0 : index
      %get3A_939 = tpu.vector_load %arg11[%get3A_937, %get3A_938] {strides = array<i32>} : memref<256x16xf32, #tpu.memory_space<vmem>>, vector<1x16xf32>,
      %get3A_940 = vector.shape_cast %get3A_939 : vector<1x16xf32> to vector<16xf32>
      %swap3A_941 = arith.constant 22 : i32
      %swap3A_942 = arith.index_cast %swap3A_941 : i32 to index
      %swap3A_943 = arith.constant 0 : index
      %swap3A_944 = tpu.vector_load %arg12[%swap3A_942, %swap3A_943] {strides = array<i32>} : memref<32x16xf32, #tpu.memory_space<vmem>>, vector<1x16xf32>,
      %swap3A_945 = vector.shape_cast %swap3A_944 : vector<1x16xf32> to vector<16xf32>
      %swap3A_946 = vector.shape_cast %get3A_940 : vector<16xf32> to vector<1x16xf32>
      tpu.vector_store %arg12[%swap3A_942, %swap3A_943], %swap3A_946 {strides = array<i32>} : memref<32x16xf32, #tpu.memory_space<vmem>>, vector<1x16xf32>,
      %slice3A_947 = vector.extract_strided_slice %get3A_37 {offsets = [7], sizes = [1], strides = [1]} : vector<16xi32> to vector<1xi32>
      %squeeze3A_948 = vector.extract %slice3A_947[0] : i32 from vector<1xi32>
      %and3A_949 = arith.constant 7 : i32
      %and3A_950 = arith.andi %squeeze3A_948, %and3A_949 : i32
      %add3A_951 = arith.constant 184 : i32
      %add3A_952 = arith.addi %add3A_951, %and3A_950 : i32
      %get3A_953 = arith.index_cast %add3A_952 : i32 to index
      %get3A_954 = arith.constant 0 : index
      %get3A_955 = tpu.vector_load %arg11[%get3A_953, %get3A_954] {strides = array<i32>} : memref<256x16xf32, #tpu.memory_space<vmem>>, vector<1x16xf32>,
      %get3A_956 = vector.shape_cast %get3A_955 : vector<1x16xf32> to vector<16xf32>
      %swap3A_957 = arith.constant 23 : i32
      %swap3A_958 = arith.index_cast %swap3A_957 : i32 to index
      %swap3A_959 = arith.constant 0 : index
      %swap3A_960 = tpu.vector_load %arg12[%swap3A_958, %swap3A_959] {strides = array<i32>} : memref<32x16xf32, #tpu.memory_space<vmem>>, vector<1x16xf32>,
      %swap3A_961 = vector.shape_cast %swap3A_960 : vector<1x16xf32> to vector<16xf32>
      %swap3A_962 = vector.shape_cast %get3A_956 : vector<16xf32> to vector<1x16xf32>
      tpu.vector_store %arg12[%swap3A_958, %swap3A_959], %swap3A_962 {strides = array<i32>} : memref<32x16xf32, #tpu.memory_space<vmem>>, vector<1x16xf32>,
      %slice3A_963 = vector.extract_strided_slice %get3A_37 {offsets = [8], sizes = [1], strides = [1]} : vector<16xi32> to vector<1xi32>
      %squeeze3A_964 = vector.extract %slice3A_963[0] : i32 from vector<1xi32>
      %and3A_965 = arith.constant 7 : i32
      %and3A_966 = arith.andi %squeeze3A_964, %and3A_965 : i32
      %add3A_967 = arith.constant 192 : i32
      %add3A_968 = arith.addi %add3A_967, %and3A_966 : i32
      %get3A_969 = arith.index_cast %add3A_968 : i32 to index
      %get3A_970 = arith.constant 0 : index
      %get3A_971 = tpu.vector_load %arg11[%get3A_969, %get3A_970] {strides = array<i32>} : memref<256x16xf32, #tpu.memory_space<vmem>>, vector<1x16xf32>,
      %get3A_972 = vector.shape_cast %get3A_971 : vector<1x16xf32> to vector<16xf32>
      %swap3A_973 = arith.constant 24 : i32
      %swap3A_974 = arith.index_cast %swap3A_973 : i32 to index
      %swap3A_975 = arith.constant 0 : index
      %swap3A_976 = tpu.vector_load %arg12[%swap3A_974, %swap3A_975] {strides = array<i32>} : memref<32x16xf32, #tpu.memory_space<vmem>>, vector<1x16xf32>,
      %swap3A_977 = vector.shape_cast %swap3A_976 : vector<1x16xf32> to vector<16xf32>
      %swap3A_978 = vector.shape_cast %get3A_972 : vector<16xf32> to vector<1x16xf32>
      tpu.vector_store %arg12[%swap3A_974, %swap3A_975], %swap3A_978 {strides = array<i32>} : memref<32x16xf32, #tpu.memory_space<vmem>>, vector<1x16xf32>,
      %slice3A_979 = vector.extract_strided_slice %get3A_37 {offsets = [9], sizes = [1], strides = [1]} : vector<16xi32> to vector<1xi32>
      %squeeze3A_980 = vector.extract %slice3A_979[0] : i32 from vector<1xi32>
      %and3A_981 = arith.constant 7 : i32
      %and3A_982 = arith.andi %squeeze3A_980, %and3A_981 : i32
      %add3A_983 = arith.constant 200 : i32
      %add3A_984 = arith.addi %add3A_983, %and3A_982 : i32
      %get3A_985 = arith.index_cast %add3A_984 : i32 to index
      %get3A_986 = arith.constant 0 : index
      %get3A_987 = tpu.vector_load %arg11[%get3A_985, %get3A_986] {strides = array<i32>} : memref<256x16xf32, #tpu.memory_space<vmem>>, vector<1x16xf32>,
      %get3A_988 = vector.shape_cast %get3A_987 : vector<1x16xf32> to vector<16xf32>
      %swap3A_989 = arith.constant 25 : i32
      %swap3A_990 = arith.index_cast %swap3A_989 : i32 to index
      %swap3A_991 = arith.constant 0 : index
      %swap3A_992 = tpu.vector_load %arg12[%swap3A_990, %swap3A_991] {strides = array<i32>} : memref<32x16xf32, #tpu.memory_space<vmem>>, vector<1x16xf32>,
      %swap3A_993 = vector.shape_cast %swap3A_992 : vector<1x16xf32> to vector<16xf32>
      %swap3A_994 = vector.shape_cast %get3A_988 : vector<16xf32> to vector<1x16xf32>
      tpu.vector_store %arg12[%swap3A_990, %swap3A_991], %swap3A_994 {strides = array<i32>} : memref<32x16xf32, #tpu.memory_space<vmem>>, vector<1x16xf32>,
      %slice3A_995 = vector.extract_strided_slice %get3A_37 {offsets = [10], sizes = [1], strides = [1]} : vector<16xi32> to vector<1xi32>
      %squeeze3A_996 = vector.extract %slice3A_995[0] : i32 from vector<1xi32>
      %and3A_997 = arith.constant 7 : i32
      %and3A_998 = arith.andi %squeeze3A_996, %and3A_997 : i32
      %add3A_999 = arith.constant 208 : i32
      %add3A_1000 = arith.addi %add3A_999, %and3A_998 : i32
      %get3A_1001 = arith.index_cast %add3A_1000 : i32 to index
      %get3A_1002 = arith.constant 0 : index
      %get3A_1003 = tpu.vector_load %arg11[%get3A_1001, %get3A_1002] {strides = array<i32>} : memref<256x16xf32, #tpu.memory_space<vmem>>, vector<1x16xf32>,
      %get3A_1004 = vector.shape_cast %get3A_1003 : vector<1x16xf32> to vector<16xf32>
      %swap3A_1005 = arith.constant 26 : i32
      %swap3A_1006 = arith.index_cast %swap3A_1005 : i32 to index
      %swap3A_1007 = arith.constant 0 : index
      %swap3A_1008 = tpu.vector_load %arg12[%swap3A_1006, %swap3A_1007] {strides = array<i32>} : memref<32x16xf32, #tpu.memory_space<vmem>>, vector<1x16xf32>,
      %swap3A_1009 = vector.shape_cast %swap3A_1008 : vector<1x16xf32> to vector<16xf32>
      %swap3A_1010 = vector.shape_cast %get3A_1004 : vector<16xf32> to vector<1x16xf32>
      tpu.vector_store %arg12[%swap3A_1006, %swap3A_1007], %swap3A_1010 {strides = array<i32>} : memref<32x16xf32, #tpu.memory_space<vmem>>, vector<1x16xf32>,
      %slice3A_1011 = vector.extract_strided_slice %get3A_37 {offsets = [11], sizes = [1], strides = [1]} : vector<16xi32> to vector<1xi32>
      %squeeze3A_1012 = vector.extract %slice3A_1011[0] : i32 from vector<1xi32>
      %and3A_1013 = arith.constant 7 : i32
      %and3A_1014 = arith.andi %squeeze3A_1012, %and3A_1013 : i32
      %add3A_1015 = arith.constant 216 : i32
      %add3A_1016 = arith.addi %add3A_1015, %and3A_1014 : i32
      %get3A_1017 = arith.index_cast %add3A_1016 : i32 to index
      %get3A_1018 = arith.constant 0 : index
      %get3A_1019 = tpu.vector_load %arg11[%get3A_1017, %get3A_1018] {strides = array<i32>} : memref<256x16xf32, #tpu.memory_space<vmem>>, vector<1x16xf32>,
      %get3A_1020 = vector.shape_cast %get3A_1019 : vector<1x16xf32> to vector<16xf32>
      %swap3A_1021 = arith.constant 27 : i32
      %swap3A_1022 = arith.index_cast %swap3A_1021 : i32 to index
      %swap3A_1023 = arith.constant 0 : index
      %swap3A_1024 = tpu.vector_load %arg12[%swap3A_1022, %swap3A_1023] {strides = array<i32>} : memref<32x16xf32, #tpu.memory_space<vmem>>, vector<1x16xf32>,
      %swap3A_1025 = vector.shape_cast %swap3A_1024 : vector<1x16xf32> to vector<16xf32>
      %swap3A_1026 = vector.shape_cast %get3A_1020 : vector<16xf32> to vector<1x16xf32>
      tpu.vector_store %arg12[%swap3A_1022, %swap3A_1023], %swap3A_1026 {strides = array<i32>} : memref<32x16xf32, #tpu.memory_space<vmem>>, vector<1x16xf32>,
      %slice3A_1027 = vector.extract_strided_slice %get3A_37 {offsets = [12], sizes = [1], strides = [1]} : vector<16xi32> to vector<1xi32>
      %squeeze3A_1028 = vector.extract %slice3A_1027[0] : i32 from vector<1xi32>
      %and3A_1029 = arith.constant 7 : i32
      %and3A_1030 = arith.andi %squeeze3A_1028, %and3A_1029 : i32
      %add3A_1031 = arith.constant 224 : i32
      %add3A_1032 = arith.addi %add3A_1031, %and3A_1030 : i32
      %get3A_1033 = arith.index_cast %add3A_1032 : i32 to index
      %get3A_1034 = arith.constant 0 : index
      %get3A_1035 = tpu.vector_load %arg11[%get3A_1033, %get3A_1034] {strides = array<i32>} : memref<256x16xf32, #tpu.memory_space<vmem>>, vector<1x16xf32>,
      %get3A_1036 = vector.shape_cast %get3A_1035 : vector<1x16xf32> to vector<16xf32>
      %swap3A_1037 = arith.constant 28 : i32
      %swap3A_1038 = arith.index_cast %swap3A_1037 : i32 to index
      %swap3A_1039 = arith.constant 0 : index
      %swap3A_1040 = tpu.vector_load %arg12[%swap3A_1038, %swap3A_1039] {strides = array<i32>} : memref<32x16xf32, #tpu.memory_space<vmem>>, vector<1x16xf32>,
      %swap3A_1041 = vector.shape_cast %swap3A_1040 : vector<1x16xf32> to vector<16xf32>
      %swap3A_1042 = vector.shape_cast %get3A_1036 : vector<16xf32> to vector<1x16xf32>
      tpu.vector_store %arg12[%swap3A_1038, %swap3A_1039], %swap3A_1042 {strides = array<i32>} : memref<32x16xf32, #tpu.memory_space<vmem>>, vector<1x16xf32>,
      %slice3A_1043 = vector.extract_strided_slice %get3A_37 {offsets = [13], sizes = [1], strides = [1]} : vector<16xi32> to vector<1xi32>
      %squeeze3A_1044 = vector.extract %slice3A_1043[0] : i32 from vector<1xi32>
      %and3A_1045 = arith.constant 7 : i32
      %and3A_1046 = arith.andi %squeeze3A_1044, %and3A_1045 : i32
      %add3A_1047 = arith.constant 232 : i32
      %add3A_1048 = arith.addi %add3A_1047, %and3A_1046 : i32
      %get3A_1049 = arith.index_cast %add3A_1048 : i32 to index
      %get3A_1050 = arith.constant 0 : index
      %get3A_1051 = tpu.vector_load %arg11[%get3A_1049, %get3A_1050] {strides = array<i32>} : memref<256x16xf32, #tpu.memory_space<vmem>>, vector<1x16xf32>,
      %get3A_1052 = vector.shape_cast %get3A_1051 : vector<1x16xf32> to vector<16xf32>
      %swap3A_1053 = arith.constant 29 : i32
      %swap3A_1054 = arith.index_cast %swap3A_1053 : i32 to index
      %swap3A_1055 = arith.constant 0 : index
      %swap3A_1056 = tpu.vector_load %arg12[%swap3A_1054, %swap3A_1055] {strides = array<i32>} : memref<32x16xf32, #tpu.memory_space<vmem>>, vector<1x16xf32>,
      %swap3A_1057 = vector.shape_cast %swap3A_1056 : vector<1x16xf32> to vector<16xf32>
      %swap3A_1058 = vector.shape_cast %get3A_1052 : vector<16xf32> to vector<1x16xf32>
      tpu.vector_store %arg12[%swap3A_1054, %swap3A_1055], %swap3A_1058 {strides = array<i32>} : memref<32x16xf32, #tpu.memory_space<vmem>>, vector<1x16xf32>,
      %slice3A_1059 = vector.extract_strided_slice %get3A_37 {offsets = [14], sizes = [1], strides = [1]} : vector<16xi32> to vector<1xi32>
      %squeeze3A_1060 = vector.extract %slice3A_1059[0] : i32 from vector<1xi32>
      %and3A_1061 = arith.constant 7 : i32
      %and3A_1062 = arith.andi %squeeze3A_1060, %and3A_1061 : i32
      %add3A_1063 = arith.constant 240 : i32
      %add3A_1064 = arith.addi %add3A_1063, %and3A_1062 : i32
      %get3A_1065 = arith.index_cast %add3A_1064 : i32 to index
      %get3A_1066 = arith.constant 0 : index
      %get3A_1067 = tpu.vector_load %arg11[%get3A_1065, %get3A_1066] {strides = array<i32>} : memref<256x16xf32, #tpu.memory_space<vmem>>, vector<1x16xf32>,
      %get3A_1068 = vector.shape_cast %get3A_1067 : vector<1x16xf32> to vector<16xf32>
      %swap3A_1069 = arith.constant 30 : i32
      %swap3A_1070 = arith.index_cast %swap3A_1069 : i32 to index
      %swap3A_1071 = arith.constant 0 : index
      %swap3A_1072 = tpu.vector_load %arg12[%swap3A_1070, %swap3A_1071] {strides = array<i32>} : memref<32x16xf32, #tpu.memory_space<vmem>>, vector<1x16xf32>,
      %swap3A_1073 = vector.shape_cast %swap3A_1072 : vector<1x16xf32> to vector<16xf32>
      %swap3A_1074 = vector.shape_cast %get3A_1068 : vector<16xf32> to vector<1x16xf32>
      tpu.vector_store %arg12[%swap3A_1070, %swap3A_1071], %swap3A_1074 {strides = array<i32>} : memref<32x16xf32, #tpu.memory_space<vmem>>, vector<1x16xf32>,
      %slice3A_1075 = vector.extract_strided_slice %get3A_37 {offsets = [15], sizes = [1], strides = [1]} : vector<16xi32> to vector<1xi32>
      %squeeze3A_1076 = vector.extract %slice3A_1075[0] : i32 from vector<1xi32>
      %and3A_1077 = arith.constant 7 : i32
      %and3A_1078 = arith.andi %squeeze3A_1076, %and3A_1077 : i32
      %add3A_1079 = arith.constant 248 : i32
      %add3A_1080 = arith.addi %add3A_1079, %and3A_1078 : i32
      %get3A_1081 = arith.index_cast %add3A_1080 : i32 to index
      %get3A_1082 = arith.constant 0 : index
      %get3A_1083 = tpu.vector_load %arg11[%get3A_1081, %get3A_1082] {strides = array<i32>} : memref<256x16xf32, #tpu.memory_space<vmem>>, vector<1x16xf32>,
      %get3A_1084 = vector.shape_cast %get3A_1083 : vector<1x16xf32> to vector<16xf32>
      %swap3A_1085 = arith.constant 31 : i32
      %swap3A_1086 = arith.index_cast %swap3A_1085 : i32 to index
      %swap3A_1087 = arith.constant 0 : index
      %swap3A_1088 = tpu.vector_load %arg12[%swap3A_1086, %swap3A_1087] {strides = array<i32>} : memref<32x16xf32, #tpu.memory_space<vmem>>, vector<1x16xf32>,
      %swap3A_1089 = vector.shape_cast %swap3A_1088 : vector<1x16xf32> to vector<16xf32>
      %swap3A_1090 = vector.shape_cast %get3A_1084 : vector<16xf32> to vector<1x16xf32>
      tpu.vector_store %arg12[%swap3A_1086, %swap3A_1087], %swap3A_1090 {strides = array<i32>} : memref<32x16xf32, #tpu.memory_space<vmem>>, vector<1x16xf32>,
      %mul3A_1091 = arith.constant 32 : i32
      %mul3A_1092 = arith.muli %scan3A_23, %mul3A_1091 : i32
      %add3A_1093 = arith.addi %mul3A_2, %mul3A_1092 : i32
      "tpu.region"() ({
        %run_scoped3A = tpu.sem_alloc : memref<!tpu.dma_semaphore, #tpu.memory_space<semaphore_mem>>
        %dma_start3A_1095 = arith.constant 0 : i32
        %dma_start3A_1096 = tpu.memref_slice %arg6[%add3A_1093, %dma_start3A_1095] : memref<16384x16xf32, #tpu.memory_space<hbm>> -> memref<32x16xf32, #tpu.memory_space<hbm>>
        %dma_start3A_1097 = arith.constant 0 : i32
        %dma_start3A_1098 = tpu.memref_slice %arg6[%add3A_1093, %dma_start3A_1097] : memref<16384x16xf32, #tpu.memory_space<hbm>> -> memref<32x16xf32, #tpu.memory_space<hbm>>
        tpu.enqueue_dma source(%arg12 : memref<32x16xf32, #tpu.memory_space<vmem>>) target(%dma_start3A_1098 : memref<32x16xf32, #tpu.memory_space<hbm>>) target_semaphore(%run_scoped3A : memref<!tpu.dma_semaphore, #tpu.memory_space<semaphore_mem>>)
        %dma_wait3A_1099 = arith.constant 0 : i32
        %dma_wait3A_1100 = tpu.memref_slice %arg6[%add3A_1093, %dma_wait3A_1099] : memref<16384x16xf32, #tpu.memory_space<hbm>> -> memref<32x16xf32, #tpu.memory_space<hbm>>
        %dma_wait3A_1101 = arith.constant 0 : i32
        %dma_wait3A_1102 = tpu.memref_slice %arg6[%add3A_1093, %dma_wait3A_1101] : memref<16384x16xf32, #tpu.memory_space<hbm>> -> memref<32x16xf32, #tpu.memory_space<hbm>>
        tpu.wait_dma2 semaphore(%run_scoped3A : memref<!tpu.dma_semaphore, #tpu.memory_space<semaphore_mem>>) src(%arg12 : memref<32x16xf32, #tpu.memory_space<vmem>>) dst(%dma_wait3A_1102 : memref<32x16xf32, #tpu.memory_space<hbm>>)
        tpu.yield
      }) : () -> ()
      %scan3A_1094 = arith.constant 0 : i32
      scf.yield %scan3A_1094 : i32
    }
    %scan3A_8 = arith.constant 16 : i32
    %scan3A_9 = arith.constant 0 : i32
    %scan3A_10 = arith.constant 0 : i32
    %scan3A_11 = arith.constant 16 : i32
    %scan3A_12 = arith.addi %scan3A_10, %scan3A_11 : i32
    %scan3A_13 = arith.constant 1 : i32
    %scan3A_14 = scf.for %scan3A_23 = %scan3A_10 to %scan3A_12 step %scan3A_13 iter_args(%scan3A_24 = %scan3A_9) -> (i32)  : i32 {
      %mul3A_25 = arith.constant 32 : i32
      %mul3A_26 = arith.muli %scan3A_23, %mul3A_25 : i32
      %add3A_27 = arith.constant 0 : i32
      %add3A_28 = arith.addi %mul3A_26, %add3A_27 : i32
      %get3A = arith.index_cast %add3A_28 : i32 to index
      %get3A_29 = tpu.vector_load %arg10[%get3A] {strides = array<i32>} : memref<512xi32, #tpu.memory_space<vmem>>, vector<16xi32>,
      %get3A_30 = vector.shape_cast %get3A_29 : vector<16xi32> to vector<16xi32>
      %mul3A_31 = arith.constant 32 : i32
      %mul3A_32 = arith.muli %scan3A_23, %mul3A_31 : i32
      %add3A_33 = arith.constant 16 : i32
      %add3A_34 = arith.addi %mul3A_32, %add3A_33 : i32
      %get3A_35 = arith.index_cast %add3A_34 : i32 to index
      %get3A_36 = tpu.vector_load %arg10[%get3A_35] {strides = array<i32>} : memref<512xi32, #tpu.memory_space<vmem>>, vector<16xi32>,
      %get3A_37 = vector.shape_cast %get3A_36 : vector<16xi32> to vector<16xi32>
      %slice3A = vector.extract_strided_slice %get3A_30 {offsets = [0], sizes = [1], strides = [1]} : vector<16xi32> to vector<1xi32>
      %squeeze3A = vector.extract %slice3A[0] : i32 from vector<1xi32>
      %shift_right_logical3A = arith.constant 3 : i32
      %shift_right_logical3A_38 = arith.shrui %squeeze3A, %shift_right_logical3A : i32
      %shift_left3A = arith.constant 3 : i32
      %shift_left3A_39 = arith.shli %shift_right_logical3A_38, %shift_left3A : i32
      %multiple_of3A = tpu.assume_multiple %shift_left3A_39, 8 : i32
      %dma_start3A = arith.constant 0 : i32
      %dma_start3A_40 = arith.constant 0 : i32
      %dma_start3A_41 = tpu.memref_slice %arg11[%dma_start3A, %dma_start3A_40] : memref<256x16xf32, #tpu.memory_space<vmem>> -> memref<8x16xf32, #tpu.memory_space<vmem>>
      %dma_start3A_42 = arith.constant 0 : i32
      %dma_start3A_43 = tpu.memref_slice %arg4[%multiple_of3A, %dma_start3A_42] : memref<1000000x16xf32, #tpu.memory_space<hbm>> -> memref<8x16xf32, #tpu.memory_space<hbm>>
      %dma_start3A_44 = arith.constant 0 : i32
      %dma_start3A_45 = arith.constant 0 : i32
      %dma_start3A_46 = tpu.memref_slice %arg11[%dma_start3A_44, %dma_start3A_45] : memref<256x16xf32, #tpu.memory_space<vmem>> -> memref<8x16xf32, #tpu.memory_space<vmem>>
      %dma_start3A_47 = arith.constant 0 : i32
      %dma_start3A_48 = tpu.memref_slice %arg4[%multiple_of3A, %dma_start3A_47] : memref<1000000x16xf32, #tpu.memory_space<hbm>> -> memref<8x16xf32, #tpu.memory_space<hbm>>
      tpu.enqueue_dma source(%dma_start3A_48 : memref<8x16xf32, #tpu.memory_space<hbm>>) target(%dma_start3A_46 : memref<8x16xf32, #tpu.memory_space<vmem>>) target_semaphore(%arg13 : memref<!tpu.dma_semaphore, #tpu.memory_space<semaphore_mem>>)
      %slice3A_49 = vector.extract_strided_slice %get3A_30 {offsets = [1], sizes = [1], strides = [1]} : vector<16xi32> to vector<1xi32>
      %squeeze3A_50 = vector.extract %slice3A_49[0] : i32 from vector<1xi32>
      %shift_right_logical3A_51 = arith.constant 3 : i32
      %shift_right_logical3A_52 = arith.shrui %squeeze3A_50, %shift_right_logical3A_51 : i32
      %shift_left3A_53 = arith.constant 3 : i32
      %shift_left3A_54 = arith.shli %shift_right_logical3A_52, %shift_left3A_53 : i32
      %multiple_of3A_55 = tpu.assume_multiple %shift_left3A_54, 8 : i32
      %dma_start3A_56 = arith.constant 8 : i32
      %dma_start3A_57 = arith.constant 0 : i32
      %dma_start3A_58 = tpu.memref_slice %arg11[%dma_start3A_56, %dma_start3A_57] : memref<256x16xf32, #tpu.memory_space<vmem>> -> memref<8x16xf32, #tpu.memory_space<vmem>>
      %dma_start3A_59 = arith.constant 0 : i32
      %dma_start3A_60 = tpu.memref_slice %arg4[%multiple_of3A_55, %dma_start3A_59] : memref<1000000x16xf32, #tpu.memory_space<hbm>> -> memref<8x16xf32, #tpu.memory_space<hbm>>
      %dma_start3A_61 = arith.constant 8 : i32
      %dma_start3A_62 = arith.constant 0 : i32
      %dma_start3A_63 = tpu.memref_slice %arg11[%dma_start3A_61, %dma_start3A_62] : memref<256x16xf32, #tpu.memory_space<vmem>> -> memref<8x16xf32, #tpu.memory_space<vmem>>
      %dma_start3A_64 = arith.constant 0 : i32
      %dma_start3A_65 = tpu.memref_slice %arg4[%multiple_of3A_55, %dma_start3A_64] : memref<1000000x16xf32, #tpu.memory_space<hbm>> -> memref<8x16xf32, #tpu.memory_space<hbm>>
      tpu.enqueue_dma source(%dma_start3A_65 : memref<8x16xf32, #tpu.memory_space<hbm>>) target(%dma_start3A_63 : memref<8x16xf32, #tpu.memory_space<vmem>>) target_semaphore(%arg13 : memref<!tpu.dma_semaphore, #tpu.memory_space<semaphore_mem>>)
      %slice3A_66 = vector.extract_strided_slice %get3A_30 {offsets = [2], sizes = [1], strides = [1]} : vector<16xi32> to vector<1xi32>
      %squeeze3A_67 = vector.extract %slice3A_66[0] : i32 from vector<1xi32>
      %shift_right_logical3A_68 = arith.constant 3 : i32
      %shift_right_logical3A_69 = arith.shrui %squeeze3A_67, %shift_right_logical3A_68 : i32
      %shift_left3A_70 = arith.constant 3 : i32
      %shift_left3A_71 = arith.shli %shift_right_logical3A_69, %shift_left3A_70 : i32
      %multiple_of3A_72 = tpu.assume_multiple %shift_left3A_71, 8 : i32
      %dma_start3A_73 = arith.constant 16 : i32
      %dma_start3A_74 = arith.constant 0 : i32
      %dma_start3A_75 = tpu.memref_slice %arg11[%dma_start3A_73, %dma_start3A_74] : memref<256x16xf32, #tpu.memory_space<vmem>> -> memref<8x16xf32, #tpu.memory_space<vmem>>
      %dma_start3A_76 = arith.constant 0 : i32
      %dma_start3A_77 = tpu.memref_slice %arg4[%multiple_of3A_72, %dma_start3A_76] : memref<1000000x16xf32, #tpu.memory_space<hbm>> -> memref<8x16xf32, #tpu.memory_space<hbm>>
      %dma_start3A_78 = arith.constant 16 : i32
      %dma_start3A_79 = arith.constant 0 : i32
      %dma_start3A_80 = tpu.memref_slice %arg11[%dma_start3A_78, %dma_start3A_79] : memref<256x16xf32, #tpu.memory_space<vmem>> -> memref<8x16xf32, #tpu.memory_space<vmem>>
      %dma_start3A_81 = arith.constant 0 : i32
      %dma_start3A_82 = tpu.memref_slice %arg4[%multiple_of3A_72, %dma_start3A_81] : memref<1000000x16xf32, #tpu.memory_space<hbm>> -> memref<8x16xf32, #tpu.memory_space<hbm>>
      tpu.enqueue_dma source(%dma_start3A_82 : memref<8x16xf32, #tpu.memory_space<hbm>>) target(%dma_start3A_80 : memref<8x16xf32, #tpu.memory_space<vmem>>) target_semaphore(%arg13 : memref<!tpu.dma_semaphore, #tpu.memory_space<semaphore_mem>>)
      %slice3A_83 = vector.extract_strided_slice %get3A_30 {offsets = [3], sizes = [1], strides = [1]} : vector<16xi32> to vector<1xi32>
      %squeeze3A_84 = vector.extract %slice3A_83[0] : i32 from vector<1xi32>
      %shift_right_logical3A_85 = arith.constant 3 : i32
      %shift_right_logical3A_86 = arith.shrui %squeeze3A_84, %shift_right_logical3A_85 : i32
      %shift_left3A_87 = arith.constant 3 : i32
      %shift_left3A_88 = arith.shli %shift_right_logical3A_86, %shift_left3A_87 : i32
      %multiple_of3A_89 = tpu.assume_multiple %shift_left3A_88, 8 : i32
      %dma_start3A_90 = arith.constant 24 : i32
      %dma_start3A_91 = arith.constant 0 : i32
      %dma_start3A_92 = tpu.memref_slice %arg11[%dma_start3A_90, %dma_start3A_91] : memref<256x16xf32, #tpu.memory_space<vmem>> -> memref<8x16xf32, #tpu.memory_space<vmem>>
      %dma_start3A_93 = arith.constant 0 : i32
      %dma_start3A_94 = tpu.memref_slice %arg4[%multiple_of3A_89, %dma_start3A_93] : memref<1000000x16xf32, #tpu.memory_space<hbm>> -> memref<8x16xf32, #tpu.memory_space<hbm>>
      %dma_start3A_95 = arith.constant 24 : i32
      %dma_start3A_96 = arith.constant 0 : i32
      %dma_start3A_97 = tpu.memref_slice %arg11[%dma_start3A_95, %dma_start3A_96] : memref<256x16xf32, #tpu.memory_space<vmem>> -> memref<8x16xf32, #tpu.memory_space<vmem>>
      %dma_start3A_98 = arith.constant 0 : i32
      %dma_start3A_99 = tpu.memref_slice %arg4[%multiple_of3A_89, %dma_start3A_98] : memref<1000000x16xf32, #tpu.memory_space<hbm>> -> memref<8x16xf32, #tpu.memory_space<hbm>>
      tpu.enqueue_dma source(%dma_start3A_99 : memref<8x16xf32, #tpu.memory_space<hbm>>) target(%dma_start3A_97 : memref<8x16xf32, #tpu.memory_space<vmem>>) target_semaphore(%arg13 : memref<!tpu.dma_semaphore, #tpu.memory_space<semaphore_mem>>)
      %slice3A_100 = vector.extract_strided_slice %get3A_30 {offsets = [4], sizes = [1], strides = [1]} : vector<16xi32> to vector<1xi32>
      %squeeze3A_101 = vector.extract %slice3A_100[0] : i32 from vector<1xi32>
      %shift_right_logical3A_102 = arith.constant 3 : i32
      %shift_right_logical3A_103 = arith.shrui %squeeze3A_101, %shift_right_logical3A_102 : i32
      %shift_left3A_104 = arith.constant 3 : i32
      %shift_left3A_105 = arith.shli %shift_right_logical3A_103, %shift_left3A_104 : i32
      %multiple_of3A_106 = tpu.assume_multiple %shift_left3A_105, 8 : i32
      %dma_start3A_107 = arith.constant 32 : i32
      %dma_start3A_108 = arith.constant 0 : i32
      %dma_start3A_109 = tpu.memref_slice %arg11[%dma_start3A_107, %dma_start3A_108] : memref<256x16xf32, #tpu.memory_space<vmem>> -> memref<8x16xf32, #tpu.memory_space<vmem>>
      %dma_start3A_110 = arith.constant 0 : i32
      %dma_start3A_111 = tpu.memref_slice %arg4[%multiple_of3A_106, %dma_start3A_110] : memref<1000000x16xf32, #tpu.memory_space<hbm>> -> memref<8x16xf32, #tpu.memory_space<hbm>>
      %dma_start3A_112 = arith.constant 32 : i32
      %dma_start3A_113 = arith.constant 0 : i32
      %dma_start3A_114 = tpu.memref_slice %arg11[%dma_start3A_112, %dma_start3A_113] : memref<256x16xf32, #tpu.memory_space<vmem>> -> memref<8x16xf32, #tpu.memory_space<vmem>>
      %dma_start3A_115 = arith.constant 0 : i32
      %dma_start3A_116 = tpu.memref_slice %arg4[%multiple_of3A_106, %dma_start3A_115] : memref<1000000x16xf32, #tpu.memory_space<hbm>> -> memref<8x16xf32, #tpu.memory_space<hbm>>
      tpu.enqueue_dma source(%dma_start3A_116 : memref<8x16xf32, #tpu.memory_space<hbm>>) target(%dma_start3A_114 : memref<8x16xf32, #tpu.memory_space<vmem>>) target_semaphore(%arg13 : memref<!tpu.dma_semaphore, #tpu.memory_space<semaphore_mem>>)
      %slice3A_117 = vector.extract_strided_slice %get3A_30 {offsets = [5], sizes = [1], strides = [1]} : vector<16xi32> to vector<1xi32>
      %squeeze3A_118 = vector.extract %slice3A_117[0] : i32 from vector<1xi32>
      %shift_right_logical3A_119 = arith.constant 3 : i32
      %shift_right_logical3A_120 = arith.shrui %squeeze3A_118, %shift_right_logical3A_119 : i32
      %shift_left3A_121 = arith.constant 3 : i32
      %shift_left3A_122 = arith.shli %shift_right_logical3A_120, %shift_left3A_121 : i32
      %multiple_of3A_123 = tpu.assume_multiple %shift_left3A_122, 8 : i32
      %dma_start3A_124 = arith.constant 40 : i32
      %dma_start3A_125 = arith.constant 0 : i32
      %dma_start3A_126 = tpu.memref_slice %arg11[%dma_start3A_124, %dma_start3A_125] : memref<256x16xf32, #tpu.memory_space<vmem>> -> memref<8x16xf32, #tpu.memory_space<vmem>>
      %dma_start3A_127 = arith.constant 0 : i32
      %dma_start3A_128 = tpu.memref_slice %arg4[%multiple_of3A_123, %dma_start3A_127] : memref<1000000x16xf32, #tpu.memory_space<hbm>> -> memref<8x16xf32, #tpu.memory_space<hbm>>
      %dma_start3A_129 = arith.constant 40 : i32
      %dma_start3A_130 = arith.constant 0 : i32
      %dma_start3A_131 = tpu.memref_slice %arg11[%dma_start3A_129, %dma_start3A_130] : memref<256x16xf32, #tpu.memory_space<vmem>> -> memref<8x16xf32, #tpu.memory_space<vmem>>
      %dma_start3A_132 = arith.constant 0 : i32
      %dma_start3A_133 = tpu.memref_slice %arg4[%multiple_of3A_123, %dma_start3A_132] : memref<1000000x16xf32, #tpu.memory_space<hbm>> -> memref<8x16xf32, #tpu.memory_space<hbm>>
      tpu.enqueue_dma source(%dma_start3A_133 : memref<8x16xf32, #tpu.memory_space<hbm>>) target(%dma_start3A_131 : memref<8x16xf32, #tpu.memory_space<vmem>>) target_semaphore(%arg13 : memref<!tpu.dma_semaphore, #tpu.memory_space<semaphore_mem>>)
      %slice3A_134 = vector.extract_strided_slice %get3A_30 {offsets = [6], sizes = [1], strides = [1]} : vector<16xi32> to vector<1xi32>
      %squeeze3A_135 = vector.extract %slice3A_134[0] : i32 from vector<1xi32>
      %shift_right_logical3A_136 = arith.constant 3 : i32
      %shift_right_logical3A_137 = arith.shrui %squeeze3A_135, %shift_right_logical3A_136 : i32
      %shift_left3A_138 = arith.constant 3 : i32
      %shift_left3A_139 = arith.shli %shift_right_logical3A_137, %shift_left3A_138 : i32
      %multiple_of3A_140 = tpu.assume_multiple %shift_left3A_139, 8 : i32
      %dma_start3A_141 = arith.constant 48 : i32
      %dma_start3A_142 = arith.constant 0 : i32
      %dma_start3A_143 = tpu.memref_slice %arg11[%dma_start3A_141, %dma_start3A_142] : memref<256x16xf32, #tpu.memory_space<vmem>> -> memref<8x16xf32, #tpu.memory_space<vmem>>
      %dma_start3A_144 = arith.constant 0 : i32
      %dma_start3A_145 = tpu.memref_slice %arg4[%multiple_of3A_140, %dma_start3A_144] : memref<1000000x16xf32, #tpu.memory_space<hbm>> -> memref<8x16xf32, #tpu.memory_space<hbm>>
      %dma_start3A_146 = arith.constant 48 : i32
      %dma_start3A_147 = arith.constant 0 : i32
      %dma_start3A_148 = tpu.memref_slice %arg11[%dma_start3A_146, %dma_start3A_147] : memref<256x16xf32, #tpu.memory_space<vmem>> -> memref<8x16xf32, #tpu.memory_space<vmem>>
      %dma_start3A_149 = arith.constant 0 : i32
      %dma_start3A_150 = tpu.memref_slice %arg4[%multiple_of3A_140, %dma_start3A_149] : memref<1000000x16xf32, #tpu.memory_space<hbm>> -> memref<8x16xf32, #tpu.memory_space<hbm>>
      tpu.enqueue_dma source(%dma_start3A_150 : memref<8x16xf32, #tpu.memory_space<hbm>>) target(%dma_start3A_148 : memref<8x16xf32, #tpu.memory_space<vmem>>) target_semaphore(%arg13 : memref<!tpu.dma_semaphore, #tpu.memory_space<semaphore_mem>>)
      %slice3A_151 = vector.extract_strided_slice %get3A_30 {offsets = [7], sizes = [1], strides = [1]} : vector<16xi32> to vector<1xi32>
      %squeeze3A_152 = vector.extract %slice3A_151[0] : i32 from vector<1xi32>
      %shift_right_logical3A_153 = arith.constant 3 : i32
      %shift_right_logical3A_154 = arith.shrui %squeeze3A_152, %shift_right_logical3A_153 : i32
      %shift_left3A_155 = arith.constant 3 : i32
      %shift_left3A_156 = arith.shli %shift_right_logical3A_154, %shift_left3A_155 : i32
      %multiple_of3A_157 = tpu.assume_multiple %shift_left3A_156, 8 : i32
      %dma_start3A_158 = arith.constant 56 : i32
      %dma_start3A_159 = arith.constant 0 : i32
      %dma_start3A_160 = tpu.memref_slice %arg11[%dma_start3A_158, %dma_start3A_159] : memref<256x16xf32, #tpu.memory_space<vmem>> -> memref<8x16xf32, #tpu.memory_space<vmem>>
      %dma_start3A_161 = arith.constant 0 : i32
      %dma_start3A_162 = tpu.memref_slice %arg4[%multiple_of3A_157, %dma_start3A_161] : memref<1000000x16xf32, #tpu.memory_space<hbm>> -> memref<8x16xf32, #tpu.memory_space<hbm>>
      %dma_start3A_163 = arith.constant 56 : i32
      %dma_start3A_164 = arith.constant 0 : i32
      %dma_start3A_165 = tpu.memref_slice %arg11[%dma_start3A_163, %dma_start3A_164] : memref<256x16xf32, #tpu.memory_space<vmem>> -> memref<8x16xf32, #tpu.memory_space<vmem>>
      %dma_start3A_166 = arith.constant 0 : i32
      %dma_start3A_167 = tpu.memref_slice %arg4[%multiple_of3A_157, %dma_start3A_166] : memref<1000000x16xf32, #tpu.memory_space<hbm>> -> memref<8x16xf32, #tpu.memory_space<hbm>>
      tpu.enqueue_dma source(%dma_start3A_167 : memref<8x16xf32, #tpu.memory_space<hbm>>) target(%dma_start3A_165 : memref<8x16xf32, #tpu.memory_space<vmem>>) target_semaphore(%arg13 : memref<!tpu.dma_semaphore, #tpu.memory_space<semaphore_mem>>)
      %slice3A_168 = vector.extract_strided_slice %get3A_30 {offsets = [8], sizes = [1], strides = [1]} : vector<16xi32> to vector<1xi32>
      %squeeze3A_169 = vector.extract %slice3A_168[0] : i32 from vector<1xi32>
      %shift_right_logical3A_170 = arith.constant 3 : i32
      %shift_right_logical3A_171 = arith.shrui %squeeze3A_169, %shift_right_logical3A_170 : i32
      %shift_left3A_172 = arith.constant 3 : i32
      %shift_left3A_173 = arith.shli %shift_right_logical3A_171, %shift_left3A_172 : i32
      %multiple_of3A_174 = tpu.assume_multiple %shift_left3A_173, 8 : i32
      %dma_start3A_175 = arith.constant 64 : i32
      %dma_start3A_176 = arith.constant 0 : i32
      %dma_start3A_177 = tpu.memref_slice %arg11[%dma_start3A_175, %dma_start3A_176] : memref<256x16xf32, #tpu.memory_space<vmem>> -> memref<8x16xf32, #tpu.memory_space<vmem>>
      %dma_start3A_178 = arith.constant 0 : i32
      %dma_start3A_179 = tpu.memref_slice %arg4[%multiple_of3A_174, %dma_start3A_178] : memref<1000000x16xf32, #tpu.memory_space<hbm>> -> memref<8x16xf32, #tpu.memory_space<hbm>>
      %dma_start3A_180 = arith.constant 64 : i32
      %dma_start3A_181 = arith.constant 0 : i32
      %dma_start3A_182 = tpu.memref_slice %arg11[%dma_start3A_180, %dma_start3A_181] : memref<256x16xf32, #tpu.memory_space<vmem>> -> memref<8x16xf32, #tpu.memory_space<vmem>>
      %dma_start3A_183 = arith.constant 0 : i32
      %dma_start3A_184 = tpu.memref_slice %arg4[%multiple_of3A_174, %dma_start3A_183] : memref<1000000x16xf32, #tpu.memory_space<hbm>> -> memref<8x16xf32, #tpu.memory_space<hbm>>
      tpu.enqueue_dma source(%dma_start3A_184 : memref<8x16xf32, #tpu.memory_space<hbm>>) target(%dma_start3A_182 : memref<8x16xf32, #tpu.memory_space<vmem>>) target_semaphore(%arg13 : memref<!tpu.dma_semaphore, #tpu.memory_space<semaphore_mem>>)
      %slice3A_185 = vector.extract_strided_slice %get3A_30 {offsets = [9], sizes = [1], strides = [1]} : vector<16xi32> to vector<1xi32>
      %squeeze3A_186 = vector.extract %slice3A_185[0] : i32 from vector<1xi32>
      %shift_right_logical3A_187 = arith.constant 3 : i32
      %shift_right_logical3A_188 = arith.shrui %squeeze3A_186, %shift_right_logical3A_187 : i32
      %shift_left3A_189 = arith.constant 3 : i32
      %shift_left3A_190 = arith.shli %shift_right_logical3A_188, %shift_left3A_189 : i32
      %multiple_of3A_191 = tpu.assume_multiple %shift_left3A_190, 8 : i32
      %dma_start3A_192 = arith.constant 72 : i32
      %dma_start3A_193 = arith.constant 0 : i32
      %dma_start3A_194 = tpu.memref_slice %arg11[%dma_start3A_192, %dma_start3A_193] : memref<256x16xf32, #tpu.memory_space<vmem>> -> memref<8x16xf32, #tpu.memory_space<vmem>>
      %dma_start3A_195 = arith.constant 0 : i32
      %dma_start3A_196 = tpu.memref_slice %arg4[%multiple_of3A_191, %dma_start3A_195] : memref<1000000x16xf32, #tpu.memory_space<hbm>> -> memref<8x16xf32, #tpu.memory_space<hbm>>
      %dma_start3A_197 = arith.constant 72 : i32
      %dma_start3A_198 = arith.constant 0 : i32
      %dma_start3A_199 = tpu.memref_slice %arg11[%dma_start3A_197, %dma_start3A_198] : memref<256x16xf32, #tpu.memory_space<vmem>> -> memref<8x16xf32, #tpu.memory_space<vmem>>
      %dma_start3A_200 = arith.constant 0 : i32
      %dma_start3A_201 = tpu.memref_slice %arg4[%multiple_of3A_191, %dma_start3A_200] : memref<1000000x16xf32, #tpu.memory_space<hbm>> -> memref<8x16xf32, #tpu.memory_space<hbm>>
      tpu.enqueue_dma source(%dma_start3A_201 : memref<8x16xf32, #tpu.memory_space<hbm>>) target(%dma_start3A_199 : memref<8x16xf32, #tpu.memory_space<vmem>>) target_semaphore(%arg13 : memref<!tpu.dma_semaphore, #tpu.memory_space<semaphore_mem>>)
      %slice3A_202 = vector.extract_strided_slice %get3A_30 {offsets = [10], sizes = [1], strides = [1]} : vector<16xi32> to vector<1xi32>
      %squeeze3A_203 = vector.extract %slice3A_202[0] : i32 from vector<1xi32>
      %shift_right_logical3A_204 = arith.constant 3 : i32
      %shift_right_logical3A_205 = arith.shrui %squeeze3A_203, %shift_right_logical3A_204 : i32
      %shift_left3A_206 = arith.constant 3 : i32
      %shift_left3A_207 = arith.shli %shift_right_logical3A_205, %shift_left3A_206 : i32
      %multiple_of3A_208 = tpu.assume_multiple %shift_left3A_207, 8 : i32
      %dma_start3A_209 = arith.constant 80 : i32
      %dma_start3A_210 = arith.constant 0 : i32
      %dma_start3A_211 = tpu.memref_slice %arg11[%dma_start3A_209, %dma_start3A_210] : memref<256x16xf32, #tpu.memory_space<vmem>> -> memref<8x16xf32, #tpu.memory_space<vmem>>
      %dma_start3A_212 = arith.constant 0 : i32
      %dma_start3A_213 = tpu.memref_slice %arg4[%multiple_of3A_208, %dma_start3A_212] : memref<1000000x16xf32, #tpu.memory_space<hbm>> -> memref<8x16xf32, #tpu.memory_space<hbm>>
      %dma_start3A_214 = arith.constant 80 : i32
      %dma_start3A_215 = arith.constant 0 : i32
      %dma_start3A_216 = tpu.memref_slice %arg11[%dma_start3A_214, %dma_start3A_215] : memref<256x16xf32, #tpu.memory_space<vmem>> -> memref<8x16xf32, #tpu.memory_space<vmem>>
      %dma_start3A_217 = arith.constant 0 : i32
      %dma_start3A_218 = tpu.memref_slice %arg4[%multiple_of3A_208, %dma_start3A_217] : memref<1000000x16xf32, #tpu.memory_space<hbm>> -> memref<8x16xf32, #tpu.memory_space<hbm>>
      tpu.enqueue_dma source(%dma_start3A_218 : memref<8x16xf32, #tpu.memory_space<hbm>>) target(%dma_start3A_216 : memref<8x16xf32, #tpu.memory_space<vmem>>) target_semaphore(%arg13 : memref<!tpu.dma_semaphore, #tpu.memory_space<semaphore_mem>>)
      %slice3A_219 = vector.extract_strided_slice %get3A_30 {offsets = [11], sizes = [1], strides = [1]} : vector<16xi32> to vector<1xi32>
      %squeeze3A_220 = vector.extract %slice3A_219[0] : i32 from vector<1xi32>
      %shift_right_logical3A_221 = arith.constant 3 : i32
      %shift_right_logical3A_222 = arith.shrui %squeeze3A_220, %shift_right_logical3A_221 : i32
      %shift_left3A_223 = arith.constant 3 : i32
      %shift_left3A_224 = arith.shli %shift_right_logical3A_222, %shift_left3A_223 : i32
      %multiple_of3A_225 = tpu.assume_multiple %shift_left3A_224, 8 : i32
      %dma_start3A_226 = arith.constant 88 : i32
      %dma_start3A_227 = arith.constant 0 : i32
      %dma_start3A_228 = tpu.memref_slice %arg11[%dma_start3A_226, %dma_start3A_227] : memref<256x16xf32, #tpu.memory_space<vmem>> -> memref<8x16xf32, #tpu.memory_space<vmem>>
      %dma_start3A_229 = arith.constant 0 : i32
      %dma_start3A_230 = tpu.memref_slice %arg4[%multiple_of3A_225, %dma_start3A_229] : memref<1000000x16xf32, #tpu.memory_space<hbm>> -> memref<8x16xf32, #tpu.memory_space<hbm>>
      %dma_start3A_231 = arith.constant 88 : i32
      %dma_start3A_232 = arith.constant 0 : i32
      %dma_start3A_233 = tpu.memref_slice %arg11[%dma_start3A_231, %dma_start3A_232] : memref<256x16xf32, #tpu.memory_space<vmem>> -> memref<8x16xf32, #tpu.memory_space<vmem>>
      %dma_start3A_234 = arith.constant 0 : i32
      %dma_start3A_235 = tpu.memref_slice %arg4[%multiple_of3A_225, %dma_start3A_234] : memref<1000000x16xf32, #tpu.memory_space<hbm>> -> memref<8x16xf32, #tpu.memory_space<hbm>>
      tpu.enqueue_dma source(%dma_start3A_235 : memref<8x16xf32, #tpu.memory_space<hbm>>) target(%dma_start3A_233 : memref<8x16xf32, #tpu.memory_space<vmem>>) target_semaphore(%arg13 : memref<!tpu.dma_semaphore, #tpu.memory_space<semaphore_mem>>)
      %slice3A_236 = vector.extract_strided_slice %get3A_30 {offsets = [12], sizes = [1], strides = [1]} : vector<16xi32> to vector<1xi32>
      %squeeze3A_237 = vector.extract %slice3A_236[0] : i32 from vector<1xi32>
      %shift_right_logical3A_238 = arith.constant 3 : i32
      %shift_right_logical3A_239 = arith.shrui %squeeze3A_237, %shift_right_logical3A_238 : i32
      %shift_left3A_240 = arith.constant 3 : i32
      %shift_left3A_241 = arith.shli %shift_right_logical3A_239, %shift_left3A_240 : i32
      %multiple_of3A_242 = tpu.assume_multiple %shift_left3A_241, 8 : i32
      %dma_start3A_243 = arith.constant 96 : i32
      %dma_start3A_244 = arith.constant 0 : i32
      %dma_start3A_245 = tpu.memref_slice %arg11[%dma_start3A_243, %dma_start3A_244] : memref<256x16xf32, #tpu.memory_space<vmem>> -> memref<8x16xf32, #tpu.memory_space<vmem>>
      %dma_start3A_246 = arith.constant 0 : i32
      %dma_start3A_247 = tpu.memref_slice %arg4[%multiple_of3A_242, %dma_start3A_246] : memref<1000000x16xf32, #tpu.memory_space<hbm>> -> memref<8x16xf32, #tpu.memory_space<hbm>>
      %dma_start3A_248 = arith.constant 96 : i32
      %dma_start3A_249 = arith.constant 0 : i32
      %dma_start3A_250 = tpu.memref_slice %arg11[%dma_start3A_248, %dma_start3A_249] : memref<256x16xf32, #tpu.memory_space<vmem>> -> memref<8x16xf32, #tpu.memory_space<vmem>>
      %dma_start3A_251 = arith.constant 0 : i32
      %dma_start3A_252 = tpu.memref_slice %arg4[%multiple_of3A_242, %dma_start3A_251] : memref<1000000x16xf32, #tpu.memory_space<hbm>> -> memref<8x16xf32, #tpu.memory_space<hbm>>
      tpu.enqueue_dma source(%dma_start3A_252 : memref<8x16xf32, #tpu.memory_space<hbm>>) target(%dma_start3A_250 : memref<8x16xf32, #tpu.memory_space<vmem>>) target_semaphore(%arg13 : memref<!tpu.dma_semaphore, #tpu.memory_space<semaphore_mem>>)
      %slice3A_253 = vector.extract_strided_slice %get3A_30 {offsets = [13], sizes = [1], strides = [1]} : vector<16xi32> to vector<1xi32>
      %squeeze3A_254 = vector.extract %slice3A_253[0] : i32 from vector<1xi32>
      %shift_right_logical3A_255 = arith.constant 3 : i32
      %shift_right_logical3A_256 = arith.shrui %squeeze3A_254, %shift_right_logical3A_255 : i32
      %shift_left3A_257 = arith.constant 3 : i32
      %shift_left3A_258 = arith.shli %shift_right_logical3A_256, %shift_left3A_257 : i32
      %multiple_of3A_259 = tpu.assume_multiple %shift_left3A_258, 8 : i32
      %dma_start3A_260 = arith.constant 104 : i32
      %dma_start3A_261 = arith.constant 0 : i32
      %dma_start3A_262 = tpu.memref_slice %arg11[%dma_start3A_260, %dma_start3A_261] : memref<256x16xf32, #tpu.memory_space<vmem>> -> memref<8x16xf32, #tpu.memory_space<vmem>>
      %dma_start3A_263 = arith.constant 0 : i32
      %dma_start3A_264 = tpu.memref_slice %arg4[%multiple_of3A_259, %dma_start3A_263] : memref<1000000x16xf32, #tpu.memory_space<hbm>> -> memref<8x16xf32, #tpu.memory_space<hbm>>
      %dma_start3A_265 = arith.constant 104 : i32
      %dma_start3A_266 = arith.constant 0 : i32
      %dma_start3A_267 = tpu.memref_slice %arg11[%dma_start3A_265, %dma_start3A_266] : memref<256x16xf32, #tpu.memory_space<vmem>> -> memref<8x16xf32, #tpu.memory_space<vmem>>
      %dma_start3A_268 = arith.constant 0 : i32
      %dma_start3A_269 = tpu.memref_slice %arg4[%multiple_of3A_259, %dma_start3A_268] : memref<1000000x16xf32, #tpu.memory_space<hbm>> -> memref<8x16xf32, #tpu.memory_space<hbm>>
      tpu.enqueue_dma source(%dma_start3A_269 : memref<8x16xf32, #tpu.memory_space<hbm>>) target(%dma_start3A_267 : memref<8x16xf32, #tpu.memory_space<vmem>>) target_semaphore(%arg13 : memref<!tpu.dma_semaphore, #tpu.memory_space<semaphore_mem>>)
      %slice3A_270 = vector.extract_strided_slice %get3A_30 {offsets = [14], sizes = [1], strides = [1]} : vector<16xi32> to vector<1xi32>
      %squeeze3A_271 = vector.extract %slice3A_270[0] : i32 from vector<1xi32>
      %shift_right_logical3A_272 = arith.constant 3 : i32
      %shift_right_logical3A_273 = arith.shrui %squeeze3A_271, %shift_right_logical3A_272 : i32
      %shift_left3A_274 = arith.constant 3 : i32
      %shift_left3A_275 = arith.shli %shift_right_logical3A_273, %shift_left3A_274 : i32
      %multiple_of3A_276 = tpu.assume_multiple %shift_left3A_275, 8 : i32
      %dma_start3A_277 = arith.constant 112 : i32
      %dma_start3A_278 = arith.constant 0 : i32
      %dma_start3A_279 = tpu.memref_slice %arg11[%dma_start3A_277, %dma_start3A_278] : memref<256x16xf32, #tpu.memory_space<vmem>> -> memref<8x16xf32, #tpu.memory_space<vmem>>
      %dma_start3A_280 = arith.constant 0 : i32
      %dma_start3A_281 = tpu.memref_slice %arg4[%multiple_of3A_276, %dma_start3A_280] : memref<1000000x16xf32, #tpu.memory_space<hbm>> -> memref<8x16xf32, #tpu.memory_space<hbm>>
      %dma_start3A_282 = arith.constant 112 : i32
      %dma_start3A_283 = arith.constant 0 : i32
      %dma_start3A_284 = tpu.memref_slice %arg11[%dma_start3A_282, %dma_start3A_283] : memref<256x16xf32, #tpu.memory_space<vmem>> -> memref<8x16xf32, #tpu.memory_space<vmem>>
      %dma_start3A_285 = arith.constant 0 : i32
      %dma_start3A_286 = tpu.memref_slice %arg4[%multiple_of3A_276, %dma_start3A_285] : memref<1000000x16xf32, #tpu.memory_space<hbm>> -> memref<8x16xf32, #tpu.memory_space<hbm>>
      tpu.enqueue_dma source(%dma_start3A_286 : memref<8x16xf32, #tpu.memory_space<hbm>>) target(%dma_start3A_284 : memref<8x16xf32, #tpu.memory_space<vmem>>) target_semaphore(%arg13 : memref<!tpu.dma_semaphore, #tpu.memory_space<semaphore_mem>>)
      %slice3A_287 = vector.extract_strided_slice %get3A_30 {offsets = [15], sizes = [1], strides = [1]} : vector<16xi32> to vector<1xi32>
      %squeeze3A_288 = vector.extract %slice3A_287[0] : i32 from vector<1xi32>
      %shift_right_logical3A_289 = arith.constant 3 : i32
      %shift_right_logical3A_290 = arith.shrui %squeeze3A_288, %shift_right_logical3A_289 : i32
      %shift_left3A_291 = arith.constant 3 : i32
      %shift_left3A_292 = arith.shli %shift_right_logical3A_290, %shift_left3A_291 : i32
      %multiple_of3A_293 = tpu.assume_multiple %shift_left3A_292, 8 : i32
      %dma_start3A_294 = arith.constant 120 : i32
      %dma_start3A_295 = arith.constant 0 : i32
      %dma_start3A_296 = tpu.memref_slice %arg11[%dma_start3A_294, %dma_start3A_295] : memref<256x16xf32, #tpu.memory_space<vmem>> -> memref<8x16xf32, #tpu.memory_space<vmem>>
      %dma_start3A_297 = arith.constant 0 : i32
      %dma_start3A_298 = tpu.memref_slice %arg4[%multiple_of3A_293, %dma_start3A_297] : memref<1000000x16xf32, #tpu.memory_space<hbm>> -> memref<8x16xf32, #tpu.memory_space<hbm>>
      %dma_start3A_299 = arith.constant 120 : i32
      %dma_start3A_300 = arith.constant 0 : i32
      %dma_start3A_301 = tpu.memref_slice %arg11[%dma_start3A_299, %dma_start3A_300] : memref<256x16xf32, #tpu.memory_space<vmem>> -> memref<8x16xf32, #tpu.memory_space<vmem>>
      %dma_start3A_302 = arith.constant 0 : i32
      %dma_start3A_303 = tpu.memref_slice %arg4[%multiple_of3A_293, %dma_start3A_302] : memref<1000000x16xf32, #tpu.memory_space<hbm>> -> memref<8x16xf32, #tpu.memory_space<hbm>>
      tpu.enqueue_dma source(%dma_start3A_303 : memref<8x16xf32, #tpu.memory_space<hbm>>) target(%dma_start3A_301 : memref<8x16xf32, #tpu.memory_space<vmem>>) target_semaphore(%arg13 : memref<!tpu.dma_semaphore, #tpu.memory_space<semaphore_mem>>)
      %slice3A_304 = vector.extract_strided_slice %get3A_37 {offsets = [0], sizes = [1], strides = [1]} : vector<16xi32> to vector<1xi32>
      %squeeze3A_305 = vector.extract %slice3A_304[0] : i32 from vector<1xi32>
      %shift_right_logical3A_306 = arith.constant 3 : i32
      %shift_right_logical3A_307 = arith.shrui %squeeze3A_305, %shift_right_logical3A_306 : i32
      %shift_left3A_308 = arith.constant 3 : i32
      %shift_left3A_309 = arith.shli %shift_right_logical3A_307, %shift_left3A_308 : i32
      %multiple_of3A_310 = tpu.assume_multiple %shift_left3A_309, 8 : i32
      %dma_start3A_311 = arith.constant 128 : i32
      %dma_start3A_312 = arith.constant 0 : i32
      %dma_start3A_313 = tpu.memref_slice %arg11[%dma_start3A_311, %dma_start3A_312] : memref<256x16xf32, #tpu.memory_space<vmem>> -> memref<8x16xf32, #tpu.memory_space<vmem>>
      %dma_start3A_314 = arith.constant 0 : i32
      %dma_start3A_315 = tpu.memref_slice %arg4[%multiple_of3A_310, %dma_start3A_314] : memref<1000000x16xf32, #tpu.memory_space<hbm>> -> memref<8x16xf32, #tpu.memory_space<hbm>>
      %dma_start3A_316 = arith.constant 128 : i32
      %dma_start3A_317 = arith.constant 0 : i32
      %dma_start3A_318 = tpu.memref_slice %arg11[%dma_start3A_316, %dma_start3A_317] : memref<256x16xf32, #tpu.memory_space<vmem>> -> memref<8x16xf32, #tpu.memory_space<vmem>>
      %dma_start3A_319 = arith.constant 0 : i32
      %dma_start3A_320 = tpu.memref_slice %arg4[%multiple_of3A_310, %dma_start3A_319] : memref<1000000x16xf32, #tpu.memory_space<hbm>> -> memref<8x16xf32, #tpu.memory_space<hbm>>
      tpu.enqueue_dma source(%dma_start3A_320 : memref<8x16xf32, #tpu.memory_space<hbm>>) target(%dma_start3A_318 : memref<8x16xf32, #tpu.memory_space<vmem>>) target_semaphore(%arg13 : memref<!tpu.dma_semaphore, #tpu.memory_space<semaphore_mem>>)
      %slice3A_321 = vector.extract_strided_slice %get3A_37 {offsets = [1], sizes = [1], strides = [1]} : vector<16xi32> to vector<1xi32>
      %squeeze3A_322 = vector.extract %slice3A_321[0] : i32 from vector<1xi32>
      %shift_right_logical3A_323 = arith.constant 3 : i32
      %shift_right_logical3A_324 = arith.shrui %squeeze3A_322, %shift_right_logical3A_323 : i32
      %shift_left3A_325 = arith.constant 3 : i32
      %shift_left3A_326 = arith.shli %shift_right_logical3A_324, %shift_left3A_325 : i32
      %multiple_of3A_327 = tpu.assume_multiple %shift_left3A_326, 8 : i32
      %dma_start3A_328 = arith.constant 136 : i32
      %dma_start3A_329 = arith.constant 0 : i32
      %dma_start3A_330 = tpu.memref_slice %arg11[%dma_start3A_328, %dma_start3A_329] : memref<256x16xf32, #tpu.memory_space<vmem>> -> memref<8x16xf32, #tpu.memory_space<vmem>>
      %dma_start3A_331 = arith.constant 0 : i32
      %dma_start3A_332 = tpu.memref_slice %arg4[%multiple_of3A_327, %dma_start3A_331] : memref<1000000x16xf32, #tpu.memory_space<hbm>> -> memref<8x16xf32, #tpu.memory_space<hbm>>
      %dma_start3A_333 = arith.constant 136 : i32
      %dma_start3A_334 = arith.constant 0 : i32
      %dma_start3A_335 = tpu.memref_slice %arg11[%dma_start3A_333, %dma_start3A_334] : memref<256x16xf32, #tpu.memory_space<vmem>> -> memref<8x16xf32, #tpu.memory_space<vmem>>
      %dma_start3A_336 = arith.constant 0 : i32
      %dma_start3A_337 = tpu.memref_slice %arg4[%multiple_of3A_327, %dma_start3A_336] : memref<1000000x16xf32, #tpu.memory_space<hbm>> -> memref<8x16xf32, #tpu.memory_space<hbm>>
      tpu.enqueue_dma source(%dma_start3A_337 : memref<8x16xf32, #tpu.memory_space<hbm>>) target(%dma_start3A_335 : memref<8x16xf32, #tpu.memory_space<vmem>>) target_semaphore(%arg13 : memref<!tpu.dma_semaphore, #tpu.memory_space<semaphore_mem>>)
      %slice3A_338 = vector.extract_strided_slice %get3A_37 {offsets = [2], sizes = [1], strides = [1]} : vector<16xi32> to vector<1xi32>
      %squeeze3A_339 = vector.extract %slice3A_338[0] : i32 from vector<1xi32>
      %shift_right_logical3A_340 = arith.constant 3 : i32
      %shift_right_logical3A_341 = arith.shrui %squeeze3A_339, %shift_right_logical3A_340 : i32
      %shift_left3A_342 = arith.constant 3 : i32
      %shift_left3A_343 = arith.shli %shift_right_logical3A_341, %shift_left3A_342 : i32
      %multiple_of3A_344 = tpu.assume_multiple %shift_left3A_343, 8 : i32
      %dma_start3A_345 = arith.constant 144 : i32
      %dma_start3A_346 = arith.constant 0 : i32
      %dma_start3A_347 = tpu.memref_slice %arg11[%dma_start3A_345, %dma_start3A_346] : memref<256x16xf32, #tpu.memory_space<vmem>> -> memref<8x16xf32, #tpu.memory_space<vmem>>
      %dma_start3A_348 = arith.constant 0 : i32
      %dma_start3A_349 = tpu.memref_slice %arg4[%multiple_of3A_344, %dma_start3A_348] : memref<1000000x16xf32, #tpu.memory_space<hbm>> -> memref<8x16xf32, #tpu.memory_space<hbm>>
      %dma_start3A_350 = arith.constant 144 : i32
      %dma_start3A_351 = arith.constant 0 : i32
      %dma_start3A_352 = tpu.memref_slice %arg11[%dma_start3A_350, %dma_start3A_351] : memref<256x16xf32, #tpu.memory_space<vmem>> -> memref<8x16xf32, #tpu.memory_space<vmem>>
      %dma_start3A_353 = arith.constant 0 : i32
      %dma_start3A_354 = tpu.memref_slice %arg4[%multiple_of3A_344, %dma_start3A_353] : memref<1000000x16xf32, #tpu.memory_space<hbm>> -> memref<8x16xf32, #tpu.memory_space<hbm>>
      tpu.enqueue_dma source(%dma_start3A_354 : memref<8x16xf32, #tpu.memory_space<hbm>>) target(%dma_start3A_352 : memref<8x16xf32, #tpu.memory_space<vmem>>) target_semaphore(%arg13 : memref<!tpu.dma_semaphore, #tpu.memory_space<semaphore_mem>>)
      %slice3A_355 = vector.extract_strided_slice %get3A_37 {offsets = [3], sizes = [1], strides = [1]} : vector<16xi32> to vector<1xi32>
      %squeeze3A_356 = vector.extract %slice3A_355[0] : i32 from vector<1xi32>
      %shift_right_logical3A_357 = arith.constant 3 : i32
      %shift_right_logical3A_358 = arith.shrui %squeeze3A_356, %shift_right_logical3A_357 : i32
      %shift_left3A_359 = arith.constant 3 : i32
      %shift_left3A_360 = arith.shli %shift_right_logical3A_358, %shift_left3A_359 : i32
      %multiple_of3A_361 = tpu.assume_multiple %shift_left3A_360, 8 : i32
      %dma_start3A_362 = arith.constant 152 : i32
      %dma_start3A_363 = arith.constant 0 : i32
      %dma_start3A_364 = tpu.memref_slice %arg11[%dma_start3A_362, %dma_start3A_363] : memref<256x16xf32, #tpu.memory_space<vmem>> -> memref<8x16xf32, #tpu.memory_space<vmem>>
      %dma_start3A_365 = arith.constant 0 : i32
      %dma_start3A_366 = tpu.memref_slice %arg4[%multiple_of3A_361, %dma_start3A_365] : memref<1000000x16xf32, #tpu.memory_space<hbm>> -> memref<8x16xf32, #tpu.memory_space<hbm>>
      %dma_start3A_367 = arith.constant 152 : i32
      %dma_start3A_368 = arith.constant 0 : i32
      %dma_start3A_369 = tpu.memref_slice %arg11[%dma_start3A_367, %dma_start3A_368] : memref<256x16xf32, #tpu.memory_space<vmem>> -> memref<8x16xf32, #tpu.memory_space<vmem>>
      %dma_start3A_370 = arith.constant 0 : i32
      %dma_start3A_371 = tpu.memref_slice %arg4[%multiple_of3A_361, %dma_start3A_370] : memref<1000000x16xf32, #tpu.memory_space<hbm>> -> memref<8x16xf32, #tpu.memory_space<hbm>>
      tpu.enqueue_dma source(%dma_start3A_371 : memref<8x16xf32, #tpu.memory_space<hbm>>) target(%dma_start3A_369 : memref<8x16xf32, #tpu.memory_space<vmem>>) target_semaphore(%arg13 : memref<!tpu.dma_semaphore, #tpu.memory_space<semaphore_mem>>)
      %slice3A_372 = vector.extract_strided_slice %get3A_37 {offsets = [4], sizes = [1], strides = [1]} : vector<16xi32> to vector<1xi32>
      %squeeze3A_373 = vector.extract %slice3A_372[0] : i32 from vector<1xi32>
      %shift_right_logical3A_374 = arith.constant 3 : i32
      %shift_right_logical3A_375 = arith.shrui %squeeze3A_373, %shift_right_logical3A_374 : i32
      %shift_left3A_376 = arith.constant 3 : i32
      %shift_left3A_377 = arith.shli %shift_right_logical3A_375, %shift_left3A_376 : i32
      %multiple_of3A_378 = tpu.assume_multiple %shift_left3A_377, 8 : i32
      %dma_start3A_379 = arith.constant 160 : i32
      %dma_start3A_380 = arith.constant 0 : i32
      %dma_start3A_381 = tpu.memref_slice %arg11[%dma_start3A_379, %dma_start3A_380] : memref<256x16xf32, #tpu.memory_space<vmem>> -> memref<8x16xf32, #tpu.memory_space<vmem>>
      %dma_start3A_382 = arith.constant 0 : i32
      %dma_start3A_383 = tpu.memref_slice %arg4[%multiple_of3A_378, %dma_start3A_382] : memref<1000000x16xf32, #tpu.memory_space<hbm>> -> memref<8x16xf32, #tpu.memory_space<hbm>>
      %dma_start3A_384 = arith.constant 160 : i32
      %dma_start3A_385 = arith.constant 0 : i32
      %dma_start3A_386 = tpu.memref_slice %arg11[%dma_start3A_384, %dma_start3A_385] : memref<256x16xf32, #tpu.memory_space<vmem>> -> memref<8x16xf32, #tpu.memory_space<vmem>>
      %dma_start3A_387 = arith.constant 0 : i32
      %dma_start3A_388 = tpu.memref_slice %arg4[%multiple_of3A_378, %dma_start3A_387] : memref<1000000x16xf32, #tpu.memory_space<hbm>> -> memref<8x16xf32, #tpu.memory_space<hbm>>
      tpu.enqueue_dma source(%dma_start3A_388 : memref<8x16xf32, #tpu.memory_space<hbm>>) target(%dma_start3A_386 : memref<8x16xf32, #tpu.memory_space<vmem>>) target_semaphore(%arg13 : memref<!tpu.dma_semaphore, #tpu.memory_space<semaphore_mem>>)
      %slice3A_389 = vector.extract_strided_slice %get3A_37 {offsets = [5], sizes = [1], strides = [1]} : vector<16xi32> to vector<1xi32>
      %squeeze3A_390 = vector.extract %slice3A_389[0] : i32 from vector<1xi32>
      %shift_right_logical3A_391 = arith.constant 3 : i32
      %shift_right_logical3A_392 = arith.shrui %squeeze3A_390, %shift_right_logical3A_391 : i32
      %shift_left3A_393 = arith.constant 3 : i32
      %shift_left3A_394 = arith.shli %shift_right_logical3A_392, %shift_left3A_393 : i32
      %multiple_of3A_395 = tpu.assume_multiple %shift_left3A_394, 8 : i32
      %dma_start3A_396 = arith.constant 168 : i32
      %dma_start3A_397 = arith.constant 0 : i32
      %dma_start3A_398 = tpu.memref_slice %arg11[%dma_start3A_396, %dma_start3A_397] : memref<256x16xf32, #tpu.memory_space<vmem>> -> memref<8x16xf32, #tpu.memory_space<vmem>>
      %dma_start3A_399 = arith.constant 0 : i32
      %dma_start3A_400 = tpu.memref_slice %arg4[%multiple_of3A_395, %dma_start3A_399] : memref<1000000x16xf32, #tpu.memory_space<hbm>> -> memref<8x16xf32, #tpu.memory_space<hbm>>
      %dma_start3A_401 = arith.constant 168 : i32
      %dma_start3A_402 = arith.constant 0 : i32
      %dma_start3A_403 = tpu.memref_slice %arg11[%dma_start3A_401, %dma_start3A_402] : memref<256x16xf32, #tpu.memory_space<vmem>> -> memref<8x16xf32, #tpu.memory_space<vmem>>
      %dma_start3A_404 = arith.constant 0 : i32
      %dma_start3A_405 = tpu.memref_slice %arg4[%multiple_of3A_395, %dma_start3A_404] : memref<1000000x16xf32, #tpu.memory_space<hbm>> -> memref<8x16xf32, #tpu.memory_space<hbm>>
      tpu.enqueue_dma source(%dma_start3A_405 : memref<8x16xf32, #tpu.memory_space<hbm>>) target(%dma_start3A_403 : memref<8x16xf32, #tpu.memory_space<vmem>>) target_semaphore(%arg13 : memref<!tpu.dma_semaphore, #tpu.memory_space<semaphore_mem>>)
      %slice3A_406 = vector.extract_strided_slice %get3A_37 {offsets = [6], sizes = [1], strides = [1]} : vector<16xi32> to vector<1xi32>
      %squeeze3A_407 = vector.extract %slice3A_406[0] : i32 from vector<1xi32>
      %shift_right_logical3A_408 = arith.constant 3 : i32
      %shift_right_logical3A_409 = arith.shrui %squeeze3A_407, %shift_right_logical3A_408 : i32
      %shift_left3A_410 = arith.constant 3 : i32
      %shift_left3A_411 = arith.shli %shift_right_logical3A_409, %shift_left3A_410 : i32
      %multiple_of3A_412 = tpu.assume_multiple %shift_left3A_411, 8 : i32
      %dma_start3A_413 = arith.constant 176 : i32
      %dma_start3A_414 = arith.constant 0 : i32
      %dma_start3A_415 = tpu.memref_slice %arg11[%dma_start3A_413, %dma_start3A_414] : memref<256x16xf32, #tpu.memory_space<vmem>> -> memref<8x16xf32, #tpu.memory_space<vmem>>
      %dma_start3A_416 = arith.constant 0 : i32
      %dma_start3A_417 = tpu.memref_slice %arg4[%multiple_of3A_412, %dma_start3A_416] : memref<1000000x16xf32, #tpu.memory_space<hbm>> -> memref<8x16xf32, #tpu.memory_space<hbm>>
      %dma_start3A_418 = arith.constant 176 : i32
      %dma_start3A_419 = arith.constant 0 : i32
      %dma_start3A_420 = tpu.memref_slice %arg11[%dma_start3A_418, %dma_start3A_419] : memref<256x16xf32, #tpu.memory_space<vmem>> -> memref<8x16xf32, #tpu.memory_space<vmem>>
      %dma_start3A_421 = arith.constant 0 : i32
      %dma_start3A_422 = tpu.memref_slice %arg4[%multiple_of3A_412, %dma_start3A_421] : memref<1000000x16xf32, #tpu.memory_space<hbm>> -> memref<8x16xf32, #tpu.memory_space<hbm>>
      tpu.enqueue_dma source(%dma_start3A_422 : memref<8x16xf32, #tpu.memory_space<hbm>>) target(%dma_start3A_420 : memref<8x16xf32, #tpu.memory_space<vmem>>) target_semaphore(%arg13 : memref<!tpu.dma_semaphore, #tpu.memory_space<semaphore_mem>>)
      %slice3A_423 = vector.extract_strided_slice %get3A_37 {offsets = [7], sizes = [1], strides = [1]} : vector<16xi32> to vector<1xi32>
      %squeeze3A_424 = vector.extract %slice3A_423[0] : i32 from vector<1xi32>
      %shift_right_logical3A_425 = arith.constant 3 : i32
      %shift_right_logical3A_426 = arith.shrui %squeeze3A_424, %shift_right_logical3A_425 : i32
      %shift_left3A_427 = arith.constant 3 : i32
      %shift_left3A_428 = arith.shli %shift_right_logical3A_426, %shift_left3A_427 : i32
      %multiple_of3A_429 = tpu.assume_multiple %shift_left3A_428, 8 : i32
      %dma_start3A_430 = arith.constant 184 : i32
      %dma_start3A_431 = arith.constant 0 : i32
      %dma_start3A_432 = tpu.memref_slice %arg11[%dma_start3A_430, %dma_start3A_431] : memref<256x16xf32, #tpu.memory_space<vmem>> -> memref<8x16xf32, #tpu.memory_space<vmem>>
      %dma_start3A_433 = arith.constant 0 : i32
      %dma_start3A_434 = tpu.memref_slice %arg4[%multiple_of3A_429, %dma_start3A_433] : memref<1000000x16xf32, #tpu.memory_space<hbm>> -> memref<8x16xf32, #tpu.memory_space<hbm>>
      %dma_start3A_435 = arith.constant 184 : i32
      %dma_start3A_436 = arith.constant 0 : i32
      %dma_start3A_437 = tpu.memref_slice %arg11[%dma_start3A_435, %dma_start3A_436] : memref<256x16xf32, #tpu.memory_space<vmem>> -> memref<8x16xf32, #tpu.memory_space<vmem>>
      %dma_start3A_438 = arith.constant 0 : i32
      %dma_start3A_439 = tpu.memref_slice %arg4[%multiple_of3A_429, %dma_start3A_438] : memref<1000000x16xf32, #tpu.memory_space<hbm>> -> memref<8x16xf32, #tpu.memory_space<hbm>>
      tpu.enqueue_dma source(%dma_start3A_439 : memref<8x16xf32, #tpu.memory_space<hbm>>) target(%dma_start3A_437 : memref<8x16xf32, #tpu.memory_space<vmem>>) target_semaphore(%arg13 : memref<!tpu.dma_semaphore, #tpu.memory_space<semaphore_mem>>)
      %slice3A_440 = vector.extract_strided_slice %get3A_37 {offsets = [8], sizes = [1], strides = [1]} : vector<16xi32> to vector<1xi32>
      %squeeze3A_441 = vector.extract %slice3A_440[0] : i32 from vector<1xi32>
      %shift_right_logical3A_442 = arith.constant 3 : i32
      %shift_right_logical3A_443 = arith.shrui %squeeze3A_441, %shift_right_logical3A_442 : i32
      %shift_left3A_444 = arith.constant 3 : i32
      %shift_left3A_445 = arith.shli %shift_right_logical3A_443, %shift_left3A_444 : i32
      %multiple_of3A_446 = tpu.assume_multiple %shift_left3A_445, 8 : i32
      %dma_start3A_447 = arith.constant 192 : i32
      %dma_start3A_448 = arith.constant 0 : i32
      %dma_start3A_449 = tpu.memref_slice %arg11[%dma_start3A_447, %dma_start3A_448] : memref<256x16xf32, #tpu.memory_space<vmem>> -> memref<8x16xf32, #tpu.memory_space<vmem>>
      %dma_start3A_450 = arith.constant 0 : i32
      %dma_start3A_451 = tpu.memref_slice %arg4[%multiple_of3A_446, %dma_start3A_450] : memref<1000000x16xf32, #tpu.memory_space<hbm>> -> memref<8x16xf32, #tpu.memory_space<hbm>>
      %dma_start3A_452 = arith.constant 192 : i32
      %dma_start3A_453 = arith.constant 0 : i32
      %dma_start3A_454 = tpu.memref_slice %arg11[%dma_start3A_452, %dma_start3A_453] : memref<256x16xf32, #tpu.memory_space<vmem>> -> memref<8x16xf32, #tpu.memory_space<vmem>>
      %dma_start3A_455 = arith.constant 0 : i32
      %dma_start3A_456 = tpu.memref_slice %arg4[%multiple_of3A_446, %dma_start3A_455] : memref<1000000x16xf32, #tpu.memory_space<hbm>> -> memref<8x16xf32, #tpu.memory_space<hbm>>
      tpu.enqueue_dma source(%dma_start3A_456 : memref<8x16xf32, #tpu.memory_space<hbm>>) target(%dma_start3A_454 : memref<8x16xf32, #tpu.memory_space<vmem>>) target_semaphore(%arg13 : memref<!tpu.dma_semaphore, #tpu.memory_space<semaphore_mem>>)
      %slice3A_457 = vector.extract_strided_slice %get3A_37 {offsets = [9], sizes = [1], strides = [1]} : vector<16xi32> to vector<1xi32>
      %squeeze3A_458 = vector.extract %slice3A_457[0] : i32 from vector<1xi32>
      %shift_right_logical3A_459 = arith.constant 3 : i32
      %shift_right_logical3A_460 = arith.shrui %squeeze3A_458, %shift_right_logical3A_459 : i32
      %shift_left3A_461 = arith.constant 3 : i32
      %shift_left3A_462 = arith.shli %shift_right_logical3A_460, %shift_left3A_461 : i32
      %multiple_of3A_463 = tpu.assume_multiple %shift_left3A_462, 8 : i32
      %dma_start3A_464 = arith.constant 200 : i32
      %dma_start3A_465 = arith.constant 0 : i32
      %dma_start3A_466 = tpu.memref_slice %arg11[%dma_start3A_464, %dma_start3A_465] : memref<256x16xf32, #tpu.memory_space<vmem>> -> memref<8x16xf32, #tpu.memory_space<vmem>>
      %dma_start3A_467 = arith.constant 0 : i32
      %dma_start3A_468 = tpu.memref_slice %arg4[%multiple_of3A_463, %dma_start3A_467] : memref<1000000x16xf32, #tpu.memory_space<hbm>> -> memref<8x16xf32, #tpu.memory_space<hbm>>
      %dma_start3A_469 = arith.constant 200 : i32
      %dma_start3A_470 = arith.constant 0 : i32
      %dma_start3A_471 = tpu.memref_slice %arg11[%dma_start3A_469, %dma_start3A_470] : memref<256x16xf32, #tpu.memory_space<vmem>> -> memref<8x16xf32, #tpu.memory_space<vmem>>
      %dma_start3A_472 = arith.constant 0 : i32
      %dma_start3A_473 = tpu.memref_slice %arg4[%multiple_of3A_463, %dma_start3A_472] : memref<1000000x16xf32, #tpu.memory_space<hbm>> -> memref<8x16xf32, #tpu.memory_space<hbm>>
      tpu.enqueue_dma source(%dma_start3A_473 : memref<8x16xf32, #tpu.memory_space<hbm>>) target(%dma_start3A_471 : memref<8x16xf32, #tpu.memory_space<vmem>>) target_semaphore(%arg13 : memref<!tpu.dma_semaphore, #tpu.memory_space<semaphore_mem>>)
      %slice3A_474 = vector.extract_strided_slice %get3A_37 {offsets = [10], sizes = [1], strides = [1]} : vector<16xi32> to vector<1xi32>
      %squeeze3A_475 = vector.extract %slice3A_474[0] : i32 from vector<1xi32>
      %shift_right_logical3A_476 = arith.constant 3 : i32
      %shift_right_logical3A_477 = arith.shrui %squeeze3A_475, %shift_right_logical3A_476 : i32
      %shift_left3A_478 = arith.constant 3 : i32
      %shift_left3A_479 = arith.shli %shift_right_logical3A_477, %shift_left3A_478 : i32
      %multiple_of3A_480 = tpu.assume_multiple %shift_left3A_479, 8 : i32
      %dma_start3A_481 = arith.constant 208 : i32
      %dma_start3A_482 = arith.constant 0 : i32
      %dma_start3A_483 = tpu.memref_slice %arg11[%dma_start3A_481, %dma_start3A_482] : memref<256x16xf32, #tpu.memory_space<vmem>> -> memref<8x16xf32, #tpu.memory_space<vmem>>
      %dma_start3A_484 = arith.constant 0 : i32
      %dma_start3A_485 = tpu.memref_slice %arg4[%multiple_of3A_480, %dma_start3A_484] : memref<1000000x16xf32, #tpu.memory_space<hbm>> -> memref<8x16xf32, #tpu.memory_space<hbm>>
      %dma_start3A_486 = arith.constant 208 : i32
      %dma_start3A_487 = arith.constant 0 : i32
      %dma_start3A_488 = tpu.memref_slice %arg11[%dma_start3A_486, %dma_start3A_487] : memref<256x16xf32, #tpu.memory_space<vmem>> -> memref<8x16xf32, #tpu.memory_space<vmem>>
      %dma_start3A_489 = arith.constant 0 : i32
      %dma_start3A_490 = tpu.memref_slice %arg4[%multiple_of3A_480, %dma_start3A_489] : memref<1000000x16xf32, #tpu.memory_space<hbm>> -> memref<8x16xf32, #tpu.memory_space<hbm>>
      tpu.enqueue_dma source(%dma_start3A_490 : memref<8x16xf32, #tpu.memory_space<hbm>>) target(%dma_start3A_488 : memref<8x16xf32, #tpu.memory_space<vmem>>) target_semaphore(%arg13 : memref<!tpu.dma_semaphore, #tpu.memory_space<semaphore_mem>>)
      %slice3A_491 = vector.extract_strided_slice %get3A_37 {offsets = [11], sizes = [1], strides = [1]} : vector<16xi32> to vector<1xi32>
      %squeeze3A_492 = vector.extract %slice3A_491[0] : i32 from vector<1xi32>
      %shift_right_logical3A_493 = arith.constant 3 : i32
      %shift_right_logical3A_494 = arith.shrui %squeeze3A_492, %shift_right_logical3A_493 : i32
      %shift_left3A_495 = arith.constant 3 : i32
      %shift_left3A_496 = arith.shli %shift_right_logical3A_494, %shift_left3A_495 : i32
      %multiple_of3A_497 = tpu.assume_multiple %shift_left3A_496, 8 : i32
      %dma_start3A_498 = arith.constant 216 : i32
      %dma_start3A_499 = arith.constant 0 : i32
      %dma_start3A_500 = tpu.memref_slice %arg11[%dma_start3A_498, %dma_start3A_499] : memref<256x16xf32, #tpu.memory_space<vmem>> -> memref<8x16xf32, #tpu.memory_space<vmem>>
      %dma_start3A_501 = arith.constant 0 : i32
      %dma_start3A_502 = tpu.memref_slice %arg4[%multiple_of3A_497, %dma_start3A_501] : memref<1000000x16xf32, #tpu.memory_space<hbm>> -> memref<8x16xf32, #tpu.memory_space<hbm>>
      %dma_start3A_503 = arith.constant 216 : i32
      %dma_start3A_504 = arith.constant 0 : i32
      %dma_start3A_505 = tpu.memref_slice %arg11[%dma_start3A_503, %dma_start3A_504] : memref<256x16xf32, #tpu.memory_space<vmem>> -> memref<8x16xf32, #tpu.memory_space<vmem>>
      %dma_start3A_506 = arith.constant 0 : i32
      %dma_start3A_507 = tpu.memref_slice %arg4[%multiple_of3A_497, %dma_start3A_506] : memref<1000000x16xf32, #tpu.memory_space<hbm>> -> memref<8x16xf32, #tpu.memory_space<hbm>>
      tpu.enqueue_dma source(%dma_start3A_507 : memref<8x16xf32, #tpu.memory_space<hbm>>) target(%dma_start3A_505 : memref<8x16xf32, #tpu.memory_space<vmem>>) target_semaphore(%arg13 : memref<!tpu.dma_semaphore, #tpu.memory_space<semaphore_mem>>)
      %slice3A_508 = vector.extract_strided_slice %get3A_37 {offsets = [12], sizes = [1], strides = [1]} : vector<16xi32> to vector<1xi32>
      %squeeze3A_509 = vector.extract %slice3A_508[0] : i32 from vector<1xi32>
      %shift_right_logical3A_510 = arith.constant 3 : i32
      %shift_right_logical3A_511 = arith.shrui %squeeze3A_509, %shift_right_logical3A_510 : i32
      %shift_left3A_512 = arith.constant 3 : i32
      %shift_left3A_513 = arith.shli %shift_right_logical3A_511, %shift_left3A_512 : i32
      %multiple_of3A_514 = tpu.assume_multiple %shift_left3A_513, 8 : i32
      %dma_start3A_515 = arith.constant 224 : i32
      %dma_start3A_516 = arith.constant 0 : i32
      %dma_start3A_517 = tpu.memref_slice %arg11[%dma_start3A_515, %dma_start3A_516] : memref<256x16xf32, #tpu.memory_space<vmem>> -> memref<8x16xf32, #tpu.memory_space<vmem>>
      %dma_start3A_518 = arith.constant 0 : i32
      %dma_start3A_519 = tpu.memref_slice %arg4[%multiple_of3A_514, %dma_start3A_518] : memref<1000000x16xf32, #tpu.memory_space<hbm>> -> memref<8x16xf32, #tpu.memory_space<hbm>>
      %dma_start3A_520 = arith.constant 224 : i32
      %dma_start3A_521 = arith.constant 0 : i32
      %dma_start3A_522 = tpu.memref_slice %arg11[%dma_start3A_520, %dma_start3A_521] : memref<256x16xf32, #tpu.memory_space<vmem>> -> memref<8x16xf32, #tpu.memory_space<vmem>>
      %dma_start3A_523 = arith.constant 0 : i32
      %dma_start3A_524 = tpu.memref_slice %arg4[%multiple_of3A_514, %dma_start3A_523] : memref<1000000x16xf32, #tpu.memory_space<hbm>> -> memref<8x16xf32, #tpu.memory_space<hbm>>
      tpu.enqueue_dma source(%dma_start3A_524 : memref<8x16xf32, #tpu.memory_space<hbm>>) target(%dma_start3A_522 : memref<8x16xf32, #tpu.memory_space<vmem>>) target_semaphore(%arg13 : memref<!tpu.dma_semaphore, #tpu.memory_space<semaphore_mem>>)
      %slice3A_525 = vector.extract_strided_slice %get3A_37 {offsets = [13], sizes = [1], strides = [1]} : vector<16xi32> to vector<1xi32>
      %squeeze3A_526 = vector.extract %slice3A_525[0] : i32 from vector<1xi32>
      %shift_right_logical3A_527 = arith.constant 3 : i32
      %shift_right_logical3A_528 = arith.shrui %squeeze3A_526, %shift_right_logical3A_527 : i32
      %shift_left3A_529 = arith.constant 3 : i32
      %shift_left3A_530 = arith.shli %shift_right_logical3A_528, %shift_left3A_529 : i32
      %multiple_of3A_531 = tpu.assume_multiple %shift_left3A_530, 8 : i32
      %dma_start3A_532 = arith.constant 232 : i32
      %dma_start3A_533 = arith.constant 0 : i32
      %dma_start3A_534 = tpu.memref_slice %arg11[%dma_start3A_532, %dma_start3A_533] : memref<256x16xf32, #tpu.memory_space<vmem>> -> memref<8x16xf32, #tpu.memory_space<vmem>>
      %dma_start3A_535 = arith.constant 0 : i32
      %dma_start3A_536 = tpu.memref_slice %arg4[%multiple_of3A_531, %dma_start3A_535] : memref<1000000x16xf32, #tpu.memory_space<hbm>> -> memref<8x16xf32, #tpu.memory_space<hbm>>
      %dma_start3A_537 = arith.constant 232 : i32
      %dma_start3A_538 = arith.constant 0 : i32
      %dma_start3A_539 = tpu.memref_slice %arg11[%dma_start3A_537, %dma_start3A_538] : memref<256x16xf32, #tpu.memory_space<vmem>> -> memref<8x16xf32, #tpu.memory_space<vmem>>
      %dma_start3A_540 = arith.constant 0 : i32
      %dma_start3A_541 = tpu.memref_slice %arg4[%multiple_of3A_531, %dma_start3A_540] : memref<1000000x16xf32, #tpu.memory_space<hbm>> -> memref<8x16xf32, #tpu.memory_space<hbm>>
      tpu.enqueue_dma source(%dma_start3A_541 : memref<8x16xf32, #tpu.memory_space<hbm>>) target(%dma_start3A_539 : memref<8x16xf32, #tpu.memory_space<vmem>>) target_semaphore(%arg13 : memref<!tpu.dma_semaphore, #tpu.memory_space<semaphore_mem>>)
      %slice3A_542 = vector.extract_strided_slice %get3A_37 {offsets = [14], sizes = [1], strides = [1]} : vector<16xi32> to vector<1xi32>
      %squeeze3A_543 = vector.extract %slice3A_542[0] : i32 from vector<1xi32>
      %shift_right_logical3A_544 = arith.constant 3 : i32
      %shift_right_logical3A_545 = arith.shrui %squeeze3A_543, %shift_right_logical3A_544 : i32
      %shift_left3A_546 = arith.constant 3 : i32
      %shift_left3A_547 = arith.shli %shift_right_logical3A_545, %shift_left3A_546 : i32
      %multiple_of3A_548 = tpu.assume_multiple %shift_left3A_547, 8 : i32
      %dma_start3A_549 = arith.constant 240 : i32
      %dma_start3A_550 = arith.constant 0 : i32
      %dma_start3A_551 = tpu.memref_slice %arg11[%dma_start3A_549, %dma_start3A_550] : memref<256x16xf32, #tpu.memory_space<vmem>> -> memref<8x16xf32, #tpu.memory_space<vmem>>
      %dma_start3A_552 = arith.constant 0 : i32
      %dma_start3A_553 = tpu.memref_slice %arg4[%multiple_of3A_548, %dma_start3A_552] : memref<1000000x16xf32, #tpu.memory_space<hbm>> -> memref<8x16xf32, #tpu.memory_space<hbm>>
      %dma_start3A_554 = arith.constant 240 : i32
      %dma_start3A_555 = arith.constant 0 : i32
      %dma_start3A_556 = tpu.memref_slice %arg11[%dma_start3A_554, %dma_start3A_555] : memref<256x16xf32, #tpu.memory_space<vmem>> -> memref<8x16xf32, #tpu.memory_space<vmem>>
      %dma_start3A_557 = arith.constant 0 : i32
      %dma_start3A_558 = tpu.memref_slice %arg4[%multiple_of3A_548, %dma_start3A_557] : memref<1000000x16xf32, #tpu.memory_space<hbm>> -> memref<8x16xf32, #tpu.memory_space<hbm>>
      tpu.enqueue_dma source(%dma_start3A_558 : memref<8x16xf32, #tpu.memory_space<hbm>>) target(%dma_start3A_556 : memref<8x16xf32, #tpu.memory_space<vmem>>) target_semaphore(%arg13 : memref<!tpu.dma_semaphore, #tpu.memory_space<semaphore_mem>>)
      %slice3A_559 = vector.extract_strided_slice %get3A_37 {offsets = [15], sizes = [1], strides = [1]} : vector<16xi32> to vector<1xi32>
      %squeeze3A_560 = vector.extract %slice3A_559[0] : i32 from vector<1xi32>
      %shift_right_logical3A_561 = arith.constant 3 : i32
      %shift_right_logical3A_562 = arith.shrui %squeeze3A_560, %shift_right_logical3A_561 : i32
      %shift_left3A_563 = arith.constant 3 : i32
      %shift_left3A_564 = arith.shli %shift_right_logical3A_562, %shift_left3A_563 : i32
      %multiple_of3A_565 = tpu.assume_multiple %shift_left3A_564, 8 : i32
      %dma_start3A_566 = arith.constant 248 : i32
      %dma_start3A_567 = arith.constant 0 : i32
      %dma_start3A_568 = tpu.memref_slice %arg11[%dma_start3A_566, %dma_start3A_567] : memref<256x16xf32, #tpu.memory_space<vmem>> -> memref<8x16xf32, #tpu.memory_space<vmem>>
      %dma_start3A_569 = arith.constant 0 : i32
      %dma_start3A_570 = tpu.memref_slice %arg4[%multiple_of3A_565, %dma_start3A_569] : memref<1000000x16xf32, #tpu.memory_space<hbm>> -> memref<8x16xf32, #tpu.memory_space<hbm>>
      %dma_start3A_571 = arith.constant 248 : i32
      %dma_start3A_572 = arith.constant 0 : i32
      %dma_start3A_573 = tpu.memref_slice %arg11[%dma_start3A_571, %dma_start3A_572] : memref<256x16xf32, #tpu.memory_space<vmem>> -> memref<8x16xf32, #tpu.memory_space<vmem>>
      %dma_start3A_574 = arith.constant 0 : i32
      %dma_start3A_575 = tpu.memref_slice %arg4[%multiple_of3A_565, %dma_start3A_574] : memref<1000000x16xf32, #tpu.memory_space<hbm>> -> memref<8x16xf32, #tpu.memory_space<hbm>>
      tpu.enqueue_dma source(%dma_start3A_575 : memref<8x16xf32, #tpu.memory_space<hbm>>) target(%dma_start3A_573 : memref<8x16xf32, #tpu.memory_space<vmem>>) target_semaphore(%arg13 : memref<!tpu.dma_semaphore, #tpu.memory_space<semaphore_mem>>)
      %dma_wait3A = arith.constant 0 : i32
      %dma_wait3A_576 = arith.constant 0 : i32
      %dma_wait3A_577 = tpu.memref_slice %arg4[%dma_wait3A, %dma_wait3A_576] : memref<1000000x16xf32, #tpu.memory_space<hbm>> -> memref<256x16xf32, #tpu.memory_space<hbm>>
      %dma_wait3A_578 = arith.constant 0 : i32
      %dma_wait3A_579 = arith.constant 0 : i32
      %dma_wait3A_580 = tpu.memref_slice %arg4[%dma_wait3A_578, %dma_wait3A_579] : memref<1000000x16xf32, #tpu.memory_space<hbm>> -> memref<256x16xf32, #tpu.memory_space<hbm>>
      tpu.wait_dma2 semaphore(%arg13 : memref<!tpu.dma_semaphore, #tpu.memory_space<semaphore_mem>>) src(%dma_wait3A_580 : memref<256x16xf32, #tpu.memory_space<hbm>>) dst(%arg11 : memref<256x16xf32, #tpu.memory_space<vmem>>)
      %slice3A_581 = vector.extract_strided_slice %get3A_30 {offsets = [0], sizes = [1], strides = [1]} : vector<16xi32> to vector<1xi32>
      %squeeze3A_582 = vector.extract %slice3A_581[0] : i32 from vector<1xi32>
      %and3A = arith.constant 7 : i32
      %and3A_583 = arith.andi %squeeze3A_582, %and3A : i32
      %add3A_584 = arith.constant 0 : i32
      %add3A_585 = arith.addi %add3A_584, %and3A_583 : i32
      %get3A_586 = arith.index_cast %add3A_585 : i32 to index
      %get3A_587 = arith.constant 0 : index
      %get3A_588 = tpu.vector_load %arg11[%get3A_586, %get3A_587] {strides = array<i32>} : memref<256x16xf32, #tpu.memory_space<vmem>>, vector<1x16xf32>,
      %get3A_589 = vector.shape_cast %get3A_588 : vector<1x16xf32> to vector<16xf32>
      %swap3A = arith.constant 0 : i32
      %swap3A_590 = arith.index_cast %swap3A : i32 to index
      %swap3A_591 = arith.constant 0 : index
      %swap3A_592 = tpu.vector_load %arg12[%swap3A_590, %swap3A_591] {strides = array<i32>} : memref<32x16xf32, #tpu.memory_space<vmem>>, vector<1x16xf32>,
      %swap3A_593 = vector.shape_cast %swap3A_592 : vector<1x16xf32> to vector<16xf32>
      %swap3A_594 = vector.shape_cast %get3A_589 : vector<16xf32> to vector<1x16xf32>
      tpu.vector_store %arg12[%swap3A_590, %swap3A_591], %swap3A_594 {strides = array<i32>} : memref<32x16xf32, #tpu.memory_space<vmem>>, vector<1x16xf32>,
      %slice3A_595 = vector.extract_strided_slice %get3A_30 {offsets = [1], sizes = [1], strides = [1]} : vector<16xi32> to vector<1xi32>
      %squeeze3A_596 = vector.extract %slice3A_595[0] : i32 from vector<1xi32>
      %and3A_597 = arith.constant 7 : i32
      %and3A_598 = arith.andi %squeeze3A_596, %and3A_597 : i32
      %add3A_599 = arith.constant 8 : i32
      %add3A_600 = arith.addi %add3A_599, %and3A_598 : i32
      %get3A_601 = arith.index_cast %add3A_600 : i32 to index
      %get3A_602 = arith.constant 0 : index
      %get3A_603 = tpu.vector_load %arg11[%get3A_601, %get3A_602] {strides = array<i32>} : memref<256x16xf32, #tpu.memory_space<vmem>>, vector<1x16xf32>,
      %get3A_604 = vector.shape_cast %get3A_603 : vector<1x16xf32> to vector<16xf32>
      %swap3A_605 = arith.constant 1 : i32
      %swap3A_606 = arith.index_cast %swap3A_605 : i32 to index
      %swap3A_607 = arith.constant 0 : index
      %swap3A_608 = tpu.vector_load %arg12[%swap3A_606, %swap3A_607] {strides = array<i32>} : memref<32x16xf32, #tpu.memory_space<vmem>>, vector<1x16xf32>,
      %swap3A_609 = vector.shape_cast %swap3A_608 : vector<1x16xf32> to vector<16xf32>
      %swap3A_610 = vector.shape_cast %get3A_604 : vector<16xf32> to vector<1x16xf32>
      tpu.vector_store %arg12[%swap3A_606, %swap3A_607], %swap3A_610 {strides = array<i32>} : memref<32x16xf32, #tpu.memory_space<vmem>>, vector<1x16xf32>,
      %slice3A_611 = vector.extract_strided_slice %get3A_30 {offsets = [2], sizes = [1], strides = [1]} : vector<16xi32> to vector<1xi32>
      %squeeze3A_612 = vector.extract %slice3A_611[0] : i32 from vector<1xi32>
      %and3A_613 = arith.constant 7 : i32
      %and3A_614 = arith.andi %squeeze3A_612, %and3A_613 : i32
      %add3A_615 = arith.constant 16 : i32
      %add3A_616 = arith.addi %add3A_615, %and3A_614 : i32
      %get3A_617 = arith.index_cast %add3A_616 : i32 to index
      %get3A_618 = arith.constant 0 : index
      %get3A_619 = tpu.vector_load %arg11[%get3A_617, %get3A_618] {strides = array<i32>} : memref<256x16xf32, #tpu.memory_space<vmem>>, vector<1x16xf32>,
      %get3A_620 = vector.shape_cast %get3A_619 : vector<1x16xf32> to vector<16xf32>
      %swap3A_621 = arith.constant 2 : i32
      %swap3A_622 = arith.index_cast %swap3A_621 : i32 to index
      %swap3A_623 = arith.constant 0 : index
      %swap3A_624 = tpu.vector_load %arg12[%swap3A_622, %swap3A_623] {strides = array<i32>} : memref<32x16xf32, #tpu.memory_space<vmem>>, vector<1x16xf32>,
      %swap3A_625 = vector.shape_cast %swap3A_624 : vector<1x16xf32> to vector<16xf32>
      %swap3A_626 = vector.shape_cast %get3A_620 : vector<16xf32> to vector<1x16xf32>
      tpu.vector_store %arg12[%swap3A_622, %swap3A_623], %swap3A_626 {strides = array<i32>} : memref<32x16xf32, #tpu.memory_space<vmem>>, vector<1x16xf32>,
      %slice3A_627 = vector.extract_strided_slice %get3A_30 {offsets = [3], sizes = [1], strides = [1]} : vector<16xi32> to vector<1xi32>
      %squeeze3A_628 = vector.extract %slice3A_627[0] : i32 from vector<1xi32>
      %and3A_629 = arith.constant 7 : i32
      %and3A_630 = arith.andi %squeeze3A_628, %and3A_629 : i32
      %add3A_631 = arith.constant 24 : i32
      %add3A_632 = arith.addi %add3A_631, %and3A_630 : i32
      %get3A_633 = arith.index_cast %add3A_632 : i32 to index
      %get3A_634 = arith.constant 0 : index
      %get3A_635 = tpu.vector_load %arg11[%get3A_633, %get3A_634] {strides = array<i32>} : memref<256x16xf32, #tpu.memory_space<vmem>>, vector<1x16xf32>,
      %get3A_636 = vector.shape_cast %get3A_635 : vector<1x16xf32> to vector<16xf32>
      %swap3A_637 = arith.constant 3 : i32
      %swap3A_638 = arith.index_cast %swap3A_637 : i32 to index
      %swap3A_639 = arith.constant 0 : index
      %swap3A_640 = tpu.vector_load %arg12[%swap3A_638, %swap3A_639] {strides = array<i32>} : memref<32x16xf32, #tpu.memory_space<vmem>>, vector<1x16xf32>,
      %swap3A_641 = vector.shape_cast %swap3A_640 : vector<1x16xf32> to vector<16xf32>
      %swap3A_642 = vector.shape_cast %get3A_636 : vector<16xf32> to vector<1x16xf32>
      tpu.vector_store %arg12[%swap3A_638, %swap3A_639], %swap3A_642 {strides = array<i32>} : memref<32x16xf32, #tpu.memory_space<vmem>>, vector<1x16xf32>,
      %slice3A_643 = vector.extract_strided_slice %get3A_30 {offsets = [4], sizes = [1], strides = [1]} : vector<16xi32> to vector<1xi32>
      %squeeze3A_644 = vector.extract %slice3A_643[0] : i32 from vector<1xi32>
      %and3A_645 = arith.constant 7 : i32
      %and3A_646 = arith.andi %squeeze3A_644, %and3A_645 : i32
      %add3A_647 = arith.constant 32 : i32
      %add3A_648 = arith.addi %add3A_647, %and3A_646 : i32
      %get3A_649 = arith.index_cast %add3A_648 : i32 to index
      %get3A_650 = arith.constant 0 : index
      %get3A_651 = tpu.vector_load %arg11[%get3A_649, %get3A_650] {strides = array<i32>} : memref<256x16xf32, #tpu.memory_space<vmem>>, vector<1x16xf32>,
      %get3A_652 = vector.shape_cast %get3A_651 : vector<1x16xf32> to vector<16xf32>
      %swap3A_653 = arith.constant 4 : i32
      %swap3A_654 = arith.index_cast %swap3A_653 : i32 to index
      %swap3A_655 = arith.constant 0 : index
      %swap3A_656 = tpu.vector_load %arg12[%swap3A_654, %swap3A_655] {strides = array<i32>} : memref<32x16xf32, #tpu.memory_space<vmem>>, vector<1x16xf32>,
      %swap3A_657 = vector.shape_cast %swap3A_656 : vector<1x16xf32> to vector<16xf32>
      %swap3A_658 = vector.shape_cast %get3A_652 : vector<16xf32> to vector<1x16xf32>
      tpu.vector_store %arg12[%swap3A_654, %swap3A_655], %swap3A_658 {strides = array<i32>} : memref<32x16xf32, #tpu.memory_space<vmem>>, vector<1x16xf32>,
      %slice3A_659 = vector.extract_strided_slice %get3A_30 {offsets = [5], sizes = [1], strides = [1]} : vector<16xi32> to vector<1xi32>
      %squeeze3A_660 = vector.extract %slice3A_659[0] : i32 from vector<1xi32>
      %and3A_661 = arith.constant 7 : i32
      %and3A_662 = arith.andi %squeeze3A_660, %and3A_661 : i32
      %add3A_663 = arith.constant 40 : i32
      %add3A_664 = arith.addi %add3A_663, %and3A_662 : i32
      %get3A_665 = arith.index_cast %add3A_664 : i32 to index
      %get3A_666 = arith.constant 0 : index
      %get3A_667 = tpu.vector_load %arg11[%get3A_665, %get3A_666] {strides = array<i32>} : memref<256x16xf32, #tpu.memory_space<vmem>>, vector<1x16xf32>,
      %get3A_668 = vector.shape_cast %get3A_667 : vector<1x16xf32> to vector<16xf32>
      %swap3A_669 = arith.constant 5 : i32
      %swap3A_670 = arith.index_cast %swap3A_669 : i32 to index
      %swap3A_671 = arith.constant 0 : index
      %swap3A_672 = tpu.vector_load %arg12[%swap3A_670, %swap3A_671] {strides = array<i32>} : memref<32x16xf32, #tpu.memory_space<vmem>>, vector<1x16xf32>,
      %swap3A_673 = vector.shape_cast %swap3A_672 : vector<1x16xf32> to vector<16xf32>
      %swap3A_674 = vector.shape_cast %get3A_668 : vector<16xf32> to vector<1x16xf32>
      tpu.vector_store %arg12[%swap3A_670, %swap3A_671], %swap3A_674 {strides = array<i32>} : memref<32x16xf32, #tpu.memory_space<vmem>>, vector<1x16xf32>,
      %slice3A_675 = vector.extract_strided_slice %get3A_30 {offsets = [6], sizes = [1], strides = [1]} : vector<16xi32> to vector<1xi32>
      %squeeze3A_676 = vector.extract %slice3A_675[0] : i32 from vector<1xi32>
      %and3A_677 = arith.constant 7 : i32
      %and3A_678 = arith.andi %squeeze3A_676, %and3A_677 : i32
      %add3A_679 = arith.constant 48 : i32
      %add3A_680 = arith.addi %add3A_679, %and3A_678 : i32
      %get3A_681 = arith.index_cast %add3A_680 : i32 to index
      %get3A_682 = arith.constant 0 : index
      %get3A_683 = tpu.vector_load %arg11[%get3A_681, %get3A_682] {strides = array<i32>} : memref<256x16xf32, #tpu.memory_space<vmem>>, vector<1x16xf32>,
      %get3A_684 = vector.shape_cast %get3A_683 : vector<1x16xf32> to vector<16xf32>
      %swap3A_685 = arith.constant 6 : i32
      %swap3A_686 = arith.index_cast %swap3A_685 : i32 to index
      %swap3A_687 = arith.constant 0 : index
      %swap3A_688 = tpu.vector_load %arg12[%swap3A_686, %swap3A_687] {strides = array<i32>} : memref<32x16xf32, #tpu.memory_space<vmem>>, vector<1x16xf32>,
      %swap3A_689 = vector.shape_cast %swap3A_688 : vector<1x16xf32> to vector<16xf32>
      %swap3A_690 = vector.shape_cast %get3A_684 : vector<16xf32> to vector<1x16xf32>
      tpu.vector_store %arg12[%swap3A_686, %swap3A_687], %swap3A_690 {strides = array<i32>} : memref<32x16xf32, #tpu.memory_space<vmem>>, vector<1x16xf32>,
      %slice3A_691 = vector.extract_strided_slice %get3A_30 {offsets = [7], sizes = [1], strides = [1]} : vector<16xi32> to vector<1xi32>
      %squeeze3A_692 = vector.extract %slice3A_691[0] : i32 from vector<1xi32>
      %and3A_693 = arith.constant 7 : i32
      %and3A_694 = arith.andi %squeeze3A_692, %and3A_693 : i32
      %add3A_695 = arith.constant 56 : i32
      %add3A_696 = arith.addi %add3A_695, %and3A_694 : i32
      %get3A_697 = arith.index_cast %add3A_696 : i32 to index
      %get3A_698 = arith.constant 0 : index
      %get3A_699 = tpu.vector_load %arg11[%get3A_697, %get3A_698] {strides = array<i32>} : memref<256x16xf32, #tpu.memory_space<vmem>>, vector<1x16xf32>,
      %get3A_700 = vector.shape_cast %get3A_699 : vector<1x16xf32> to vector<16xf32>
      %swap3A_701 = arith.constant 7 : i32
      %swap3A_702 = arith.index_cast %swap3A_701 : i32 to index
      %swap3A_703 = arith.constant 0 : index
      %swap3A_704 = tpu.vector_load %arg12[%swap3A_702, %swap3A_703] {strides = array<i32>} : memref<32x16xf32, #tpu.memory_space<vmem>>, vector<1x16xf32>,
      %swap3A_705 = vector.shape_cast %swap3A_704 : vector<1x16xf32> to vector<16xf32>
      %swap3A_706 = vector.shape_cast %get3A_700 : vector<16xf32> to vector<1x16xf32>
      tpu.vector_store %arg12[%swap3A_702, %swap3A_703], %swap3A_706 {strides = array<i32>} : memref<32x16xf32, #tpu.memory_space<vmem>>, vector<1x16xf32>,
      %slice3A_707 = vector.extract_strided_slice %get3A_30 {offsets = [8], sizes = [1], strides = [1]} : vector<16xi32> to vector<1xi32>
      %squeeze3A_708 = vector.extract %slice3A_707[0] : i32 from vector<1xi32>
      %and3A_709 = arith.constant 7 : i32
      %and3A_710 = arith.andi %squeeze3A_708, %and3A_709 : i32
      %add3A_711 = arith.constant 64 : i32
      %add3A_712 = arith.addi %add3A_711, %and3A_710 : i32
      %get3A_713 = arith.index_cast %add3A_712 : i32 to index
      %get3A_714 = arith.constant 0 : index
      %get3A_715 = tpu.vector_load %arg11[%get3A_713, %get3A_714] {strides = array<i32>} : memref<256x16xf32, #tpu.memory_space<vmem>>, vector<1x16xf32>,
      %get3A_716 = vector.shape_cast %get3A_715 : vector<1x16xf32> to vector<16xf32>
      %swap3A_717 = arith.constant 8 : i32
      %swap3A_718 = arith.index_cast %swap3A_717 : i32 to index
      %swap3A_719 = arith.constant 0 : index
      %swap3A_720 = tpu.vector_load %arg12[%swap3A_718, %swap3A_719] {strides = array<i32>} : memref<32x16xf32, #tpu.memory_space<vmem>>, vector<1x16xf32>,
      %swap3A_721 = vector.shape_cast %swap3A_720 : vector<1x16xf32> to vector<16xf32>
      %swap3A_722 = vector.shape_cast %get3A_716 : vector<16xf32> to vector<1x16xf32>
      tpu.vector_store %arg12[%swap3A_718, %swap3A_719], %swap3A_722 {strides = array<i32>} : memref<32x16xf32, #tpu.memory_space<vmem>>, vector<1x16xf32>,
      %slice3A_723 = vector.extract_strided_slice %get3A_30 {offsets = [9], sizes = [1], strides = [1]} : vector<16xi32> to vector<1xi32>
      %squeeze3A_724 = vector.extract %slice3A_723[0] : i32 from vector<1xi32>
      %and3A_725 = arith.constant 7 : i32
      %and3A_726 = arith.andi %squeeze3A_724, %and3A_725 : i32
      %add3A_727 = arith.constant 72 : i32
      %add3A_728 = arith.addi %add3A_727, %and3A_726 : i32
      %get3A_729 = arith.index_cast %add3A_728 : i32 to index
      %get3A_730 = arith.constant 0 : index
      %get3A_731 = tpu.vector_load %arg11[%get3A_729, %get3A_730] {strides = array<i32>} : memref<256x16xf32, #tpu.memory_space<vmem>>, vector<1x16xf32>,
      %get3A_732 = vector.shape_cast %get3A_731 : vector<1x16xf32> to vector<16xf32>
      %swap3A_733 = arith.constant 9 : i32
      %swap3A_734 = arith.index_cast %swap3A_733 : i32 to index
      %swap3A_735 = arith.constant 0 : index
      %swap3A_736 = tpu.vector_load %arg12[%swap3A_734, %swap3A_735] {strides = array<i32>} : memref<32x16xf32, #tpu.memory_space<vmem>>, vector<1x16xf32>,
      %swap3A_737 = vector.shape_cast %swap3A_736 : vector<1x16xf32> to vector<16xf32>
      %swap3A_738 = vector.shape_cast %get3A_732 : vector<16xf32> to vector<1x16xf32>
      tpu.vector_store %arg12[%swap3A_734, %swap3A_735], %swap3A_738 {strides = array<i32>} : memref<32x16xf32, #tpu.memory_space<vmem>>, vector<1x16xf32>,
      %slice3A_739 = vector.extract_strided_slice %get3A_30 {offsets = [10], sizes = [1], strides = [1]} : vector<16xi32> to vector<1xi32>
      %squeeze3A_740 = vector.extract %slice3A_739[0] : i32 from vector<1xi32>
      %and3A_741 = arith.constant 7 : i32
      %and3A_742 = arith.andi %squeeze3A_740, %and3A_741 : i32
      %add3A_743 = arith.constant 80 : i32
      %add3A_744 = arith.addi %add3A_743, %and3A_742 : i32
      %get3A_745 = arith.index_cast %add3A_744 : i32 to index
      %get3A_746 = arith.constant 0 : index
      %get3A_747 = tpu.vector_load %arg11[%get3A_745, %get3A_746] {strides = array<i32>} : memref<256x16xf32, #tpu.memory_space<vmem>>, vector<1x16xf32>,
      %get3A_748 = vector.shape_cast %get3A_747 : vector<1x16xf32> to vector<16xf32>
      %swap3A_749 = arith.constant 10 : i32
      %swap3A_750 = arith.index_cast %swap3A_749 : i32 to index
      %swap3A_751 = arith.constant 0 : index
      %swap3A_752 = tpu.vector_load %arg12[%swap3A_750, %swap3A_751] {strides = array<i32>} : memref<32x16xf32, #tpu.memory_space<vmem>>, vector<1x16xf32>,
      %swap3A_753 = vector.shape_cast %swap3A_752 : vector<1x16xf32> to vector<16xf32>
      %swap3A_754 = vector.shape_cast %get3A_748 : vector<16xf32> to vector<1x16xf32>
      tpu.vector_store %arg12[%swap3A_750, %swap3A_751], %swap3A_754 {strides = array<i32>} : memref<32x16xf32, #tpu.memory_space<vmem>>, vector<1x16xf32>,
      %slice3A_755 = vector.extract_strided_slice %get3A_30 {offsets = [11], sizes = [1], strides = [1]} : vector<16xi32> to vector<1xi32>
      %squeeze3A_756 = vector.extract %slice3A_755[0] : i32 from vector<1xi32>
      %and3A_757 = arith.constant 7 : i32
      %and3A_758 = arith.andi %squeeze3A_756, %and3A_757 : i32
      %add3A_759 = arith.constant 88 : i32
      %add3A_760 = arith.addi %add3A_759, %and3A_758 : i32
      %get3A_761 = arith.index_cast %add3A_760 : i32 to index
      %get3A_762 = arith.constant 0 : index
      %get3A_763 = tpu.vector_load %arg11[%get3A_761, %get3A_762] {strides = array<i32>} : memref<256x16xf32, #tpu.memory_space<vmem>>, vector<1x16xf32>,
      %get3A_764 = vector.shape_cast %get3A_763 : vector<1x16xf32> to vector<16xf32>
      %swap3A_765 = arith.constant 11 : i32
      %swap3A_766 = arith.index_cast %swap3A_765 : i32 to index
      %swap3A_767 = arith.constant 0 : index
      %swap3A_768 = tpu.vector_load %arg12[%swap3A_766, %swap3A_767] {strides = array<i32>} : memref<32x16xf32, #tpu.memory_space<vmem>>, vector<1x16xf32>,
      %swap3A_769 = vector.shape_cast %swap3A_768 : vector<1x16xf32> to vector<16xf32>
      %swap3A_770 = vector.shape_cast %get3A_764 : vector<16xf32> to vector<1x16xf32>
      tpu.vector_store %arg12[%swap3A_766, %swap3A_767], %swap3A_770 {strides = array<i32>} : memref<32x16xf32, #tpu.memory_space<vmem>>, vector<1x16xf32>,
      %slice3A_771 = vector.extract_strided_slice %get3A_30 {offsets = [12], sizes = [1], strides = [1]} : vector<16xi32> to vector<1xi32>
      %squeeze3A_772 = vector.extract %slice3A_771[0] : i32 from vector<1xi32>
      %and3A_773 = arith.constant 7 : i32
      %and3A_774 = arith.andi %squeeze3A_772, %and3A_773 : i32
      %add3A_775 = arith.constant 96 : i32
      %add3A_776 = arith.addi %add3A_775, %and3A_774 : i32
      %get3A_777 = arith.index_cast %add3A_776 : i32 to index
      %get3A_778 = arith.constant 0 : index
      %get3A_779 = tpu.vector_load %arg11[%get3A_777, %get3A_778] {strides = array<i32>} : memref<256x16xf32, #tpu.memory_space<vmem>>, vector<1x16xf32>,
      %get3A_780 = vector.shape_cast %get3A_779 : vector<1x16xf32> to vector<16xf32>
      %swap3A_781 = arith.constant 12 : i32
      %swap3A_782 = arith.index_cast %swap3A_781 : i32 to index
      %swap3A_783 = arith.constant 0 : index
      %swap3A_784 = tpu.vector_load %arg12[%swap3A_782, %swap3A_783] {strides = array<i32>} : memref<32x16xf32, #tpu.memory_space<vmem>>, vector<1x16xf32>,
      %swap3A_785 = vector.shape_cast %swap3A_784 : vector<1x16xf32> to vector<16xf32>
      %swap3A_786 = vector.shape_cast %get3A_780 : vector<16xf32> to vector<1x16xf32>
      tpu.vector_store %arg12[%swap3A_782, %swap3A_783], %swap3A_786 {strides = array<i32>} : memref<32x16xf32, #tpu.memory_space<vmem>>, vector<1x16xf32>,
      %slice3A_787 = vector.extract_strided_slice %get3A_30 {offsets = [13], sizes = [1], strides = [1]} : vector<16xi32> to vector<1xi32>
      %squeeze3A_788 = vector.extract %slice3A_787[0] : i32 from vector<1xi32>
      %and3A_789 = arith.constant 7 : i32
      %and3A_790 = arith.andi %squeeze3A_788, %and3A_789 : i32
      %add3A_791 = arith.constant 104 : i32
      %add3A_792 = arith.addi %add3A_791, %and3A_790 : i32
      %get3A_793 = arith.index_cast %add3A_792 : i32 to index
      %get3A_794 = arith.constant 0 : index
      %get3A_795 = tpu.vector_load %arg11[%get3A_793, %get3A_794] {strides = array<i32>} : memref<256x16xf32, #tpu.memory_space<vmem>>, vector<1x16xf32>,
      %get3A_796 = vector.shape_cast %get3A_795 : vector<1x16xf32> to vector<16xf32>
      %swap3A_797 = arith.constant 13 : i32
      %swap3A_798 = arith.index_cast %swap3A_797 : i32 to index
      %swap3A_799 = arith.constant 0 : index
      %swap3A_800 = tpu.vector_load %arg12[%swap3A_798, %swap3A_799] {strides = array<i32>} : memref<32x16xf32, #tpu.memory_space<vmem>>, vector<1x16xf32>,
      %swap3A_801 = vector.shape_cast %swap3A_800 : vector<1x16xf32> to vector<16xf32>
      %swap3A_802 = vector.shape_cast %get3A_796 : vector<16xf32> to vector<1x16xf32>
      tpu.vector_store %arg12[%swap3A_798, %swap3A_799], %swap3A_802 {strides = array<i32>} : memref<32x16xf32, #tpu.memory_space<vmem>>, vector<1x16xf32>,
      %slice3A_803 = vector.extract_strided_slice %get3A_30 {offsets = [14], sizes = [1], strides = [1]} : vector<16xi32> to vector<1xi32>
      %squeeze3A_804 = vector.extract %slice3A_803[0] : i32 from vector<1xi32>
      %and3A_805 = arith.constant 7 : i32
      %and3A_806 = arith.andi %squeeze3A_804, %and3A_805 : i32
      %add3A_807 = arith.constant 112 : i32
      %add3A_808 = arith.addi %add3A_807, %and3A_806 : i32
      %get3A_809 = arith.index_cast %add3A_808 : i32 to index
      %get3A_810 = arith.constant 0 : index
      %get3A_811 = tpu.vector_load %arg11[%get3A_809, %get3A_810] {strides = array<i32>} : memref<256x16xf32, #tpu.memory_space<vmem>>, vector<1x16xf32>,
      %get3A_812 = vector.shape_cast %get3A_811 : vector<1x16xf32> to vector<16xf32>
      %swap3A_813 = arith.constant 14 : i32
      %swap3A_814 = arith.index_cast %swap3A_813 : i32 to index
      %swap3A_815 = arith.constant 0 : index
      %swap3A_816 = tpu.vector_load %arg12[%swap3A_814, %swap3A_815] {strides = array<i32>} : memref<32x16xf32, #tpu.memory_space<vmem>>, vector<1x16xf32>,
      %swap3A_817 = vector.shape_cast %swap3A_816 : vector<1x16xf32> to vector<16xf32>
      %swap3A_818 = vector.shape_cast %get3A_812 : vector<16xf32> to vector<1x16xf32>
      tpu.vector_store %arg12[%swap3A_814, %swap3A_815], %swap3A_818 {strides = array<i32>} : memref<32x16xf32, #tpu.memory_space<vmem>>, vector<1x16xf32>,
      %slice3A_819 = vector.extract_strided_slice %get3A_30 {offsets = [15], sizes = [1], strides = [1]} : vector<16xi32> to vector<1xi32>
      %squeeze3A_820 = vector.extract %slice3A_819[0] : i32 from vector<1xi32>
      %and3A_821 = arith.constant 7 : i32
      %and3A_822 = arith.andi %squeeze3A_820, %and3A_821 : i32
      %add3A_823 = arith.constant 120 : i32
      %add3A_824 = arith.addi %add3A_823, %and3A_822 : i32
      %get3A_825 = arith.index_cast %add3A_824 : i32 to index
      %get3A_826 = arith.constant 0 : index
      %get3A_827 = tpu.vector_load %arg11[%get3A_825, %get3A_826] {strides = array<i32>} : memref<256x16xf32, #tpu.memory_space<vmem>>, vector<1x16xf32>,
      %get3A_828 = vector.shape_cast %get3A_827 : vector<1x16xf32> to vector<16xf32>
      %swap3A_829 = arith.constant 15 : i32
      %swap3A_830 = arith.index_cast %swap3A_829 : i32 to index
      %swap3A_831 = arith.constant 0 : index
      %swap3A_832 = tpu.vector_load %arg12[%swap3A_830, %swap3A_831] {strides = array<i32>} : memref<32x16xf32, #tpu.memory_space<vmem>>, vector<1x16xf32>,
      %swap3A_833 = vector.shape_cast %swap3A_832 : vector<1x16xf32> to vector<16xf32>
      %swap3A_834 = vector.shape_cast %get3A_828 : vector<16xf32> to vector<1x16xf32>
      tpu.vector_store %arg12[%swap3A_830, %swap3A_831], %swap3A_834 {strides = array<i32>} : memref<32x16xf32, #tpu.memory_space<vmem>>, vector<1x16xf32>,
      %slice3A_835 = vector.extract_strided_slice %get3A_37 {offsets = [0], sizes = [1], strides = [1]} : vector<16xi32> to vector<1xi32>
      %squeeze3A_836 = vector.extract %slice3A_835[0] : i32 from vector<1xi32>
      %and3A_837 = arith.constant 7 : i32
      %and3A_838 = arith.andi %squeeze3A_836, %and3A_837 : i32
      %add3A_839 = arith.constant 128 : i32
      %add3A_840 = arith.addi %add3A_839, %and3A_838 : i32
      %get3A_841 = arith.index_cast %add3A_840 : i32 to index
      %get3A_842 = arith.constant 0 : index
      %get3A_843 = tpu.vector_load %arg11[%get3A_841, %get3A_842] {strides = array<i32>} : memref<256x16xf32, #tpu.memory_space<vmem>>, vector<1x16xf32>,
      %get3A_844 = vector.shape_cast %get3A_843 : vector<1x16xf32> to vector<16xf32>
      %swap3A_845 = arith.constant 16 : i32
      %swap3A_846 = arith.index_cast %swap3A_845 : i32 to index
      %swap3A_847 = arith.constant 0 : index
      %swap3A_848 = tpu.vector_load %arg12[%swap3A_846, %swap3A_847] {strides = array<i32>} : memref<32x16xf32, #tpu.memory_space<vmem>>, vector<1x16xf32>,
      %swap3A_849 = vector.shape_cast %swap3A_848 : vector<1x16xf32> to vector<16xf32>
      %swap3A_850 = vector.shape_cast %get3A_844 : vector<16xf32> to vector<1x16xf32>
      tpu.vector_store %arg12[%swap3A_846, %swap3A_847], %swap3A_850 {strides = array<i32>} : memref<32x16xf32, #tpu.memory_space<vmem>>, vector<1x16xf32>,
      %slice3A_851 = vector.extract_strided_slice %get3A_37 {offsets = [1], sizes = [1], strides = [1]} : vector<16xi32> to vector<1xi32>
      %squeeze3A_852 = vector.extract %slice3A_851[0] : i32 from vector<1xi32>
      %and3A_853 = arith.constant 7 : i32
      %and3A_854 = arith.andi %squeeze3A_852, %and3A_853 : i32
      %add3A_855 = arith.constant 136 : i32
      %add3A_856 = arith.addi %add3A_855, %and3A_854 : i32
      %get3A_857 = arith.index_cast %add3A_856 : i32 to index
      %get3A_858 = arith.constant 0 : index
      %get3A_859 = tpu.vector_load %arg11[%get3A_857, %get3A_858] {strides = array<i32>} : memref<256x16xf32, #tpu.memory_space<vmem>>, vector<1x16xf32>,
      %get3A_860 = vector.shape_cast %get3A_859 : vector<1x16xf32> to vector<16xf32>
      %swap3A_861 = arith.constant 17 : i32
      %swap3A_862 = arith.index_cast %swap3A_861 : i32 to index
      %swap3A_863 = arith.constant 0 : index
      %swap3A_864 = tpu.vector_load %arg12[%swap3A_862, %swap3A_863] {strides = array<i32>} : memref<32x16xf32, #tpu.memory_space<vmem>>, vector<1x16xf32>,
      %swap3A_865 = vector.shape_cast %swap3A_864 : vector<1x16xf32> to vector<16xf32>
      %swap3A_866 = vector.shape_cast %get3A_860 : vector<16xf32> to vector<1x16xf32>
      tpu.vector_store %arg12[%swap3A_862, %swap3A_863], %swap3A_866 {strides = array<i32>} : memref<32x16xf32, #tpu.memory_space<vmem>>, vector<1x16xf32>,
      %slice3A_867 = vector.extract_strided_slice %get3A_37 {offsets = [2], sizes = [1], strides = [1]} : vector<16xi32> to vector<1xi32>
      %squeeze3A_868 = vector.extract %slice3A_867[0] : i32 from vector<1xi32>
      %and3A_869 = arith.constant 7 : i32
      %and3A_870 = arith.andi %squeeze3A_868, %and3A_869 : i32
      %add3A_871 = arith.constant 144 : i32
      %add3A_872 = arith.addi %add3A_871, %and3A_870 : i32
      %get3A_873 = arith.index_cast %add3A_872 : i32 to index
      %get3A_874 = arith.constant 0 : index
      %get3A_875 = tpu.vector_load %arg11[%get3A_873, %get3A_874] {strides = array<i32>} : memref<256x16xf32, #tpu.memory_space<vmem>>, vector<1x16xf32>,
      %get3A_876 = vector.shape_cast %get3A_875 : vector<1x16xf32> to vector<16xf32>
      %swap3A_877 = arith.constant 18 : i32
      %swap3A_878 = arith.index_cast %swap3A_877 : i32 to index
      %swap3A_879 = arith.constant 0 : index
      %swap3A_880 = tpu.vector_load %arg12[%swap3A_878, %swap3A_879] {strides = array<i32>} : memref<32x16xf32, #tpu.memory_space<vmem>>, vector<1x16xf32>,
      %swap3A_881 = vector.shape_cast %swap3A_880 : vector<1x16xf32> to vector<16xf32>
      %swap3A_882 = vector.shape_cast %get3A_876 : vector<16xf32> to vector<1x16xf32>
      tpu.vector_store %arg12[%swap3A_878, %swap3A_879], %swap3A_882 {strides = array<i32>} : memref<32x16xf32, #tpu.memory_space<vmem>>, vector<1x16xf32>,
      %slice3A_883 = vector.extract_strided_slice %get3A_37 {offsets = [3], sizes = [1], strides = [1]} : vector<16xi32> to vector<1xi32>
      %squeeze3A_884 = vector.extract %slice3A_883[0] : i32 from vector<1xi32>
      %and3A_885 = arith.constant 7 : i32
      %and3A_886 = arith.andi %squeeze3A_884, %and3A_885 : i32
      %add3A_887 = arith.constant 152 : i32
      %add3A_888 = arith.addi %add3A_887, %and3A_886 : i32
      %get3A_889 = arith.index_cast %add3A_888 : i32 to index
      %get3A_890 = arith.constant 0 : index
      %get3A_891 = tpu.vector_load %arg11[%get3A_889, %get3A_890] {strides = array<i32>} : memref<256x16xf32, #tpu.memory_space<vmem>>, vector<1x16xf32>,
      %get3A_892 = vector.shape_cast %get3A_891 : vector<1x16xf32> to vector<16xf32>
      %swap3A_893 = arith.constant 19 : i32
      %swap3A_894 = arith.index_cast %swap3A_893 : i32 to index
      %swap3A_895 = arith.constant 0 : index
      %swap3A_896 = tpu.vector_load %arg12[%swap3A_894, %swap3A_895] {strides = array<i32>} : memref<32x16xf32, #tpu.memory_space<vmem>>, vector<1x16xf32>,
      %swap3A_897 = vector.shape_cast %swap3A_896 : vector<1x16xf32> to vector<16xf32>
      %swap3A_898 = vector.shape_cast %get3A_892 : vector<16xf32> to vector<1x16xf32>
      tpu.vector_store %arg12[%swap3A_894, %swap3A_895], %swap3A_898 {strides = array<i32>} : memref<32x16xf32, #tpu.memory_space<vmem>>, vector<1x16xf32>,
      %slice3A_899 = vector.extract_strided_slice %get3A_37 {offsets = [4], sizes = [1], strides = [1]} : vector<16xi32> to vector<1xi32>
      %squeeze3A_900 = vector.extract %slice3A_899[0] : i32 from vector<1xi32>
      %and3A_901 = arith.constant 7 : i32
      %and3A_902 = arith.andi %squeeze3A_900, %and3A_901 : i32
      %add3A_903 = arith.constant 160 : i32
      %add3A_904 = arith.addi %add3A_903, %and3A_902 : i32
      %get3A_905 = arith.index_cast %add3A_904 : i32 to index
      %get3A_906 = arith.constant 0 : index
      %get3A_907 = tpu.vector_load %arg11[%get3A_905, %get3A_906] {strides = array<i32>} : memref<256x16xf32, #tpu.memory_space<vmem>>, vector<1x16xf32>,
      %get3A_908 = vector.shape_cast %get3A_907 : vector<1x16xf32> to vector<16xf32>
      %swap3A_909 = arith.constant 20 : i32
      %swap3A_910 = arith.index_cast %swap3A_909 : i32 to index
      %swap3A_911 = arith.constant 0 : index
      %swap3A_912 = tpu.vector_load %arg12[%swap3A_910, %swap3A_911] {strides = array<i32>} : memref<32x16xf32, #tpu.memory_space<vmem>>, vector<1x16xf32>,
      %swap3A_913 = vector.shape_cast %swap3A_912 : vector<1x16xf32> to vector<16xf32>
      %swap3A_914 = vector.shape_cast %get3A_908 : vector<16xf32> to vector<1x16xf32>
      tpu.vector_store %arg12[%swap3A_910, %swap3A_911], %swap3A_914 {strides = array<i32>} : memref<32x16xf32, #tpu.memory_space<vmem>>, vector<1x16xf32>,
      %slice3A_915 = vector.extract_strided_slice %get3A_37 {offsets = [5], sizes = [1], strides = [1]} : vector<16xi32> to vector<1xi32>
      %squeeze3A_916 = vector.extract %slice3A_915[0] : i32 from vector<1xi32>
      %and3A_917 = arith.constant 7 : i32
      %and3A_918 = arith.andi %squeeze3A_916, %and3A_917 : i32
      %add3A_919 = arith.constant 168 : i32
      %add3A_920 = arith.addi %add3A_919, %and3A_918 : i32
      %get3A_921 = arith.index_cast %add3A_920 : i32 to index
      %get3A_922 = arith.constant 0 : index
      %get3A_923 = tpu.vector_load %arg11[%get3A_921, %get3A_922] {strides = array<i32>} : memref<256x16xf32, #tpu.memory_space<vmem>>, vector<1x16xf32>,
      %get3A_924 = vector.shape_cast %get3A_923 : vector<1x16xf32> to vector<16xf32>
      %swap3A_925 = arith.constant 21 : i32
      %swap3A_926 = arith.index_cast %swap3A_925 : i32 to index
      %swap3A_927 = arith.constant 0 : index
      %swap3A_928 = tpu.vector_load %arg12[%swap3A_926, %swap3A_927] {strides = array<i32>} : memref<32x16xf32, #tpu.memory_space<vmem>>, vector<1x16xf32>,
      %swap3A_929 = vector.shape_cast %swap3A_928 : vector<1x16xf32> to vector<16xf32>
      %swap3A_930 = vector.shape_cast %get3A_924 : vector<16xf32> to vector<1x16xf32>
      tpu.vector_store %arg12[%swap3A_926, %swap3A_927], %swap3A_930 {strides = array<i32>} : memref<32x16xf32, #tpu.memory_space<vmem>>, vector<1x16xf32>,
      %slice3A_931 = vector.extract_strided_slice %get3A_37 {offsets = [6], sizes = [1], strides = [1]} : vector<16xi32> to vector<1xi32>
      %squeeze3A_932 = vector.extract %slice3A_931[0] : i32 from vector<1xi32>
      %and3A_933 = arith.constant 7 : i32
      %and3A_934 = arith.andi %squeeze3A_932, %and3A_933 : i32
      %add3A_935 = arith.constant 176 : i32
      %add3A_936 = arith.addi %add3A_935, %and3A_934 : i32
      %get3A_937 = arith.index_cast %add3A_936 : i32 to index
      %get3A_938 = arith.constant 0 : index
      %get3A_939 = tpu.vector_load %arg11[%get3A_937, %get3A_938] {strides = array<i32>} : memref<256x16xf32, #tpu.memory_space<vmem>>, vector<1x16xf32>,
      %get3A_940 = vector.shape_cast %get3A_939 : vector<1x16xf32> to vector<16xf32>
      %swap3A_941 = arith.constant 22 : i32
      %swap3A_942 = arith.index_cast %swap3A_941 : i32 to index
      %swap3A_943 = arith.constant 0 : index
      %swap3A_944 = tpu.vector_load %arg12[%swap3A_942, %swap3A_943] {strides = array<i32>} : memref<32x16xf32, #tpu.memory_space<vmem>>, vector<1x16xf32>,
      %swap3A_945 = vector.shape_cast %swap3A_944 : vector<1x16xf32> to vector<16xf32>
      %swap3A_946 = vector.shape_cast %get3A_940 : vector<16xf32> to vector<1x16xf32>
      tpu.vector_store %arg12[%swap3A_942, %swap3A_943], %swap3A_946 {strides = array<i32>} : memref<32x16xf32, #tpu.memory_space<vmem>>, vector<1x16xf32>,
      %slice3A_947 = vector.extract_strided_slice %get3A_37 {offsets = [7], sizes = [1], strides = [1]} : vector<16xi32> to vector<1xi32>
      %squeeze3A_948 = vector.extract %slice3A_947[0] : i32 from vector<1xi32>
      %and3A_949 = arith.constant 7 : i32
      %and3A_950 = arith.andi %squeeze3A_948, %and3A_949 : i32
      %add3A_951 = arith.constant 184 : i32
      %add3A_952 = arith.addi %add3A_951, %and3A_950 : i32
      %get3A_953 = arith.index_cast %add3A_952 : i32 to index
      %get3A_954 = arith.constant 0 : index
      %get3A_955 = tpu.vector_load %arg11[%get3A_953, %get3A_954] {strides = array<i32>} : memref<256x16xf32, #tpu.memory_space<vmem>>, vector<1x16xf32>,
      %get3A_956 = vector.shape_cast %get3A_955 : vector<1x16xf32> to vector<16xf32>
      %swap3A_957 = arith.constant 23 : i32
      %swap3A_958 = arith.index_cast %swap3A_957 : i32 to index
      %swap3A_959 = arith.constant 0 : index
      %swap3A_960 = tpu.vector_load %arg12[%swap3A_958, %swap3A_959] {strides = array<i32>} : memref<32x16xf32, #tpu.memory_space<vmem>>, vector<1x16xf32>,
      %swap3A_961 = vector.shape_cast %swap3A_960 : vector<1x16xf32> to vector<16xf32>
      %swap3A_962 = vector.shape_cast %get3A_956 : vector<16xf32> to vector<1x16xf32>
      tpu.vector_store %arg12[%swap3A_958, %swap3A_959], %swap3A_962 {strides = array<i32>} : memref<32x16xf32, #tpu.memory_space<vmem>>, vector<1x16xf32>,
      %slice3A_963 = vector.extract_strided_slice %get3A_37 {offsets = [8], sizes = [1], strides = [1]} : vector<16xi32> to vector<1xi32>
      %squeeze3A_964 = vector.extract %slice3A_963[0] : i32 from vector<1xi32>
      %and3A_965 = arith.constant 7 : i32
      %and3A_966 = arith.andi %squeeze3A_964, %and3A_965 : i32
      %add3A_967 = arith.constant 192 : i32
      %add3A_968 = arith.addi %add3A_967, %and3A_966 : i32
      %get3A_969 = arith.index_cast %add3A_968 : i32 to index
      %get3A_970 = arith.constant 0 : index
      %get3A_971 = tpu.vector_load %arg11[%get3A_969, %get3A_970] {strides = array<i32>} : memref<256x16xf32, #tpu.memory_space<vmem>>, vector<1x16xf32>,
      %get3A_972 = vector.shape_cast %get3A_971 : vector<1x16xf32> to vector<16xf32>
      %swap3A_973 = arith.constant 24 : i32
      %swap3A_974 = arith.index_cast %swap3A_973 : i32 to index
      %swap3A_975 = arith.constant 0 : index
      %swap3A_976 = tpu.vector_load %arg12[%swap3A_974, %swap3A_975] {strides = array<i32>} : memref<32x16xf32, #tpu.memory_space<vmem>>, vector<1x16xf32>,
      %swap3A_977 = vector.shape_cast %swap3A_976 : vector<1x16xf32> to vector<16xf32>
      %swap3A_978 = vector.shape_cast %get3A_972 : vector<16xf32> to vector<1x16xf32>
      tpu.vector_store %arg12[%swap3A_974, %swap3A_975], %swap3A_978 {strides = array<i32>} : memref<32x16xf32, #tpu.memory_space<vmem>>, vector<1x16xf32>,
      %slice3A_979 = vector.extract_strided_slice %get3A_37 {offsets = [9], sizes = [1], strides = [1]} : vector<16xi32> to vector<1xi32>
      %squeeze3A_980 = vector.extract %slice3A_979[0] : i32 from vector<1xi32>
      %and3A_981 = arith.constant 7 : i32
      %and3A_982 = arith.andi %squeeze3A_980, %and3A_981 : i32
      %add3A_983 = arith.constant 200 : i32
      %add3A_984 = arith.addi %add3A_983, %and3A_982 : i32
      %get3A_985 = arith.index_cast %add3A_984 : i32 to index
      %get3A_986 = arith.constant 0 : index
      %get3A_987 = tpu.vector_load %arg11[%get3A_985, %get3A_986] {strides = array<i32>} : memref<256x16xf32, #tpu.memory_space<vmem>>, vector<1x16xf32>,
      %get3A_988 = vector.shape_cast %get3A_987 : vector<1x16xf32> to vector<16xf32>
      %swap3A_989 = arith.constant 25 : i32
      %swap3A_990 = arith.index_cast %swap3A_989 : i32 to index
      %swap3A_991 = arith.constant 0 : index
      %swap3A_992 = tpu.vector_load %arg12[%swap3A_990, %swap3A_991] {strides = array<i32>} : memref<32x16xf32, #tpu.memory_space<vmem>>, vector<1x16xf32>,
      %swap3A_993 = vector.shape_cast %swap3A_992 : vector<1x16xf32> to vector<16xf32>
      %swap3A_994 = vector.shape_cast %get3A_988 : vector<16xf32> to vector<1x16xf32>
      tpu.vector_store %arg12[%swap3A_990, %swap3A_991], %swap3A_994 {strides = array<i32>} : memref<32x16xf32, #tpu.memory_space<vmem>>, vector<1x16xf32>,
      %slice3A_995 = vector.extract_strided_slice %get3A_37 {offsets = [10], sizes = [1], strides = [1]} : vector<16xi32> to vector<1xi32>
      %squeeze3A_996 = vector.extract %slice3A_995[0] : i32 from vector<1xi32>
      %and3A_997 = arith.constant 7 : i32
      %and3A_998 = arith.andi %squeeze3A_996, %and3A_997 : i32
      %add3A_999 = arith.constant 208 : i32
      %add3A_1000 = arith.addi %add3A_999, %and3A_998 : i32
      %get3A_1001 = arith.index_cast %add3A_1000 : i32 to index
      %get3A_1002 = arith.constant 0 : index
      %get3A_1003 = tpu.vector_load %arg11[%get3A_1001, %get3A_1002] {strides = array<i32>} : memref<256x16xf32, #tpu.memory_space<vmem>>, vector<1x16xf32>,
      %get3A_1004 = vector.shape_cast %get3A_1003 : vector<1x16xf32> to vector<16xf32>
      %swap3A_1005 = arith.constant 26 : i32
      %swap3A_1006 = arith.index_cast %swap3A_1005 : i32 to index
      %swap3A_1007 = arith.constant 0 : index
      %swap3A_1008 = tpu.vector_load %arg12[%swap3A_1006, %swap3A_1007] {strides = array<i32>} : memref<32x16xf32, #tpu.memory_space<vmem>>, vector<1x16xf32>,
      %swap3A_1009 = vector.shape_cast %swap3A_1008 : vector<1x16xf32> to vector<16xf32>
      %swap3A_1010 = vector.shape_cast %get3A_1004 : vector<16xf32> to vector<1x16xf32>
      tpu.vector_store %arg12[%swap3A_1006, %swap3A_1007], %swap3A_1010 {strides = array<i32>} : memref<32x16xf32, #tpu.memory_space<vmem>>, vector<1x16xf32>,
      %slice3A_1011 = vector.extract_strided_slice %get3A_37 {offsets = [11], sizes = [1], strides = [1]} : vector<16xi32> to vector<1xi32>
      %squeeze3A_1012 = vector.extract %slice3A_1011[0] : i32 from vector<1xi32>
      %and3A_1013 = arith.constant 7 : i32
      %and3A_1014 = arith.andi %squeeze3A_1012, %and3A_1013 : i32
      %add3A_1015 = arith.constant 216 : i32
      %add3A_1016 = arith.addi %add3A_1015, %and3A_1014 : i32
      %get3A_1017 = arith.index_cast %add3A_1016 : i32 to index
      %get3A_1018 = arith.constant 0 : index
      %get3A_1019 = tpu.vector_load %arg11[%get3A_1017, %get3A_1018] {strides = array<i32>} : memref<256x16xf32, #tpu.memory_space<vmem>>, vector<1x16xf32>,
      %get3A_1020 = vector.shape_cast %get3A_1019 : vector<1x16xf32> to vector<16xf32>
      %swap3A_1021 = arith.constant 27 : i32
      %swap3A_1022 = arith.index_cast %swap3A_1021 : i32 to index
      %swap3A_1023 = arith.constant 0 : index
      %swap3A_1024 = tpu.vector_load %arg12[%swap3A_1022, %swap3A_1023] {strides = array<i32>} : memref<32x16xf32, #tpu.memory_space<vmem>>, vector<1x16xf32>,
      %swap3A_1025 = vector.shape_cast %swap3A_1024 : vector<1x16xf32> to vector<16xf32>
      %swap3A_1026 = vector.shape_cast %get3A_1020 : vector<16xf32> to vector<1x16xf32>
      tpu.vector_store %arg12[%swap3A_1022, %swap3A_1023], %swap3A_1026 {strides = array<i32>} : memref<32x16xf32, #tpu.memory_space<vmem>>, vector<1x16xf32>,
      %slice3A_1027 = vector.extract_strided_slice %get3A_37 {offsets = [12], sizes = [1], strides = [1]} : vector<16xi32> to vector<1xi32>
      %squeeze3A_1028 = vector.extract %slice3A_1027[0] : i32 from vector<1xi32>
      %and3A_1029 = arith.constant 7 : i32
      %and3A_1030 = arith.andi %squeeze3A_1028, %and3A_1029 : i32
      %add3A_1031 = arith.constant 224 : i32
      %add3A_1032 = arith.addi %add3A_1031, %and3A_1030 : i32
      %get3A_1033 = arith.index_cast %add3A_1032 : i32 to index
      %get3A_1034 = arith.constant 0 : index
      %get3A_1035 = tpu.vector_load %arg11[%get3A_1033, %get3A_1034] {strides = array<i32>} : memref<256x16xf32, #tpu.memory_space<vmem>>, vector<1x16xf32>,
      %get3A_1036 = vector.shape_cast %get3A_1035 : vector<1x16xf32> to vector<16xf32>
      %swap3A_1037 = arith.constant 28 : i32
      %swap3A_1038 = arith.index_cast %swap3A_1037 : i32 to index
      %swap3A_1039 = arith.constant 0 : index
      %swap3A_1040 = tpu.vector_load %arg12[%swap3A_1038, %swap3A_1039] {strides = array<i32>} : memref<32x16xf32, #tpu.memory_space<vmem>>, vector<1x16xf32>,
      %swap3A_1041 = vector.shape_cast %swap3A_1040 : vector<1x16xf32> to vector<16xf32>
      %swap3A_1042 = vector.shape_cast %get3A_1036 : vector<16xf32> to vector<1x16xf32>
      tpu.vector_store %arg12[%swap3A_1038, %swap3A_1039], %swap3A_1042 {strides = array<i32>} : memref<32x16xf32, #tpu.memory_space<vmem>>, vector<1x16xf32>,
      %slice3A_1043 = vector.extract_strided_slice %get3A_37 {offsets = [13], sizes = [1], strides = [1]} : vector<16xi32> to vector<1xi32>
      %squeeze3A_1044 = vector.extract %slice3A_1043[0] : i32 from vector<1xi32>
      %and3A_1045 = arith.constant 7 : i32
      %and3A_1046 = arith.andi %squeeze3A_1044, %and3A_1045 : i32
      %add3A_1047 = arith.constant 232 : i32
      %add3A_1048 = arith.addi %add3A_1047, %and3A_1046 : i32
      %get3A_1049 = arith.index_cast %add3A_1048 : i32 to index
      %get3A_1050 = arith.constant 0 : index
      %get3A_1051 = tpu.vector_load %arg11[%get3A_1049, %get3A_1050] {strides = array<i32>} : memref<256x16xf32, #tpu.memory_space<vmem>>, vector<1x16xf32>,
      %get3A_1052 = vector.shape_cast %get3A_1051 : vector<1x16xf32> to vector<16xf32>
      %swap3A_1053 = arith.constant 29 : i32
      %swap3A_1054 = arith.index_cast %swap3A_1053 : i32 to index
      %swap3A_1055 = arith.constant 0 : index
      %swap3A_1056 = tpu.vector_load %arg12[%swap3A_1054, %swap3A_1055] {strides = array<i32>} : memref<32x16xf32, #tpu.memory_space<vmem>>, vector<1x16xf32>,
      %swap3A_1057 = vector.shape_cast %swap3A_1056 : vector<1x16xf32> to vector<16xf32>
      %swap3A_1058 = vector.shape_cast %get3A_1052 : vector<16xf32> to vector<1x16xf32>
      tpu.vector_store %arg12[%swap3A_1054, %swap3A_1055], %swap3A_1058 {strides = array<i32>} : memref<32x16xf32, #tpu.memory_space<vmem>>, vector<1x16xf32>,
      %slice3A_1059 = vector.extract_strided_slice %get3A_37 {offsets = [14], sizes = [1], strides = [1]} : vector<16xi32> to vector<1xi32>
      %squeeze3A_1060 = vector.extract %slice3A_1059[0] : i32 from vector<1xi32>
      %and3A_1061 = arith.constant 7 : i32
      %and3A_1062 = arith.andi %squeeze3A_1060, %and3A_1061 : i32
      %add3A_1063 = arith.constant 240 : i32
      %add3A_1064 = arith.addi %add3A_1063, %and3A_1062 : i32
      %get3A_1065 = arith.index_cast %add3A_1064 : i32 to index
      %get3A_1066 = arith.constant 0 : index
      %get3A_1067 = tpu.vector_load %arg11[%get3A_1065, %get3A_1066] {strides = array<i32>} : memref<256x16xf32, #tpu.memory_space<vmem>>, vector<1x16xf32>,
      %get3A_1068 = vector.shape_cast %get3A_1067 : vector<1x16xf32> to vector<16xf32>
      %swap3A_1069 = arith.constant 30 : i32
      %swap3A_1070 = arith.index_cast %swap3A_1069 : i32 to index
      %swap3A_1071 = arith.constant 0 : index
      %swap3A_1072 = tpu.vector_load %arg12[%swap3A_1070, %swap3A_1071] {strides = array<i32>} : memref<32x16xf32, #tpu.memory_space<vmem>>, vector<1x16xf32>,
      %swap3A_1073 = vector.shape_cast %swap3A_1072 : vector<1x16xf32> to vector<16xf32>
      %swap3A_1074 = vector.shape_cast %get3A_1068 : vector<16xf32> to vector<1x16xf32>
      tpu.vector_store %arg12[%swap3A_1070, %swap3A_1071], %swap3A_1074 {strides = array<i32>} : memref<32x16xf32, #tpu.memory_space<vmem>>, vector<1x16xf32>,
      %slice3A_1075 = vector.extract_strided_slice %get3A_37 {offsets = [15], sizes = [1], strides = [1]} : vector<16xi32> to vector<1xi32>
      %squeeze3A_1076 = vector.extract %slice3A_1075[0] : i32 from vector<1xi32>
      %and3A_1077 = arith.constant 7 : i32
      %and3A_1078 = arith.andi %squeeze3A_1076, %and3A_1077 : i32
      %add3A_1079 = arith.constant 248 : i32
      %add3A_1080 = arith.addi %add3A_1079, %and3A_1078 : i32
      %get3A_1081 = arith.index_cast %add3A_1080 : i32 to index
      %get3A_1082 = arith.constant 0 : index
      %get3A_1083 = tpu.vector_load %arg11[%get3A_1081, %get3A_1082] {strides = array<i32>} : memref<256x16xf32, #tpu.memory_space<vmem>>, vector<1x16xf32>,
      %get3A_1084 = vector.shape_cast %get3A_1083 : vector<1x16xf32> to vector<16xf32>
      %swap3A_1085 = arith.constant 31 : i32
      %swap3A_1086 = arith.index_cast %swap3A_1085 : i32 to index
      %swap3A_1087 = arith.constant 0 : index
      %swap3A_1088 = tpu.vector_load %arg12[%swap3A_1086, %swap3A_1087] {strides = array<i32>} : memref<32x16xf32, #tpu.memory_space<vmem>>, vector<1x16xf32>,
      %swap3A_1089 = vector.shape_cast %swap3A_1088 : vector<1x16xf32> to vector<16xf32>
      %swap3A_1090 = vector.shape_cast %get3A_1084 : vector<16xf32> to vector<1x16xf32>
      tpu.vector_store %arg12[%swap3A_1086, %swap3A_1087], %swap3A_1090 {strides = array<i32>} : memref<32x16xf32, #tpu.memory_space<vmem>>, vector<1x16xf32>,
      %mul3A_1091 = arith.constant 32 : i32
      %mul3A_1092 = arith.muli %scan3A_23, %mul3A_1091 : i32
      %add3A_1093 = arith.addi %mul3A_2, %mul3A_1092 : i32
      "tpu.region"() ({
        %run_scoped3A = tpu.sem_alloc : memref<!tpu.dma_semaphore, #tpu.memory_space<semaphore_mem>>
        %dma_start3A_1095 = arith.constant 0 : i32
        %dma_start3A_1096 = tpu.memref_slice %arg7[%add3A_1093, %dma_start3A_1095] : memref<16384x16xf32, #tpu.memory_space<hbm>> -> memref<32x16xf32, #tpu.memory_space<hbm>>
        %dma_start3A_1097 = arith.constant 0 : i32
        %dma_start3A_1098 = tpu.memref_slice %arg7[%add3A_1093, %dma_start3A_1097] : memref<16384x16xf32, #tpu.memory_space<hbm>> -> memref<32x16xf32, #tpu.memory_space<hbm>>
        tpu.enqueue_dma source(%arg12 : memref<32x16xf32, #tpu.memory_space<vmem>>) target(%dma_start3A_1098 : memref<32x16xf32, #tpu.memory_space<hbm>>) target_semaphore(%run_scoped3A : memref<!tpu.dma_semaphore, #tpu.memory_space<semaphore_mem>>)
        %dma_wait3A_1099 = arith.constant 0 : i32
        %dma_wait3A_1100 = tpu.memref_slice %arg7[%add3A_1093, %dma_wait3A_1099] : memref<16384x16xf32, #tpu.memory_space<hbm>> -> memref<32x16xf32, #tpu.memory_space<hbm>>
        %dma_wait3A_1101 = arith.constant 0 : i32
        %dma_wait3A_1102 = tpu.memref_slice %arg7[%add3A_1093, %dma_wait3A_1101] : memref<16384x16xf32, #tpu.memory_space<hbm>> -> memref<32x16xf32, #tpu.memory_space<hbm>>
        tpu.wait_dma2 semaphore(%run_scoped3A : memref<!tpu.dma_semaphore, #tpu.memory_space<semaphore_mem>>) src(%arg12 : memref<32x16xf32, #tpu.memory_space<vmem>>) dst(%dma_wait3A_1102 : memref<32x16xf32, #tpu.memory_space<hbm>>)
        tpu.yield
      }) : () -> ()
      %scan3A_1094 = arith.constant 0 : i32
      scf.yield %scan3A_1094 : i32
    }
    %scan3A_15 = arith.constant 16 : i32
    %scan3A_16 = arith.constant 0 : i32
    %scan3A_17 = arith.constant 0 : i32
    %scan3A_18 = arith.constant 16 : i32
    %scan3A_19 = arith.addi %scan3A_17, %scan3A_18 : i32
    %scan3A_20 = arith.constant 1 : i32
    %scan3A_21 = scf.for %scan3A_23 = %scan3A_17 to %scan3A_19 step %scan3A_20 iter_args(%scan3A_24 = %scan3A_16) -> (i32)  : i32 {
      %mul3A_25 = arith.constant 32 : i32
      %mul3A_26 = arith.muli %scan3A_23, %mul3A_25 : i32
      %add3A_27 = arith.constant 0 : i32
      %add3A_28 = arith.addi %mul3A_26, %add3A_27 : i32
      %get3A = arith.index_cast %add3A_28 : i32 to index
      %get3A_29 = tpu.vector_load %arg10[%get3A] {strides = array<i32>} : memref<512xi32, #tpu.memory_space<vmem>>, vector<16xi32>,
      %get3A_30 = vector.shape_cast %get3A_29 : vector<16xi32> to vector<16xi32>
      %mul3A_31 = arith.constant 32 : i32
      %mul3A_32 = arith.muli %scan3A_23, %mul3A_31 : i32
      %add3A_33 = arith.constant 16 : i32
      %add3A_34 = arith.addi %mul3A_32, %add3A_33 : i32
      %get3A_35 = arith.index_cast %add3A_34 : i32 to index
      %get3A_36 = tpu.vector_load %arg10[%get3A_35] {strides = array<i32>} : memref<512xi32, #tpu.memory_space<vmem>>, vector<16xi32>,
      %get3A_37 = vector.shape_cast %get3A_36 : vector<16xi32> to vector<16xi32>
      %slice3A = vector.extract_strided_slice %get3A_30 {offsets = [0], sizes = [1], strides = [1]} : vector<16xi32> to vector<1xi32>
      %squeeze3A = vector.extract %slice3A[0] : i32 from vector<1xi32>
      %shift_right_logical3A = arith.constant 3 : i32
      %shift_right_logical3A_38 = arith.shrui %squeeze3A, %shift_right_logical3A : i32
      %shift_left3A = arith.constant 3 : i32
      %shift_left3A_39 = arith.shli %shift_right_logical3A_38, %shift_left3A : i32
      %multiple_of3A = tpu.assume_multiple %shift_left3A_39, 8 : i32
      %dma_start3A = arith.constant 0 : i32
      %dma_start3A_40 = arith.constant 0 : i32
      %dma_start3A_41 = tpu.memref_slice %arg11[%dma_start3A, %dma_start3A_40] : memref<256x16xf32, #tpu.memory_space<vmem>> -> memref<8x16xf32, #tpu.memory_space<vmem>>
      %dma_start3A_42 = arith.constant 0 : i32
      %dma_start3A_43 = tpu.memref_slice %arg5[%multiple_of3A, %dma_start3A_42] : memref<1000000x16xf32, #tpu.memory_space<hbm>> -> memref<8x16xf32, #tpu.memory_space<hbm>>
      %dma_start3A_44 = arith.constant 0 : i32
      %dma_start3A_45 = arith.constant 0 : i32
      %dma_start3A_46 = tpu.memref_slice %arg11[%dma_start3A_44, %dma_start3A_45] : memref<256x16xf32, #tpu.memory_space<vmem>> -> memref<8x16xf32, #tpu.memory_space<vmem>>
      %dma_start3A_47 = arith.constant 0 : i32
      %dma_start3A_48 = tpu.memref_slice %arg5[%multiple_of3A, %dma_start3A_47] : memref<1000000x16xf32, #tpu.memory_space<hbm>> -> memref<8x16xf32, #tpu.memory_space<hbm>>
      tpu.enqueue_dma source(%dma_start3A_48 : memref<8x16xf32, #tpu.memory_space<hbm>>) target(%dma_start3A_46 : memref<8x16xf32, #tpu.memory_space<vmem>>) target_semaphore(%arg13 : memref<!tpu.dma_semaphore, #tpu.memory_space<semaphore_mem>>)
      %slice3A_49 = vector.extract_strided_slice %get3A_30 {offsets = [1], sizes = [1], strides = [1]} : vector<16xi32> to vector<1xi32>
      %squeeze3A_50 = vector.extract %slice3A_49[0] : i32 from vector<1xi32>
      %shift_right_logical3A_51 = arith.constant 3 : i32
      %shift_right_logical3A_52 = arith.shrui %squeeze3A_50, %shift_right_logical3A_51 : i32
      %shift_left3A_53 = arith.constant 3 : i32
      %shift_left3A_54 = arith.shli %shift_right_logical3A_52, %shift_left3A_53 : i32
      %multiple_of3A_55 = tpu.assume_multiple %shift_left3A_54, 8 : i32
      %dma_start3A_56 = arith.constant 8 : i32
      %dma_start3A_57 = arith.constant 0 : i32
      %dma_start3A_58 = tpu.memref_slice %arg11[%dma_start3A_56, %dma_start3A_57] : memref<256x16xf32, #tpu.memory_space<vmem>> -> memref<8x16xf32, #tpu.memory_space<vmem>>
      %dma_start3A_59 = arith.constant 0 : i32
      %dma_start3A_60 = tpu.memref_slice %arg5[%multiple_of3A_55, %dma_start3A_59] : memref<1000000x16xf32, #tpu.memory_space<hbm>> -> memref<8x16xf32, #tpu.memory_space<hbm>>
      %dma_start3A_61 = arith.constant 8 : i32
      %dma_start3A_62 = arith.constant 0 : i32
      %dma_start3A_63 = tpu.memref_slice %arg11[%dma_start3A_61, %dma_start3A_62] : memref<256x16xf32, #tpu.memory_space<vmem>> -> memref<8x16xf32, #tpu.memory_space<vmem>>
      %dma_start3A_64 = arith.constant 0 : i32
      %dma_start3A_65 = tpu.memref_slice %arg5[%multiple_of3A_55, %dma_start3A_64] : memref<1000000x16xf32, #tpu.memory_space<hbm>> -> memref<8x16xf32, #tpu.memory_space<hbm>>
      tpu.enqueue_dma source(%dma_start3A_65 : memref<8x16xf32, #tpu.memory_space<hbm>>) target(%dma_start3A_63 : memref<8x16xf32, #tpu.memory_space<vmem>>) target_semaphore(%arg13 : memref<!tpu.dma_semaphore, #tpu.memory_space<semaphore_mem>>)
      %slice3A_66 = vector.extract_strided_slice %get3A_30 {offsets = [2], sizes = [1], strides = [1]} : vector<16xi32> to vector<1xi32>
      %squeeze3A_67 = vector.extract %slice3A_66[0] : i32 from vector<1xi32>
      %shift_right_logical3A_68 = arith.constant 3 : i32
      %shift_right_logical3A_69 = arith.shrui %squeeze3A_67, %shift_right_logical3A_68 : i32
      %shift_left3A_70 = arith.constant 3 : i32
      %shift_left3A_71 = arith.shli %shift_right_logical3A_69, %shift_left3A_70 : i32
      %multiple_of3A_72 = tpu.assume_multiple %shift_left3A_71, 8 : i32
      %dma_start3A_73 = arith.constant 16 : i32
      %dma_start3A_74 = arith.constant 0 : i32
      %dma_start3A_75 = tpu.memref_slice %arg11[%dma_start3A_73, %dma_start3A_74] : memref<256x16xf32, #tpu.memory_space<vmem>> -> memref<8x16xf32, #tpu.memory_space<vmem>>
      %dma_start3A_76 = arith.constant 0 : i32
      %dma_start3A_77 = tpu.memref_slice %arg5[%multiple_of3A_72, %dma_start3A_76] : memref<1000000x16xf32, #tpu.memory_space<hbm>> -> memref<8x16xf32, #tpu.memory_space<hbm>>
      %dma_start3A_78 = arith.constant 16 : i32
      %dma_start3A_79 = arith.constant 0 : i32
      %dma_start3A_80 = tpu.memref_slice %arg11[%dma_start3A_78, %dma_start3A_79] : memref<256x16xf32, #tpu.memory_space<vmem>> -> memref<8x16xf32, #tpu.memory_space<vmem>>
      %dma_start3A_81 = arith.constant 0 : i32
      %dma_start3A_82 = tpu.memref_slice %arg5[%multiple_of3A_72, %dma_start3A_81] : memref<1000000x16xf32, #tpu.memory_space<hbm>> -> memref<8x16xf32, #tpu.memory_space<hbm>>
      tpu.enqueue_dma source(%dma_start3A_82 : memref<8x16xf32, #tpu.memory_space<hbm>>) target(%dma_start3A_80 : memref<8x16xf32, #tpu.memory_space<vmem>>) target_semaphore(%arg13 : memref<!tpu.dma_semaphore, #tpu.memory_space<semaphore_mem>>)
      %slice3A_83 = vector.extract_strided_slice %get3A_30 {offsets = [3], sizes = [1], strides = [1]} : vector<16xi32> to vector<1xi32>
      %squeeze3A_84 = vector.extract %slice3A_83[0] : i32 from vector<1xi32>
      %shift_right_logical3A_85 = arith.constant 3 : i32
      %shift_right_logical3A_86 = arith.shrui %squeeze3A_84, %shift_right_logical3A_85 : i32
      %shift_left3A_87 = arith.constant 3 : i32
      %shift_left3A_88 = arith.shli %shift_right_logical3A_86, %shift_left3A_87 : i32
      %multiple_of3A_89 = tpu.assume_multiple %shift_left3A_88, 8 : i32
      %dma_start3A_90 = arith.constant 24 : i32
      %dma_start3A_91 = arith.constant 0 : i32
      %dma_start3A_92 = tpu.memref_slice %arg11[%dma_start3A_90, %dma_start3A_91] : memref<256x16xf32, #tpu.memory_space<vmem>> -> memref<8x16xf32, #tpu.memory_space<vmem>>
      %dma_start3A_93 = arith.constant 0 : i32
      %dma_start3A_94 = tpu.memref_slice %arg5[%multiple_of3A_89, %dma_start3A_93] : memref<1000000x16xf32, #tpu.memory_space<hbm>> -> memref<8x16xf32, #tpu.memory_space<hbm>>
      %dma_start3A_95 = arith.constant 24 : i32
      %dma_start3A_96 = arith.constant 0 : i32
      %dma_start3A_97 = tpu.memref_slice %arg11[%dma_start3A_95, %dma_start3A_96] : memref<256x16xf32, #tpu.memory_space<vmem>> -> memref<8x16xf32, #tpu.memory_space<vmem>>
      %dma_start3A_98 = arith.constant 0 : i32
      %dma_start3A_99 = tpu.memref_slice %arg5[%multiple_of3A_89, %dma_start3A_98] : memref<1000000x16xf32, #tpu.memory_space<hbm>> -> memref<8x16xf32, #tpu.memory_space<hbm>>
      tpu.enqueue_dma source(%dma_start3A_99 : memref<8x16xf32, #tpu.memory_space<hbm>>) target(%dma_start3A_97 : memref<8x16xf32, #tpu.memory_space<vmem>>) target_semaphore(%arg13 : memref<!tpu.dma_semaphore, #tpu.memory_space<semaphore_mem>>)
      %slice3A_100 = vector.extract_strided_slice %get3A_30 {offsets = [4], sizes = [1], strides = [1]} : vector<16xi32> to vector<1xi32>
      %squeeze3A_101 = vector.extract %slice3A_100[0] : i32 from vector<1xi32>
      %shift_right_logical3A_102 = arith.constant 3 : i32
      %shift_right_logical3A_103 = arith.shrui %squeeze3A_101, %shift_right_logical3A_102 : i32
      %shift_left3A_104 = arith.constant 3 : i32
      %shift_left3A_105 = arith.shli %shift_right_logical3A_103, %shift_left3A_104 : i32
      %multiple_of3A_106 = tpu.assume_multiple %shift_left3A_105, 8 : i32
      %dma_start3A_107 = arith.constant 32 : i32
      %dma_start3A_108 = arith.constant 0 : i32
      %dma_start3A_109 = tpu.memref_slice %arg11[%dma_start3A_107, %dma_start3A_108] : memref<256x16xf32, #tpu.memory_space<vmem>> -> memref<8x16xf32, #tpu.memory_space<vmem>>
      %dma_start3A_110 = arith.constant 0 : i32
      %dma_start3A_111 = tpu.memref_slice %arg5[%multiple_of3A_106, %dma_start3A_110] : memref<1000000x16xf32, #tpu.memory_space<hbm>> -> memref<8x16xf32, #tpu.memory_space<hbm>>
      %dma_start3A_112 = arith.constant 32 : i32
      %dma_start3A_113 = arith.constant 0 : i32
      %dma_start3A_114 = tpu.memref_slice %arg11[%dma_start3A_112, %dma_start3A_113] : memref<256x16xf32, #tpu.memory_space<vmem>> -> memref<8x16xf32, #tpu.memory_space<vmem>>
      %dma_start3A_115 = arith.constant 0 : i32
      %dma_start3A_116 = tpu.memref_slice %arg5[%multiple_of3A_106, %dma_start3A_115] : memref<1000000x16xf32, #tpu.memory_space<hbm>> -> memref<8x16xf32, #tpu.memory_space<hbm>>
      tpu.enqueue_dma source(%dma_start3A_116 : memref<8x16xf32, #tpu.memory_space<hbm>>) target(%dma_start3A_114 : memref<8x16xf32, #tpu.memory_space<vmem>>) target_semaphore(%arg13 : memref<!tpu.dma_semaphore, #tpu.memory_space<semaphore_mem>>)
      %slice3A_117 = vector.extract_strided_slice %get3A_30 {offsets = [5], sizes = [1], strides = [1]} : vector<16xi32> to vector<1xi32>
      %squeeze3A_118 = vector.extract %slice3A_117[0] : i32 from vector<1xi32>
      %shift_right_logical3A_119 = arith.constant 3 : i32
      %shift_right_logical3A_120 = arith.shrui %squeeze3A_118, %shift_right_logical3A_119 : i32
      %shift_left3A_121 = arith.constant 3 : i32
      %shift_left3A_122 = arith.shli %shift_right_logical3A_120, %shift_left3A_121 : i32
      %multiple_of3A_123 = tpu.assume_multiple %shift_left3A_122, 8 : i32
      %dma_start3A_124 = arith.constant 40 : i32
      %dma_start3A_125 = arith.constant 0 : i32
      %dma_start3A_126 = tpu.memref_slice %arg11[%dma_start3A_124, %dma_start3A_125] : memref<256x16xf32, #tpu.memory_space<vmem>> -> memref<8x16xf32, #tpu.memory_space<vmem>>
      %dma_start3A_127 = arith.constant 0 : i32
      %dma_start3A_128 = tpu.memref_slice %arg5[%multiple_of3A_123, %dma_start3A_127] : memref<1000000x16xf32, #tpu.memory_space<hbm>> -> memref<8x16xf32, #tpu.memory_space<hbm>>
      %dma_start3A_129 = arith.constant 40 : i32
      %dma_start3A_130 = arith.constant 0 : i32
      %dma_start3A_131 = tpu.memref_slice %arg11[%dma_start3A_129, %dma_start3A_130] : memref<256x16xf32, #tpu.memory_space<vmem>> -> memref<8x16xf32, #tpu.memory_space<vmem>>
      %dma_start3A_132 = arith.constant 0 : i32
      %dma_start3A_133 = tpu.memref_slice %arg5[%multiple_of3A_123, %dma_start3A_132] : memref<1000000x16xf32, #tpu.memory_space<hbm>> -> memref<8x16xf32, #tpu.memory_space<hbm>>
      tpu.enqueue_dma source(%dma_start3A_133 : memref<8x16xf32, #tpu.memory_space<hbm>>) target(%dma_start3A_131 : memref<8x16xf32, #tpu.memory_space<vmem>>) target_semaphore(%arg13 : memref<!tpu.dma_semaphore, #tpu.memory_space<semaphore_mem>>)
      %slice3A_134 = vector.extract_strided_slice %get3A_30 {offsets = [6], sizes = [1], strides = [1]} : vector<16xi32> to vector<1xi32>
      %squeeze3A_135 = vector.extract %slice3A_134[0] : i32 from vector<1xi32>
      %shift_right_logical3A_136 = arith.constant 3 : i32
      %shift_right_logical3A_137 = arith.shrui %squeeze3A_135, %shift_right_logical3A_136 : i32
      %shift_left3A_138 = arith.constant 3 : i32
      %shift_left3A_139 = arith.shli %shift_right_logical3A_137, %shift_left3A_138 : i32
      %multiple_of3A_140 = tpu.assume_multiple %shift_left3A_139, 8 : i32
      %dma_start3A_141 = arith.constant 48 : i32
      %dma_start3A_142 = arith.constant 0 : i32
      %dma_start3A_143 = tpu.memref_slice %arg11[%dma_start3A_141, %dma_start3A_142] : memref<256x16xf32, #tpu.memory_space<vmem>> -> memref<8x16xf32, #tpu.memory_space<vmem>>
      %dma_start3A_144 = arith.constant 0 : i32
      %dma_start3A_145 = tpu.memref_slice %arg5[%multiple_of3A_140, %dma_start3A_144] : memref<1000000x16xf32, #tpu.memory_space<hbm>> -> memref<8x16xf32, #tpu.memory_space<hbm>>
      %dma_start3A_146 = arith.constant 48 : i32
      %dma_start3A_147 = arith.constant 0 : i32
      %dma_start3A_148 = tpu.memref_slice %arg11[%dma_start3A_146, %dma_start3A_147] : memref<256x16xf32, #tpu.memory_space<vmem>> -> memref<8x16xf32, #tpu.memory_space<vmem>>
      %dma_start3A_149 = arith.constant 0 : i32
      %dma_start3A_150 = tpu.memref_slice %arg5[%multiple_of3A_140, %dma_start3A_149] : memref<1000000x16xf32, #tpu.memory_space<hbm>> -> memref<8x16xf32, #tpu.memory_space<hbm>>
      tpu.enqueue_dma source(%dma_start3A_150 : memref<8x16xf32, #tpu.memory_space<hbm>>) target(%dma_start3A_148 : memref<8x16xf32, #tpu.memory_space<vmem>>) target_semaphore(%arg13 : memref<!tpu.dma_semaphore, #tpu.memory_space<semaphore_mem>>)
      %slice3A_151 = vector.extract_strided_slice %get3A_30 {offsets = [7], sizes = [1], strides = [1]} : vector<16xi32> to vector<1xi32>
      %squeeze3A_152 = vector.extract %slice3A_151[0] : i32 from vector<1xi32>
      %shift_right_logical3A_153 = arith.constant 3 : i32
      %shift_right_logical3A_154 = arith.shrui %squeeze3A_152, %shift_right_logical3A_153 : i32
      %shift_left3A_155 = arith.constant 3 : i32
      %shift_left3A_156 = arith.shli %shift_right_logical3A_154, %shift_left3A_155 : i32
      %multiple_of3A_157 = tpu.assume_multiple %shift_left3A_156, 8 : i32
      %dma_start3A_158 = arith.constant 56 : i32
      %dma_start3A_159 = arith.constant 0 : i32
      %dma_start3A_160 = tpu.memref_slice %arg11[%dma_start3A_158, %dma_start3A_159] : memref<256x16xf32, #tpu.memory_space<vmem>> -> memref<8x16xf32, #tpu.memory_space<vmem>>
      %dma_start3A_161 = arith.constant 0 : i32
      %dma_start3A_162 = tpu.memref_slice %arg5[%multiple_of3A_157, %dma_start3A_161] : memref<1000000x16xf32, #tpu.memory_space<hbm>> -> memref<8x16xf32, #tpu.memory_space<hbm>>
      %dma_start3A_163 = arith.constant 56 : i32
      %dma_start3A_164 = arith.constant 0 : i32
      %dma_start3A_165 = tpu.memref_slice %arg11[%dma_start3A_163, %dma_start3A_164] : memref<256x16xf32, #tpu.memory_space<vmem>> -> memref<8x16xf32, #tpu.memory_space<vmem>>
      %dma_start3A_166 = arith.constant 0 : i32
      %dma_start3A_167 = tpu.memref_slice %arg5[%multiple_of3A_157, %dma_start3A_166] : memref<1000000x16xf32, #tpu.memory_space<hbm>> -> memref<8x16xf32, #tpu.memory_space<hbm>>
      tpu.enqueue_dma source(%dma_start3A_167 : memref<8x16xf32, #tpu.memory_space<hbm>>) target(%dma_start3A_165 : memref<8x16xf32, #tpu.memory_space<vmem>>) target_semaphore(%arg13 : memref<!tpu.dma_semaphore, #tpu.memory_space<semaphore_mem>>)
      %slice3A_168 = vector.extract_strided_slice %get3A_30 {offsets = [8], sizes = [1], strides = [1]} : vector<16xi32> to vector<1xi32>
      %squeeze3A_169 = vector.extract %slice3A_168[0] : i32 from vector<1xi32>
      %shift_right_logical3A_170 = arith.constant 3 : i32
      %shift_right_logical3A_171 = arith.shrui %squeeze3A_169, %shift_right_logical3A_170 : i32
      %shift_left3A_172 = arith.constant 3 : i32
      %shift_left3A_173 = arith.shli %shift_right_logical3A_171, %shift_left3A_172 : i32
      %multiple_of3A_174 = tpu.assume_multiple %shift_left3A_173, 8 : i32
      %dma_start3A_175 = arith.constant 64 : i32
      %dma_start3A_176 = arith.constant 0 : i32
      %dma_start3A_177 = tpu.memref_slice %arg11[%dma_start3A_175, %dma_start3A_176] : memref<256x16xf32, #tpu.memory_space<vmem>> -> memref<8x16xf32, #tpu.memory_space<vmem>>
      %dma_start3A_178 = arith.constant 0 : i32
      %dma_start3A_179 = tpu.memref_slice %arg5[%multiple_of3A_174, %dma_start3A_178] : memref<1000000x16xf32, #tpu.memory_space<hbm>> -> memref<8x16xf32, #tpu.memory_space<hbm>>
      %dma_start3A_180 = arith.constant 64 : i32
      %dma_start3A_181 = arith.constant 0 : i32
      %dma_start3A_182 = tpu.memref_slice %arg11[%dma_start3A_180, %dma_start3A_181] : memref<256x16xf32, #tpu.memory_space<vmem>> -> memref<8x16xf32, #tpu.memory_space<vmem>>
      %dma_start3A_183 = arith.constant 0 : i32
      %dma_start3A_184 = tpu.memref_slice %arg5[%multiple_of3A_174, %dma_start3A_183] : memref<1000000x16xf32, #tpu.memory_space<hbm>> -> memref<8x16xf32, #tpu.memory_space<hbm>>
      tpu.enqueue_dma source(%dma_start3A_184 : memref<8x16xf32, #tpu.memory_space<hbm>>) target(%dma_start3A_182 : memref<8x16xf32, #tpu.memory_space<vmem>>) target_semaphore(%arg13 : memref<!tpu.dma_semaphore, #tpu.memory_space<semaphore_mem>>)
      %slice3A_185 = vector.extract_strided_slice %get3A_30 {offsets = [9], sizes = [1], strides = [1]} : vector<16xi32> to vector<1xi32>
      %squeeze3A_186 = vector.extract %slice3A_185[0] : i32 from vector<1xi32>
      %shift_right_logical3A_187 = arith.constant 3 : i32
      %shift_right_logical3A_188 = arith.shrui %squeeze3A_186, %shift_right_logical3A_187 : i32
      %shift_left3A_189 = arith.constant 3 : i32
      %shift_left3A_190 = arith.shli %shift_right_logical3A_188, %shift_left3A_189 : i32
      %multiple_of3A_191 = tpu.assume_multiple %shift_left3A_190, 8 : i32
      %dma_start3A_192 = arith.constant 72 : i32
      %dma_start3A_193 = arith.constant 0 : i32
      %dma_start3A_194 = tpu.memref_slice %arg11[%dma_start3A_192, %dma_start3A_193] : memref<256x16xf32, #tpu.memory_space<vmem>> -> memref<8x16xf32, #tpu.memory_space<vmem>>
      %dma_start3A_195 = arith.constant 0 : i32
      %dma_start3A_196 = tpu.memref_slice %arg5[%multiple_of3A_191, %dma_start3A_195] : memref<1000000x16xf32, #tpu.memory_space<hbm>> -> memref<8x16xf32, #tpu.memory_space<hbm>>
      %dma_start3A_197 = arith.constant 72 : i32
      %dma_start3A_198 = arith.constant 0 : i32
      %dma_start3A_199 = tpu.memref_slice %arg11[%dma_start3A_197, %dma_start3A_198] : memref<256x16xf32, #tpu.memory_space<vmem>> -> memref<8x16xf32, #tpu.memory_space<vmem>>
      %dma_start3A_200 = arith.constant 0 : i32
      %dma_start3A_201 = tpu.memref_slice %arg5[%multiple_of3A_191, %dma_start3A_200] : memref<1000000x16xf32, #tpu.memory_space<hbm>> -> memref<8x16xf32, #tpu.memory_space<hbm>>
      tpu.enqueue_dma source(%dma_start3A_201 : memref<8x16xf32, #tpu.memory_space<hbm>>) target(%dma_start3A_199 : memref<8x16xf32, #tpu.memory_space<vmem>>) target_semaphore(%arg13 : memref<!tpu.dma_semaphore, #tpu.memory_space<semaphore_mem>>)
      %slice3A_202 = vector.extract_strided_slice %get3A_30 {offsets = [10], sizes = [1], strides = [1]} : vector<16xi32> to vector<1xi32>
      %squeeze3A_203 = vector.extract %slice3A_202[0] : i32 from vector<1xi32>
      %shift_right_logical3A_204 = arith.constant 3 : i32
      %shift_right_logical3A_205 = arith.shrui %squeeze3A_203, %shift_right_logical3A_204 : i32
      %shift_left3A_206 = arith.constant 3 : i32
      %shift_left3A_207 = arith.shli %shift_right_logical3A_205, %shift_left3A_206 : i32
      %multiple_of3A_208 = tpu.assume_multiple %shift_left3A_207, 8 : i32
      %dma_start3A_209 = arith.constant 80 : i32
      %dma_start3A_210 = arith.constant 0 : i32
      %dma_start3A_211 = tpu.memref_slice %arg11[%dma_start3A_209, %dma_start3A_210] : memref<256x16xf32, #tpu.memory_space<vmem>> -> memref<8x16xf32, #tpu.memory_space<vmem>>
      %dma_start3A_212 = arith.constant 0 : i32
      %dma_start3A_213 = tpu.memref_slice %arg5[%multiple_of3A_208, %dma_start3A_212] : memref<1000000x16xf32, #tpu.memory_space<hbm>> -> memref<8x16xf32, #tpu.memory_space<hbm>>
      %dma_start3A_214 = arith.constant 80 : i32
      %dma_start3A_215 = arith.constant 0 : i32
      %dma_start3A_216 = tpu.memref_slice %arg11[%dma_start3A_214, %dma_start3A_215] : memref<256x16xf32, #tpu.memory_space<vmem>> -> memref<8x16xf32, #tpu.memory_space<vmem>>
      %dma_start3A_217 = arith.constant 0 : i32
      %dma_start3A_218 = tpu.memref_slice %arg5[%multiple_of3A_208, %dma_start3A_217] : memref<1000000x16xf32, #tpu.memory_space<hbm>> -> memref<8x16xf32, #tpu.memory_space<hbm>>
      tpu.enqueue_dma source(%dma_start3A_218 : memref<8x16xf32, #tpu.memory_space<hbm>>) target(%dma_start3A_216 : memref<8x16xf32, #tpu.memory_space<vmem>>) target_semaphore(%arg13 : memref<!tpu.dma_semaphore, #tpu.memory_space<semaphore_mem>>)
      %slice3A_219 = vector.extract_strided_slice %get3A_30 {offsets = [11], sizes = [1], strides = [1]} : vector<16xi32> to vector<1xi32>
      %squeeze3A_220 = vector.extract %slice3A_219[0] : i32 from vector<1xi32>
      %shift_right_logical3A_221 = arith.constant 3 : i32
      %shift_right_logical3A_222 = arith.shrui %squeeze3A_220, %shift_right_logical3A_221 : i32
      %shift_left3A_223 = arith.constant 3 : i32
      %shift_left3A_224 = arith.shli %shift_right_logical3A_222, %shift_left3A_223 : i32
      %multiple_of3A_225 = tpu.assume_multiple %shift_left3A_224, 8 : i32
      %dma_start3A_226 = arith.constant 88 : i32
      %dma_start3A_227 = arith.constant 0 : i32
      %dma_start3A_228 = tpu.memref_slice %arg11[%dma_start3A_226, %dma_start3A_227] : memref<256x16xf32, #tpu.memory_space<vmem>> -> memref<8x16xf32, #tpu.memory_space<vmem>>
      %dma_start3A_229 = arith.constant 0 : i32
      %dma_start3A_230 = tpu.memref_slice %arg5[%multiple_of3A_225, %dma_start3A_229] : memref<1000000x16xf32, #tpu.memory_space<hbm>> -> memref<8x16xf32, #tpu.memory_space<hbm>>
      %dma_start3A_231 = arith.constant 88 : i32
      %dma_start3A_232 = arith.constant 0 : i32
      %dma_start3A_233 = tpu.memref_slice %arg11[%dma_start3A_231, %dma_start3A_232] : memref<256x16xf32, #tpu.memory_space<vmem>> -> memref<8x16xf32, #tpu.memory_space<vmem>>
      %dma_start3A_234 = arith.constant 0 : i32
      %dma_start3A_235 = tpu.memref_slice %arg5[%multiple_of3A_225, %dma_start3A_234] : memref<1000000x16xf32, #tpu.memory_space<hbm>> -> memref<8x16xf32, #tpu.memory_space<hbm>>
      tpu.enqueue_dma source(%dma_start3A_235 : memref<8x16xf32, #tpu.memory_space<hbm>>) target(%dma_start3A_233 : memref<8x16xf32, #tpu.memory_space<vmem>>) target_semaphore(%arg13 : memref<!tpu.dma_semaphore, #tpu.memory_space<semaphore_mem>>)
      %slice3A_236 = vector.extract_strided_slice %get3A_30 {offsets = [12], sizes = [1], strides = [1]} : vector<16xi32> to vector<1xi32>
      %squeeze3A_237 = vector.extract %slice3A_236[0] : i32 from vector<1xi32>
      %shift_right_logical3A_238 = arith.constant 3 : i32
      %shift_right_logical3A_239 = arith.shrui %squeeze3A_237, %shift_right_logical3A_238 : i32
      %shift_left3A_240 = arith.constant 3 : i32
      %shift_left3A_241 = arith.shli %shift_right_logical3A_239, %shift_left3A_240 : i32
      %multiple_of3A_242 = tpu.assume_multiple %shift_left3A_241, 8 : i32
      %dma_start3A_243 = arith.constant 96 : i32
      %dma_start3A_244 = arith.constant 0 : i32
      %dma_start3A_245 = tpu.memref_slice %arg11[%dma_start3A_243, %dma_start3A_244] : memref<256x16xf32, #tpu.memory_space<vmem>> -> memref<8x16xf32, #tpu.memory_space<vmem>>
      %dma_start3A_246 = arith.constant 0 : i32
      %dma_start3A_247 = tpu.memref_slice %arg5[%multiple_of3A_242, %dma_start3A_246] : memref<1000000x16xf32, #tpu.memory_space<hbm>> -> memref<8x16xf32, #tpu.memory_space<hbm>>
      %dma_start3A_248 = arith.constant 96 : i32
      %dma_start3A_249 = arith.constant 0 : i32
      %dma_start3A_250 = tpu.memref_slice %arg11[%dma_start3A_248, %dma_start3A_249] : memref<256x16xf32, #tpu.memory_space<vmem>> -> memref<8x16xf32, #tpu.memory_space<vmem>>
      %dma_start3A_251 = arith.constant 0 : i32
      %dma_start3A_252 = tpu.memref_slice %arg5[%multiple_of3A_242, %dma_start3A_251] : memref<1000000x16xf32, #tpu.memory_space<hbm>> -> memref<8x16xf32, #tpu.memory_space<hbm>>
      tpu.enqueue_dma source(%dma_start3A_252 : memref<8x16xf32, #tpu.memory_space<hbm>>) target(%dma_start3A_250 : memref<8x16xf32, #tpu.memory_space<vmem>>) target_semaphore(%arg13 : memref<!tpu.dma_semaphore, #tpu.memory_space<semaphore_mem>>)
      %slice3A_253 = vector.extract_strided_slice %get3A_30 {offsets = [13], sizes = [1], strides = [1]} : vector<16xi32> to vector<1xi32>
      %squeeze3A_254 = vector.extract %slice3A_253[0] : i32 from vector<1xi32>
      %shift_right_logical3A_255 = arith.constant 3 : i32
      %shift_right_logical3A_256 = arith.shrui %squeeze3A_254, %shift_right_logical3A_255 : i32
      %shift_left3A_257 = arith.constant 3 : i32
      %shift_left3A_258 = arith.shli %shift_right_logical3A_256, %shift_left3A_257 : i32
      %multiple_of3A_259 = tpu.assume_multiple %shift_left3A_258, 8 : i32
      %dma_start3A_260 = arith.constant 104 : i32
      %dma_start3A_261 = arith.constant 0 : i32
      %dma_start3A_262 = tpu.memref_slice %arg11[%dma_start3A_260, %dma_start3A_261] : memref<256x16xf32, #tpu.memory_space<vmem>> -> memref<8x16xf32, #tpu.memory_space<vmem>>
      %dma_start3A_263 = arith.constant 0 : i32
      %dma_start3A_264 = tpu.memref_slice %arg5[%multiple_of3A_259, %dma_start3A_263] : memref<1000000x16xf32, #tpu.memory_space<hbm>> -> memref<8x16xf32, #tpu.memory_space<hbm>>
      %dma_start3A_265 = arith.constant 104 : i32
      %dma_start3A_266 = arith.constant 0 : i32
      %dma_start3A_267 = tpu.memref_slice %arg11[%dma_start3A_265, %dma_start3A_266] : memref<256x16xf32, #tpu.memory_space<vmem>> -> memref<8x16xf32, #tpu.memory_space<vmem>>
      %dma_start3A_268 = arith.constant 0 : i32
      %dma_start3A_269 = tpu.memref_slice %arg5[%multiple_of3A_259, %dma_start3A_268] : memref<1000000x16xf32, #tpu.memory_space<hbm>> -> memref<8x16xf32, #tpu.memory_space<hbm>>
      tpu.enqueue_dma source(%dma_start3A_269 : memref<8x16xf32, #tpu.memory_space<hbm>>) target(%dma_start3A_267 : memref<8x16xf32, #tpu.memory_space<vmem>>) target_semaphore(%arg13 : memref<!tpu.dma_semaphore, #tpu.memory_space<semaphore_mem>>)
      %slice3A_270 = vector.extract_strided_slice %get3A_30 {offsets = [14], sizes = [1], strides = [1]} : vector<16xi32> to vector<1xi32>
      %squeeze3A_271 = vector.extract %slice3A_270[0] : i32 from vector<1xi32>
      %shift_right_logical3A_272 = arith.constant 3 : i32
      %shift_right_logical3A_273 = arith.shrui %squeeze3A_271, %shift_right_logical3A_272 : i32
      %shift_left3A_274 = arith.constant 3 : i32
      %shift_left3A_275 = arith.shli %shift_right_logical3A_273, %shift_left3A_274 : i32
      %multiple_of3A_276 = tpu.assume_multiple %shift_left3A_275, 8 : i32
      %dma_start3A_277 = arith.constant 112 : i32
      %dma_start3A_278 = arith.constant 0 : i32
      %dma_start3A_279 = tpu.memref_slice %arg11[%dma_start3A_277, %dma_start3A_278] : memref<256x16xf32, #tpu.memory_space<vmem>> -> memref<8x16xf32, #tpu.memory_space<vmem>>
      %dma_start3A_280 = arith.constant 0 : i32
      %dma_start3A_281 = tpu.memref_slice %arg5[%multiple_of3A_276, %dma_start3A_280] : memref<1000000x16xf32, #tpu.memory_space<hbm>> -> memref<8x16xf32, #tpu.memory_space<hbm>>
      %dma_start3A_282 = arith.constant 112 : i32
      %dma_start3A_283 = arith.constant 0 : i32
      %dma_start3A_284 = tpu.memref_slice %arg11[%dma_start3A_282, %dma_start3A_283] : memref<256x16xf32, #tpu.memory_space<vmem>> -> memref<8x16xf32, #tpu.memory_space<vmem>>
      %dma_start3A_285 = arith.constant 0 : i32
      %dma_start3A_286 = tpu.memref_slice %arg5[%multiple_of3A_276, %dma_start3A_285] : memref<1000000x16xf32, #tpu.memory_space<hbm>> -> memref<8x16xf32, #tpu.memory_space<hbm>>
      tpu.enqueue_dma source(%dma_start3A_286 : memref<8x16xf32, #tpu.memory_space<hbm>>) target(%dma_start3A_284 : memref<8x16xf32, #tpu.memory_space<vmem>>) target_semaphore(%arg13 : memref<!tpu.dma_semaphore, #tpu.memory_space<semaphore_mem>>)
      %slice3A_287 = vector.extract_strided_slice %get3A_30 {offsets = [15], sizes = [1], strides = [1]} : vector<16xi32> to vector<1xi32>
      %squeeze3A_288 = vector.extract %slice3A_287[0] : i32 from vector<1xi32>
      %shift_right_logical3A_289 = arith.constant 3 : i32
      %shift_right_logical3A_290 = arith.shrui %squeeze3A_288, %shift_right_logical3A_289 : i32
      %shift_left3A_291 = arith.constant 3 : i32
      %shift_left3A_292 = arith.shli %shift_right_logical3A_290, %shift_left3A_291 : i32
      %multiple_of3A_293 = tpu.assume_multiple %shift_left3A_292, 8 : i32
      %dma_start3A_294 = arith.constant 120 : i32
      %dma_start3A_295 = arith.constant 0 : i32
      %dma_start3A_296 = tpu.memref_slice %arg11[%dma_start3A_294, %dma_start3A_295] : memref<256x16xf32, #tpu.memory_space<vmem>> -> memref<8x16xf32, #tpu.memory_space<vmem>>
      %dma_start3A_297 = arith.constant 0 : i32
      %dma_start3A_298 = tpu.memref_slice %arg5[%multiple_of3A_293, %dma_start3A_297] : memref<1000000x16xf32, #tpu.memory_space<hbm>> -> memref<8x16xf32, #tpu.memory_space<hbm>>
      %dma_start3A_299 = arith.constant 120 : i32
      %dma_start3A_300 = arith.constant 0 : i32
      %dma_start3A_301 = tpu.memref_slice %arg11[%dma_start3A_299, %dma_start3A_300] : memref<256x16xf32, #tpu.memory_space<vmem>> -> memref<8x16xf32, #tpu.memory_space<vmem>>
      %dma_start3A_302 = arith.constant 0 : i32
      %dma_start3A_303 = tpu.memref_slice %arg5[%multiple_of3A_293, %dma_start3A_302] : memref<1000000x16xf32, #tpu.memory_space<hbm>> -> memref<8x16xf32, #tpu.memory_space<hbm>>
      tpu.enqueue_dma source(%dma_start3A_303 : memref<8x16xf32, #tpu.memory_space<hbm>>) target(%dma_start3A_301 : memref<8x16xf32, #tpu.memory_space<vmem>>) target_semaphore(%arg13 : memref<!tpu.dma_semaphore, #tpu.memory_space<semaphore_mem>>)
      %slice3A_304 = vector.extract_strided_slice %get3A_37 {offsets = [0], sizes = [1], strides = [1]} : vector<16xi32> to vector<1xi32>
      %squeeze3A_305 = vector.extract %slice3A_304[0] : i32 from vector<1xi32>
      %shift_right_logical3A_306 = arith.constant 3 : i32
      %shift_right_logical3A_307 = arith.shrui %squeeze3A_305, %shift_right_logical3A_306 : i32
      %shift_left3A_308 = arith.constant 3 : i32
      %shift_left3A_309 = arith.shli %shift_right_logical3A_307, %shift_left3A_308 : i32
      %multiple_of3A_310 = tpu.assume_multiple %shift_left3A_309, 8 : i32
      %dma_start3A_311 = arith.constant 128 : i32
      %dma_start3A_312 = arith.constant 0 : i32
      %dma_start3A_313 = tpu.memref_slice %arg11[%dma_start3A_311, %dma_start3A_312] : memref<256x16xf32, #tpu.memory_space<vmem>> -> memref<8x16xf32, #tpu.memory_space<vmem>>
      %dma_start3A_314 = arith.constant 0 : i32
      %dma_start3A_315 = tpu.memref_slice %arg5[%multiple_of3A_310, %dma_start3A_314] : memref<1000000x16xf32, #tpu.memory_space<hbm>> -> memref<8x16xf32, #tpu.memory_space<hbm>>
      %dma_start3A_316 = arith.constant 128 : i32
      %dma_start3A_317 = arith.constant 0 : i32
      %dma_start3A_318 = tpu.memref_slice %arg11[%dma_start3A_316, %dma_start3A_317] : memref<256x16xf32, #tpu.memory_space<vmem>> -> memref<8x16xf32, #tpu.memory_space<vmem>>
      %dma_start3A_319 = arith.constant 0 : i32
      %dma_start3A_320 = tpu.memref_slice %arg5[%multiple_of3A_310, %dma_start3A_319] : memref<1000000x16xf32, #tpu.memory_space<hbm>> -> memref<8x16xf32, #tpu.memory_space<hbm>>
      tpu.enqueue_dma source(%dma_start3A_320 : memref<8x16xf32, #tpu.memory_space<hbm>>) target(%dma_start3A_318 : memref<8x16xf32, #tpu.memory_space<vmem>>) target_semaphore(%arg13 : memref<!tpu.dma_semaphore, #tpu.memory_space<semaphore_mem>>)
      %slice3A_321 = vector.extract_strided_slice %get3A_37 {offsets = [1], sizes = [1], strides = [1]} : vector<16xi32> to vector<1xi32>
      %squeeze3A_322 = vector.extract %slice3A_321[0] : i32 from vector<1xi32>
      %shift_right_logical3A_323 = arith.constant 3 : i32
      %shift_right_logical3A_324 = arith.shrui %squeeze3A_322, %shift_right_logical3A_323 : i32
      %shift_left3A_325 = arith.constant 3 : i32
      %shift_left3A_326 = arith.shli %shift_right_logical3A_324, %shift_left3A_325 : i32
      %multiple_of3A_327 = tpu.assume_multiple %shift_left3A_326, 8 : i32
      %dma_start3A_328 = arith.constant 136 : i32
      %dma_start3A_329 = arith.constant 0 : i32
      %dma_start3A_330 = tpu.memref_slice %arg11[%dma_start3A_328, %dma_start3A_329] : memref<256x16xf32, #tpu.memory_space<vmem>> -> memref<8x16xf32, #tpu.memory_space<vmem>>
      %dma_start3A_331 = arith.constant 0 : i32
      %dma_start3A_332 = tpu.memref_slice %arg5[%multiple_of3A_327, %dma_start3A_331] : memref<1000000x16xf32, #tpu.memory_space<hbm>> -> memref<8x16xf32, #tpu.memory_space<hbm>>
      %dma_start3A_333 = arith.constant 136 : i32
      %dma_start3A_334 = arith.constant 0 : i32
      %dma_start3A_335 = tpu.memref_slice %arg11[%dma_start3A_333, %dma_start3A_334] : memref<256x16xf32, #tpu.memory_space<vmem>> -> memref<8x16xf32, #tpu.memory_space<vmem>>
      %dma_start3A_336 = arith.constant 0 : i32
      %dma_start3A_337 = tpu.memref_slice %arg5[%multiple_of3A_327, %dma_start3A_336] : memref<1000000x16xf32, #tpu.memory_space<hbm>> -> memref<8x16xf32, #tpu.memory_space<hbm>>
      tpu.enqueue_dma source(%dma_start3A_337 : memref<8x16xf32, #tpu.memory_space<hbm>>) target(%dma_start3A_335 : memref<8x16xf32, #tpu.memory_space<vmem>>) target_semaphore(%arg13 : memref<!tpu.dma_semaphore, #tpu.memory_space<semaphore_mem>>)
      %slice3A_338 = vector.extract_strided_slice %get3A_37 {offsets = [2], sizes = [1], strides = [1]} : vector<16xi32> to vector<1xi32>
      %squeeze3A_339 = vector.extract %slice3A_338[0] : i32 from vector<1xi32>
      %shift_right_logical3A_340 = arith.constant 3 : i32
      %shift_right_logical3A_341 = arith.shrui %squeeze3A_339, %shift_right_logical3A_340 : i32
      %shift_left3A_342 = arith.constant 3 : i32
      %shift_left3A_343 = arith.shli %shift_right_logical3A_341, %shift_left3A_342 : i32
      %multiple_of3A_344 = tpu.assume_multiple %shift_left3A_343, 8 : i32
      %dma_start3A_345 = arith.constant 144 : i32
      %dma_start3A_346 = arith.constant 0 : i32
      %dma_start3A_347 = tpu.memref_slice %arg11[%dma_start3A_345, %dma_start3A_346] : memref<256x16xf32, #tpu.memory_space<vmem>> -> memref<8x16xf32, #tpu.memory_space<vmem>>
      %dma_start3A_348 = arith.constant 0 : i32
      %dma_start3A_349 = tpu.memref_slice %arg5[%multiple_of3A_344, %dma_start3A_348] : memref<1000000x16xf32, #tpu.memory_space<hbm>> -> memref<8x16xf32, #tpu.memory_space<hbm>>
      %dma_start3A_350 = arith.constant 144 : i32
      %dma_start3A_351 = arith.constant 0 : i32
      %dma_start3A_352 = tpu.memref_slice %arg11[%dma_start3A_350, %dma_start3A_351] : memref<256x16xf32, #tpu.memory_space<vmem>> -> memref<8x16xf32, #tpu.memory_space<vmem>>
      %dma_start3A_353 = arith.constant 0 : i32
      %dma_start3A_354 = tpu.memref_slice %arg5[%multiple_of3A_344, %dma_start3A_353] : memref<1000000x16xf32, #tpu.memory_space<hbm>> -> memref<8x16xf32, #tpu.memory_space<hbm>>
      tpu.enqueue_dma source(%dma_start3A_354 : memref<8x16xf32, #tpu.memory_space<hbm>>) target(%dma_start3A_352 : memref<8x16xf32, #tpu.memory_space<vmem>>) target_semaphore(%arg13 : memref<!tpu.dma_semaphore, #tpu.memory_space<semaphore_mem>>)
      %slice3A_355 = vector.extract_strided_slice %get3A_37 {offsets = [3], sizes = [1], strides = [1]} : vector<16xi32> to vector<1xi32>
      %squeeze3A_356 = vector.extract %slice3A_355[0] : i32 from vector<1xi32>
      %shift_right_logical3A_357 = arith.constant 3 : i32
      %shift_right_logical3A_358 = arith.shrui %squeeze3A_356, %shift_right_logical3A_357 : i32
      %shift_left3A_359 = arith.constant 3 : i32
      %shift_left3A_360 = arith.shli %shift_right_logical3A_358, %shift_left3A_359 : i32
      %multiple_of3A_361 = tpu.assume_multiple %shift_left3A_360, 8 : i32
      %dma_start3A_362 = arith.constant 152 : i32
      %dma_start3A_363 = arith.constant 0 : i32
      %dma_start3A_364 = tpu.memref_slice %arg11[%dma_start3A_362, %dma_start3A_363] : memref<256x16xf32, #tpu.memory_space<vmem>> -> memref<8x16xf32, #tpu.memory_space<vmem>>
      %dma_start3A_365 = arith.constant 0 : i32
      %dma_start3A_366 = tpu.memref_slice %arg5[%multiple_of3A_361, %dma_start3A_365] : memref<1000000x16xf32, #tpu.memory_space<hbm>> -> memref<8x16xf32, #tpu.memory_space<hbm>>
      %dma_start3A_367 = arith.constant 152 : i32
      %dma_start3A_368 = arith.constant 0 : i32
      %dma_start3A_369 = tpu.memref_slice %arg11[%dma_start3A_367, %dma_start3A_368] : memref<256x16xf32, #tpu.memory_space<vmem>> -> memref<8x16xf32, #tpu.memory_space<vmem>>
      %dma_start3A_370 = arith.constant 0 : i32
      %dma_start3A_371 = tpu.memref_slice %arg5[%multiple_of3A_361, %dma_start3A_370] : memref<1000000x16xf32, #tpu.memory_space<hbm>> -> memref<8x16xf32, #tpu.memory_space<hbm>>
      tpu.enqueue_dma source(%dma_start3A_371 : memref<8x16xf32, #tpu.memory_space<hbm>>) target(%dma_start3A_369 : memref<8x16xf32, #tpu.memory_space<vmem>>) target_semaphore(%arg13 : memref<!tpu.dma_semaphore, #tpu.memory_space<semaphore_mem>>)
      %slice3A_372 = vector.extract_strided_slice %get3A_37 {offsets = [4], sizes = [1], strides = [1]} : vector<16xi32> to vector<1xi32>
      %squeeze3A_373 = vector.extract %slice3A_372[0] : i32 from vector<1xi32>
      %shift_right_logical3A_374 = arith.constant 3 : i32
      %shift_right_logical3A_375 = arith.shrui %squeeze3A_373, %shift_right_logical3A_374 : i32
      %shift_left3A_376 = arith.constant 3 : i32
      %shift_left3A_377 = arith.shli %shift_right_logical3A_375, %shift_left3A_376 : i32
      %multiple_of3A_378 = tpu.assume_multiple %shift_left3A_377, 8 : i32
      %dma_start3A_379 = arith.constant 160 : i32
      %dma_start3A_380 = arith.constant 0 : i32
      %dma_start3A_381 = tpu.memref_slice %arg11[%dma_start3A_379, %dma_start3A_380] : memref<256x16xf32, #tpu.memory_space<vmem>> -> memref<8x16xf32, #tpu.memory_space<vmem>>
      %dma_start3A_382 = arith.constant 0 : i32
      %dma_start3A_383 = tpu.memref_slice %arg5[%multiple_of3A_378, %dma_start3A_382] : memref<1000000x16xf32, #tpu.memory_space<hbm>> -> memref<8x16xf32, #tpu.memory_space<hbm>>
      %dma_start3A_384 = arith.constant 160 : i32
      %dma_start3A_385 = arith.constant 0 : i32
      %dma_start3A_386 = tpu.memref_slice %arg11[%dma_start3A_384, %dma_start3A_385] : memref<256x16xf32, #tpu.memory_space<vmem>> -> memref<8x16xf32, #tpu.memory_space<vmem>>
      %dma_start3A_387 = arith.constant 0 : i32
      %dma_start3A_388 = tpu.memref_slice %arg5[%multiple_of3A_378, %dma_start3A_387] : memref<1000000x16xf32, #tpu.memory_space<hbm>> -> memref<8x16xf32, #tpu.memory_space<hbm>>
      tpu.enqueue_dma source(%dma_start3A_388 : memref<8x16xf32, #tpu.memory_space<hbm>>) target(%dma_start3A_386 : memref<8x16xf32, #tpu.memory_space<vmem>>) target_semaphore(%arg13 : memref<!tpu.dma_semaphore, #tpu.memory_space<semaphore_mem>>)
      %slice3A_389 = vector.extract_strided_slice %get3A_37 {offsets = [5], sizes = [1], strides = [1]} : vector<16xi32> to vector<1xi32>
      %squeeze3A_390 = vector.extract %slice3A_389[0] : i32 from vector<1xi32>
      %shift_right_logical3A_391 = arith.constant 3 : i32
      %shift_right_logical3A_392 = arith.shrui %squeeze3A_390, %shift_right_logical3A_391 : i32
      %shift_left3A_393 = arith.constant 3 : i32
      %shift_left3A_394 = arith.shli %shift_right_logical3A_392, %shift_left3A_393 : i32
      %multiple_of3A_395 = tpu.assume_multiple %shift_left3A_394, 8 : i32
      %dma_start3A_396 = arith.constant 168 : i32
      %dma_start3A_397 = arith.constant 0 : i32
      %dma_start3A_398 = tpu.memref_slice %arg11[%dma_start3A_396, %dma_start3A_397] : memref<256x16xf32, #tpu.memory_space<vmem>> -> memref<8x16xf32, #tpu.memory_space<vmem>>
      %dma_start3A_399 = arith.constant 0 : i32
      %dma_start3A_400 = tpu.memref_slice %arg5[%multiple_of3A_395, %dma_start3A_399] : memref<1000000x16xf32, #tpu.memory_space<hbm>> -> memref<8x16xf32, #tpu.memory_space<hbm>>
      %dma_start3A_401 = arith.constant 168 : i32
      %dma_start3A_402 = arith.constant 0 : i32
      %dma_start3A_403 = tpu.memref_slice %arg11[%dma_start3A_401, %dma_start3A_402] : memref<256x16xf32, #tpu.memory_space<vmem>> -> memref<8x16xf32, #tpu.memory_space<vmem>>
      %dma_start3A_404 = arith.constant 0 : i32
      %dma_start3A_405 = tpu.memref_slice %arg5[%multiple_of3A_395, %dma_start3A_404] : memref<1000000x16xf32, #tpu.memory_space<hbm>> -> memref<8x16xf32, #tpu.memory_space<hbm>>
      tpu.enqueue_dma source(%dma_start3A_405 : memref<8x16xf32, #tpu.memory_space<hbm>>) target(%dma_start3A_403 : memref<8x16xf32, #tpu.memory_space<vmem>>) target_semaphore(%arg13 : memref<!tpu.dma_semaphore, #tpu.memory_space<semaphore_mem>>)
      %slice3A_406 = vector.extract_strided_slice %get3A_37 {offsets = [6], sizes = [1], strides = [1]} : vector<16xi32> to vector<1xi32>
      %squeeze3A_407 = vector.extract %slice3A_406[0] : i32 from vector<1xi32>
      %shift_right_logical3A_408 = arith.constant 3 : i32
      %shift_right_logical3A_409 = arith.shrui %squeeze3A_407, %shift_right_logical3A_408 : i32
      %shift_left3A_410 = arith.constant 3 : i32
      %shift_left3A_411 = arith.shli %shift_right_logical3A_409, %shift_left3A_410 : i32
      %multiple_of3A_412 = tpu.assume_multiple %shift_left3A_411, 8 : i32
      %dma_start3A_413 = arith.constant 176 : i32
      %dma_start3A_414 = arith.constant 0 : i32
      %dma_start3A_415 = tpu.memref_slice %arg11[%dma_start3A_413, %dma_start3A_414] : memref<256x16xf32, #tpu.memory_space<vmem>> -> memref<8x16xf32, #tpu.memory_space<vmem>>
      %dma_start3A_416 = arith.constant 0 : i32
      %dma_start3A_417 = tpu.memref_slice %arg5[%multiple_of3A_412, %dma_start3A_416] : memref<1000000x16xf32, #tpu.memory_space<hbm>> -> memref<8x16xf32, #tpu.memory_space<hbm>>
      %dma_start3A_418 = arith.constant 176 : i32
      %dma_start3A_419 = arith.constant 0 : i32
      %dma_start3A_420 = tpu.memref_slice %arg11[%dma_start3A_418, %dma_start3A_419] : memref<256x16xf32, #tpu.memory_space<vmem>> -> memref<8x16xf32, #tpu.memory_space<vmem>>
      %dma_start3A_421 = arith.constant 0 : i32
      %dma_start3A_422 = tpu.memref_slice %arg5[%multiple_of3A_412, %dma_start3A_421] : memref<1000000x16xf32, #tpu.memory_space<hbm>> -> memref<8x16xf32, #tpu.memory_space<hbm>>
      tpu.enqueue_dma source(%dma_start3A_422 : memref<8x16xf32, #tpu.memory_space<hbm>>) target(%dma_start3A_420 : memref<8x16xf32, #tpu.memory_space<vmem>>) target_semaphore(%arg13 : memref<!tpu.dma_semaphore, #tpu.memory_space<semaphore_mem>>)
      %slice3A_423 = vector.extract_strided_slice %get3A_37 {offsets = [7], sizes = [1], strides = [1]} : vector<16xi32> to vector<1xi32>
      %squeeze3A_424 = vector.extract %slice3A_423[0] : i32 from vector<1xi32>
      %shift_right_logical3A_425 = arith.constant 3 : i32
      %shift_right_logical3A_426 = arith.shrui %squeeze3A_424, %shift_right_logical3A_425 : i32
      %shift_left3A_427 = arith.constant 3 : i32
      %shift_left3A_428 = arith.shli %shift_right_logical3A_426, %shift_left3A_427 : i32
      %multiple_of3A_429 = tpu.assume_multiple %shift_left3A_428, 8 : i32
      %dma_start3A_430 = arith.constant 184 : i32
      %dma_start3A_431 = arith.constant 0 : i32
      %dma_start3A_432 = tpu.memref_slice %arg11[%dma_start3A_430, %dma_start3A_431] : memref<256x16xf32, #tpu.memory_space<vmem>> -> memref<8x16xf32, #tpu.memory_space<vmem>>
      %dma_start3A_433 = arith.constant 0 : i32
      %dma_start3A_434 = tpu.memref_slice %arg5[%multiple_of3A_429, %dma_start3A_433] : memref<1000000x16xf32, #tpu.memory_space<hbm>> -> memref<8x16xf32, #tpu.memory_space<hbm>>
      %dma_start3A_435 = arith.constant 184 : i32
      %dma_start3A_436 = arith.constant 0 : i32
      %dma_start3A_437 = tpu.memref_slice %arg11[%dma_start3A_435, %dma_start3A_436] : memref<256x16xf32, #tpu.memory_space<vmem>> -> memref<8x16xf32, #tpu.memory_space<vmem>>
      %dma_start3A_438 = arith.constant 0 : i32
      %dma_start3A_439 = tpu.memref_slice %arg5[%multiple_of3A_429, %dma_start3A_438] : memref<1000000x16xf32, #tpu.memory_space<hbm>> -> memref<8x16xf32, #tpu.memory_space<hbm>>
      tpu.enqueue_dma source(%dma_start3A_439 : memref<8x16xf32, #tpu.memory_space<hbm>>) target(%dma_start3A_437 : memref<8x16xf32, #tpu.memory_space<vmem>>) target_semaphore(%arg13 : memref<!tpu.dma_semaphore, #tpu.memory_space<semaphore_mem>>)
      %slice3A_440 = vector.extract_strided_slice %get3A_37 {offsets = [8], sizes = [1], strides = [1]} : vector<16xi32> to vector<1xi32>
      %squeeze3A_441 = vector.extract %slice3A_440[0] : i32 from vector<1xi32>
      %shift_right_logical3A_442 = arith.constant 3 : i32
      %shift_right_logical3A_443 = arith.shrui %squeeze3A_441, %shift_right_logical3A_442 : i32
      %shift_left3A_444 = arith.constant 3 : i32
      %shift_left3A_445 = arith.shli %shift_right_logical3A_443, %shift_left3A_444 : i32
      %multiple_of3A_446 = tpu.assume_multiple %shift_left3A_445, 8 : i32
      %dma_start3A_447 = arith.constant 192 : i32
      %dma_start3A_448 = arith.constant 0 : i32
      %dma_start3A_449 = tpu.memref_slice %arg11[%dma_start3A_447, %dma_start3A_448] : memref<256x16xf32, #tpu.memory_space<vmem>> -> memref<8x16xf32, #tpu.memory_space<vmem>>
      %dma_start3A_450 = arith.constant 0 : i32
      %dma_start3A_451 = tpu.memref_slice %arg5[%multiple_of3A_446, %dma_start3A_450] : memref<1000000x16xf32, #tpu.memory_space<hbm>> -> memref<8x16xf32, #tpu.memory_space<hbm>>
      %dma_start3A_452 = arith.constant 192 : i32
      %dma_start3A_453 = arith.constant 0 : i32
      %dma_start3A_454 = tpu.memref_slice %arg11[%dma_start3A_452, %dma_start3A_453] : memref<256x16xf32, #tpu.memory_space<vmem>> -> memref<8x16xf32, #tpu.memory_space<vmem>>
      %dma_start3A_455 = arith.constant 0 : i32
      %dma_start3A_456 = tpu.memref_slice %arg5[%multiple_of3A_446, %dma_start3A_455] : memref<1000000x16xf32, #tpu.memory_space<hbm>> -> memref<8x16xf32, #tpu.memory_space<hbm>>
      tpu.enqueue_dma source(%dma_start3A_456 : memref<8x16xf32, #tpu.memory_space<hbm>>) target(%dma_start3A_454 : memref<8x16xf32, #tpu.memory_space<vmem>>) target_semaphore(%arg13 : memref<!tpu.dma_semaphore, #tpu.memory_space<semaphore_mem>>)
      %slice3A_457 = vector.extract_strided_slice %get3A_37 {offsets = [9], sizes = [1], strides = [1]} : vector<16xi32> to vector<1xi32>
      %squeeze3A_458 = vector.extract %slice3A_457[0] : i32 from vector<1xi32>
      %shift_right_logical3A_459 = arith.constant 3 : i32
      %shift_right_logical3A_460 = arith.shrui %squeeze3A_458, %shift_right_logical3A_459 : i32
      %shift_left3A_461 = arith.constant 3 : i32
      %shift_left3A_462 = arith.shli %shift_right_logical3A_460, %shift_left3A_461 : i32
      %multiple_of3A_463 = tpu.assume_multiple %shift_left3A_462, 8 : i32
      %dma_start3A_464 = arith.constant 200 : i32
      %dma_start3A_465 = arith.constant 0 : i32
      %dma_start3A_466 = tpu.memref_slice %arg11[%dma_start3A_464, %dma_start3A_465] : memref<256x16xf32, #tpu.memory_space<vmem>> -> memref<8x16xf32, #tpu.memory_space<vmem>>
      %dma_start3A_467 = arith.constant 0 : i32
      %dma_start3A_468 = tpu.memref_slice %arg5[%multiple_of3A_463, %dma_start3A_467] : memref<1000000x16xf32, #tpu.memory_space<hbm>> -> memref<8x16xf32, #tpu.memory_space<hbm>>
      %dma_start3A_469 = arith.constant 200 : i32
      %dma_start3A_470 = arith.constant 0 : i32
      %dma_start3A_471 = tpu.memref_slice %arg11[%dma_start3A_469, %dma_start3A_470] : memref<256x16xf32, #tpu.memory_space<vmem>> -> memref<8x16xf32, #tpu.memory_space<vmem>>
      %dma_start3A_472 = arith.constant 0 : i32
      %dma_start3A_473 = tpu.memref_slice %arg5[%multiple_of3A_463, %dma_start3A_472] : memref<1000000x16xf32, #tpu.memory_space<hbm>> -> memref<8x16xf32, #tpu.memory_space<hbm>>
      tpu.enqueue_dma source(%dma_start3A_473 : memref<8x16xf32, #tpu.memory_space<hbm>>) target(%dma_start3A_471 : memref<8x16xf32, #tpu.memory_space<vmem>>) target_semaphore(%arg13 : memref<!tpu.dma_semaphore, #tpu.memory_space<semaphore_mem>>)
      %slice3A_474 = vector.extract_strided_slice %get3A_37 {offsets = [10], sizes = [1], strides = [1]} : vector<16xi32> to vector<1xi32>
      %squeeze3A_475 = vector.extract %slice3A_474[0] : i32 from vector<1xi32>
      %shift_right_logical3A_476 = arith.constant 3 : i32
      %shift_right_logical3A_477 = arith.shrui %squeeze3A_475, %shift_right_logical3A_476 : i32
      %shift_left3A_478 = arith.constant 3 : i32
      %shift_left3A_479 = arith.shli %shift_right_logical3A_477, %shift_left3A_478 : i32
      %multiple_of3A_480 = tpu.assume_multiple %shift_left3A_479, 8 : i32
      %dma_start3A_481 = arith.constant 208 : i32
      %dma_start3A_482 = arith.constant 0 : i32
      %dma_start3A_483 = tpu.memref_slice %arg11[%dma_start3A_481, %dma_start3A_482] : memref<256x16xf32, #tpu.memory_space<vmem>> -> memref<8x16xf32, #tpu.memory_space<vmem>>
      %dma_start3A_484 = arith.constant 0 : i32
      %dma_start3A_485 = tpu.memref_slice %arg5[%multiple_of3A_480, %dma_start3A_484] : memref<1000000x16xf32, #tpu.memory_space<hbm>> -> memref<8x16xf32, #tpu.memory_space<hbm>>
      %dma_start3A_486 = arith.constant 208 : i32
      %dma_start3A_487 = arith.constant 0 : i32
      %dma_start3A_488 = tpu.memref_slice %arg11[%dma_start3A_486, %dma_start3A_487] : memref<256x16xf32, #tpu.memory_space<vmem>> -> memref<8x16xf32, #tpu.memory_space<vmem>>
      %dma_start3A_489 = arith.constant 0 : i32
      %dma_start3A_490 = tpu.memref_slice %arg5[%multiple_of3A_480, %dma_start3A_489] : memref<1000000x16xf32, #tpu.memory_space<hbm>> -> memref<8x16xf32, #tpu.memory_space<hbm>>
      tpu.enqueue_dma source(%dma_start3A_490 : memref<8x16xf32, #tpu.memory_space<hbm>>) target(%dma_start3A_488 : memref<8x16xf32, #tpu.memory_space<vmem>>) target_semaphore(%arg13 : memref<!tpu.dma_semaphore, #tpu.memory_space<semaphore_mem>>)
      %slice3A_491 = vector.extract_strided_slice %get3A_37 {offsets = [11], sizes = [1], strides = [1]} : vector<16xi32> to vector<1xi32>
      %squeeze3A_492 = vector.extract %slice3A_491[0] : i32 from vector<1xi32>
      %shift_right_logical3A_493 = arith.constant 3 : i32
      %shift_right_logical3A_494 = arith.shrui %squeeze3A_492, %shift_right_logical3A_493 : i32
      %shift_left3A_495 = arith.constant 3 : i32
      %shift_left3A_496 = arith.shli %shift_right_logical3A_494, %shift_left3A_495 : i32
      %multiple_of3A_497 = tpu.assume_multiple %shift_left3A_496, 8 : i32
      %dma_start3A_498 = arith.constant 216 : i32
      %dma_start3A_499 = arith.constant 0 : i32
      %dma_start3A_500 = tpu.memref_slice %arg11[%dma_start3A_498, %dma_start3A_499] : memref<256x16xf32, #tpu.memory_space<vmem>> -> memref<8x16xf32, #tpu.memory_space<vmem>>
      %dma_start3A_501 = arith.constant 0 : i32
      %dma_start3A_502 = tpu.memref_slice %arg5[%multiple_of3A_497, %dma_start3A_501] : memref<1000000x16xf32, #tpu.memory_space<hbm>> -> memref<8x16xf32, #tpu.memory_space<hbm>>
      %dma_start3A_503 = arith.constant 216 : i32
      %dma_start3A_504 = arith.constant 0 : i32
      %dma_start3A_505 = tpu.memref_slice %arg11[%dma_start3A_503, %dma_start3A_504] : memref<256x16xf32, #tpu.memory_space<vmem>> -> memref<8x16xf32, #tpu.memory_space<vmem>>
      %dma_start3A_506 = arith.constant 0 : i32
      %dma_start3A_507 = tpu.memref_slice %arg5[%multiple_of3A_497, %dma_start3A_506] : memref<1000000x16xf32, #tpu.memory_space<hbm>> -> memref<8x16xf32, #tpu.memory_space<hbm>>
      tpu.enqueue_dma source(%dma_start3A_507 : memref<8x16xf32, #tpu.memory_space<hbm>>) target(%dma_start3A_505 : memref<8x16xf32, #tpu.memory_space<vmem>>) target_semaphore(%arg13 : memref<!tpu.dma_semaphore, #tpu.memory_space<semaphore_mem>>)
      %slice3A_508 = vector.extract_strided_slice %get3A_37 {offsets = [12], sizes = [1], strides = [1]} : vector<16xi32> to vector<1xi32>
      %squeeze3A_509 = vector.extract %slice3A_508[0] : i32 from vector<1xi32>
      %shift_right_logical3A_510 = arith.constant 3 : i32
      %shift_right_logical3A_511 = arith.shrui %squeeze3A_509, %shift_right_logical3A_510 : i32
      %shift_left3A_512 = arith.constant 3 : i32
      %shift_left3A_513 = arith.shli %shift_right_logical3A_511, %shift_left3A_512 : i32
      %multiple_of3A_514 = tpu.assume_multiple %shift_left3A_513, 8 : i32
      %dma_start3A_515 = arith.constant 224 : i32
      %dma_start3A_516 = arith.constant 0 : i32
      %dma_start3A_517 = tpu.memref_slice %arg11[%dma_start3A_515, %dma_start3A_516] : memref<256x16xf32, #tpu.memory_space<vmem>> -> memref<8x16xf32, #tpu.memory_space<vmem>>
      %dma_start3A_518 = arith.constant 0 : i32
      %dma_start3A_519 = tpu.memref_slice %arg5[%multiple_of3A_514, %dma_start3A_518] : memref<1000000x16xf32, #tpu.memory_space<hbm>> -> memref<8x16xf32, #tpu.memory_space<hbm>>
      %dma_start3A_520 = arith.constant 224 : i32
      %dma_start3A_521 = arith.constant 0 : i32
      %dma_start3A_522 = tpu.memref_slice %arg11[%dma_start3A_520, %dma_start3A_521] : memref<256x16xf32, #tpu.memory_space<vmem>> -> memref<8x16xf32, #tpu.memory_space<vmem>>
      %dma_start3A_523 = arith.constant 0 : i32
      %dma_start3A_524 = tpu.memref_slice %arg5[%multiple_of3A_514, %dma_start3A_523] : memref<1000000x16xf32, #tpu.memory_space<hbm>> -> memref<8x16xf32, #tpu.memory_space<hbm>>
      tpu.enqueue_dma source(%dma_start3A_524 : memref<8x16xf32, #tpu.memory_space<hbm>>) target(%dma_start3A_522 : memref<8x16xf32, #tpu.memory_space<vmem>>) target_semaphore(%arg13 : memref<!tpu.dma_semaphore, #tpu.memory_space<semaphore_mem>>)
      %slice3A_525 = vector.extract_strided_slice %get3A_37 {offsets = [13], sizes = [1], strides = [1]} : vector<16xi32> to vector<1xi32>
      %squeeze3A_526 = vector.extract %slice3A_525[0] : i32 from vector<1xi32>
      %shift_right_logical3A_527 = arith.constant 3 : i32
      %shift_right_logical3A_528 = arith.shrui %squeeze3A_526, %shift_right_logical3A_527 : i32
      %shift_left3A_529 = arith.constant 3 : i32
      %shift_left3A_530 = arith.shli %shift_right_logical3A_528, %shift_left3A_529 : i32
      %multiple_of3A_531 = tpu.assume_multiple %shift_left3A_530, 8 : i32
      %dma_start3A_532 = arith.constant 232 : i32
      %dma_start3A_533 = arith.constant 0 : i32
      %dma_start3A_534 = tpu.memref_slice %arg11[%dma_start3A_532, %dma_start3A_533] : memref<256x16xf32, #tpu.memory_space<vmem>> -> memref<8x16xf32, #tpu.memory_space<vmem>>
      %dma_start3A_535 = arith.constant 0 : i32
      %dma_start3A_536 = tpu.memref_slice %arg5[%multiple_of3A_531, %dma_start3A_535] : memref<1000000x16xf32, #tpu.memory_space<hbm>> -> memref<8x16xf32, #tpu.memory_space<hbm>>
      %dma_start3A_537 = arith.constant 232 : i32
      %dma_start3A_538 = arith.constant 0 : i32
      %dma_start3A_539 = tpu.memref_slice %arg11[%dma_start3A_537, %dma_start3A_538] : memref<256x16xf32, #tpu.memory_space<vmem>> -> memref<8x16xf32, #tpu.memory_space<vmem>>
      %dma_start3A_540 = arith.constant 0 : i32
      %dma_start3A_541 = tpu.memref_slice %arg5[%multiple_of3A_531, %dma_start3A_540] : memref<1000000x16xf32, #tpu.memory_space<hbm>> -> memref<8x16xf32, #tpu.memory_space<hbm>>
      tpu.enqueue_dma source(%dma_start3A_541 : memref<8x16xf32, #tpu.memory_space<hbm>>) target(%dma_start3A_539 : memref<8x16xf32, #tpu.memory_space<vmem>>) target_semaphore(%arg13 : memref<!tpu.dma_semaphore, #tpu.memory_space<semaphore_mem>>)
      %slice3A_542 = vector.extract_strided_slice %get3A_37 {offsets = [14], sizes = [1], strides = [1]} : vector<16xi32> to vector<1xi32>
      %squeeze3A_543 = vector.extract %slice3A_542[0] : i32 from vector<1xi32>
      %shift_right_logical3A_544 = arith.constant 3 : i32
      %shift_right_logical3A_545 = arith.shrui %squeeze3A_543, %shift_right_logical3A_544 : i32
      %shift_left3A_546 = arith.constant 3 : i32
      %shift_left3A_547 = arith.shli %shift_right_logical3A_545, %shift_left3A_546 : i32
      %multiple_of3A_548 = tpu.assume_multiple %shift_left3A_547, 8 : i32
      %dma_start3A_549 = arith.constant 240 : i32
      %dma_start3A_550 = arith.constant 0 : i32
      %dma_start3A_551 = tpu.memref_slice %arg11[%dma_start3A_549, %dma_start3A_550] : memref<256x16xf32, #tpu.memory_space<vmem>> -> memref<8x16xf32, #tpu.memory_space<vmem>>
      %dma_start3A_552 = arith.constant 0 : i32
      %dma_start3A_553 = tpu.memref_slice %arg5[%multiple_of3A_548, %dma_start3A_552] : memref<1000000x16xf32, #tpu.memory_space<hbm>> -> memref<8x16xf32, #tpu.memory_space<hbm>>
      %dma_start3A_554 = arith.constant 240 : i32
      %dma_start3A_555 = arith.constant 0 : i32
      %dma_start3A_556 = tpu.memref_slice %arg11[%dma_start3A_554, %dma_start3A_555] : memref<256x16xf32, #tpu.memory_space<vmem>> -> memref<8x16xf32, #tpu.memory_space<vmem>>
      %dma_start3A_557 = arith.constant 0 : i32
      %dma_start3A_558 = tpu.memref_slice %arg5[%multiple_of3A_548, %dma_start3A_557] : memref<1000000x16xf32, #tpu.memory_space<hbm>> -> memref<8x16xf32, #tpu.memory_space<hbm>>
      tpu.enqueue_dma source(%dma_start3A_558 : memref<8x16xf32, #tpu.memory_space<hbm>>) target(%dma_start3A_556 : memref<8x16xf32, #tpu.memory_space<vmem>>) target_semaphore(%arg13 : memref<!tpu.dma_semaphore, #tpu.memory_space<semaphore_mem>>)
      %slice3A_559 = vector.extract_strided_slice %get3A_37 {offsets = [15], sizes = [1], strides = [1]} : vector<16xi32> to vector<1xi32>
      %squeeze3A_560 = vector.extract %slice3A_559[0] : i32 from vector<1xi32>
      %shift_right_logical3A_561 = arith.constant 3 : i32
      %shift_right_logical3A_562 = arith.shrui %squeeze3A_560, %shift_right_logical3A_561 : i32
      %shift_left3A_563 = arith.constant 3 : i32
      %shift_left3A_564 = arith.shli %shift_right_logical3A_562, %shift_left3A_563 : i32
      %multiple_of3A_565 = tpu.assume_multiple %shift_left3A_564, 8 : i32
      %dma_start3A_566 = arith.constant 248 : i32
      %dma_start3A_567 = arith.constant 0 : i32
      %dma_start3A_568 = tpu.memref_slice %arg11[%dma_start3A_566, %dma_start3A_567] : memref<256x16xf32, #tpu.memory_space<vmem>> -> memref<8x16xf32, #tpu.memory_space<vmem>>
      %dma_start3A_569 = arith.constant 0 : i32
      %dma_start3A_570 = tpu.memref_slice %arg5[%multiple_of3A_565, %dma_start3A_569] : memref<1000000x16xf32, #tpu.memory_space<hbm>> -> memref<8x16xf32, #tpu.memory_space<hbm>>
      %dma_start3A_571 = arith.constant 248 : i32
      %dma_start3A_572 = arith.constant 0 : i32
      %dma_start3A_573 = tpu.memref_slice %arg11[%dma_start3A_571, %dma_start3A_572] : memref<256x16xf32, #tpu.memory_space<vmem>> -> memref<8x16xf32, #tpu.memory_space<vmem>>
      %dma_start3A_574 = arith.constant 0 : i32
      %dma_start3A_575 = tpu.memref_slice %arg5[%multiple_of3A_565, %dma_start3A_574] : memref<1000000x16xf32, #tpu.memory_space<hbm>> -> memref<8x16xf32, #tpu.memory_space<hbm>>
      tpu.enqueue_dma source(%dma_start3A_575 : memref<8x16xf32, #tpu.memory_space<hbm>>) target(%dma_start3A_573 : memref<8x16xf32, #tpu.memory_space<vmem>>) target_semaphore(%arg13 : memref<!tpu.dma_semaphore, #tpu.memory_space<semaphore_mem>>)
      %dma_wait3A = arith.constant 0 : i32
      %dma_wait3A_576 = arith.constant 0 : i32
      %dma_wait3A_577 = tpu.memref_slice %arg5[%dma_wait3A, %dma_wait3A_576] : memref<1000000x16xf32, #tpu.memory_space<hbm>> -> memref<256x16xf32, #tpu.memory_space<hbm>>
      %dma_wait3A_578 = arith.constant 0 : i32
      %dma_wait3A_579 = arith.constant 0 : i32
      %dma_wait3A_580 = tpu.memref_slice %arg5[%dma_wait3A_578, %dma_wait3A_579] : memref<1000000x16xf32, #tpu.memory_space<hbm>> -> memref<256x16xf32, #tpu.memory_space<hbm>>
      tpu.wait_dma2 semaphore(%arg13 : memref<!tpu.dma_semaphore, #tpu.memory_space<semaphore_mem>>) src(%dma_wait3A_580 : memref<256x16xf32, #tpu.memory_space<hbm>>) dst(%arg11 : memref<256x16xf32, #tpu.memory_space<vmem>>)
      %slice3A_581 = vector.extract_strided_slice %get3A_30 {offsets = [0], sizes = [1], strides = [1]} : vector<16xi32> to vector<1xi32>
      %squeeze3A_582 = vector.extract %slice3A_581[0] : i32 from vector<1xi32>
      %and3A = arith.constant 7 : i32
      %and3A_583 = arith.andi %squeeze3A_582, %and3A : i32
      %add3A_584 = arith.constant 0 : i32
      %add3A_585 = arith.addi %add3A_584, %and3A_583 : i32
      %get3A_586 = arith.index_cast %add3A_585 : i32 to index
      %get3A_587 = arith.constant 0 : index
      %get3A_588 = tpu.vector_load %arg11[%get3A_586, %get3A_587] {strides = array<i32>} : memref<256x16xf32, #tpu.memory_space<vmem>>, vector<1x16xf32>,
      %get3A_589 = vector.shape_cast %get3A_588 : vector<1x16xf32> to vector<16xf32>
      %swap3A = arith.constant 0 : i32
      %swap3A_590 = arith.index_cast %swap3A : i32 to index
      %swap3A_591 = arith.constant 0 : index
      %swap3A_592 = tpu.vector_load %arg12[%swap3A_590, %swap3A_591] {strides = array<i32>} : memref<32x16xf32, #tpu.memory_space<vmem>>, vector<1x16xf32>,
      %swap3A_593 = vector.shape_cast %swap3A_592 : vector<1x16xf32> to vector<16xf32>
      %swap3A_594 = vector.shape_cast %get3A_589 : vector<16xf32> to vector<1x16xf32>
      tpu.vector_store %arg12[%swap3A_590, %swap3A_591], %swap3A_594 {strides = array<i32>} : memref<32x16xf32, #tpu.memory_space<vmem>>, vector<1x16xf32>,
      %slice3A_595 = vector.extract_strided_slice %get3A_30 {offsets = [1], sizes = [1], strides = [1]} : vector<16xi32> to vector<1xi32>
      %squeeze3A_596 = vector.extract %slice3A_595[0] : i32 from vector<1xi32>
      %and3A_597 = arith.constant 7 : i32
      %and3A_598 = arith.andi %squeeze3A_596, %and3A_597 : i32
      %add3A_599 = arith.constant 8 : i32
      %add3A_600 = arith.addi %add3A_599, %and3A_598 : i32
      %get3A_601 = arith.index_cast %add3A_600 : i32 to index
      %get3A_602 = arith.constant 0 : index
      %get3A_603 = tpu.vector_load %arg11[%get3A_601, %get3A_602] {strides = array<i32>} : memref<256x16xf32, #tpu.memory_space<vmem>>, vector<1x16xf32>,
      %get3A_604 = vector.shape_cast %get3A_603 : vector<1x16xf32> to vector<16xf32>
      %swap3A_605 = arith.constant 1 : i32
      %swap3A_606 = arith.index_cast %swap3A_605 : i32 to index
      %swap3A_607 = arith.constant 0 : index
      %swap3A_608 = tpu.vector_load %arg12[%swap3A_606, %swap3A_607] {strides = array<i32>} : memref<32x16xf32, #tpu.memory_space<vmem>>, vector<1x16xf32>,
      %swap3A_609 = vector.shape_cast %swap3A_608 : vector<1x16xf32> to vector<16xf32>
      %swap3A_610 = vector.shape_cast %get3A_604 : vector<16xf32> to vector<1x16xf32>
      tpu.vector_store %arg12[%swap3A_606, %swap3A_607], %swap3A_610 {strides = array<i32>} : memref<32x16xf32, #tpu.memory_space<vmem>>, vector<1x16xf32>,
      %slice3A_611 = vector.extract_strided_slice %get3A_30 {offsets = [2], sizes = [1], strides = [1]} : vector<16xi32> to vector<1xi32>
      %squeeze3A_612 = vector.extract %slice3A_611[0] : i32 from vector<1xi32>
      %and3A_613 = arith.constant 7 : i32
      %and3A_614 = arith.andi %squeeze3A_612, %and3A_613 : i32
      %add3A_615 = arith.constant 16 : i32
      %add3A_616 = arith.addi %add3A_615, %and3A_614 : i32
      %get3A_617 = arith.index_cast %add3A_616 : i32 to index
      %get3A_618 = arith.constant 0 : index
      %get3A_619 = tpu.vector_load %arg11[%get3A_617, %get3A_618] {strides = array<i32>} : memref<256x16xf32, #tpu.memory_space<vmem>>, vector<1x16xf32>,
      %get3A_620 = vector.shape_cast %get3A_619 : vector<1x16xf32> to vector<16xf32>
      %swap3A_621 = arith.constant 2 : i32
      %swap3A_622 = arith.index_cast %swap3A_621 : i32 to index
      %swap3A_623 = arith.constant 0 : index
      %swap3A_624 = tpu.vector_load %arg12[%swap3A_622, %swap3A_623] {strides = array<i32>} : memref<32x16xf32, #tpu.memory_space<vmem>>, vector<1x16xf32>,
      %swap3A_625 = vector.shape_cast %swap3A_624 : vector<1x16xf32> to vector<16xf32>
      %swap3A_626 = vector.shape_cast %get3A_620 : vector<16xf32> to vector<1x16xf32>
      tpu.vector_store %arg12[%swap3A_622, %swap3A_623], %swap3A_626 {strides = array<i32>} : memref<32x16xf32, #tpu.memory_space<vmem>>, vector<1x16xf32>,
      %slice3A_627 = vector.extract_strided_slice %get3A_30 {offsets = [3], sizes = [1], strides = [1]} : vector<16xi32> to vector<1xi32>
      %squeeze3A_628 = vector.extract %slice3A_627[0] : i32 from vector<1xi32>
      %and3A_629 = arith.constant 7 : i32
      %and3A_630 = arith.andi %squeeze3A_628, %and3A_629 : i32
      %add3A_631 = arith.constant 24 : i32
      %add3A_632 = arith.addi %add3A_631, %and3A_630 : i32
      %get3A_633 = arith.index_cast %add3A_632 : i32 to index
      %get3A_634 = arith.constant 0 : index
      %get3A_635 = tpu.vector_load %arg11[%get3A_633, %get3A_634] {strides = array<i32>} : memref<256x16xf32, #tpu.memory_space<vmem>>, vector<1x16xf32>,
      %get3A_636 = vector.shape_cast %get3A_635 : vector<1x16xf32> to vector<16xf32>
      %swap3A_637 = arith.constant 3 : i32
      %swap3A_638 = arith.index_cast %swap3A_637 : i32 to index
      %swap3A_639 = arith.constant 0 : index
      %swap3A_640 = tpu.vector_load %arg12[%swap3A_638, %swap3A_639] {strides = array<i32>} : memref<32x16xf32, #tpu.memory_space<vmem>>, vector<1x16xf32>,
      %swap3A_641 = vector.shape_cast %swap3A_640 : vector<1x16xf32> to vector<16xf32>
      %swap3A_642 = vector.shape_cast %get3A_636 : vector<16xf32> to vector<1x16xf32>
      tpu.vector_store %arg12[%swap3A_638, %swap3A_639], %swap3A_642 {strides = array<i32>} : memref<32x16xf32, #tpu.memory_space<vmem>>, vector<1x16xf32>,
      %slice3A_643 = vector.extract_strided_slice %get3A_30 {offsets = [4], sizes = [1], strides = [1]} : vector<16xi32> to vector<1xi32>
      %squeeze3A_644 = vector.extract %slice3A_643[0] : i32 from vector<1xi32>
      %and3A_645 = arith.constant 7 : i32
      %and3A_646 = arith.andi %squeeze3A_644, %and3A_645 : i32
      %add3A_647 = arith.constant 32 : i32
      %add3A_648 = arith.addi %add3A_647, %and3A_646 : i32
      %get3A_649 = arith.index_cast %add3A_648 : i32 to index
      %get3A_650 = arith.constant 0 : index
      %get3A_651 = tpu.vector_load %arg11[%get3A_649, %get3A_650] {strides = array<i32>} : memref<256x16xf32, #tpu.memory_space<vmem>>, vector<1x16xf32>,
      %get3A_652 = vector.shape_cast %get3A_651 : vector<1x16xf32> to vector<16xf32>
      %swap3A_653 = arith.constant 4 : i32
      %swap3A_654 = arith.index_cast %swap3A_653 : i32 to index
      %swap3A_655 = arith.constant 0 : index
      %swap3A_656 = tpu.vector_load %arg12[%swap3A_654, %swap3A_655] {strides = array<i32>} : memref<32x16xf32, #tpu.memory_space<vmem>>, vector<1x16xf32>,
      %swap3A_657 = vector.shape_cast %swap3A_656 : vector<1x16xf32> to vector<16xf32>
      %swap3A_658 = vector.shape_cast %get3A_652 : vector<16xf32> to vector<1x16xf32>
      tpu.vector_store %arg12[%swap3A_654, %swap3A_655], %swap3A_658 {strides = array<i32>} : memref<32x16xf32, #tpu.memory_space<vmem>>, vector<1x16xf32>,
      %slice3A_659 = vector.extract_strided_slice %get3A_30 {offsets = [5], sizes = [1], strides = [1]} : vector<16xi32> to vector<1xi32>
      %squeeze3A_660 = vector.extract %slice3A_659[0] : i32 from vector<1xi32>
      %and3A_661 = arith.constant 7 : i32
      %and3A_662 = arith.andi %squeeze3A_660, %and3A_661 : i32
      %add3A_663 = arith.constant 40 : i32
      %add3A_664 = arith.addi %add3A_663, %and3A_662 : i32
      %get3A_665 = arith.index_cast %add3A_664 : i32 to index
      %get3A_666 = arith.constant 0 : index
      %get3A_667 = tpu.vector_load %arg11[%get3A_665, %get3A_666] {strides = array<i32>} : memref<256x16xf32, #tpu.memory_space<vmem>>, vector<1x16xf32>,
      %get3A_668 = vector.shape_cast %get3A_667 : vector<1x16xf32> to vector<16xf32>
      %swap3A_669 = arith.constant 5 : i32
      %swap3A_670 = arith.index_cast %swap3A_669 : i32 to index
      %swap3A_671 = arith.constant 0 : index
      %swap3A_672 = tpu.vector_load %arg12[%swap3A_670, %swap3A_671] {strides = array<i32>} : memref<32x16xf32, #tpu.memory_space<vmem>>, vector<1x16xf32>,
      %swap3A_673 = vector.shape_cast %swap3A_672 : vector<1x16xf32> to vector<16xf32>
      %swap3A_674 = vector.shape_cast %get3A_668 : vector<16xf32> to vector<1x16xf32>
      tpu.vector_store %arg12[%swap3A_670, %swap3A_671], %swap3A_674 {strides = array<i32>} : memref<32x16xf32, #tpu.memory_space<vmem>>, vector<1x16xf32>,
      %slice3A_675 = vector.extract_strided_slice %get3A_30 {offsets = [6], sizes = [1], strides = [1]} : vector<16xi32> to vector<1xi32>
      %squeeze3A_676 = vector.extract %slice3A_675[0] : i32 from vector<1xi32>
      %and3A_677 = arith.constant 7 : i32
      %and3A_678 = arith.andi %squeeze3A_676, %and3A_677 : i32
      %add3A_679 = arith.constant 48 : i32
      %add3A_680 = arith.addi %add3A_679, %and3A_678 : i32
      %get3A_681 = arith.index_cast %add3A_680 : i32 to index
      %get3A_682 = arith.constant 0 : index
      %get3A_683 = tpu.vector_load %arg11[%get3A_681, %get3A_682] {strides = array<i32>} : memref<256x16xf32, #tpu.memory_space<vmem>>, vector<1x16xf32>,
      %get3A_684 = vector.shape_cast %get3A_683 : vector<1x16xf32> to vector<16xf32>
      %swap3A_685 = arith.constant 6 : i32
      %swap3A_686 = arith.index_cast %swap3A_685 : i32 to index
      %swap3A_687 = arith.constant 0 : index
      %swap3A_688 = tpu.vector_load %arg12[%swap3A_686, %swap3A_687] {strides = array<i32>} : memref<32x16xf32, #tpu.memory_space<vmem>>, vector<1x16xf32>,
      %swap3A_689 = vector.shape_cast %swap3A_688 : vector<1x16xf32> to vector<16xf32>
      %swap3A_690 = vector.shape_cast %get3A_684 : vector<16xf32> to vector<1x16xf32>
      tpu.vector_store %arg12[%swap3A_686, %swap3A_687], %swap3A_690 {strides = array<i32>} : memref<32x16xf32, #tpu.memory_space<vmem>>, vector<1x16xf32>,
      %slice3A_691 = vector.extract_strided_slice %get3A_30 {offsets = [7], sizes = [1], strides = [1]} : vector<16xi32> to vector<1xi32>
      %squeeze3A_692 = vector.extract %slice3A_691[0] : i32 from vector<1xi32>
      %and3A_693 = arith.constant 7 : i32
      %and3A_694 = arith.andi %squeeze3A_692, %and3A_693 : i32
      %add3A_695 = arith.constant 56 : i32
      %add3A_696 = arith.addi %add3A_695, %and3A_694 : i32
      %get3A_697 = arith.index_cast %add3A_696 : i32 to index
      %get3A_698 = arith.constant 0 : index
      %get3A_699 = tpu.vector_load %arg11[%get3A_697, %get3A_698] {strides = array<i32>} : memref<256x16xf32, #tpu.memory_space<vmem>>, vector<1x16xf32>,
      %get3A_700 = vector.shape_cast %get3A_699 : vector<1x16xf32> to vector<16xf32>
      %swap3A_701 = arith.constant 7 : i32
      %swap3A_702 = arith.index_cast %swap3A_701 : i32 to index
      %swap3A_703 = arith.constant 0 : index
      %swap3A_704 = tpu.vector_load %arg12[%swap3A_702, %swap3A_703] {strides = array<i32>} : memref<32x16xf32, #tpu.memory_space<vmem>>, vector<1x16xf32>,
      %swap3A_705 = vector.shape_cast %swap3A_704 : vector<1x16xf32> to vector<16xf32>
      %swap3A_706 = vector.shape_cast %get3A_700 : vector<16xf32> to vector<1x16xf32>
      tpu.vector_store %arg12[%swap3A_702, %swap3A_703], %swap3A_706 {strides = array<i32>} : memref<32x16xf32, #tpu.memory_space<vmem>>, vector<1x16xf32>,
      %slice3A_707 = vector.extract_strided_slice %get3A_30 {offsets = [8], sizes = [1], strides = [1]} : vector<16xi32> to vector<1xi32>
      %squeeze3A_708 = vector.extract %slice3A_707[0] : i32 from vector<1xi32>
      %and3A_709 = arith.constant 7 : i32
      %and3A_710 = arith.andi %squeeze3A_708, %and3A_709 : i32
      %add3A_711 = arith.constant 64 : i32
      %add3A_712 = arith.addi %add3A_711, %and3A_710 : i32
      %get3A_713 = arith.index_cast %add3A_712 : i32 to index
      %get3A_714 = arith.constant 0 : index
      %get3A_715 = tpu.vector_load %arg11[%get3A_713, %get3A_714] {strides = array<i32>} : memref<256x16xf32, #tpu.memory_space<vmem>>, vector<1x16xf32>,
      %get3A_716 = vector.shape_cast %get3A_715 : vector<1x16xf32> to vector<16xf32>
      %swap3A_717 = arith.constant 8 : i32
      %swap3A_718 = arith.index_cast %swap3A_717 : i32 to index
      %swap3A_719 = arith.constant 0 : index
      %swap3A_720 = tpu.vector_load %arg12[%swap3A_718, %swap3A_719] {strides = array<i32>} : memref<32x16xf32, #tpu.memory_space<vmem>>, vector<1x16xf32>,
      %swap3A_721 = vector.shape_cast %swap3A_720 : vector<1x16xf32> to vector<16xf32>
      %swap3A_722 = vector.shape_cast %get3A_716 : vector<16xf32> to vector<1x16xf32>
      tpu.vector_store %arg12[%swap3A_718, %swap3A_719], %swap3A_722 {strides = array<i32>} : memref<32x16xf32, #tpu.memory_space<vmem>>, vector<1x16xf32>,
      %slice3A_723 = vector.extract_strided_slice %get3A_30 {offsets = [9], sizes = [1], strides = [1]} : vector<16xi32> to vector<1xi32>
      %squeeze3A_724 = vector.extract %slice3A_723[0] : i32 from vector<1xi32>
      %and3A_725 = arith.constant 7 : i32
      %and3A_726 = arith.andi %squeeze3A_724, %and3A_725 : i32
      %add3A_727 = arith.constant 72 : i32
      %add3A_728 = arith.addi %add3A_727, %and3A_726 : i32
      %get3A_729 = arith.index_cast %add3A_728 : i32 to index
      %get3A_730 = arith.constant 0 : index
      %get3A_731 = tpu.vector_load %arg11[%get3A_729, %get3A_730] {strides = array<i32>} : memref<256x16xf32, #tpu.memory_space<vmem>>, vector<1x16xf32>,
      %get3A_732 = vector.shape_cast %get3A_731 : vector<1x16xf32> to vector<16xf32>
      %swap3A_733 = arith.constant 9 : i32
      %swap3A_734 = arith.index_cast %swap3A_733 : i32 to index
      %swap3A_735 = arith.constant 0 : index
      %swap3A_736 = tpu.vector_load %arg12[%swap3A_734, %swap3A_735] {strides = array<i32>} : memref<32x16xf32, #tpu.memory_space<vmem>>, vector<1x16xf32>,
      %swap3A_737 = vector.shape_cast %swap3A_736 : vector<1x16xf32> to vector<16xf32>
      %swap3A_738 = vector.shape_cast %get3A_732 : vector<16xf32> to vector<1x16xf32>
      tpu.vector_store %arg12[%swap3A_734, %swap3A_735], %swap3A_738 {strides = array<i32>} : memref<32x16xf32, #tpu.memory_space<vmem>>, vector<1x16xf32>,
      %slice3A_739 = vector.extract_strided_slice %get3A_30 {offsets = [10], sizes = [1], strides = [1]} : vector<16xi32> to vector<1xi32>
      %squeeze3A_740 = vector.extract %slice3A_739[0] : i32 from vector<1xi32>
      %and3A_741 = arith.constant 7 : i32
      %and3A_742 = arith.andi %squeeze3A_740, %and3A_741 : i32
      %add3A_743 = arith.constant 80 : i32
      %add3A_744 = arith.addi %add3A_743, %and3A_742 : i32
      %get3A_745 = arith.index_cast %add3A_744 : i32 to index
      %get3A_746 = arith.constant 0 : index
      %get3A_747 = tpu.vector_load %arg11[%get3A_745, %get3A_746] {strides = array<i32>} : memref<256x16xf32, #tpu.memory_space<vmem>>, vector<1x16xf32>,
      %get3A_748 = vector.shape_cast %get3A_747 : vector<1x16xf32> to vector<16xf32>
      %swap3A_749 = arith.constant 10 : i32
      %swap3A_750 = arith.index_cast %swap3A_749 : i32 to index
      %swap3A_751 = arith.constant 0 : index
      %swap3A_752 = tpu.vector_load %arg12[%swap3A_750, %swap3A_751] {strides = array<i32>} : memref<32x16xf32, #tpu.memory_space<vmem>>, vector<1x16xf32>,
      %swap3A_753 = vector.shape_cast %swap3A_752 : vector<1x16xf32> to vector<16xf32>
      %swap3A_754 = vector.shape_cast %get3A_748 : vector<16xf32> to vector<1x16xf32>
      tpu.vector_store %arg12[%swap3A_750, %swap3A_751], %swap3A_754 {strides = array<i32>} : memref<32x16xf32, #tpu.memory_space<vmem>>, vector<1x16xf32>,
      %slice3A_755 = vector.extract_strided_slice %get3A_30 {offsets = [11], sizes = [1], strides = [1]} : vector<16xi32> to vector<1xi32>
      %squeeze3A_756 = vector.extract %slice3A_755[0] : i32 from vector<1xi32>
      %and3A_757 = arith.constant 7 : i32
      %and3A_758 = arith.andi %squeeze3A_756, %and3A_757 : i32
      %add3A_759 = arith.constant 88 : i32
      %add3A_760 = arith.addi %add3A_759, %and3A_758 : i32
      %get3A_761 = arith.index_cast %add3A_760 : i32 to index
      %get3A_762 = arith.constant 0 : index
      %get3A_763 = tpu.vector_load %arg11[%get3A_761, %get3A_762] {strides = array<i32>} : memref<256x16xf32, #tpu.memory_space<vmem>>, vector<1x16xf32>,
      %get3A_764 = vector.shape_cast %get3A_763 : vector<1x16xf32> to vector<16xf32>
      %swap3A_765 = arith.constant 11 : i32
      %swap3A_766 = arith.index_cast %swap3A_765 : i32 to index
      %swap3A_767 = arith.constant 0 : index
      %swap3A_768 = tpu.vector_load %arg12[%swap3A_766, %swap3A_767] {strides = array<i32>} : memref<32x16xf32, #tpu.memory_space<vmem>>, vector<1x16xf32>,
      %swap3A_769 = vector.shape_cast %swap3A_768 : vector<1x16xf32> to vector<16xf32>
      %swap3A_770 = vector.shape_cast %get3A_764 : vector<16xf32> to vector<1x16xf32>
      tpu.vector_store %arg12[%swap3A_766, %swap3A_767], %swap3A_770 {strides = array<i32>} : memref<32x16xf32, #tpu.memory_space<vmem>>, vector<1x16xf32>,
      %slice3A_771 = vector.extract_strided_slice %get3A_30 {offsets = [12], sizes = [1], strides = [1]} : vector<16xi32> to vector<1xi32>
      %squeeze3A_772 = vector.extract %slice3A_771[0] : i32 from vector<1xi32>
      %and3A_773 = arith.constant 7 : i32
      %and3A_774 = arith.andi %squeeze3A_772, %and3A_773 : i32
      %add3A_775 = arith.constant 96 : i32
      %add3A_776 = arith.addi %add3A_775, %and3A_774 : i32
      %get3A_777 = arith.index_cast %add3A_776 : i32 to index
      %get3A_778 = arith.constant 0 : index
      %get3A_779 = tpu.vector_load %arg11[%get3A_777, %get3A_778] {strides = array<i32>} : memref<256x16xf32, #tpu.memory_space<vmem>>, vector<1x16xf32>,
      %get3A_780 = vector.shape_cast %get3A_779 : vector<1x16xf32> to vector<16xf32>
      %swap3A_781 = arith.constant 12 : i32
      %swap3A_782 = arith.index_cast %swap3A_781 : i32 to index
      %swap3A_783 = arith.constant 0 : index
      %swap3A_784 = tpu.vector_load %arg12[%swap3A_782, %swap3A_783] {strides = array<i32>} : memref<32x16xf32, #tpu.memory_space<vmem>>, vector<1x16xf32>,
      %swap3A_785 = vector.shape_cast %swap3A_784 : vector<1x16xf32> to vector<16xf32>
      %swap3A_786 = vector.shape_cast %get3A_780 : vector<16xf32> to vector<1x16xf32>
      tpu.vector_store %arg12[%swap3A_782, %swap3A_783], %swap3A_786 {strides = array<i32>} : memref<32x16xf32, #tpu.memory_space<vmem>>, vector<1x16xf32>,
      %slice3A_787 = vector.extract_strided_slice %get3A_30 {offsets = [13], sizes = [1], strides = [1]} : vector<16xi32> to vector<1xi32>
      %squeeze3A_788 = vector.extract %slice3A_787[0] : i32 from vector<1xi32>
      %and3A_789 = arith.constant 7 : i32
      %and3A_790 = arith.andi %squeeze3A_788, %and3A_789 : i32
      %add3A_791 = arith.constant 104 : i32
      %add3A_792 = arith.addi %add3A_791, %and3A_790 : i32
      %get3A_793 = arith.index_cast %add3A_792 : i32 to index
      %get3A_794 = arith.constant 0 : index
      %get3A_795 = tpu.vector_load %arg11[%get3A_793, %get3A_794] {strides = array<i32>} : memref<256x16xf32, #tpu.memory_space<vmem>>, vector<1x16xf32>,
      %get3A_796 = vector.shape_cast %get3A_795 : vector<1x16xf32> to vector<16xf32>
      %swap3A_797 = arith.constant 13 : i32
      %swap3A_798 = arith.index_cast %swap3A_797 : i32 to index
      %swap3A_799 = arith.constant 0 : index
      %swap3A_800 = tpu.vector_load %arg12[%swap3A_798, %swap3A_799] {strides = array<i32>} : memref<32x16xf32, #tpu.memory_space<vmem>>, vector<1x16xf32>,
      %swap3A_801 = vector.shape_cast %swap3A_800 : vector<1x16xf32> to vector<16xf32>
      %swap3A_802 = vector.shape_cast %get3A_796 : vector<16xf32> to vector<1x16xf32>
      tpu.vector_store %arg12[%swap3A_798, %swap3A_799], %swap3A_802 {strides = array<i32>} : memref<32x16xf32, #tpu.memory_space<vmem>>, vector<1x16xf32>,
      %slice3A_803 = vector.extract_strided_slice %get3A_30 {offsets = [14], sizes = [1], strides = [1]} : vector<16xi32> to vector<1xi32>
      %squeeze3A_804 = vector.extract %slice3A_803[0] : i32 from vector<1xi32>
      %and3A_805 = arith.constant 7 : i32
      %and3A_806 = arith.andi %squeeze3A_804, %and3A_805 : i32
      %add3A_807 = arith.constant 112 : i32
      %add3A_808 = arith.addi %add3A_807, %and3A_806 : i32
      %get3A_809 = arith.index_cast %add3A_808 : i32 to index
      %get3A_810 = arith.constant 0 : index
      %get3A_811 = tpu.vector_load %arg11[%get3A_809, %get3A_810] {strides = array<i32>} : memref<256x16xf32, #tpu.memory_space<vmem>>, vector<1x16xf32>,
      %get3A_812 = vector.shape_cast %get3A_811 : vector<1x16xf32> to vector<16xf32>
      %swap3A_813 = arith.constant 14 : i32
      %swap3A_814 = arith.index_cast %swap3A_813 : i32 to index
      %swap3A_815 = arith.constant 0 : index
      %swap3A_816 = tpu.vector_load %arg12[%swap3A_814, %swap3A_815] {strides = array<i32>} : memref<32x16xf32, #tpu.memory_space<vmem>>, vector<1x16xf32>,
      %swap3A_817 = vector.shape_cast %swap3A_816 : vector<1x16xf32> to vector<16xf32>
      %swap3A_818 = vector.shape_cast %get3A_812 : vector<16xf32> to vector<1x16xf32>
      tpu.vector_store %arg12[%swap3A_814, %swap3A_815], %swap3A_818 {strides = array<i32>} : memref<32x16xf32, #tpu.memory_space<vmem>>, vector<1x16xf32>,
      %slice3A_819 = vector.extract_strided_slice %get3A_30 {offsets = [15], sizes = [1], strides = [1]} : vector<16xi32> to vector<1xi32>
      %squeeze3A_820 = vector.extract %slice3A_819[0] : i32 from vector<1xi32>
      %and3A_821 = arith.constant 7 : i32
      %and3A_822 = arith.andi %squeeze3A_820, %and3A_821 : i32
      %add3A_823 = arith.constant 120 : i32
      %add3A_824 = arith.addi %add3A_823, %and3A_822 : i32
      %get3A_825 = arith.index_cast %add3A_824 : i32 to index
      %get3A_826 = arith.constant 0 : index
      %get3A_827 = tpu.vector_load %arg11[%get3A_825, %get3A_826] {strides = array<i32>} : memref<256x16xf32, #tpu.memory_space<vmem>>, vector<1x16xf32>,
      %get3A_828 = vector.shape_cast %get3A_827 : vector<1x16xf32> to vector<16xf32>
      %swap3A_829 = arith.constant 15 : i32
      %swap3A_830 = arith.index_cast %swap3A_829 : i32 to index
      %swap3A_831 = arith.constant 0 : index
      %swap3A_832 = tpu.vector_load %arg12[%swap3A_830, %swap3A_831] {strides = array<i32>} : memref<32x16xf32, #tpu.memory_space<vmem>>, vector<1x16xf32>,
      %swap3A_833 = vector.shape_cast %swap3A_832 : vector<1x16xf32> to vector<16xf32>
      %swap3A_834 = vector.shape_cast %get3A_828 : vector<16xf32> to vector<1x16xf32>
      tpu.vector_store %arg12[%swap3A_830, %swap3A_831], %swap3A_834 {strides = array<i32>} : memref<32x16xf32, #tpu.memory_space<vmem>>, vector<1x16xf32>,
      %slice3A_835 = vector.extract_strided_slice %get3A_37 {offsets = [0], sizes = [1], strides = [1]} : vector<16xi32> to vector<1xi32>
      %squeeze3A_836 = vector.extract %slice3A_835[0] : i32 from vector<1xi32>
      %and3A_837 = arith.constant 7 : i32
      %and3A_838 = arith.andi %squeeze3A_836, %and3A_837 : i32
      %add3A_839 = arith.constant 128 : i32
      %add3A_840 = arith.addi %add3A_839, %and3A_838 : i32
      %get3A_841 = arith.index_cast %add3A_840 : i32 to index
      %get3A_842 = arith.constant 0 : index
      %get3A_843 = tpu.vector_load %arg11[%get3A_841, %get3A_842] {strides = array<i32>} : memref<256x16xf32, #tpu.memory_space<vmem>>, vector<1x16xf32>,
      %get3A_844 = vector.shape_cast %get3A_843 : vector<1x16xf32> to vector<16xf32>
      %swap3A_845 = arith.constant 16 : i32
      %swap3A_846 = arith.index_cast %swap3A_845 : i32 to index
      %swap3A_847 = arith.constant 0 : index
      %swap3A_848 = tpu.vector_load %arg12[%swap3A_846, %swap3A_847] {strides = array<i32>} : memref<32x16xf32, #tpu.memory_space<vmem>>, vector<1x16xf32>,
      %swap3A_849 = vector.shape_cast %swap3A_848 : vector<1x16xf32> to vector<16xf32>
      %swap3A_850 = vector.shape_cast %get3A_844 : vector<16xf32> to vector<1x16xf32>
      tpu.vector_store %arg12[%swap3A_846, %swap3A_847], %swap3A_850 {strides = array<i32>} : memref<32x16xf32, #tpu.memory_space<vmem>>, vector<1x16xf32>,
      %slice3A_851 = vector.extract_strided_slice %get3A_37 {offsets = [1], sizes = [1], strides = [1]} : vector<16xi32> to vector<1xi32>
      %squeeze3A_852 = vector.extract %slice3A_851[0] : i32 from vector<1xi32>
      %and3A_853 = arith.constant 7 : i32
      %and3A_854 = arith.andi %squeeze3A_852, %and3A_853 : i32
      %add3A_855 = arith.constant 136 : i32
      %add3A_856 = arith.addi %add3A_855, %and3A_854 : i32
      %get3A_857 = arith.index_cast %add3A_856 : i32 to index
      %get3A_858 = arith.constant 0 : index
      %get3A_859 = tpu.vector_load %arg11[%get3A_857, %get3A_858] {strides = array<i32>} : memref<256x16xf32, #tpu.memory_space<vmem>>, vector<1x16xf32>,
      %get3A_860 = vector.shape_cast %get3A_859 : vector<1x16xf32> to vector<16xf32>
      %swap3A_861 = arith.constant 17 : i32
      %swap3A_862 = arith.index_cast %swap3A_861 : i32 to index
      %swap3A_863 = arith.constant 0 : index
      %swap3A_864 = tpu.vector_load %arg12[%swap3A_862, %swap3A_863] {strides = array<i32>} : memref<32x16xf32, #tpu.memory_space<vmem>>, vector<1x16xf32>,
      %swap3A_865 = vector.shape_cast %swap3A_864 : vector<1x16xf32> to vector<16xf32>
      %swap3A_866 = vector.shape_cast %get3A_860 : vector<16xf32> to vector<1x16xf32>
      tpu.vector_store %arg12[%swap3A_862, %swap3A_863], %swap3A_866 {strides = array<i32>} : memref<32x16xf32, #tpu.memory_space<vmem>>, vector<1x16xf32>,
      %slice3A_867 = vector.extract_strided_slice %get3A_37 {offsets = [2], sizes = [1], strides = [1]} : vector<16xi32> to vector<1xi32>
      %squeeze3A_868 = vector.extract %slice3A_867[0] : i32 from vector<1xi32>
      %and3A_869 = arith.constant 7 : i32
      %and3A_870 = arith.andi %squeeze3A_868, %and3A_869 : i32
      %add3A_871 = arith.constant 144 : i32
      %add3A_872 = arith.addi %add3A_871, %and3A_870 : i32
      %get3A_873 = arith.index_cast %add3A_872 : i32 to index
      %get3A_874 = arith.constant 0 : index
      %get3A_875 = tpu.vector_load %arg11[%get3A_873, %get3A_874] {strides = array<i32>} : memref<256x16xf32, #tpu.memory_space<vmem>>, vector<1x16xf32>,
      %get3A_876 = vector.shape_cast %get3A_875 : vector<1x16xf32> to vector<16xf32>
      %swap3A_877 = arith.constant 18 : i32
      %swap3A_878 = arith.index_cast %swap3A_877 : i32 to index
      %swap3A_879 = arith.constant 0 : index
      %swap3A_880 = tpu.vector_load %arg12[%swap3A_878, %swap3A_879] {strides = array<i32>} : memref<32x16xf32, #tpu.memory_space<vmem>>, vector<1x16xf32>,
      %swap3A_881 = vector.shape_cast %swap3A_880 : vector<1x16xf32> to vector<16xf32>
      %swap3A_882 = vector.shape_cast %get3A_876 : vector<16xf32> to vector<1x16xf32>
      tpu.vector_store %arg12[%swap3A_878, %swap3A_879], %swap3A_882 {strides = array<i32>} : memref<32x16xf32, #tpu.memory_space<vmem>>, vector<1x16xf32>,
      %slice3A_883 = vector.extract_strided_slice %get3A_37 {offsets = [3], sizes = [1], strides = [1]} : vector<16xi32> to vector<1xi32>
      %squeeze3A_884 = vector.extract %slice3A_883[0] : i32 from vector<1xi32>
      %and3A_885 = arith.constant 7 : i32
      %and3A_886 = arith.andi %squeeze3A_884, %and3A_885 : i32
      %add3A_887 = arith.constant 152 : i32
      %add3A_888 = arith.addi %add3A_887, %and3A_886 : i32
      %get3A_889 = arith.index_cast %add3A_888 : i32 to index
      %get3A_890 = arith.constant 0 : index
      %get3A_891 = tpu.vector_load %arg11[%get3A_889, %get3A_890] {strides = array<i32>} : memref<256x16xf32, #tpu.memory_space<vmem>>, vector<1x16xf32>,
      %get3A_892 = vector.shape_cast %get3A_891 : vector<1x16xf32> to vector<16xf32>
      %swap3A_893 = arith.constant 19 : i32
      %swap3A_894 = arith.index_cast %swap3A_893 : i32 to index
      %swap3A_895 = arith.constant 0 : index
      %swap3A_896 = tpu.vector_load %arg12[%swap3A_894, %swap3A_895] {strides = array<i32>} : memref<32x16xf32, #tpu.memory_space<vmem>>, vector<1x16xf32>,
      %swap3A_897 = vector.shape_cast %swap3A_896 : vector<1x16xf32> to vector<16xf32>
      %swap3A_898 = vector.shape_cast %get3A_892 : vector<16xf32> to vector<1x16xf32>
      tpu.vector_store %arg12[%swap3A_894, %swap3A_895], %swap3A_898 {strides = array<i32>} : memref<32x16xf32, #tpu.memory_space<vmem>>, vector<1x16xf32>,
      %slice3A_899 = vector.extract_strided_slice %get3A_37 {offsets = [4], sizes = [1], strides = [1]} : vector<16xi32> to vector<1xi32>
      %squeeze3A_900 = vector.extract %slice3A_899[0] : i32 from vector<1xi32>
      %and3A_901 = arith.constant 7 : i32
      %and3A_902 = arith.andi %squeeze3A_900, %and3A_901 : i32
      %add3A_903 = arith.constant 160 : i32
      %add3A_904 = arith.addi %add3A_903, %and3A_902 : i32
      %get3A_905 = arith.index_cast %add3A_904 : i32 to index
      %get3A_906 = arith.constant 0 : index
      %get3A_907 = tpu.vector_load %arg11[%get3A_905, %get3A_906] {strides = array<i32>} : memref<256x16xf32, #tpu.memory_space<vmem>>, vector<1x16xf32>,
      %get3A_908 = vector.shape_cast %get3A_907 : vector<1x16xf32> to vector<16xf32>
      %swap3A_909 = arith.constant 20 : i32
      %swap3A_910 = arith.index_cast %swap3A_909 : i32 to index
      %swap3A_911 = arith.constant 0 : index
      %swap3A_912 = tpu.vector_load %arg12[%swap3A_910, %swap3A_911] {strides = array<i32>} : memref<32x16xf32, #tpu.memory_space<vmem>>, vector<1x16xf32>,
      %swap3A_913 = vector.shape_cast %swap3A_912 : vector<1x16xf32> to vector<16xf32>
      %swap3A_914 = vector.shape_cast %get3A_908 : vector<16xf32> to vector<1x16xf32>
      tpu.vector_store %arg12[%swap3A_910, %swap3A_911], %swap3A_914 {strides = array<i32>} : memref<32x16xf32, #tpu.memory_space<vmem>>, vector<1x16xf32>,
      %slice3A_915 = vector.extract_strided_slice %get3A_37 {offsets = [5], sizes = [1], strides = [1]} : vector<16xi32> to vector<1xi32>
      %squeeze3A_916 = vector.extract %slice3A_915[0] : i32 from vector<1xi32>
      %and3A_917 = arith.constant 7 : i32
      %and3A_918 = arith.andi %squeeze3A_916, %and3A_917 : i32
      %add3A_919 = arith.constant 168 : i32
      %add3A_920 = arith.addi %add3A_919, %and3A_918 : i32
      %get3A_921 = arith.index_cast %add3A_920 : i32 to index
      %get3A_922 = arith.constant 0 : index
      %get3A_923 = tpu.vector_load %arg11[%get3A_921, %get3A_922] {strides = array<i32>} : memref<256x16xf32, #tpu.memory_space<vmem>>, vector<1x16xf32>,
      %get3A_924 = vector.shape_cast %get3A_923 : vector<1x16xf32> to vector<16xf32>
      %swap3A_925 = arith.constant 21 : i32
      %swap3A_926 = arith.index_cast %swap3A_925 : i32 to index
      %swap3A_927 = arith.constant 0 : index
      %swap3A_928 = tpu.vector_load %arg12[%swap3A_926, %swap3A_927] {strides = array<i32>} : memref<32x16xf32, #tpu.memory_space<vmem>>, vector<1x16xf32>,
      %swap3A_929 = vector.shape_cast %swap3A_928 : vector<1x16xf32> to vector<16xf32>
      %swap3A_930 = vector.shape_cast %get3A_924 : vector<16xf32> to vector<1x16xf32>
      tpu.vector_store %arg12[%swap3A_926, %swap3A_927], %swap3A_930 {strides = array<i32>} : memref<32x16xf32, #tpu.memory_space<vmem>>, vector<1x16xf32>,
      %slice3A_931 = vector.extract_strided_slice %get3A_37 {offsets = [6], sizes = [1], strides = [1]} : vector<16xi32> to vector<1xi32>
      %squeeze3A_932 = vector.extract %slice3A_931[0] : i32 from vector<1xi32>
      %and3A_933 = arith.constant 7 : i32
      %and3A_934 = arith.andi %squeeze3A_932, %and3A_933 : i32
      %add3A_935 = arith.constant 176 : i32
      %add3A_936 = arith.addi %add3A_935, %and3A_934 : i32
      %get3A_937 = arith.index_cast %add3A_936 : i32 to index
      %get3A_938 = arith.constant 0 : index
      %get3A_939 = tpu.vector_load %arg11[%get3A_937, %get3A_938] {strides = array<i32>} : memref<256x16xf32, #tpu.memory_space<vmem>>, vector<1x16xf32>,
      %get3A_940 = vector.shape_cast %get3A_939 : vector<1x16xf32> to vector<16xf32>
      %swap3A_941 = arith.constant 22 : i32
      %swap3A_942 = arith.index_cast %swap3A_941 : i32 to index
      %swap3A_943 = arith.constant 0 : index
      %swap3A_944 = tpu.vector_load %arg12[%swap3A_942, %swap3A_943] {strides = array<i32>} : memref<32x16xf32, #tpu.memory_space<vmem>>, vector<1x16xf32>,
      %swap3A_945 = vector.shape_cast %swap3A_944 : vector<1x16xf32> to vector<16xf32>
      %swap3A_946 = vector.shape_cast %get3A_940 : vector<16xf32> to vector<1x16xf32>
      tpu.vector_store %arg12[%swap3A_942, %swap3A_943], %swap3A_946 {strides = array<i32>} : memref<32x16xf32, #tpu.memory_space<vmem>>, vector<1x16xf32>,
      %slice3A_947 = vector.extract_strided_slice %get3A_37 {offsets = [7], sizes = [1], strides = [1]} : vector<16xi32> to vector<1xi32>
      %squeeze3A_948 = vector.extract %slice3A_947[0] : i32 from vector<1xi32>
      %and3A_949 = arith.constant 7 : i32
      %and3A_950 = arith.andi %squeeze3A_948, %and3A_949 : i32
      %add3A_951 = arith.constant 184 : i32
      %add3A_952 = arith.addi %add3A_951, %and3A_950 : i32
      %get3A_953 = arith.index_cast %add3A_952 : i32 to index
      %get3A_954 = arith.constant 0 : index
      %get3A_955 = tpu.vector_load %arg11[%get3A_953, %get3A_954] {strides = array<i32>} : memref<256x16xf32, #tpu.memory_space<vmem>>, vector<1x16xf32>,
      %get3A_956 = vector.shape_cast %get3A_955 : vector<1x16xf32> to vector<16xf32>
      %swap3A_957 = arith.constant 23 : i32
      %swap3A_958 = arith.index_cast %swap3A_957 : i32 to index
      %swap3A_959 = arith.constant 0 : index
      %swap3A_960 = tpu.vector_load %arg12[%swap3A_958, %swap3A_959] {strides = array<i32>} : memref<32x16xf32, #tpu.memory_space<vmem>>, vector<1x16xf32>,
      %swap3A_961 = vector.shape_cast %swap3A_960 : vector<1x16xf32> to vector<16xf32>
      %swap3A_962 = vector.shape_cast %get3A_956 : vector<16xf32> to vector<1x16xf32>
      tpu.vector_store %arg12[%swap3A_958, %swap3A_959], %swap3A_962 {strides = array<i32>} : memref<32x16xf32, #tpu.memory_space<vmem>>, vector<1x16xf32>,
      %slice3A_963 = vector.extract_strided_slice %get3A_37 {offsets = [8], sizes = [1], strides = [1]} : vector<16xi32> to vector<1xi32>
      %squeeze3A_964 = vector.extract %slice3A_963[0] : i32 from vector<1xi32>
      %and3A_965 = arith.constant 7 : i32
      %and3A_966 = arith.andi %squeeze3A_964, %and3A_965 : i32
      %add3A_967 = arith.constant 192 : i32
      %add3A_968 = arith.addi %add3A_967, %and3A_966 : i32
      %get3A_969 = arith.index_cast %add3A_968 : i32 to index
      %get3A_970 = arith.constant 0 : index
      %get3A_971 = tpu.vector_load %arg11[%get3A_969, %get3A_970] {strides = array<i32>} : memref<256x16xf32, #tpu.memory_space<vmem>>, vector<1x16xf32>,
      %get3A_972 = vector.shape_cast %get3A_971 : vector<1x16xf32> to vector<16xf32>
      %swap3A_973 = arith.constant 24 : i32
      %swap3A_974 = arith.index_cast %swap3A_973 : i32 to index
      %swap3A_975 = arith.constant 0 : index
      %swap3A_976 = tpu.vector_load %arg12[%swap3A_974, %swap3A_975] {strides = array<i32>} : memref<32x16xf32, #tpu.memory_space<vmem>>, vector<1x16xf32>,
      %swap3A_977 = vector.shape_cast %swap3A_976 : vector<1x16xf32> to vector<16xf32>
      %swap3A_978 = vector.shape_cast %get3A_972 : vector<16xf32> to vector<1x16xf32>
      tpu.vector_store %arg12[%swap3A_974, %swap3A_975], %swap3A_978 {strides = array<i32>} : memref<32x16xf32, #tpu.memory_space<vmem>>, vector<1x16xf32>,
      %slice3A_979 = vector.extract_strided_slice %get3A_37 {offsets = [9], sizes = [1], strides = [1]} : vector<16xi32> to vector<1xi32>
      %squeeze3A_980 = vector.extract %slice3A_979[0] : i32 from vector<1xi32>
      %and3A_981 = arith.constant 7 : i32
      %and3A_982 = arith.andi %squeeze3A_980, %and3A_981 : i32
      %add3A_983 = arith.constant 200 : i32
      %add3A_984 = arith.addi %add3A_983, %and3A_982 : i32
      %get3A_985 = arith.index_cast %add3A_984 : i32 to index
      %get3A_986 = arith.constant 0 : index
      %get3A_987 = tpu.vector_load %arg11[%get3A_985, %get3A_986] {strides = array<i32>} : memref<256x16xf32, #tpu.memory_space<vmem>>, vector<1x16xf32>,
      %get3A_988 = vector.shape_cast %get3A_987 : vector<1x16xf32> to vector<16xf32>
      %swap3A_989 = arith.constant 25 : i32
      %swap3A_990 = arith.index_cast %swap3A_989 : i32 to index
      %swap3A_991 = arith.constant 0 : index
      %swap3A_992 = tpu.vector_load %arg12[%swap3A_990, %swap3A_991] {strides = array<i32>} : memref<32x16xf32, #tpu.memory_space<vmem>>, vector<1x16xf32>,
      %swap3A_993 = vector.shape_cast %swap3A_992 : vector<1x16xf32> to vector<16xf32>
      %swap3A_994 = vector.shape_cast %get3A_988 : vector<16xf32> to vector<1x16xf32>
      tpu.vector_store %arg12[%swap3A_990, %swap3A_991], %swap3A_994 {strides = array<i32>} : memref<32x16xf32, #tpu.memory_space<vmem>>, vector<1x16xf32>,
      %slice3A_995 = vector.extract_strided_slice %get3A_37 {offsets = [10], sizes = [1], strides = [1]} : vector<16xi32> to vector<1xi32>
      %squeeze3A_996 = vector.extract %slice3A_995[0] : i32 from vector<1xi32>
      %and3A_997 = arith.constant 7 : i32
      %and3A_998 = arith.andi %squeeze3A_996, %and3A_997 : i32
      %add3A_999 = arith.constant 208 : i32
      %add3A_1000 = arith.addi %add3A_999, %and3A_998 : i32
      %get3A_1001 = arith.index_cast %add3A_1000 : i32 to index
      %get3A_1002 = arith.constant 0 : index
      %get3A_1003 = tpu.vector_load %arg11[%get3A_1001, %get3A_1002] {strides = array<i32>} : memref<256x16xf32, #tpu.memory_space<vmem>>, vector<1x16xf32>,
      %get3A_1004 = vector.shape_cast %get3A_1003 : vector<1x16xf32> to vector<16xf32>
      %swap3A_1005 = arith.constant 26 : i32
      %swap3A_1006 = arith.index_cast %swap3A_1005 : i32 to index
      %swap3A_1007 = arith.constant 0 : index
      %swap3A_1008 = tpu.vector_load %arg12[%swap3A_1006, %swap3A_1007] {strides = array<i32>} : memref<32x16xf32, #tpu.memory_space<vmem>>, vector<1x16xf32>,
      %swap3A_1009 = vector.shape_cast %swap3A_1008 : vector<1x16xf32> to vector<16xf32>
      %swap3A_1010 = vector.shape_cast %get3A_1004 : vector<16xf32> to vector<1x16xf32>
      tpu.vector_store %arg12[%swap3A_1006, %swap3A_1007], %swap3A_1010 {strides = array<i32>} : memref<32x16xf32, #tpu.memory_space<vmem>>, vector<1x16xf32>,
      %slice3A_1011 = vector.extract_strided_slice %get3A_37 {offsets = [11], sizes = [1], strides = [1]} : vector<16xi32> to vector<1xi32>
      %squeeze3A_1012 = vector.extract %slice3A_1011[0] : i32 from vector<1xi32>
      %and3A_1013 = arith.constant 7 : i32
      %and3A_1014 = arith.andi %squeeze3A_1012, %and3A_1013 : i32
      %add3A_1015 = arith.constant 216 : i32
      %add3A_1016 = arith.addi %add3A_1015, %and3A_1014 : i32
      %get3A_1017 = arith.index_cast %add3A_1016 : i32 to index
      %get3A_1018 = arith.constant 0 : index
      %get3A_1019 = tpu.vector_load %arg11[%get3A_1017, %get3A_1018] {strides = array<i32>} : memref<256x16xf32, #tpu.memory_space<vmem>>, vector<1x16xf32>,
      %get3A_1020 = vector.shape_cast %get3A_1019 : vector<1x16xf32> to vector<16xf32>
      %swap3A_1021 = arith.constant 27 : i32
      %swap3A_1022 = arith.index_cast %swap3A_1021 : i32 to index
      %swap3A_1023 = arith.constant 0 : index
      %swap3A_1024 = tpu.vector_load %arg12[%swap3A_1022, %swap3A_1023] {strides = array<i32>} : memref<32x16xf32, #tpu.memory_space<vmem>>, vector<1x16xf32>,
      %swap3A_1025 = vector.shape_cast %swap3A_1024 : vector<1x16xf32> to vector<16xf32>
      %swap3A_1026 = vector.shape_cast %get3A_1020 : vector<16xf32> to vector<1x16xf32>
      tpu.vector_store %arg12[%swap3A_1022, %swap3A_1023], %swap3A_1026 {strides = array<i32>} : memref<32x16xf32, #tpu.memory_space<vmem>>, vector<1x16xf32>,
      %slice3A_1027 = vector.extract_strided_slice %get3A_37 {offsets = [12], sizes = [1], strides = [1]} : vector<16xi32> to vector<1xi32>
      %squeeze3A_1028 = vector.extract %slice3A_1027[0] : i32 from vector<1xi32>
      %and3A_1029 = arith.constant 7 : i32
      %and3A_1030 = arith.andi %squeeze3A_1028, %and3A_1029 : i32
      %add3A_1031 = arith.constant 224 : i32
      %add3A_1032 = arith.addi %add3A_1031, %and3A_1030 : i32
      %get3A_1033 = arith.index_cast %add3A_1032 : i32 to index
      %get3A_1034 = arith.constant 0 : index
      %get3A_1035 = tpu.vector_load %arg11[%get3A_1033, %get3A_1034] {strides = array<i32>} : memref<256x16xf32, #tpu.memory_space<vmem>>, vector<1x16xf32>,
      %get3A_1036 = vector.shape_cast %get3A_1035 : vector<1x16xf32> to vector<16xf32>
      %swap3A_1037 = arith.constant 28 : i32
      %swap3A_1038 = arith.index_cast %swap3A_1037 : i32 to index
      %swap3A_1039 = arith.constant 0 : index
      %swap3A_1040 = tpu.vector_load %arg12[%swap3A_1038, %swap3A_1039] {strides = array<i32>} : memref<32x16xf32, #tpu.memory_space<vmem>>, vector<1x16xf32>,
      %swap3A_1041 = vector.shape_cast %swap3A_1040 : vector<1x16xf32> to vector<16xf32>
      %swap3A_1042 = vector.shape_cast %get3A_1036 : vector<16xf32> to vector<1x16xf32>
      tpu.vector_store %arg12[%swap3A_1038, %swap3A_1039], %swap3A_1042 {strides = array<i32>} : memref<32x16xf32, #tpu.memory_space<vmem>>, vector<1x16xf32>,
      %slice3A_1043 = vector.extract_strided_slice %get3A_37 {offsets = [13], sizes = [1], strides = [1]} : vector<16xi32> to vector<1xi32>
      %squeeze3A_1044 = vector.extract %slice3A_1043[0] : i32 from vector<1xi32>
      %and3A_1045 = arith.constant 7 : i32
      %and3A_1046 = arith.andi %squeeze3A_1044, %and3A_1045 : i32
      %add3A_1047 = arith.constant 232 : i32
      %add3A_1048 = arith.addi %add3A_1047, %and3A_1046 : i32
      %get3A_1049 = arith.index_cast %add3A_1048 : i32 to index
      %get3A_1050 = arith.constant 0 : index
      %get3A_1051 = tpu.vector_load %arg11[%get3A_1049, %get3A_1050] {strides = array<i32>} : memref<256x16xf32, #tpu.memory_space<vmem>>, vector<1x16xf32>,
      %get3A_1052 = vector.shape_cast %get3A_1051 : vector<1x16xf32> to vector<16xf32>
      %swap3A_1053 = arith.constant 29 : i32
      %swap3A_1054 = arith.index_cast %swap3A_1053 : i32 to index
      %swap3A_1055 = arith.constant 0 : index
      %swap3A_1056 = tpu.vector_load %arg12[%swap3A_1054, %swap3A_1055] {strides = array<i32>} : memref<32x16xf32, #tpu.memory_space<vmem>>, vector<1x16xf32>,
      %swap3A_1057 = vector.shape_cast %swap3A_1056 : vector<1x16xf32> to vector<16xf32>
      %swap3A_1058 = vector.shape_cast %get3A_1052 : vector<16xf32> to vector<1x16xf32>
      tpu.vector_store %arg12[%swap3A_1054, %swap3A_1055], %swap3A_1058 {strides = array<i32>} : memref<32x16xf32, #tpu.memory_space<vmem>>, vector<1x16xf32>,
      %slice3A_1059 = vector.extract_strided_slice %get3A_37 {offsets = [14], sizes = [1], strides = [1]} : vector<16xi32> to vector<1xi32>
      %squeeze3A_1060 = vector.extract %slice3A_1059[0] : i32 from vector<1xi32>
      %and3A_1061 = arith.constant 7 : i32
      %and3A_1062 = arith.andi %squeeze3A_1060, %and3A_1061 : i32
      %add3A_1063 = arith.constant 240 : i32
      %add3A_1064 = arith.addi %add3A_1063, %and3A_1062 : i32
      %get3A_1065 = arith.index_cast %add3A_1064 : i32 to index
      %get3A_1066 = arith.constant 0 : index
      %get3A_1067 = tpu.vector_load %arg11[%get3A_1065, %get3A_1066] {strides = array<i32>} : memref<256x16xf32, #tpu.memory_space<vmem>>, vector<1x16xf32>,
      %get3A_1068 = vector.shape_cast %get3A_1067 : vector<1x16xf32> to vector<16xf32>
      %swap3A_1069 = arith.constant 30 : i32
      %swap3A_1070 = arith.index_cast %swap3A_1069 : i32 to index
      %swap3A_1071 = arith.constant 0 : index
      %swap3A_1072 = tpu.vector_load %arg12[%swap3A_1070, %swap3A_1071] {strides = array<i32>} : memref<32x16xf32, #tpu.memory_space<vmem>>, vector<1x16xf32>,
      %swap3A_1073 = vector.shape_cast %swap3A_1072 : vector<1x16xf32> to vector<16xf32>
      %swap3A_1074 = vector.shape_cast %get3A_1068 : vector<16xf32> to vector<1x16xf32>
      tpu.vector_store %arg12[%swap3A_1070, %swap3A_1071], %swap3A_1074 {strides = array<i32>} : memref<32x16xf32, #tpu.memory_space<vmem>>, vector<1x16xf32>,
      %slice3A_1075 = vector.extract_strided_slice %get3A_37 {offsets = [15], sizes = [1], strides = [1]} : vector<16xi32> to vector<1xi32>
      %squeeze3A_1076 = vector.extract %slice3A_1075[0] : i32 from vector<1xi32>
      %and3A_1077 = arith.constant 7 : i32
      %and3A_1078 = arith.andi %squeeze3A_1076, %and3A_1077 : i32
      %add3A_1079 = arith.constant 248 : i32
      %add3A_1080 = arith.addi %add3A_1079, %and3A_1078 : i32
      %get3A_1081 = arith.index_cast %add3A_1080 : i32 to index
      %get3A_1082 = arith.constant 0 : index
      %get3A_1083 = tpu.vector_load %arg11[%get3A_1081, %get3A_1082] {strides = array<i32>} : memref<256x16xf32, #tpu.memory_space<vmem>>, vector<1x16xf32>,
      %get3A_1084 = vector.shape_cast %get3A_1083 : vector<1x16xf32> to vector<16xf32>
      %swap3A_1085 = arith.constant 31 : i32
      %swap3A_1086 = arith.index_cast %swap3A_1085 : i32 to index
      %swap3A_1087 = arith.constant 0 : index
      %swap3A_1088 = tpu.vector_load %arg12[%swap3A_1086, %swap3A_1087] {strides = array<i32>} : memref<32x16xf32, #tpu.memory_space<vmem>>, vector<1x16xf32>,
      %swap3A_1089 = vector.shape_cast %swap3A_1088 : vector<1x16xf32> to vector<16xf32>
      %swap3A_1090 = vector.shape_cast %get3A_1084 : vector<16xf32> to vector<1x16xf32>
      tpu.vector_store %arg12[%swap3A_1086, %swap3A_1087], %swap3A_1090 {strides = array<i32>} : memref<32x16xf32, #tpu.memory_space<vmem>>, vector<1x16xf32>,
      %mul3A_1091 = arith.constant 32 : i32
      %mul3A_1092 = arith.muli %scan3A_23, %mul3A_1091 : i32
      %add3A_1093 = arith.addi %mul3A_2, %mul3A_1092 : i32
      "tpu.region"() ({
        %run_scoped3A = tpu.sem_alloc : memref<!tpu.dma_semaphore, #tpu.memory_space<semaphore_mem>>
        %dma_start3A_1095 = arith.constant 0 : i32
        %dma_start3A_1096 = tpu.memref_slice %arg8[%add3A_1093, %dma_start3A_1095] : memref<16384x16xf32, #tpu.memory_space<hbm>> -> memref<32x16xf32, #tpu.memory_space<hbm>>
        %dma_start3A_1097 = arith.constant 0 : i32
        %dma_start3A_1098 = tpu.memref_slice %arg8[%add3A_1093, %dma_start3A_1097] : memref<16384x16xf32, #tpu.memory_space<hbm>> -> memref<32x16xf32, #tpu.memory_space<hbm>>
        tpu.enqueue_dma source(%arg12 : memref<32x16xf32, #tpu.memory_space<vmem>>) target(%dma_start3A_1098 : memref<32x16xf32, #tpu.memory_space<hbm>>) target_semaphore(%run_scoped3A : memref<!tpu.dma_semaphore, #tpu.memory_space<semaphore_mem>>)
        %dma_wait3A_1099 = arith.constant 0 : i32
        %dma_wait3A_1100 = tpu.memref_slice %arg8[%add3A_1093, %dma_wait3A_1099] : memref<16384x16xf32, #tpu.memory_space<hbm>> -> memref<32x16xf32, #tpu.memory_space<hbm>>
        %dma_wait3A_1101 = arith.constant 0 : i32
        %dma_wait3A_1102 = tpu.memref_slice %arg8[%add3A_1093, %dma_wait3A_1101] : memref<16384x16xf32, #tpu.memory_space<hbm>> -> memref<32x16xf32, #tpu.memory_space<hbm>>
        tpu.wait_dma2 semaphore(%run_scoped3A : memref<!tpu.dma_semaphore, #tpu.memory_space<semaphore_mem>>) src(%arg12 : memref<32x16xf32, #tpu.memory_space<vmem>>) dst(%dma_wait3A_1102 : memref<32x16xf32, #tpu.memory_space<hbm>>)
        tpu.yield
      }) : () -> ()
      %scan3A_1094 = arith.constant 0 : i32
      scf.yield %scan3A_1094 : i32
    }
    %scan3A_22 = arith.constant 16 : i32
    return
  }
}

module attributes {stable_mosaic.version = 14 : i64} {
  func.func @_mlp_body(%arg0: i32, %arg1: memref<4096x16xf32, #tpu.memory_space<vmem>>, %arg2: memref<4096x16xf32, #tpu.memory_space<vmem>>, %arg3: memref<4096x16xf32, #tpu.memory_space<vmem>>, %arg4: memref<32x32xf32, #tpu.memory_space<vmem>>, %arg5: memref<1x32xf32, #tpu.memory_space<vmem>>, %arg6: memref<32x16xf32, #tpu.memory_space<vmem>>, %arg7: memref<1x16xf32, #tpu.memory_space<vmem>>, %arg8: memref<16x8xf32, #tpu.memory_space<vmem>>, %arg9: memref<1x8xf32, #tpu.memory_space<vmem>>, %arg10: memref<16x1xf32, #tpu.memory_space<vmem>>, %arg11: memref<8x1xf32, #tpu.memory_space<vmem>>, %arg12: memref<1x1xf32, #tpu.memory_space<vmem>>, %arg13: memref<4096x1xf32, #tpu.memory_space<vmem>>) attributes {dimension_semantics = [#tpu.dimension_semantics<arbitrary>], iteration_bounds = array<i64: 4>, scalar_prefetch = 0 : i64, scratch_operands = 0 : i64, tpu.core_type = #tpu.core_type<tc>, window_params = [{transform_indices = @transform_0, window_bounds = array<i64: 4096, 16>}, {transform_indices = @transform_1, window_bounds = array<i64: 4096, 16>}, {transform_indices = @transform_2, window_bounds = array<i64: 4096, 16>}, {pipeline_mode = #tpu.pipeline_mode<synchronous>, transform_indices = @transform_3, window_bounds = array<i64: 32, 32>}, {pipeline_mode = #tpu.pipeline_mode<synchronous>, transform_indices = @transform_4, window_bounds = array<i64: 1, 32>}, {pipeline_mode = #tpu.pipeline_mode<synchronous>, transform_indices = @transform_5, window_bounds = array<i64: 32, 16>}, {pipeline_mode = #tpu.pipeline_mode<synchronous>, transform_indices = @transform_6, window_bounds = array<i64: 1, 16>}, {pipeline_mode = #tpu.pipeline_mode<synchronous>, transform_indices = @transform_7, window_bounds = array<i64: 16, 8>}, {pipeline_mode = #tpu.pipeline_mode<synchronous>, transform_indices = @transform_8, window_bounds = array<i64: 1, 8>}, {pipeline_mode = #tpu.pipeline_mode<synchronous>, transform_indices = @transform_9, window_bounds = array<i64: 16, 1>}, {pipeline_mode = #tpu.pipeline_mode<synchronous>, transform_indices = @transform_10, window_bounds = array<i64: 8, 1>}, {pipeline_mode = #tpu.pipeline_mode<synchronous>, transform_indices = @transform_11, window_bounds = array<i64: 1, 1>}, {transform_indices = @transform_12, window_bounds = array<i64: 4096, 1>}]} {
    %get3A = arith.constant 0 : index
    %get3A_0 = arith.constant 0 : index
    %get3A_1 = vector.load %arg1[%get3A, %get3A_0] : memref<4096x16xf32, #tpu.memory_space<vmem>>, vector<4096x16xf32>
    %get3A_2 = arith.constant 0 : index
    %get3A_3 = arith.constant 0 : index
    %get3A_4 = vector.load %arg3[%get3A_2, %get3A_3] : memref<4096x16xf32, #tpu.memory_space<vmem>>, vector<4096x16xf32>
    %concatenate3A = tpu.concatenate %get3A_1, %get3A_4 in 1 : vector<4096x16xf32>, vector<4096x16xf32> -> vector<4096x32xf32>
    %get3A_5 = arith.constant 0 : index
    %get3A_6 = arith.constant 0 : index
    %get3A_7 = vector.load %arg4[%get3A_5, %get3A_6] : memref<32x32xf32, #tpu.memory_space<vmem>>, vector<32x32xf32>
    %dot_general3A = arith.constant dense<0.000000e+00> : vector<4096x32xf32>
    %dot_general3A_8 = tpu.matmul %concatenate3A, %get3A_7, %dot_general3A {dimension_numbers = #tpu.dot_dimension_numbers<[1], [0], [0], [1], [0, 0, 1, 1], [], []>, precision = #tpu.contract_precision<fp32>, transpose_lhs_hint = false} : vector<4096x32xf32>, vector<32x32xf32>, vector<4096x32xf32> -> vector<4096x32xf32>
    %get3A_9 = arith.constant 0 : index
    %get3A_10 = arith.constant 0 : index
    %get3A_11 = vector.load %arg5[%get3A_9, %get3A_10] : memref<1x32xf32, #tpu.memory_space<vmem>>, vector<1x32xf32>
    %add3A = vector.broadcast %get3A_11 : vector<1x32xf32> to vector<4096x32xf32>
    %add3A_12 = arith.addf %dot_general3A_8, %add3A : vector<4096x32xf32>
    %max3A = arith.constant 0.000000e+00 : f32
    %max3A_13 = vector.broadcast %max3A : f32 to vector<4096x32xf32>
    %max3A_14 = arith.maximumf %add3A_12, %max3A_13 : vector<4096x32xf32>
    %get3A_15 = arith.constant 0 : index
    %get3A_16 = arith.constant 0 : index
    %get3A_17 = vector.load %arg6[%get3A_15, %get3A_16] : memref<32x16xf32, #tpu.memory_space<vmem>>, vector<32x16xf32>
    %dot_general3A_18 = arith.constant dense<0.000000e+00> : vector<4096x16xf32>
    %dot_general3A_19 = tpu.matmul %max3A_14, %get3A_17, %dot_general3A_18 {dimension_numbers = #tpu.dot_dimension_numbers<[1], [0], [0], [1], [0, 0, 1, 1], [], []>, precision = #tpu.contract_precision<fp32>, transpose_lhs_hint = false} : vector<4096x32xf32>, vector<32x16xf32>, vector<4096x16xf32> -> vector<4096x16xf32>
    %get3A_20 = arith.constant 0 : index
    %get3A_21 = arith.constant 0 : index
    %get3A_22 = vector.load %arg7[%get3A_20, %get3A_21] : memref<1x16xf32, #tpu.memory_space<vmem>>, vector<1x16xf32>
    %add3A_23 = vector.broadcast %get3A_22 : vector<1x16xf32> to vector<4096x16xf32>
    %add3A_24 = arith.addf %dot_general3A_19, %add3A_23 : vector<4096x16xf32>
    %max3A_25 = arith.constant 0.000000e+00 : f32
    %max3A_26 = vector.broadcast %max3A_25 : f32 to vector<4096x16xf32>
    %max3A_27 = arith.maximumf %add3A_24, %max3A_26 : vector<4096x16xf32>
    %get3A_28 = arith.constant 0 : index
    %get3A_29 = arith.constant 0 : index
    %get3A_30 = vector.load %arg8[%get3A_28, %get3A_29] : memref<16x8xf32, #tpu.memory_space<vmem>>, vector<16x8xf32>
    %dot_general3A_31 = arith.constant dense<0.000000e+00> : vector<4096x8xf32>
    %dot_general3A_32 = tpu.matmul %max3A_27, %get3A_30, %dot_general3A_31 {dimension_numbers = #tpu.dot_dimension_numbers<[1], [0], [0], [1], [0, 0, 1, 1], [], []>, precision = #tpu.contract_precision<fp32>, transpose_lhs_hint = false} : vector<4096x16xf32>, vector<16x8xf32>, vector<4096x8xf32> -> vector<4096x8xf32>
    %get3A_33 = arith.constant 0 : index
    %get3A_34 = arith.constant 0 : index
    %get3A_35 = vector.load %arg9[%get3A_33, %get3A_34] : memref<1x8xf32, #tpu.memory_space<vmem>>, vector<1x8xf32>
    %add3A_36 = vector.broadcast %get3A_35 : vector<1x8xf32> to vector<4096x8xf32>
    %add3A_37 = arith.addf %dot_general3A_32, %add3A_36 : vector<4096x8xf32>
    %max3A_38 = arith.constant 0.000000e+00 : f32
    %max3A_39 = vector.broadcast %max3A_38 : f32 to vector<4096x8xf32>
    %max3A_40 = arith.maximumf %add3A_37, %max3A_39 : vector<4096x8xf32>
    %get3A_41 = arith.constant 0 : index
    %get3A_42 = arith.constant 0 : index
    %get3A_43 = vector.load %arg2[%get3A_41, %get3A_42] : memref<4096x16xf32, #tpu.memory_space<vmem>>, vector<4096x16xf32>
    %mul3A = arith.mulf %get3A_1, %get3A_43 : vector<4096x16xf32>
    %get3A_44 = arith.constant 0 : index
    %get3A_45 = arith.constant 0 : index
    %get3A_46 = vector.load %arg10[%get3A_44, %get3A_45] : memref<16x1xf32, #tpu.memory_space<vmem>>, vector<16x1xf32>
    %dot_general3A_47 = arith.constant dense<0.000000e+00> : vector<4096x1xf32>
    %dot_general3A_48 = tpu.matmul %mul3A, %get3A_46, %dot_general3A_47 {dimension_numbers = #tpu.dot_dimension_numbers<[1], [0], [0], [1], [0, 0, 1, 1], [], []>, precision = #tpu.contract_precision<fp32>, transpose_lhs_hint = false} : vector<4096x16xf32>, vector<16x1xf32>, vector<4096x1xf32> -> vector<4096x1xf32>
    %get3A_49 = arith.constant 0 : index
    %get3A_50 = arith.constant 0 : index
    %get3A_51 = vector.load %arg11[%get3A_49, %get3A_50] : memref<8x1xf32, #tpu.memory_space<vmem>>, vector<8x1xf32>
    %dot_general3A_52 = arith.constant dense<0.000000e+00> : vector<4096x1xf32>
    %dot_general3A_53 = tpu.matmul %max3A_40, %get3A_51, %dot_general3A_52 {dimension_numbers = #tpu.dot_dimension_numbers<[1], [0], [0], [1], [0, 0, 1, 1], [], []>, precision = #tpu.contract_precision<fp32>, transpose_lhs_hint = false} : vector<4096x8xf32>, vector<8x1xf32>, vector<4096x1xf32> -> vector<4096x1xf32>
    %add3A_54 = arith.addf %dot_general3A_48, %dot_general3A_53 : vector<4096x1xf32>
    %get3A_55 = arith.constant 0 : index
    %get3A_56 = arith.constant 0 : index
    %get3A_57 = vector.load %arg12[%get3A_55, %get3A_56] : memref<1x1xf32, #tpu.memory_space<vmem>>, vector<1x1xf32>
    %add3A_58 = vector.broadcast %get3A_57 : vector<1x1xf32> to vector<4096x1xf32>
    %add3A_59 = arith.addf %add3A_54, %add3A_58 : vector<4096x1xf32>
    %logistic3A = arith.negf %add3A_59 : vector<4096x1xf32>
    %logistic3A_60 = math.exp %logistic3A : vector<4096x1xf32>
    %logistic3A_61 = arith.constant 1.000000e+00 : f32
    %logistic3A_62 = vector.broadcast %logistic3A_61 : f32 to vector<4096x1xf32>
    %logistic3A_63 = arith.addf %logistic3A_62, %logistic3A_60 : vector<4096x1xf32>
    %logistic3A_64 = arith.divf %logistic3A_62, %logistic3A_63 : vector<4096x1xf32>
    %swap3A = arith.constant 0 : index
    %swap3A_65 = arith.constant 0 : index
    %swap3A_66 = vector.load %arg13[%swap3A, %swap3A_65] : memref<4096x1xf32, #tpu.memory_space<vmem>>, vector<4096x1xf32>
    tpu.vector_store %arg13[%swap3A, %swap3A_65], %logistic3A_64 {strides = array<i32>} : memref<4096x1xf32, #tpu.memory_space<vmem>>, vector<4096x1xf32>,
    return
  }
  func.func @transform_0(%arg0: i32) -> (i32, i32) {
    %c0_i32 = arith.constant 0 : i32
    %c0_i32_0 = arith.constant 0 : i32
    return %arg0, %c0_i32 : i32, i32
  }
  func.func @transform_1(%arg0: i32) -> (i32, i32) {
    %c0_i32 = arith.constant 0 : i32
    %c0_i32_0 = arith.constant 0 : i32
    return %arg0, %c0_i32 : i32, i32
  }
  func.func @transform_2(%arg0: i32) -> (i32, i32) {
    %c0_i32 = arith.constant 0 : i32
    %c0_i32_0 = arith.constant 0 : i32
    return %arg0, %c0_i32 : i32, i32
  }
  func.func @transform_3(%arg0: i32) -> (i32, i32) {
    %c0_i32 = arith.constant 0 : i32
    %c0_i32_0 = arith.constant 0 : i32
    %c0_i32_1 = arith.constant 0 : i32
    return %c0_i32, %c0_i32_0 : i32, i32
  }
  func.func @transform_4(%arg0: i32) -> (i32, i32) {
    %c0_i32 = arith.constant 0 : i32
    %c0_i32_0 = arith.constant 0 : i32
    %c0_i32_1 = arith.constant 0 : i32
    return %c0_i32, %c0_i32_0 : i32, i32
  }
  func.func @transform_5(%arg0: i32) -> (i32, i32) {
    %c0_i32 = arith.constant 0 : i32
    %c0_i32_0 = arith.constant 0 : i32
    %c0_i32_1 = arith.constant 0 : i32
    return %c0_i32, %c0_i32_0 : i32, i32
  }
  func.func @transform_6(%arg0: i32) -> (i32, i32) {
    %c0_i32 = arith.constant 0 : i32
    %c0_i32_0 = arith.constant 0 : i32
    %c0_i32_1 = arith.constant 0 : i32
    return %c0_i32, %c0_i32_0 : i32, i32
  }
  func.func @transform_7(%arg0: i32) -> (i32, i32) {
    %c0_i32 = arith.constant 0 : i32
    %c0_i32_0 = arith.constant 0 : i32
    %c0_i32_1 = arith.constant 0 : i32
    return %c0_i32, %c0_i32_0 : i32, i32
  }
  func.func @transform_8(%arg0: i32) -> (i32, i32) {
    %c0_i32 = arith.constant 0 : i32
    %c0_i32_0 = arith.constant 0 : i32
    %c0_i32_1 = arith.constant 0 : i32
    return %c0_i32, %c0_i32_0 : i32, i32
  }
  func.func @transform_9(%arg0: i32) -> (i32, i32) {
    %c0_i32 = arith.constant 0 : i32
    %c0_i32_0 = arith.constant 0 : i32
    %c0_i32_1 = arith.constant 0 : i32
    return %c0_i32, %c0_i32_0 : i32, i32
  }
  func.func @transform_10(%arg0: i32) -> (i32, i32) {
    %c0_i32 = arith.constant 0 : i32
    %c0_i32_0 = arith.constant 0 : i32
    %c0_i32_1 = arith.constant 0 : i32
    return %c0_i32, %c0_i32_0 : i32, i32
  }
  func.func @transform_11(%arg0: i32) -> (i32, i32) {
    %c0_i32 = arith.constant 0 : i32
    %c0_i32_0 = arith.constant 0 : i32
    %c0_i32_1 = arith.constant 0 : i32
    return %c0_i32, %c0_i32_0 : i32, i32
  }
  func.func @transform_12(%arg0: i32) -> (i32, i32) {
    %c0_i32 = arith.constant 0 : i32
    %c0_i32_0 = arith.constant 0 : i32
    return %arg0, %c0_i32 : i32, i32
  }
}

</mosaic_0001>

<sc_bundles>
// kernel: kernel.4.cloned.1.call-start
scs
__scs_entry_jumppad:
0x0: {  	(pc) =	sbr.rel $0x88, $3  }
0x1: {  	(tag) =	ssettag $0x0;
	lr =	simm.s32 $0x1  }
0x2: {  	[smem:$0x3F95] =	sst lr;
	_ =	strace $0xD0000000  }
0x3: {  	_ = 	snop  }
0x4: {  	_ = 	snop  }
0x5: {  	_ = 	snop  }
0x6: {  	_ = 	snop  }
0x7: {  	_ = 	snop  }
__scs_overlays_trampoline_lowered:
0x8: {  	[smem:$0x3FA4] =	sst s0  }
0x9: {  	[smem:$0x3FA5] =	sst s1  }
0xa: {  	[smem:$0x3FA6] =	sst s2  }
0xb: {  	[smem:$0x3FA7] =	sst s3  }
0xc: {  	[smem:$0x3FA8] =	sst s4  }
0xd: {  	[smem:$0x3FA9] =	sst s5  }
0xe: {  	[smem:$0x3FAA] =	sst s6  }
0xf: {  	[smem:$0x3FAB] =	sst s7  }
0x10: {  	[smem:$0x3FAC] =	sst s8  }
0x11: {  	[smem:$0x3FAD] =	sst s9;
	s0 =	simm.s32 @!p0 $0x0  }
0x12: {  	s1 =	sld [smem:$0x3F93];
	s0 =	simm.s32 @p0 $0x1  }
0x13: {  	[smem:$0x3FAE] =	sst s0;
	s0 =	simm.s32 @!p1 $0x0  }
0x14: {  	s2 =	sld [smem:$0x3F92];
	s0 =	simm.s32 @p1 $0x1  }
0x15: {  	[smem:$0x3FAF] =	sst s0;
	s0 =	simm.s32 @!p2 $0x0  }
0x16: {  	s3 =	sld [smem:$0x3FDB];
	s0 =	simm.s32 @p2 $0x1  }
0x17: {  	s4 =	simm.s32 $0x1BF5;
	[smem:$0x3FB1] =	sst s0  }
0x18: {  	s0 =	sld [smem:$0x3F94];
	_ =	swait.ge [sflag:s4], $0x0  }
0x19: {  	s7 =	sld [smem:$0x3F95]  }
0x1a: {  	s8 =	sadd.s32 $0xFFFFE003, lr  }
0x1b: {  	s9 =	sadd.s32 $0xFFFFFEF7, lr;
	s5 =	simm.s32 $0xFFFFFFFF;
	p2 =	slt.u32 s8, $0xFFFFF086  }
0x1c: {  	p1 =	slt.u32 s9, $0xF7A;
	s5 =	simm.s32 @!p2 $0x0  }
0x1d: {  	s5 =	simm.s32 @p1 $0x1;
	p0 =	seq.s32 s7, s2  }
0x1e: {  	s7 =	smul.u32 @!p0 $0xF7A, s2;
	p2 =	seq.s32 @!p0 s5, $0x0  }
0x1f: {  	s9 =	smul.u32 $0xF7A, s1;
	s8 =	simm.s32 @!p0 $0x1BF5;
	p2 =	por !p2, p0  }
0x20: {  	[sflag:s8] =	ssyncset.s32 @!p0 $0xFFFFF086;
	s6 =	sadd.s32 @!p0 s3, s7;
	s7 =	simm.s32 @!p0 $0x108  }
0x21: {  	s3 =	sadd.s32 s3, s9;
	s6 =	sadd.s32 @!p0 $0x88, s6;
	s7 =	simm.s32 @p2 $0x1082  }
0x22: {  	[simem:s7], [sflag:s8] =	dma.local @!p0 [hbm:s6], $0xF7A  }
0x23: {  	s9 =	sor.u32 $0xD0000000, s2;
	s6 =	simm.s32 $0x108;
	_ =	swait.ge @!p0 [sflag:s8], $0x0  }
0x24: {  	s3 =	sadd.s32 $0x88, s3;
	s6 =	simm.s32 @!p1 $0x1082;
	[sflag:s4] =	ssyncset.s32 $0xFFFFF086  }
0x25: {  	[simem:s6], [sflag:s4] =	dma.local [hbm:s3], $0xF7A  }
0x26: {  	[smem:$0x3F95] =	sst s1;
	(tag) =	ssettag s2;
	_ =	strace s9  }
0x27: {  	s1 =	sld [smem:$0x3FA5]  }
0x28: {  	s2 =	sld [smem:$0x3FA6]  }
0x29: {  	s4 =	sld [smem:$0x3FA8]  }
0x2a: {  	p0 =	seq.s32 s5, $0x0;
	s5 =	sld [smem:$0x3FA9]  }
0x2b: {  	s6 =	sld [smem:$0x3FAA]  }
0x2c: {  	s7 =	sld [smem:$0x3FAB]  }
0x2d: {  	s3 =	simm.s32 $0x108;
	s8 =	sld [smem:$0x3FAC]  }
0x2e: {  	s3 =	simm.s32 @!p0 $0x1082;
	s9 =	sld [smem:$0x3FAD]  }
0x2f: {  	lr =	sadd.s32 s0, s3;
	s0 =	sld [smem:$0x3FA4]  }
0x30: {  	s3 =	sld [smem:$0x3FA7]  }
0x31: {  	[smem:$0x3FB0] =	sst s10  }
0x32: {  	s10 =	sld [smem:$0x3FAE];
	_ =	sdelay $0x3  }
0x33: {  	p0 =	seq.s32 s10, $0x1;
	s10 =	sld [smem:$0x3FB0];
	_ =	sdelay $0x3  }
0x34: {  	[smem:$0x3FB0] =	sst s10  }
0x35: {  	s10 =	sld [smem:$0x3FAF];
	_ =	sdelay $0x3  }
0x36: {  	p1 =	seq.s32 s10, $0x1;
	s10 =	sld [smem:$0x3FB0];
	_ =	sdelay $0x3  }
0x37: {  	[smem:$0x3FB0] =	sst s10  }
0x38: {  	s10 =	sld [smem:$0x3FB1]  }
0x39: {  	_ = 	snop;
	(pc) =	sbr.ind lr, $3  }
0x3a: {  	_ = 	snop  }
0x3b: {  	_ = 	snop  }
0x3c: {  	p2 =	seq.s32 s10, $0x1;
	s10 =	sld [smem:$0x3FB0]  }
0x3d: {  	_ =	shalt  }
0x3e: {  	_ =	shalt  }
0x3f: {  	_ =	shalt  }
0x40: {  	_ =	shalt  }
0x41: {  	_ =	shalt  }
0x42: {  	_ =	shalt  }
0x43: {  	_ =	shalt  }
0x44: {  	_ =	shalt  }
0x45: {  	_ =	shalt  }
0x46: {  	_ =	shalt  }
0x47: {  	_ =	shalt  }
0x48: {  	_ =	shalt  }
0x49: {  	_ =	shalt  }
0x4a: {  	_ =	shalt  }
0x4b: {  	_ =	shalt  }
0x4c: {  	_ =	shalt  }
0x4d: {  	_ =	shalt  }
0x4e: {  	_ =	shalt  }
0x4f: {  	_ =	shalt  }
0x50: {  	_ =	shalt  }
0x51: {  	_ =	shalt  }
0x52: {  	_ =	shalt  }
0x53: {  	_ =	shalt  }
0x54: {  	_ =	shalt  }
0x55: {  	_ =	shalt  }
0x56: {  	_ =	shalt  }
0x57: {  	_ =	shalt  }
0x58: {  	_ =	shalt  }
0x59: {  	_ =	shalt  }
0x5a: {  	_ =	shalt  }
0x5b: {  	_ =	shalt  }
0x5c: {  	_ =	shalt  }
0x5d: {  	_ =	shalt  }
0x5e: {  	_ =	shalt  }
0x5f: {  	_ =	shalt  }
0x60: {  	_ =	shalt  }
0x61: {  	_ =	shalt  }
0x62: {  	_ =	shalt  }
0x63: {  	_ =	shalt  }
0x64: {  	_ =	shalt  }
0x65: {  	_ =	shalt  }
0x66: {  	_ =	shalt  }
0x67: {  	_ =	shalt  }
0x68: {  	_ =	shalt  }
0x69: {  	_ =	shalt  }
0x6a: {  	_ =	shalt  }
0x6b: {  	_ =	shalt  }
0x6c: {  	_ =	shalt  }
0x6d: {  	_ =	shalt  }
0x6e: {  	_ =	shalt  }
0x6f: {  	_ =	shalt  }
0x70: {  	_ =	shalt  }
0x71: {  	_ =	shalt  }
0x72: {  	_ =	shalt  }
0x73: {  	_ =	shalt  }
0x74: {  	_ =	shalt  }
0x75: {  	_ =	shalt  }
0x76: {  	_ =	shalt  }
0x77: {  	_ =	shalt  }
0x78: {  	_ =	shalt  }
0x79: {  	_ =	shalt  }
0x7a: {  	_ =	shalt  }
0x7b: {  	_ =	shalt  }
0x7c: {  	_ =	shalt  }
0x7d: {  	_ =	shalt  }
0x7e: {  	_ =	shalt  }
0x7f: {  	_ =	shalt  }
0x80: {  	_ =	shalt  }
0x81: {  	_ =	shalt  }
0x82: {  	_ =	shalt  }
0x83: {  	_ =	shalt  }
0x84: {  	_ =	shalt  }
0x85: {  	_ =	shalt  }
0x86: {  	_ =	shalt  }
0x87: {  	_ =	shalt  }
.Lfunc_end0:
.L_simem_size_0:
called_computation_lowered:
.L_overlay_start_0:
0x88: {  	s2 =	sld [smem:$0x3FD9]  }
0x89: {  	s3 =	sld [smem:$0x3FFE];
	_ =	sdelay $0x1  }
0x8a: {  	s1 =	srdreg.scid  }
0x8b: {  	s0 =	sand.u32 $0x1, s1  }
0x8c: {  	s17 =	sshll.u32 s0, $0xA;
	s2 =	sadd.s32 s3, s2  }
0x8d: {  	s2 =	sadd.s32 s2, s17  }
0x8e: {  	[smem:$0x3FBC] =	sst s2  }
0x8f: {  	_ = 	snop  }
0x90: {  	s2 =	sld [smem:$0x3FC9]  }
0x91: {  	s18 =	sld [smem:$0x3FC8];
	(tm) =	ssettm $0x1  }
0x92: {  	s4 =	sld [smem:$0x3FFB];
	_ =	sdelay $0x3  }
0x93: {  	_ =	strace s4  }
0x94: {  	s4 =	sld [smem:$0x3FFC];
	_ =	sdelay $0x3  }
0x95: {  	_ =	strace s4  }
0x96: {  	s4 =	sld [smem:$0x3FFD];
	_ =	sdelay $0x3  }
0x97: {  	_ =	strace s4  }
0x98: {  	_ =	strace $0x8FFFFFFF  }
0x99: {  	s19 =	sld [smem:$0x3FDB];
	_ =	sdelay $0x1  }
0x9a: {  	s5 =	simm.s32 $_scs_section_size  }
0x9b: {  	s6 =	simm.s32 $_size__tile_overlayer_lowered;
	s7 =	simm.s32 $_tile_overlayer_lowered  }
0x9c: {  	s22 =	simm.s32 $0x1BFF;
	s21 =	sshll.u32 s7, $0x1;
	s4 =	sadd.s32 s5, s19  }
0x9d: {  	s8 =	simm.s32 $0x0;
	s20 =	sshll.u32 s6, $0x1;
	s6 =	sadd.s32 s21, s4  }
0x9e: {  	[timem:s8], [sflag:s22] =	dma.local [hbm:s6], s20  }
0x9f: {  	_ =	swait.ge [sflag:s22], s20  }
0xa0: {  	s5 =	ssub.s32 $0x0, s20;
	[sflag:s22] =	ssyncset.done $0x0  }
0xa1: {  	[sflag:s22] =	ssyncadd.s32 s5;
	_ =	sdelay $0x1  }
0xa2: {  	s23 =	simm.s32 $0x1B8B  }
0xa3: {  	_ =	swait.ge [sflag:s23], $0x1  }
0xa4: {  	[sflag:s23] =	ssyncset.done $0x0  }
0xa5: {  	s25 =	simm.s32 $0x1B8E;
	s24 =	sld [smem:$0x3FFE];
	[sflag:s23] =	ssyncadd.s32 $0xFFFFFFFF  }
0xa6: {  	s26 =	simm.s32 $execute0_lowered;
	[smem:$0x3FD2] =	sst s25  }
0xa7: {  	s6 =	sshll.u32 s26, $0x1;
	_ =	strace $0x80000046;
	[dreg:$0x1] =	wrdreg $0xFFFFFFFF  }
0xa8: {  	s28 =	simm.s32 $_size_execute0_lowered;
	s4 =	sadd.s32 s4, s6;
	[dreg:$0x0] =	wrdreg $0x0  }
0xa9: {  	s6 =	sshll.u32 s28, $0x1;
	[dreg:$0x2] =	wrdreg s4  }
0xaa: {  	[dreg:$0x3] =	wrdreg s6  }
0xab: {  	[dreg:$0x4] =	wrdreg $0xC0  }
0xac: {  	_ =	task [dreg:s8], $0x5FFFF  }
0xad: {  	[dreg:$0x1] =	wrdreg $0xFFFFFFFF  }
0xae: {  	[dreg:$0x0] =	wrdreg $0x60  }
0xaf: {  	[dreg:$0x2] =	wrdreg s2  }
0xb0: {  	[dreg:$0x3] =	wrdreg s18  }
0xb1: {  	[dreg:$0x4] =	wrdreg s24  }
0xb2: {  	[dreg:$0x5] =	wrdreg $0x9  }
0xb3: {  	_ =	task.clear_ibuf [dreg:s8], $0x6FFFF;
	_ =	strace $0x90000046  }
0xb4: {  	s29 =	simm.s32 $0x9;
	_ =	strace $0x80000048  }
0xb5: {  	_ =	swait.ge [sflag:s29], $0x1  }
0xb6: {  	[sflag:s29] =	ssyncadd.s32 $0xFFFFFFFF  }
0xb7: {  	_ =	strace $0x90000048  }
0xb8: {  	_ =	sfence  }
0xb9: {  	s30 =	sld [smem:$0x0];
	_ =	sdelay $0x2  }
0xba: {  	s31 =	sshll.u32 s1, $0xD;
	s1 =	sshrl.u32 s1, $0x2  }
0xbb: {  	s3 =	sand.u32 $0x4000, s31;
	s1 =	sadd.s32 s1, s30  }
0xbc: {  	s0 =	sor.u32 s3, s0;
	s1 =	sshll.u32 s1, $0x11  }
0xbd: {  	s0 =	sor.u32 s1, s0  }
0xbe: {  	s0 =	sadd.s32 $0x8F2B, s0  }
0xbf: {  	[sflag:s0] =	ssyncadd.remote.s32 $0x1  }
0xc0: {  	_ =	sfence.sel $0xFFFF  }
0xc1: {  	[dreg:$0x0] =	wrdreg $0xFFFFFFFF;
	(pc) =	sbr.abs _section_cstart, $3  }
0xc2: {  	[dreg:$0x1] =	wrdreg $0xFFFFFFFF  }
0xc3: {  	_ =	task.clear_ibuf [dreg:s8], $0x2FFFF;
	_ =	strace $0x9FFFFFFF  }
0xc4: {  	(tm) =	ssettm $0x7FFFFFFF  }
0xc5: {  	_ =	shalt  }
tec
execute0_lowered:
.L_overlay_start_1:
0x0: {  	(tag) =	ssettag $0x1  }
0x1: {  	s0 =	rddreg [dreg:$0x0]  }
0x2: {  	s1 =	rddreg [dreg:$0x1]  }
0x3: {  	s2 =	rddreg [dreg:$0x2]  }
0x4: {  	s8 =	simm.s32 $0x0;
	s3 =	srdreg.scid;
	s5 =	stileid.u32  }
0x5: {  	s11 =	simm.s32 $0x400;
	s15 =	simm.s32 $0x800;
	s16 =	simm.s32 $0xC00  }
0x6: {  	s17 =	simm.s32 $0x1000;
	s18 =	simm.s32 $0x1400;
	s19 =	simm.s32 $0x1800  }
0x7: {  	s20 =	simm.s32 $0x1C00;
	s28 =	simm.s32 $0x2400;
	[smem:$0x7FF] =	sst s8  }
0x8: {  	s10 =	sadd.s32 $0x1800, s2;
	s4 =	sadd.s32 $0xF43C00, s2;
	s3 =	sand.u32 $0x1, s3  }
0x9: {  	s21 =	sshll.u32 s5, $0xE;
	s5 =	sshll.u32 s5, $0xA;
	s6 =	sshll.u32 s3, $0x9  }
0xa: {  	s2 =	sadd.s32 s21, s2;
	s22 =	ssub.s32 $0x2, s3;
	s3 =	sshll.u32 s3, $0xD  }
0xb: {  	_ =	strace $0x80000047;
	[smem:$0x7F6] =	sst s4;
	s24 =	sadd.s32 s3, s2  }
0xc: {  	[smem:$0x7FD] =	sst s10;
	s5 =	sor.u32 s6, s5;
	s26 =	sadd.s32 $0x1E86000, s24  }
0xd: {  	s5 =	sshrl.u32 s5, $0x3;
	s31 =	sadd.s32 $0x1EC6000, s24;
	[smem:$0x7FA] =	sst s26  }
0xe: {  	s23 =	sshrl.u32 s22, $0x1;
	s0 =	sadd.s32 s0, s5;
	[smem:$0x7FB] =	sst s31  }
0xf: {  	s4 =	ssub.s32 s22, s23;
	s1 =	sadd.s32 s1, s5;
	[smem:$0x7F7] =	sst s0  }
0x10: {  	s29 =	simm.s32 $0x2800;
	s25 =	smax.u32 s4, $0x1;
	[smem:$0x7F8] =	sst s1  }
0x11: {  	s30 =	simm.s32 $0x2C00;
	[smem:$0x7F9] =	sst s25;
	s0 =	sadd.s32 $0x1F06000, s24  }
0x12: {  	s2 =	simm.s32 $0x0;
	s26 =	simm.s32 $0x2000;
	[smem:$0x7FC] =	sst s0  }
.LBB2_1:
0x13: {  	s0 =	sld [smem:$0x7F7];
	_ =	sdelay $0x1  }
0x14: {  	[smem:$0x7F1] =	sst s2;
	s1 =	simm.s32 $0x2  }
0x15: {  	[tilespmem:s8], [sflag:$0x2] =	stream.linear.gather [hbm4b:s0+s8], $0x200, $0x38;
	[tilespmem:$0x9400] =	vst v63  }
0x16: {  	_ =	swait.ge [sflag:s1], $0x200  }
0x17: {  	s9 =	sld [smem:$0x7F8]  }
0x18: {  	[sflag:s1] =	ssyncset.done $0x0  }
0x19: {  	s12 =	simm.s32 $0x200;
	[sflag:s1] =	ssyncadd.s32 $0xFFFFFE00  }
0x1a: {  	[tilespmem:s12], [sflag:$0x2] =	stream.linear.gather [hbm4b:s9+s8], $0x200, $0x38;
	[tilespmem:$0x9400] =	vst v63  }
0x1b: {  	_ =	swait.ge [sflag:s1], $0x200  }
0x1c: {  	[sflag:s1] =	ssyncset.done $0x0  }
0x1d: {  	s13 =	simm.s32 $0x0;
	[sflag:s1] =	ssyncadd.s32 $0xFFFFFE00  }
0x1e: {  	v1 =	vld [tilespmem:s13+$0x0];
	_ =	sdelay $0x4  }
0x1f: {  	(v2sf) =	vpush v1, $0xD  }
0x20: {  	(v2sf) =	vpush v1, $0x3  }
0x21: {  	(v2sf) =	vpush v1, $0x4  }
0x22: {  	(v2sf) =	vpush v1, $0x1  }
0x23: {  	(v2sf) =	vpush v1, $0x0  }
0x24: {  	(v2sf) =	vpush v1, $0x2  }
0x25: {  	(v2sf) =	vpush v1, $0x9  }
0x26: {  	(v2sf) =	vpush v1, $0x5;
	_ =	sdelay $0x1  }
0x27: {  	(v2sf) =	vpush v1, $0x7;
	_ =	sdelay $0x2  }
0x28: {  	v0 =	vld [tilespmem:s13+$0x10];
	_ =	sdelay $0x2  }
0x29: {  	s14 =	spop (v2sf)  }
0x2a: {  	s7 =	spop (v2sf)  }
0x2b: {  	(v2sf) =	vpush v0, $0x1;
	[smem:$0x7F3] =	sst s14;
	s4 =	spop (v2sf);
	s21 =	sshll.u32 s7, $0x4  }
0x2c: {  	(v2sf) =	vpush v0, $0x0;
	s0 =	sshll.u32 s14, $0x4;
	s13 =	spop (v2sf);
	s1 =	sand.u32 $0xFFFFF80, s21  }
0x2d: {  	s22 =	sshll.u32 s4, $0x4;
	s14 =	spop (v2sf);
	s3 =	sshll.u32 s13, $0x4  }
0x2e: {  	(v2sf) =	vpush v1, $0x6;
	s2 =	sand.u32 $0xFFFFF80, s22;
	s22 =	spop (v2sf);
	s5 =	sshll.u32 s14, $0x4  }
0x2f: {  	s3 =	sand.u32 $0xFFFFF80, s3;
	s12 =	spop (v2sf);
	s5 =	sand.u32 $0xFFFFF80, s5  }
0x30: {  	(v2sf) =	vpush v1, $0x8;
	s6 =	sshll.u32 s22, $0x4;
	s21 =	spop (v2sf);
	s5 =	sadd.s32 s10, s5  }
0x31: {  	[tilespmem:s11], [sflag:$0x1] =	stream.linear.gather [hbm4b:s5+s8], $0x400, $0x38;
	[tilespmem:$0x9400] =	vst v63  }
0x32: {  	[smem:$0x7F2] =	sst s12;
	s23 =	sshll.u32 s12, $0x4;
	s12 =	spop (v2sf)  }
0x33: {  	s3 =	sadd.s32 s10, s3;
	s10 =	sld [smem:$0x7FD];
	s24 =	sshll.u32 s12, $0x4  }
0x34: {  	[tilespmem:s15], [sflag:$0x1] =	stream.linear.gather [hbm4b:s3+s8], $0x400, $0x38;
	[tilespmem:$0x9400] =	vst v63  }
0x35: {  	(v2sf) =	vpush v1, $0xA;
	s6 =	sand.u32 $0xFFFFF80, s6;
	s3 =	sand.u32 $0xFFFFF80, s24;
	s24 =	sld [smem:$0x7FD]  }
0x36: {  	s31 =	simm.s32 $0x0;
	s6 =	sadd.s32 s10, s6  }
0x37: {  	[tilespmem:s16], [sflag:$0x1] =	stream.linear.gather [hbm4b:s6+s31], $0x400, $0x38;
	[tilespmem:$0x9400] =	vst v63  }
0x38: {  	(v2sf) =	vpush v0, $0x2;
	s1 =	sadd.s32 s24, s1  }
0x39: {  	[tilespmem:s17], [sflag:$0x1] =	stream.linear.gather [hbm4b:s1+s31], $0x400, $0x38;
	[tilespmem:$0x9400] =	vst v63  }
0x3a: {  	(v2sf) =	vpush v1, $0xC;
	s15 =	spop (v2sf);
	s17 =	sld [smem:$0x7FD]  }
0x3b: {  	s25 =	spop (v2sf)  }
0x3c: {  	(v2sf) =	vpush v1, $0xB;
	[smem:$0x7F4] =	sst s25  }
0x3d: {  	(v2sf) =	vpush v0, $0x4;
	s11 =	sshll.u32 s25, $0x4;
	s25 =	spop (v2sf);
	s2 =	sadd.s32 s17, s2  }
0x3e: {  	(v2sf) =	vpush v0, $0x3;
	[tilespmem:s18], [sflag:$0x1] =	stream.linear.gather [hbm4b:s2+s31], $0x400, $0x38;
	[tilespmem:$0x9400] =	vst v63  }
0x3f: {  	s9 =	sshll.u32 s21, $0x4;
	s8 =	spop (v2sf);
	s18 =	sld [smem:$0x7FD]  }
0x40: {  	s5 =	sand.u32 $0xFFFFF80, s23;
	s9 =	sand.u32 $0xFFFFF80, s9;
	s16 =	sshll.u32 s8, $0x4  }
0x41: {  	s23 =	sshll.u32 s25, $0x4;
	(v2sf) =	vpush v1, $0xE;
	s2 =	sand.u32 $0xFFFFF80, s16;
	s16 =	sld [smem:$0x7FD]  }
0x42: {  	s1 =	sand.u32 $0xFFFFF80, s23;
	s6 =	sadd.s32 s18, s9  }
0x43: {  	(v2sf) =	vpush v1, $0xF;
	[tilespmem:s19], [sflag:$0x1] =	stream.linear.gather [hbm4b:s6+s31], $0x400, $0x38;
	[tilespmem:$0x9400] =	vst v63  }
0x44: {  	s23 =	spop (v2sf);
	s1 =	sadd.s32 s16, s1;
	s18 =	sld [smem:$0x7FD]  }
0x45: {  	[tilespmem:s20], [sflag:$0x1] =	stream.linear.gather [hbm4b:s1+s31], $0x400, $0x38;
	[tilespmem:$0x9400] =	vst v63  }
0x46: {  	s24 =	sshll.u32 s23, $0x4;
	s20 =	sld [smem:$0x7FD]  }
0x47: {  	s17 =	sand.u32 $0xFFFFF80, s24;
	s6 =	spop (v2sf);
	s3 =	sadd.s32 s18, s3  }
0x48: {  	[tilespmem:s26], [sflag:$0x1] =	stream.linear.gather [hbm4b:s3+s31], $0x400, $0x38;
	[tilespmem:$0x9400] =	vst v63  }
0x49: {  	s24 =	spop (v2sf);
	s18 =	sld [smem:$0x7FD];
	s2 =	sadd.s32 s20, s2  }
0x4a: {  	[tilespmem:s28], [sflag:$0x1] =	stream.linear.gather [hbm4b:s2+s31], $0x400, $0x38;
	[tilespmem:$0x9400] =	vst v63  }
0x4b: {  	s16 =	spop (v2sf);
	s28 =	sld [smem:$0x7FD]  }
0x4c: {  	s9 =	spop (v2sf);
	s26 =	sshll.u32 s16, $0x4  }
0x4d: {  	s10 =	spop (v2sf);
	s2 =	sand.u32 $0xFFFFF80, s26  }
0x4e: {  	(v2sf) =	vpush v0, $0x5;
	s2 =	sadd.s32 s18, s2;
	s18 =	sld [smem:$0x7FD];
	s5 =	sadd.s32 s28, s5  }
0x4f: {  	[tilespmem:s29], [sflag:$0x1] =	stream.linear.gather [hbm4b:s5+s31], $0x400, $0x38;
	[tilespmem:$0x9400] =	vst v63  }
0x50: {  	s0 =	sand.u32 $0xFFFFF80, s0;
	s26 =	spop (v2sf);
	s29 =	sld [smem:$0x7FD]  }
0x51: {  	[smem:$0x7F5] =	sst s15;
	s19 =	sshll.u32 s24, $0x4;
	s20 =	sshll.u32 s26, $0x4  }
0x52: {  	s28 =	spop (v2sf);
	s5 =	sand.u32 $0xFFFFF80, s20;
	s0 =	sadd.s32 s18, s0  }
0x53: {  	s20 =	sshll.u32 s15, $0x4;
	s1 =	sadd.s32 s29, s17;
	s29 =	sld [smem:$0x7FD]  }
0x54: {  	[tilespmem:s30], [sflag:$0x1] =	stream.linear.gather [hbm4b:s1+s31], $0x400, $0x38;
	[tilespmem:$0x9400] =	vst v63  }
0x55: {  	s15 =	simm.s32 $0x4000;
	s17 =	sand.u32 $0xFFFFF80, s19;
	s19 =	simm.s32 $0x3000  }
0x56: {  	[tilespmem:s19], [sflag:$0x1] =	stream.linear.gather [hbm4b:s2+s31], $0x400, $0x38;
	[tilespmem:$0x9400] =	vst v63  }
0x57: {  	s18 =	sshll.u32 s10, $0x4;
	s30 =	simm.s32 $0x3400;
	s1 =	sadd.s32 s29, s17  }
0x58: {  	s17 =	sshll.u32 s28, $0x4;
	s19 =	simm.s32 $0x3800;
	s29 =	sld [smem:$0x7FD]  }
0x59: {  	(v2sf) =	vpush v0, $0x6;
	[tilespmem:s30], [sflag:$0x1] =	stream.linear.gather [hbm4b:s1+s31], $0x400, $0x38;
	[tilespmem:$0x9400] =	vst v63  }
0x5a: {  	s2 =	sand.u32 $0xFFFFF80, s17;
	s17 =	sshll.u32 s6, $0x4;
	s30 =	simm.s32 $0x3C00  }
0x5b: {  	s1 =	sadd.s32 s29, s5;
	s5 =	sand.u32 $0xFFFFF80, s11;
	s11 =	sld [smem:$0x7FD]  }
0x5c: {  	(v2sf) =	vpush v0, $0x7;
	[tilespmem:s19], [sflag:$0x1] =	stream.linear.gather [hbm4b:s0+s31], $0x400, $0x38;
	[tilespmem:$0x9400] =	vst v63  }
0x5d: {  	s29 =	sand.u32 $0xFFFFF80, s17;
	s17 =	spop (v2sf);
	s0 =	sand.u32 $0xFFFFF80, s20  }
0x5e: {  	[tilespmem:s30], [sflag:$0x1] =	stream.linear.gather [hbm4b:s1+s31], $0x400, $0x38;
	[tilespmem:$0x9400] =	vst v63  }
0x5f: {  	s19 =	sld [smem:$0x7FD];
	s20 =	simm.s32 $0x4400;
	s2 =	sadd.s32 s11, s2  }
0x60: {  	s30 =	sand.u32 $0xFFFFF80, s18;
	s11 =	simm.s32 $0x4800;
	s18 =	sld [smem:$0x7FD]  }
0x61: {  	[tilespmem:s15], [sflag:$0x1] =	stream.linear.gather [hbm4b:s2+s31], $0x400, $0x38;
	[tilespmem:$0x9400] =	vst v63  }
0x62: {  	(v2sf) =	vpush v0, $0x8;
	s1 =	sadd.s32 s19, s5;
	s5 =	sld [smem:$0x7FD];
	s19 =	simm.s32 $0x4C00  }
0x63: {  	[tilespmem:s20], [sflag:$0x1] =	stream.linear.gather [hbm4b:s1+s31], $0x400, $0x38;
	[tilespmem:$0x9400] =	vst v63  }
0x64: {  	s15 =	sshll.u32 s9, $0x4;
	s1 =	sadd.s32 s18, s29;
	s29 =	sld [smem:$0x7FD]  }
0x65: {  	s0 =	sadd.s32 s5, s0;
	s20 =	sshll.u32 s17, $0x4;
	s5 =	sld [smem:$0x7FD]  }
0x66: {  	(v2sf) =	vpush v0, $0x9;
	[tilespmem:s11], [sflag:$0x1] =	stream.linear.gather [hbm4b:s0+s31], $0x400, $0x38;
	[tilespmem:$0x9400] =	vst v63  }
0x67: {  	s18 =	sld [smem:$0x7FD];
	s0 =	sand.u32 $0xFFFFF80, s15;
	s11 =	simm.s32 $0x5400  }
0x68: {  	s2 =	sadd.s32 s29, s30;
	s30 =	simm.s32 $0x5000;
	s29 =	spop (v2sf)  }
0x69: {  	[tilespmem:s19], [sflag:$0x1] =	stream.linear.gather [hbm4b:s1+s31], $0x400, $0x38;
	[tilespmem:$0x9400] =	vst v63  }
0x6a: {  	s0 =	sadd.s32 s5, s0;
	s5 =	simm.s32 $0x5C00;
	s1 =	sand.u32 $0xFFFFF80, s20  }
0x6b: {  	s15 =	sshll.u32 s29, $0x4;
	s3 =	spop (v2sf);
	s19 =	simm.s32 $0x5800  }
0x6c: {  	(v2sf) =	vpush v0, $0xA;
	[tilespmem:s30], [sflag:$0x1] =	stream.linear.gather [hbm4b:s2+s31], $0x400, $0x38;
	[tilespmem:$0x9400] =	vst v63  }
0x6d: {  	s1 =	sadd.s32 s18, s1;
	s20 =	sshll.u32 s3, $0x4;
	s30 =	sld [smem:$0x7FD]  }
0x6e: {  	(v2sf) =	vpush v0, $0xB;
	[tilespmem:s11], [sflag:$0x1] =	stream.linear.gather [hbm4b:s0+s31], $0x400, $0x38;
	[tilespmem:$0x9400] =	vst v63  }
0x6f: {  	s0 =	sand.u32 $0xFFFFF80, s15;
	s11 =	sld [smem:$0x7FD];
	s15 =	simm.s32 $0x6000  }
0x70: {  	[tilespmem:s19], [sflag:$0x1] =	stream.linear.gather [hbm4b:s1+s31], $0x400, $0x38;
	[tilespmem:$0x9400] =	vst v63  }
0x71: {  	s0 =	sadd.s32 s30, s0;
	s1 =	sand.u32 $0xFFFFF80, s20;
	s19 =	spop (v2sf)  }
0x72: {  	[tilespmem:s5], [sflag:$0x1] =	stream.linear.gather [hbm4b:s0+s31], $0x400, $0x38;
	[tilespmem:$0x9400] =	vst v63  }
0x73: {  	s20 =	sld [smem:$0x7FD];
	s18 =	sshll.u32 s19, $0x4;
	s0 =	sadd.s32 s11, s1  }
0x74: {  	(v2sf) =	vpush v0, $0xC;
	[tilespmem:s15], [sflag:$0x1] =	stream.linear.gather [hbm4b:s0+s31], $0x400, $0x38;
	[tilespmem:$0x9400] =	vst v63  }
0x75: {  	s30 =	simm.s32 $0x6400;
	s0 =	sand.u32 $0xFFFFF80, s18;
	s15 =	spop (v2sf)  }
0x76: {  	s5 =	sld [smem:$0x7FD];
	s0 =	sadd.s32 s20, s0;
	s2 =	sshll.u32 s15, $0x4  }
0x77: {  	[tilespmem:s30], [sflag:$0x1] =	stream.linear.gather [hbm4b:s0+s31], $0x400, $0x38;
	[tilespmem:$0x9400] =	vst v63  }
0x78: {  	s0 =	sand.u32 $0xFFFFF80, s2  }
0x79: {  	s11 =	simm.s32 $0x6800;
	(v2sf) =	vpush v0, $0xD;
	s0 =	sadd.s32 s5, s0  }
0x7a: {  	[tilespmem:s11], [sflag:$0x1] =	stream.linear.gather [hbm4b:s0+s31], $0x400, $0x38;
	[tilespmem:$0x9400] =	vst v63  }
0x7b: {  	s20 =	sld [smem:$0x7FD];
	s5 =	spop (v2sf)  }
0x7c: {  	s18 =	sshll.u32 s5, $0x4  }
0x7d: {  	s30 =	simm.s32 $0x6C00;
	s2 =	spop (v2sf);
	s0 =	sand.u32 $0xFFFFF80, s18  }
0x7e: {  	(v2sf) =	vpush v0, $0xE;
	s11 =	sld [smem:$0x7FD];
	s1 =	sshll.u32 s2, $0x4;
	s0 =	sadd.s32 s20, s0  }
0x7f: {  	[tilespmem:s30], [sflag:$0x1] =	stream.linear.gather [hbm4b:s0+s31], $0x400, $0x38;
	[tilespmem:$0x9400] =	vst v63  }
0x80: {  	s0 =	sand.u32 $0xFFFFF80, s1  }
0x81: {  	s18 =	simm.s32 $0x7000;
	s0 =	sadd.s32 s11, s0  }
0x82: {  	[tilespmem:s18], [sflag:$0x1] =	stream.linear.gather [hbm4b:s0+s31], $0x400, $0x38;
	[tilespmem:$0x9400] =	vst v63  }
0x83: {  	(v2sf) =	vpush v0, $0xF;
	s30 =	sld [smem:$0x7FD];
	s0 =	spop (v2sf)  }
0x84: {  	s20 =	sshll.u32 s0, $0x4  }
0x85: {  	s1 =	sand.u32 $0xFFFFF80, s20  }
0x86: {  	s18 =	simm.s32 $0x7400;
	s1 =	sadd.s32 s30, s1  }
0x87: {  	[tilespmem:s18], [sflag:$0x1] =	stream.linear.gather [hbm4b:s1+s31], $0x400, $0x38;
	[tilespmem:$0x9400] =	vst v63  }
0x88: {  	s30 =	sld [smem:$0x7FD];
	s11 =	spop (v2sf)  }
0x89: {  	s20 =	sshll.u32 s11, $0x4  }
0x8a: {  	s1 =	sand.u32 $0xFFFFF80, s20  }
0x8b: {  	s20 =	simm.s32 $0x7800;
	s1 =	sadd.s32 s30, s1  }
0x8c: {  	[tilespmem:s20], [sflag:$0x1] =	stream.linear.gather [hbm4b:s1+s31], $0x400, $0x38;
	[tilespmem:$0x9400] =	vst v63  }
0x8d: {  	s18 =	spop (v2sf);
	s20 =	sld [smem:$0x7FD]  }
0x8e: {  	s30 =	sshll.u32 s18, $0x4  }
0x8f: {  	s1 =	sand.u32 $0xFFFFF80, s30  }
0x90: {  	s30 =	simm.s32 $0x7C00;
	s1 =	sadd.s32 s20, s1  }
0x91: {  	[tilespmem:s30], [sflag:$0x1] =	stream.linear.gather [hbm4b:s1+s31], $0x400, $0x38;
	[tilespmem:$0x9400] =	vst v63  }
0x92: {  	s1 =	spop (v2sf)  }
0x93: {  	s20 =	sshll.u32 s1, $0x4  }
0x94: {  	s30 =	sand.u32 $0xFFFFF80, s20;
	s20 =	sld [smem:$0x7FD];
	_ =	sdelay $0x2  }
0x95: {  	s30 =	sadd.s32 s20, s30;
	s20 =	simm.s32 $0x8000  }
0x96: {  	[tilespmem:s20], [sflag:$0x1] =	stream.linear.gather [hbm4b:s30+s31], $0x400, $0x38;
	[tilespmem:$0x9400] =	vst v63  }
0x97: {  	s30 =	simm.s32 $0x1  }
0x98: {  	s31 =	sld [smem:$0x7FD];
	_ =	swait.ge [sflag:s30], $0x8000  }
0x99: {  	s14 =	sshll.u32 s14, $0x7;
	[sflag:s30] =	ssyncset.done $0x0  }
0x9a: {  	s14 =	sand.u32 $0x380, s14;
	[sflag:s30] =	ssyncadd.s32 $0xFFFF8000  }
0x9b: {  	v0 =	vld [tilespmem:s14+$0x400];
	_ =	sdelay $0x3  }
0x9c: {  	s13 =	sshll.u32 s13, $0x7  }
0x9d: {  	s13 =	sand.u32 $0x380, s13;
	[tilespmem:$0x8400] =	vst v0  }
0x9e: {  	v0 =	vld [tilespmem:s13+$0x800];
	_ =	sdelay $0x3  }
0x9f: {  	s30 =	sshll.u32 s22, $0x7  }
0xa0: {  	s13 =	sand.u32 $0x380, s30;
	[tilespmem:$0x8480] =	vst v0  }
0xa1: {  	v0 =	vld [tilespmem:s13+$0xC00];
	_ =	sdelay $0x3  }
0xa2: {  	s7 =	sshll.u32 s7, $0x7  }
0xa3: {  	s7 =	sand.u32 $0x380, s7;
	[tilespmem:$0x8500] =	vst v0  }
0xa4: {  	v0 =	vld [tilespmem:s7+$0x1000];
	_ =	sdelay $0x3  }
0xa5: {  	s4 =	sshll.u32 s4, $0x7  }
0xa6: {  	s4 =	sand.u32 $0x380, s4;
	[tilespmem:$0x8580] =	vst v0  }
0xa7: {  	v0 =	vld [tilespmem:s4+$0x1400];
	_ =	sdelay $0x3  }
0xa8: {  	s14 =	sshll.u32 s21, $0x7  }
0xa9: {  	s4 =	sand.u32 $0x380, s14;
	[tilespmem:$0x8600] =	vst v0  }
0xaa: {  	v0 =	vld [tilespmem:s4+$0x1800];
	_ =	sdelay $0x3  }
0xab: {  	s20 =	sshll.u32 s25, $0x7  }
0xac: {  	s4 =	sand.u32 $0x380, s20;
	[tilespmem:$0x8680] =	vst v0  }
0xad: {  	v0 =	vld [tilespmem:s4+$0x1C00];
	_ =	sdelay $0x3  }
0xae: {  	s21 =	sshll.u32 s12, $0x7  }
0xaf: {  	s4 =	sand.u32 $0x380, s21;
	[tilespmem:$0x8700] =	vst v0  }
0xb0: {  	v0 =	vld [tilespmem:s4+$0x2000];
	_ =	sdelay $0x3  }
0xb1: {  	s22 =	sshll.u32 s8, $0x7  }
0xb2: {  	s4 =	sand.u32 $0x380, s22;
	[tilespmem:$0x8780] =	vst v0  }
0xb3: {  	v0 =	vld [tilespmem:s4+$0x2400]  }
0xb4: {  	s25 =	sld [smem:$0x7F2];
	_ =	sdelay $0x2  }
0xb5: {  	s4 =	sshll.u32 s25, $0x7  }
0xb6: {  	s4 =	sand.u32 $0x380, s4;
	[tilespmem:$0x8800] =	vst v0  }
0xb7: {  	v0 =	vld [tilespmem:s4+$0x2800];
	_ =	sdelay $0x3  }
0xb8: {  	s30 =	sshll.u32 s23, $0x7  }
0xb9: {  	s4 =	sand.u32 $0x380, s30;
	[tilespmem:$0x8880] =	vst v0  }
0xba: {  	v0 =	vld [tilespmem:s4+$0x2C00];
	_ =	sdelay $0x3  }
0xbb: {  	s7 =	sshll.u32 s16, $0x7  }
0xbc: {  	s4 =	sand.u32 $0x380, s7;
	[tilespmem:$0x8900] =	vst v0  }
0xbd: {  	v0 =	vld [tilespmem:s4+$0x3000];
	_ =	sdelay $0x3  }
0xbe: {  	s8 =	sshll.u32 s24, $0x7  }
0xbf: {  	s4 =	sand.u32 $0x380, s8;
	[tilespmem:$0x8980] =	vst v0  }
0xc0: {  	v0 =	vld [tilespmem:s4+$0x3400]  }
0xc1: {  	s12 =	sld [smem:$0x7F3];
	_ =	sdelay $0x2  }
0xc2: {  	s4 =	sshll.u32 s12, $0x7  }
0xc3: {  	s4 =	sand.u32 $0x380, s4;
	[tilespmem:$0x8A00] =	vst v0  }
0xc4: {  	v0 =	vld [tilespmem:s4+$0x3800];
	_ =	sdelay $0x3  }
0xc5: {  	s13 =	sshll.u32 s26, $0x7  }
0xc6: {  	s4 =	sand.u32 $0x380, s13;
	[tilespmem:$0x8A80] =	vst v0  }
0xc7: {  	v0 =	vld [tilespmem:s4+$0x3C00];
	_ =	sdelay $0x3  }
0xc8: {  	s14 =	sshll.u32 s28, $0x7  }
0xc9: {  	s4 =	sand.u32 $0x380, s14;
	[tilespmem:$0x8B00] =	vst v0  }
0xca: {  	v0 =	vld [tilespmem:s4+$0x4000]  }
0xcb: {  	s16 =	sld [smem:$0x7F4];
	_ =	sdelay $0x2  }
0xcc: {  	s4 =	sshll.u32 s16, $0x7  }
0xcd: {  	s4 =	sand.u32 $0x380, s4;
	[tilespmem:$0x8B80] =	vst v0  }
0xce: {  	v0 =	vld [tilespmem:s4+$0x4400]  }
0xcf: {  	s20 =	sld [smem:$0x7F5];
	_ =	sdelay $0x2  }
0xd0: {  	s4 =	sshll.u32 s20, $0x7  }
0xd1: {  	s4 =	sand.u32 $0x380, s4;
	[tilespmem:$0x8C00] =	vst v0  }
0xd2: {  	v0 =	vld [tilespmem:s4+$0x4800];
	_ =	sdelay $0x3  }
0xd3: {  	s21 =	sshll.u32 s6, $0x7  }
0xd4: {  	s4 =	sand.u32 $0x380, s21;
	[tilespmem:$0x8C80] =	vst v0  }
0xd5: {  	v0 =	vld [tilespmem:s4+$0x4C00];
	_ =	sdelay $0x3  }
0xd6: {  	s22 =	sshll.u32 s10, $0x7  }
0xd7: {  	s4 =	sand.u32 $0x380, s22;
	[tilespmem:$0x8D00] =	vst v0  }
0xd8: {  	v0 =	vld [tilespmem:s4+$0x5000];
	_ =	sdelay $0x3  }
0xd9: {  	s23 =	sshll.u32 s9, $0x7  }
0xda: {  	s4 =	sand.u32 $0x380, s23;
	[tilespmem:$0x8D80] =	vst v0  }
0xdb: {  	v0 =	vld [tilespmem:s4+$0x5400];
	_ =	sdelay $0x3  }
0xdc: {  	s24 =	sshll.u32 s17, $0x7  }
0xdd: {  	s4 =	sand.u32 $0x380, s24;
	[tilespmem:$0x8E00] =	vst v0  }
0xde: {  	v0 =	vld [tilespmem:s4+$0x5800];
	_ =	sdelay $0x3  }
0xdf: {  	s25 =	sshll.u32 s29, $0x7  }
0xe0: {  	s4 =	sand.u32 $0x380, s25;
	[tilespmem:$0x8E80] =	vst v0  }
0xe1: {  	v0 =	vld [tilespmem:s4+$0x5C00];
	_ =	sdelay $0x3  }
0xe2: {  	s3 =	sshll.u32 s3, $0x7  }
0xe3: {  	s3 =	sand.u32 $0x380, s3;
	[tilespmem:$0x8F00] =	vst v0  }
0xe4: {  	v0 =	vld [tilespmem:s3+$0x6000];
	_ =	sdelay $0x3  }
0xe5: {  	s26 =	sshll.u32 s19, $0x7  }
0xe6: {  	s3 =	sand.u32 $0x380, s26;
	[tilespmem:$0x8F80] =	vst v0  }
0xe7: {  	v0 =	vld [tilespmem:s3+$0x6400];
	_ =	sdelay $0x3  }
0xe8: {  	s28 =	sshll.u32 s15, $0x7  }
0xe9: {  	s3 =	sand.u32 $0x380, s28;
	[tilespmem:$0x9000] =	vst v0  }
0xea: {  	v0 =	vld [tilespmem:s3+$0x6800];
	_ =	sdelay $0x3  }
0xeb: {  	s29 =	sshll.u32 s5, $0x7  }
0xec: {  	s3 =	sand.u32 $0x380, s29;
	[tilespmem:$0x9080] =	vst v0  }
0xed: {  	v0 =	vld [tilespmem:s3+$0x6C00];
	_ =	sdelay $0x3  }
0xee: {  	s2 =	sshll.u32 s2, $0x7  }
0xef: {  	s2 =	sand.u32 $0x380, s2;
	[tilespmem:$0x9100] =	vst v0  }
0xf0: {  	v0 =	vld [tilespmem:s2+$0x7000]  }
0xf1: {  	s30 =	sld [smem:$0x7FA];
	_ =	sdelay $0x1  }
0xf2: {  	s0 =	sshll.u32 s0, $0x7  }
0xf3: {  	s0 =	sand.u32 $0x380, s0;
	s5 =	smov.u32 s30  }
0xf4: {  	s20 =	simm.s32 $0x0;
	s24 =	sshll.u32 s1, $0x7;
	s25 =	sshll.u32 s18, $0x7;
	[tilespmem:$0x9180] =	vst v0  }
0xf5: {  	s4 =	simm.s32 $0x80;
	s3 =	smov.u32 s30;
	s2 =	sshll.u32 s11, $0x7;
	v0 =	vld [tilespmem:s0+$0x7400]  }
.LBB2_2:
0xf6: {  	_ =	sdelay $0x3  }
0xf7: {  	s1 =	sand.u32 $0x380, s2;
	[tilespmem:$0x9200] =	vst v0  }
0xf8: {  	v0 =	vld [tilespmem:s1+$0x7800];
	_ =	sdelay $0x4  }
0xf9: {  	s8 =	sand.u32 $0x380, s25;
	[tilespmem:$0x9280] =	vst v0  }
0xfa: {  	v0 =	vld [tilespmem:s8+$0x7C00];
	_ =	sdelay $0x4  }
0xfb: {  	s9 =	sand.u32 $0x380, s24;
	[tilespmem:$0x9300] =	vst v0  }
0xfc: {  	v0 =	vld [tilespmem:s9+$0x8000];
	_ =	sdelay $0x2  }
0xfd: {  	s5 =	sadd.s32 $0x200, s5  }
0xfe: {  	s7 =	sadd.s32 $0x80, s4;
	[dreg:$0x7] =	wrdreg s5  }
0xff: {  	s10 =	simm.s32 $0x8400;
	s11 =	simm.s32 $0x2;
	[dreg:$0x4] =	wrdreg s7;
	[tilespmem:$0x9380] =	vst v0  }
0x100: {  	[hbm4b:s3+s20] =	stream.linear.scatter [tilespmem:s10], [sflag:$0x2], $0x1000, $0x38;
	[tilespmem:$0x9400] =	vst v63  }
0x101: {  	_ =	swait.ge [sflag:s11], $0x1000  }
0x102: {  	s0 =	smov.u32 s4;
	[sflag:s11] =	ssyncset.done $0x0  }
0x103: {  	s0 =	sshra.s32 s0, $0x2;
	[sflag:s11] =	ssyncadd.s32 $0xFFFFF000  }
0x104: {  	v1 =	vld [tilespmem:s0+$0x0];
	_ =	sdelay $0x4  }
0x105: {  	(v2sf) =	vpush v1, $0xD  }
0x106: {  	(v2sf) =	vpush v1, $0x3;
	_ =	sdelay $0x1  }
0x107: {  	(v2sf) =	vpush v1, $0x4  }
0x108: {  	(v2sf) =	vpush v1, $0x1;
	_ =	sdelay $0x1  }
0x109: {  	(v2sf) =	vpush v1, $0x0  }
0x10a: {  	(v2sf) =	vpush v1, $0x2  }
0x10b: {  	(v2sf) =	vpush v1, $0x9  }
0x10c: {  	v0 =	vld [tilespmem:s0+$0x10]  }
0x10d: {  	(v2sf) =	vpush v1, $0x5;
	_ =	sdelay $0x2  }
0x10e: {  	(v2sf) =	vpush v1, $0x7  }
0x10f: {  	p0 =	sne.s32 s4, $0x780;
	s12 =	smov.u32 s5;
	(v2sf) =	vpush v0, $0x1  }
0x110: {  	s25 =	simm.s32 $0x400;
	[dreg:$0xc] =	wrdreg s12;
	s13 =	spop (v2sf)  }
0x111: {  	s2 =	simm.s32 $0x800;
	[dreg:$0xd] =	wrdreg s13;
	s14 =	spop (v2sf)  }
0x112: {  	s20 =	simm.s32 $0x0;
	(v2sf) =	vpush v0, $0x0;
	s0 =	sshll.u32 s13, $0x4;
	[dreg:$0x10] =	wrdreg s14  }
0x113: {  	s1 =	sshll.u32 s14, $0x4;
	s19 =	sand.u32 $0xFFFFF80, s0;
	s15 =	spop (v2sf)  }
0x114: {  	(v2sf) =	vpush v1, $0x6;
	[dreg:$0x11] =	wrdreg s15;
	s0 =	sshll.u32 s15, $0x4;
	s15 =	spop (v2sf)  }
0x115: {  	s3 =	sand.u32 $0xFFFFF80, s1;
	s1 =	simm.s32 $0x1400;
	s16 =	sshll.u32 s15, $0x4  }
0x116: {  	(v2sf) =	vpush v1, $0x8;
	s11 =	sand.u32 $0xFFFFF80, s0;
	s10 =	spop (v2sf);
	s3 =	sadd.s32 s31, s3  }
0x117: {  	s17 =	sshll.u32 s10, $0x4;
	s18 =	sand.u32 $0xFFFFF80, s16;
	s7 =	spop (v2sf)  }
0x118: {  	s21 =	sand.u32 $0xFFFFF80, s17;
	s22 =	sshll.u32 s7, $0x4;
	s23 =	spop (v2sf)  }
0x119: {  	s4 =	sadd.s32 s31, s18;
	s17 =	simm.s32 $0xC00;
	[dreg:$0x16] =	wrdreg s23  }
0x11a: {  	(v2sf) =	vpush v1, $0xA;
	s24 =	sadd.s32 s31, s21;
	s9 =	sand.u32 $0xFFFFF80, s22;
	s29 =	spop (v2sf)  }
0x11b: {  	(v2sf) =	vpush v0, $0x2;
	s12 =	sshll.u32 s23, $0x4;
	s23 =	simm.s32 $0x1000;
	s6 =	sshll.u32 s29, $0x4  }
0x11c: {  	[tilespmem:s25], [sflag:$0x1] =	stream.linear.gather [hbm4b:s24+s20], $0x400, $0x38;
	[tilespmem:$0x9400] =	vst v63  }
0x11d: {  	(v2sf) =	vpush v1, $0xC;
	s26 =	spop (v2sf);
	s12 =	sand.u32 $0xFFFFF80, s12;
	s9 =	sadd.s32 s31, s9  }
0x11e: {  	s25 =	sadd.s32 s31, s11;
	s28 =	sshll.u32 s26, $0x4;
	s30 =	spop (v2sf)  }
0x11f: {  	[tilespmem:s2], [sflag:$0x1] =	stream.linear.gather [hbm4b:s4+s20], $0x400, $0x38;
	[tilespmem:$0x9400] =	vst v63  }
0x120: {  	s13 =	sand.u32 $0xFFFFF80, s6;
	[dreg:$0x1d] =	wrdreg s30;
	s14 =	sand.u32 $0xFFFFF80, s28  }
0x121: {  	s6 =	spop (v2sf);
	s21 =	sshll.u32 s30, $0x4;
	s2 =	sadd.s32 s31, s13  }
0x122: {  	(v2sf) =	vpush v1, $0xB;
	s13 =	sshll.u32 s10, $0x7;
	[dreg:$0x1b] =	wrdreg s6;
	s8 =	sshll.u32 s6, $0x4  }
0x123: {  	s6 =	spop (v2sf);
	s21 =	sand.u32 $0xFFFFF80, s21;
	[smem:$0x7EC] =	sst s13  }
0x124: {  	[tilespmem:s17], [sflag:$0x1] =	stream.linear.gather [hbm4b:s9+s20], $0x400, $0x38;
	[tilespmem:$0x9400] =	vst v63  }
0x125: {  	s16 =	sshll.u32 s6, $0x4;
	s5 =	spop (v2sf);
	s4 =	sand.u32 $0xFFFFF80, s8  }
0x126: {  	[tilespmem:s23], [sflag:$0x1] =	stream.linear.gather [hbm4b:s3+s20], $0x400, $0x38;
	[tilespmem:$0x9400] =	vst v63  }
0x127: {  	(v2sf) =	vpush v0, $0x4;
	s8 =	simm.s32 $0x1800;
	s16 =	sand.u32 $0xFFFFF80, s16;
	s18 =	sshll.u32 s5, $0x4  }
0x128: {  	(v2sf) =	vpush v0, $0x3;
	[tilespmem:s1], [sflag:$0x1] =	stream.linear.gather [hbm4b:s25+s20], $0x400, $0x38;
	[tilespmem:$0x9400] =	vst v63  }
0x129: {  	s17 =	sand.u32 $0xFFFFF80, s18;
	s9 =	sadd.s32 s31, s16;
	s30 =	spop (v2sf)  }
0x12a: {  	(v2sf) =	vpush v1, $0xE;
	s16 =	simm.s32 $0x1C00;
	s23 =	sadd.s32 s31, s14;
	s22 =	spop (v2sf)  }
0x12b: {  	[tilespmem:s8], [sflag:$0x1] =	stream.linear.gather [hbm4b:s2+s20], $0x400, $0x38;
	[tilespmem:$0x9400] =	vst v63  }
0x12c: {  	s1 =	sadd.s32 s31, s17;
	s17 =	simm.s32 $0x2800;
	s24 =	spop (v2sf)  }
0x12d: {  	(v2sf) =	vpush v1, $0xF;
	s18 =	sshll.u32 s30, $0x4;
	s2 =	simm.s32 $0x2400;
	s28 =	sshll.u32 s24, $0x4  }
0x12e: {  	[tilespmem:s16], [sflag:$0x1] =	stream.linear.gather [hbm4b:s9+s20], $0x400, $0x38;
	[tilespmem:$0x9400] =	vst v63  }
0x12f: {  	s8 =	sadd.s32 s31, s12;
	s11 =	sand.u32 $0xFFFFF80, s28;
	s28 =	simm.s32 $0x2000  }
0x130: {  	[tilespmem:s28], [sflag:$0x1] =	stream.linear.gather [hbm4b:s23+s20], $0x400, $0x38;
	[tilespmem:$0x9400] =	vst v63  }
0x131: {  	[smem:$0x7ED] =	sst s22;
	s22 =	sshll.u32 s22, $0x4;
	(v2sf) =	vpush v0, $0x5;
	s13 =	spop (v2sf)  }
0x132: {  	s18 =	sand.u32 $0xFFFFF80, s18;
	s22 =	sand.u32 $0xFFFFF80, s22;
	s25 =	sshll.u32 s13, $0x4  }
0x133: {  	[tilespmem:s2], [sflag:$0x1] =	stream.linear.gather [hbm4b:s1+s20], $0x400, $0x38;
	[tilespmem:$0x9400] =	vst v63  }
0x134: {  	s18 =	sadd.s32 s31, s18;
	s28 =	simm.s32 $0x2C00;
	s23 =	sand.u32 $0xFFFFF80, s25  }
0x135: {  	[tilespmem:s17], [sflag:$0x1] =	stream.linear.gather [hbm4b:s8+s20], $0x400, $0x38;
	[tilespmem:$0x9400] =	vst v63  }
0x136: {  	s2 =	simm.s32 $0x3000;
	s10 =	spop (v2sf);
	(v2sf) =	vpush v0, $0x6;
	s0 =	sadd.s32 s31, s23  }
0x137: {  	s8 =	sadd.s32 s31, s11;
	s23 =	sadd.s32 s31, s19;
	s14 =	spop (v2sf)  }
0x138: {  	(v2sf) =	vpush v0, $0x7;
	[tilespmem:s28], [sflag:$0x1] =	stream.linear.gather [hbm4b:s18+s20], $0x400, $0x38;
	[tilespmem:$0x9400] =	vst v63  }
0x139: {  	s9 =	sshll.u32 s14, $0x4;
	s16 =	spop (v2sf);
	s28 =	simm.s32 $0x3800  }
0x13a: {  	s25 =	sshll.u32 s16, $0x4;
	s12 =	sand.u32 $0xFFFFF80, s9;
	s9 =	simm.s32 $0x3400  }
0x13b: {  	[tilespmem:s2], [sflag:$0x1] =	stream.linear.gather [hbm4b:s0+s20], $0x400, $0x38;
	[tilespmem:$0x9400] =	vst v63  }
0x13c: {  	s18 =	sand.u32 $0xFFFFF80, s25;
	s25 =	sshll.u32 s10, $0x4;
	s17 =	spop (v2sf)  }
0x13d: {  	[tilespmem:s9], [sflag:$0x1] =	stream.linear.gather [hbm4b:s8+s20], $0x400, $0x38;
	[tilespmem:$0x9400] =	vst v63  }
0x13e: {  	s0 =	sadd.s32 s31, s4;
	(v2sf) =	vpush v0, $0x8;
	s8 =	simm.s32 $0x3C00;
	s1 =	sshll.u32 s17, $0x4  }
0x13f: {  	[tilespmem:s28], [sflag:$0x1] =	stream.linear.gather [hbm4b:s23+s20], $0x400, $0x38;
	[tilespmem:$0x9400] =	vst v63  }
0x140: {  	(v2sf) =	vpush v0, $0x9;
	s11 =	sand.u32 $0xFFFFF80, s1;
	s19 =	spop (v2sf);
	s1 =	sadd.s32 s31, s18  }
0x141: {  	(v2sf) =	vpush v0, $0xA;
	s23 =	sand.u32 $0xFFFFF80, s25;
	s28 =	simm.s32 $0x4000;
	s2 =	sshll.u32 s19, $0x4  }
0x142: {  	[tilespmem:s8], [sflag:$0x1] =	stream.linear.gather [hbm4b:s1+s20], $0x400, $0x38;
	[tilespmem:$0x9400] =	vst v63  }
0x143: {  	s9 =	sadd.s32 s31, s11;
	s25 =	sand.u32 $0xFFFFF80, s2;
	s2 =	simm.s32 $0x4400  }
0x144: {  	[tilespmem:s28], [sflag:$0x1] =	stream.linear.gather [hbm4b:s9+s20], $0x400, $0x38;
	[tilespmem:$0x9400] =	vst v63  }
0x145: {  	(v2sf) =	vpush v0, $0xB;
	s8 =	sadd.s32 s31, s21;
	s21 =	simm.s32 $0x4800;
	s11 =	spop (v2sf)  }
0x146: {  	[tilespmem:s2], [sflag:$0x1] =	stream.linear.gather [hbm4b:s0+s20], $0x400, $0x38;
	[tilespmem:$0x9400] =	vst v63  }
0x147: {  	s0 =	sadd.s32 s31, s22;
	s1 =	sshll.u32 s11, $0x4;
	s18 =	spop (v2sf)  }
0x148: {  	[tilespmem:s21], [sflag:$0x1] =	stream.linear.gather [hbm4b:s8+s20], $0x400, $0x38;
	[tilespmem:$0x9400] =	vst v63  }
0x149: {  	s28 =	sand.u32 $0xFFFFF80, s1;
	s1 =	simm.s32 $0x4C00;
	s9 =	sshll.u32 s18, $0x4  }
0x14a: {  	(v2sf) =	vpush v0, $0xC;
	[tilespmem:s1], [sflag:$0x1] =	stream.linear.gather [hbm4b:s0+s20], $0x400, $0x38;
	[tilespmem:$0x9400] =	vst v63  }
0x14b: {  	s2 =	sadd.s32 s31, s12;
	s22 =	sand.u32 $0xFFFFF80, s9;
	s9 =	simm.s32 $0x5000  }
0x14c: {  	(v2sf) =	vpush v0, $0xD;
	[tilespmem:s9], [sflag:$0x1] =	stream.linear.gather [hbm4b:s2+s20], $0x400, $0x38;
	[tilespmem:$0x9400] =	vst v63  }
0x14d: {  	s21 =	spop (v2sf)  }
0x14e: {  	s1 =	sadd.s32 s31, s23;
	s9 =	sadd.s32 s31, s25;
	s8 =	sshll.u32 s21, $0x4  }
0x14f: {  	s25 =	simm.s32 $0x5800;
	s4 =	spop (v2sf);
	s12 =	sand.u32 $0xFFFFF80, s8  }
0x150: {  	(v2sf) =	vpush v0, $0xE;
	s2 =	sshll.u32 s4, $0x4;
	s8 =	simm.s32 $0x5400;
	s23 =	spop (v2sf)  }
0x151: {  	[tilespmem:s8], [sflag:$0x1] =	stream.linear.gather [hbm4b:s1+s20], $0x400, $0x38;
	[tilespmem:$0x9400] =	vst v63  }
0x152: {  	s0 =	sand.u32 $0xFFFFF80, s2;
	s2 =	sadd.s32 s31, s28;
	s8 =	sshll.u32 s23, $0x4  }
0x153: {  	(v2sf) =	vpush v0, $0xF;
	[tilespmem:s25], [sflag:$0x1] =	stream.linear.gather [hbm4b:s9+s20], $0x400, $0x38;
	[tilespmem:$0x9400] =	vst v63  }
0x154: {  	s28 =	simm.s32 $0x6000;
	s25 =	spop (v2sf);
	s9 =	simm.s32 $0x5C00  }
0x155: {  	[tilespmem:s9], [sflag:$0x1] =	stream.linear.gather [hbm4b:s2+s20], $0x400, $0x38;
	[tilespmem:$0x9400] =	vst v63  }
0x156: {  	s1 =	sadd.s32 s31, s12;
	s8 =	sand.u32 $0xFFFFF80, s8;
	s9 =	sshll.u32 s25, $0x4  }
0x157: {  	s0 =	sadd.s32 s31, s0;
	s2 =	sadd.s32 s31, s22;
	s12 =	sand.u32 $0xFFFFF80, s9  }
0x158: {  	[tilespmem:s28], [sflag:$0x1] =	stream.linear.gather [hbm4b:s2+s20], $0x400, $0x38;
	[tilespmem:$0x9400] =	vst v63  }
0x159: {  	s9 =	simm.s32 $0x6800;
	s2 =	simm.s32 $0x6400;
	s22 =	spop (v2sf)  }
0x15a: {  	[tilespmem:s2], [sflag:$0x1] =	stream.linear.gather [hbm4b:s1+s20], $0x400, $0x38;
	[tilespmem:$0x9400] =	vst v63  }
0x15b: {  	s3 =	sshll.u32 s22, $0x4;
	s28 =	spop (v2sf);
	s2 =	sadd.s32 s31, s8  }
0x15c: {  	[tilespmem:s9], [sflag:$0x1] =	stream.linear.gather [hbm4b:s0+s20], $0x400, $0x38;
	[tilespmem:$0x9400] =	vst v63  }
0x15d: {  	s3 =	sand.u32 $0xFFFFF80, s3;
	s8 =	sshll.u32 s28, $0x4;
	s9 =	simm.s32 $0x6C00  }
0x15e: {  	[tilespmem:s9], [sflag:$0x1] =	stream.linear.gather [hbm4b:s2+s20], $0x400, $0x38;
	[tilespmem:$0x9400] =	vst v63  }
0x15f: {  	s2 =	sadd.s32 s31, s12;
	s9 =	simm.s32 $0x7000;
	s12 =	spop (v2sf)  }
0x160: {  	[tilespmem:s9], [sflag:$0x1] =	stream.linear.gather [hbm4b:s2+s20], $0x400, $0x38;
	[tilespmem:$0x9400] =	vst v63  }
0x161: {  	s8 =	sand.u32 $0xFFFFF80, s8;
	s2 =	sadd.s32 s31, s3;
	s1 =	sshll.u32 s12, $0x4  }
0x162: {  	s3 =	spop (v2sf);
	s9 =	simm.s32 $0x7400;
	s1 =	sand.u32 $0xFFFFF80, s1  }
0x163: {  	[tilespmem:s9], [sflag:$0x1] =	stream.linear.gather [hbm4b:s2+s20], $0x400, $0x38;
	[tilespmem:$0x9400] =	vst v63  }
0x164: {  	s2 =	sadd.s32 s31, s8;
	s8 =	sshll.u32 s3, $0x4;
	s9 =	simm.s32 $0x7800  }
0x165: {  	[tilespmem:s9], [sflag:$0x1] =	stream.linear.gather [hbm4b:s2+s20], $0x400, $0x38;
	[tilespmem:$0x9400] =	vst v63  }
0x166: {  	s0 =	sadd.s32 s31, s1;
	s1 =	sand.u32 $0xFFFFF80, s8;
	s9 =	simm.s32 $0x7C00  }
0x167: {  	[tilespmem:s9], [sflag:$0x1] =	stream.linear.gather [hbm4b:s0+s20], $0x400, $0x38;
	[tilespmem:$0x9400] =	vst v63  }
0x168: {  	s2 =	sshll.u32 s15, $0x7;
	s15 =	sadd.s32 s31, s1;
	s9 =	simm.s32 $0x8000  }
0x169: {  	[tilespmem:s9], [sflag:$0x1] =	stream.linear.gather [hbm4b:s15+s20], $0x400, $0x38;
	[tilespmem:$0x9400] =	vst v63  }
0x16a: {  	s8 =	rddreg [dreg:$0x10];
	s9 =	simm.s32 $0x1  }
0x16b: {  	s1 =	sshll.u32 s7, $0x7;
	s7 =	sshll.u32 s8, $0x7;
	_ =	swait.ge [sflag:s9], $0x8000  }
0x16c: {  	s8 =	sshll.u32 s6, $0x7;
	s6 =	sshll.u32 s26, $0x7;
	s26 =	sld [smem:$0x7EC]  }
0x16d: {  	_ = 	snop  }
0x16e: {  	[sflag:s9] =	ssyncset.done $0x0  }
0x16f: {  	[sflag:s9] =	ssyncadd.s32 $0xFFFF8000;
	s9 =	sand.u32 $0x380, s26  }
0x170: {  	v0 =	vld [tilespmem:s9+$0x400];
	_ =	sdelay $0x4  }
0x171: {  	s2 =	sand.u32 $0x380, s2;
	[tilespmem:$0x8400] =	vst v0  }
0x172: {  	v0 =	vld [tilespmem:s2+$0x800];
	_ =	sdelay $0x4  }
0x173: {  	s1 =	sand.u32 $0x380, s1;
	[tilespmem:$0x8480] =	vst v0  }
0x174: {  	v0 =	vld [tilespmem:s1+$0xC00];
	_ =	sdelay $0x4  }
0x175: {  	s2 =	sshll.u32 s28, $0x7;
	s28 =	sand.u32 $0x380, s7;
	[tilespmem:$0x8500] =	vst v0  }
0x176: {  	v0 =	vld [tilespmem:s28+$0x1000];
	_ =	sdelay $0x2  }
0x177: {  	s15 =	rddreg [dreg:$0x11]  }
0x178: {  	s0 =	sshll.u32 s15, $0x7  }
0x179: {  	s0 =	sand.u32 $0x380, s0;
	[tilespmem:$0x8580] =	vst v0  }
0x17a: {  	v0 =	vld [tilespmem:s0+$0x1400];
	_ =	sdelay $0x3  }
0x17b: {  	s15 =	sshll.u32 s29, $0x7  }
0x17c: {  	s7 =	sand.u32 $0x380, s15;
	[tilespmem:$0x8600] =	vst v0  }
0x17d: {  	v0 =	vld [tilespmem:s7+$0x1800];
	_ =	sdelay $0x4  }
0x17e: {  	s8 =	sand.u32 $0x380, s8;
	[tilespmem:$0x8680] =	vst v0  }
0x17f: {  	v0 =	vld [tilespmem:s8+$0x1C00];
	_ =	sdelay $0x3  }
0x180: {  	s25 =	sshll.u32 s25, $0x7  }
0x181: {  	[dreg:$0x19] =	wrdreg s25;
	s25 =	sshll.u32 s12, $0x7;
	s12 =	sand.u32 $0x380, s6;
	[tilespmem:$0x8700] =	vst v0  }
0x182: {  	v0 =	vld [tilespmem:s12+$0x2000];
	_ =	sdelay $0x3  }
0x183: {  	s5 =	sshll.u32 s5, $0x7  }
0x184: {  	s15 =	sand.u32 $0x380, s5;
	[tilespmem:$0x8780] =	vst v0  }
0x185: {  	v0 =	vld [tilespmem:s15+$0x2400];
	_ =	sdelay $0x2  }
0x186: {  	s29 =	rddreg [dreg:$0x16]  }
0x187: {  	s26 =	sshll.u32 s29, $0x7  }
0x188: {  	s26 =	sand.u32 $0x380, s26;
	[tilespmem:$0x8800] =	vst v0  }
0x189: {  	v0 =	vld [tilespmem:s26+$0x2800];
	_ =	sdelay $0x3  }
0x18a: {  	s9 =	sshll.u32 s30, $0x7  }
0x18b: {  	s28 =	sand.u32 $0x380, s9;
	[tilespmem:$0x8880] =	vst v0  }
0x18c: {  	v0 =	vld [tilespmem:s28+$0x2C00];
	_ =	sdelay $0x3  }
0x18d: {  	s29 =	sshll.u32 s13, $0x7  }
0x18e: {  	s29 =	sand.u32 $0x380, s29;
	[tilespmem:$0x8900] =	vst v0  }
0x18f: {  	v0 =	vld [tilespmem:s29+$0x3000];
	_ =	sdelay $0x3  }
0x190: {  	s30 =	sshll.u32 s24, $0x7  }
0x191: {  	s1 =	sand.u32 $0x380, s30;
	[tilespmem:$0x8980] =	vst v0  }
0x192: {  	v0 =	vld [tilespmem:s1+$0x3400];
	_ =	sdelay $0x2  }
0x193: {  	s24 =	rddreg [dreg:$0xd]  }
0x194: {  	s13 =	sshll.u32 s16, $0x7;
	s16 =	sshll.u32 s17, $0x7;
	s17 =	sshll.u32 s24, $0x7  }
0x195: {  	s6 =	sand.u32 $0x380, s17;
	[tilespmem:$0x8A00] =	vst v0  }
0x196: {  	v0 =	vld [tilespmem:s6+$0x3800];
	_ =	sdelay $0x4  }
0x197: {  	s7 =	sand.u32 $0x380, s13;
	[tilespmem:$0x8A80] =	vst v0  }
0x198: {  	v0 =	vld [tilespmem:s7+$0x3C00];
	_ =	sdelay $0x4  }
0x199: {  	s24 =	rddreg [dreg:$0x1b];
	s8 =	sand.u32 $0x380, s16;
	[tilespmem:$0x8B00] =	vst v0  }
0x19a: {  	s24 =	sshll.u32 s24, $0x7;
	v0 =	vld [tilespmem:s8+$0x4000]  }
0x19b: {  	[smem:$0x7EE] =	sst s24  }
0x19c: {  	s9 =	sld [smem:$0x7EE];
	_ =	sdelay $0x2  }
0x19d: {  	s0 =	sand.u32 $0x380, s9;
	[tilespmem:$0x8B80] =	vst v0  }
0x19e: {  	s24 =	sld [smem:$0x7ED];
	v0 =	vld [tilespmem:s0+$0x4400]  }
0x19f: {  	s14 =	sshll.u32 s14, $0x7  }
0x1a0: {  	[smem:$0x7F0] =	sst s14  }
0x1a1: {  	s14 =	sshll.u32 s24, $0x7;
	s24 =	rddreg [dreg:$0x1d]  }
0x1a2: {  	[smem:$0x7EF] =	sst s14;
	s14 =	sshll.u32 s24, $0x7  }
0x1a3: {  	s12 =	sand.u32 $0x380, s14;
	[tilespmem:$0x8C00] =	vst v0  }
0x1a4: {  	v0 =	vld [tilespmem:s12+$0x4800];
	_ =	sdelay $0x1  }
0x1a5: {  	s13 =	sld [smem:$0x7EF];
	_ =	sdelay $0x2  }
0x1a6: {  	s0 =	sand.u32 $0x380, s13;
	[tilespmem:$0x8C80] =	vst v0  }
0x1a7: {  	v0 =	vld [tilespmem:s0+$0x4C00];
	_ =	sdelay $0x1  }
0x1a8: {  	s14 =	sld [smem:$0x7F0];
	_ =	sdelay $0x2  }
0x1a9: {  	s0 =	sand.u32 $0x380, s14;
	[tilespmem:$0x8D00] =	vst v0  }
0x1aa: {  	v0 =	vld [tilespmem:s0+$0x5000];
	_ =	sdelay $0x3  }
0x1ab: {  	s10 =	sshll.u32 s10, $0x7  }
0x1ac: {  	s15 =	sand.u32 $0x380, s10;
	[tilespmem:$0x8D80] =	vst v0  }
0x1ad: {  	v0 =	vld [tilespmem:s15+$0x5400];
	_ =	sdelay $0x3  }
0x1ae: {  	s19 =	sshll.u32 s19, $0x7  }
0x1af: {  	s16 =	sand.u32 $0x380, s19;
	[tilespmem:$0x8E00] =	vst v0  }
0x1b0: {  	v0 =	vld [tilespmem:s16+$0x5800];
	_ =	sdelay $0x3  }
0x1b1: {  	s11 =	sshll.u32 s11, $0x7  }
0x1b2: {  	s17 =	sand.u32 $0x380, s11;
	[tilespmem:$0x8E80] =	vst v0  }
0x1b3: {  	v0 =	vld [tilespmem:s17+$0x5C00];
	_ =	sdelay $0x3  }
0x1b4: {  	s18 =	sshll.u32 s18, $0x7  }
0x1b5: {  	s19 =	sand.u32 $0x380, s18;
	[tilespmem:$0x8F00] =	vst v0  }
0x1b6: {  	v0 =	vld [tilespmem:s19+$0x6000];
	_ =	sdelay $0x3  }
0x1b7: {  	s21 =	sshll.u32 s21, $0x7  }
0x1b8: {  	s21 =	sand.u32 $0x380, s21;
	[tilespmem:$0x8F80] =	vst v0  }
0x1b9: {  	v0 =	vld [tilespmem:s21+$0x6400];
	_ =	sdelay $0x3  }
0x1ba: {  	s4 =	sshll.u32 s4, $0x7  }
0x1bb: {  	s26 =	sand.u32 $0x380, s4;
	[tilespmem:$0x9000] =	vst v0  }
0x1bc: {  	v0 =	vld [tilespmem:s26+$0x6800];
	_ =	sdelay $0x3  }
0x1bd: {  	s23 =	sshll.u32 s23, $0x7  }
0x1be: {  	s28 =	sand.u32 $0x380, s23;
	[tilespmem:$0x9080] =	vst v0  }
0x1bf: {  	v0 =	vld [tilespmem:s28+$0x6C00];
	_ =	sdelay $0x3  }
0x1c0: {  	s29 =	rddreg [dreg:$0x19]  }
0x1c1: {  	s0 =	sand.u32 $0x380, s29;
	[tilespmem:$0x9100] =	vst v0  }
0x1c2: {  	v0 =	vld [tilespmem:s0+$0x7000];
	_ =	sdelay $0x1  }
.Ltmp0:
0x1c3: {  	_ = 	snop;
	(pc) =	sbr.rel @p0 .LBB2_2-.Ltmp0, $4  }
0x1c4: {  	_ = 	snop  }
0x1c5: {  	s22 =	sshll.u32 s22, $0x7;
	s5 =	rddreg [dreg:$0x7]  }
0x1c6: {  	s24 =	sshll.u32 s3, $0x7;
	s3 =	rddreg [dreg:$0xc];
	s30 =	sand.u32 $0x380, s22;
	[tilespmem:$0x9180] =	vst v0  }
0x1c7: {  	s4 =	rddreg [dreg:$0x4];
	v0 =	vld [tilespmem:s30+$0x7400]  }
0x1c8: {  	_ =	sdelay $0x3  }
0x1c9: {  	s0 =	sand.u32 $0x380, s2;
	[tilespmem:$0x9200] =	vst v0  }
0x1ca: {  	v0 =	vld [tilespmem:s0+$0x7800];
	_ =	sdelay $0x4  }
0x1cb: {  	s29 =	sand.u32 $0x380, s25;
	[tilespmem:$0x9280] =	vst v0  }
0x1cc: {  	v0 =	vld [tilespmem:s29+$0x7C00];
	_ =	sdelay $0x4  }
0x1cd: {  	s30 =	sand.u32 $0x380, s24;
	[tilespmem:$0x9300] =	vst v0  }
0x1ce: {  	v0 =	vld [tilespmem:s30+$0x8000];
	_ =	sdelay $0x4  }
0x1cf: {  	s1 =	simm.s32 $0x8400;
	s2 =	simm.s32 $0x2;
	[tilespmem:$0x9380] =	vst v0  }
0x1d0: {  	[hbm4b:s3+s20] =	stream.linear.scatter [tilespmem:s1], [sflag:$0x2], $0x1000, $0x38;
	[tilespmem:$0x9400] =	vst v63  }
0x1d1: {  	_ =	swait.ge [sflag:s2], $0x1000  }
0x1d2: {  	[sflag:s2] =	ssyncset.done $0x0  }
0x1d3: {  	s3 =	simm.s32 $0x0;
	[sflag:s2] =	ssyncadd.s32 $0xFFFFF000  }
0x1d4: {  	v1 =	vld [tilespmem:s3+$0x200];
	_ =	sdelay $0x4  }
0x1d5: {  	(v2sf) =	vpush v1, $0x0  }
0x1d6: {  	(v2sf) =	vpush v1, $0x2  }
0x1d7: {  	(v2sf) =	vpush v1, $0x3;
	_ =	sdelay $0x1  }
0x1d8: {  	(v2sf) =	vpush v1, $0x1;
	_ =	sdelay $0x1  }
0x1d9: {  	(v2sf) =	vpush v1, $0x5;
	_ =	sdelay $0x1  }
0x1da: {  	v0 =	vld [tilespmem:s3+$0x210];
	(v2sf) =	vpush v1, $0xD;
	_ =	sdelay $0x1  }
0x1db: {  	(v2sf) =	vpush v1, $0x7;
	_ =	sdelay $0x1  }
0x1dc: {  	(v2sf) =	vpush v1, $0x4  }
0x1dd: {  	(v2sf) =	vpush v0, $0x0  }
0x1de: {  	s10 =	simm.s32 $0x800  }
0x1df: {  	s16 =	simm.s32 $0x1000;
	s18 =	simm.s32 $0x1400;
	(v2sf) =	vpush v1, $0x6;
	s21 =	spop (v2sf)  }
0x1e0: {  	s22 =	simm.s32 $0x1800;
	s29 =	simm.s32 $0x1C00;
	(v2sf) =	vpush v1, $0xA;
	s9 =	spop (v2sf)  }
0x1e1: {  	s1 =	simm.s32 $0x400;
	s4 =	sshll.u32 s21, $0x4;
	s5 =	spop (v2sf)  }
0x1e2: {  	s0 =	sand.u32 $0xFFFFF80, s4;
	s7 =	sshll.u32 s9, $0x4;
	[smem:$0x7E7] =	sst s5  }
0x1e3: {  	s0 =	sadd.s32 s31, s0;
	s23 =	spop (v2sf);
	s2 =	sshll.u32 s5, $0x4  }
0x1e4: {  	[tilespmem:s1], [sflag:$0x1] =	stream.linear.gather [hbm4b:s0+s20], $0x400, $0x38;
	[tilespmem:$0x9400] =	vst v63  }
0x1e5: {  	(v2sf) =	vpush v1, $0xB;
	s5 =	simm.s32 $0xC00;
	s8 =	sshll.u32 s23, $0x4;
	s4 =	spop (v2sf)  }
0x1e6: {  	s0 =	sand.u32 $0xFFFFF80, s7;
	s11 =	sand.u32 $0xFFFFF80, s2;
	[smem:$0x7E8] =	sst s4  }
0x1e7: {  	(v2sf) =	vpush v1, $0x9;
	s1 =	sand.u32 $0xFFFFF80, s8;
	s6 =	spop (v2sf);
	s12 =	sshll.u32 s4, $0x4  }
0x1e8: {  	(v2sf) =	vpush v1, $0x8;
	s0 =	sadd.s32 s31, s0;
	[smem:$0x7EA] =	sst s6;
	s1 =	sadd.s32 s31, s1  }
0x1e9: {  	s7 =	spop (v2sf);
	s17 =	sand.u32 $0xFFFFF80, s12;
	s6 =	sshll.u32 s6, $0x4  }
0x1ea: {  	[tilespmem:s10], [sflag:$0x1] =	stream.linear.gather [hbm4b:s1+s20], $0x400, $0x38;
	[tilespmem:$0x9400] =	vst v63  }
0x1eb: {  	[smem:$0x7E9] =	sst s7;
	s25 =	spop (v2sf);
	s1 =	sadd.s32 s31, s11  }
0x1ec: {  	s19 =	sshll.u32 s7, $0x4;
	s7 =	simm.s32 $0x2000;
	s4 =	spop (v2sf)  }
0x1ed: {  	(v2sf) =	vpush v0, $0x1;
	[tilespmem:s5], [sflag:$0x1] =	stream.linear.gather [hbm4b:s0+s20], $0x400, $0x38;
	[tilespmem:$0x9400] =	vst v63  }
0x1ee: {  	s14 =	sshll.u32 s25, $0x4;
	[smem:$0x7EB] =	sst s4;
	s13 =	spop (v2sf)  }
0x1ef: {  	(v2sf) =	vpush v1, $0xC;
	s15 =	sand.u32 $0xFFFFF80, s14;
	s5 =	simm.s32 $0x3400;
	s10 =	spop (v2sf)  }
0x1f0: {  	[tilespmem:s16], [sflag:$0x1] =	stream.linear.gather [hbm4b:s1+s20], $0x400, $0x38;
	[tilespmem:$0x9400] =	vst v63  }
0x1f1: {  	s0 =	sadd.s32 s31, s15;
	s24 =	sshll.u32 s13, $0x4;
	s26 =	sshll.u32 s10, $0x4  }
0x1f2: {  	s1 =	sadd.s32 s31, s17;
	s16 =	simm.s32 $0x2400;
	s2 =	sand.u32 $0xFFFFF80, s26  }
0x1f3: {  	[tilespmem:s18], [sflag:$0x1] =	stream.linear.gather [hbm4b:s0+s20], $0x400, $0x38;
	[tilespmem:$0x9400] =	vst v63  }
0x1f4: {  	s0 =	sand.u32 $0xFFFFF80, s19;
	s18 =	simm.s32 $0x2800;
	s12 =	spop (v2sf)  }
0x1f5: {  	(v2sf) =	vpush v0, $0x2;
	[tilespmem:s22], [sflag:$0x1] =	stream.linear.gather [hbm4b:s1+s20], $0x400, $0x38;
	[tilespmem:$0x9400] =	vst v63  }
0x1f6: {  	s0 =	sadd.s32 s31, s0;
	s1 =	sand.u32 $0xFFFFF80, s24;
	s14 =	spop (v2sf)  }
0x1f7: {  	(v2sf) =	vpush v1, $0xE;
	s22 =	sadd.s32 s31, s2;
	s1 =	sadd.s32 s31, s1;
	s8 =	spop (v2sf)  }
0x1f8: {  	(v2sf) =	vpush v0, $0x3;
	[tilespmem:s29], [sflag:$0x1] =	stream.linear.gather [hbm4b:s1+s20], $0x400, $0x38;
	[tilespmem:$0x9400] =	vst v63  }
0x1f9: {  	s17 =	sshll.u32 s12, $0x4;
	s30 =	sshll.u32 s14, $0x4;
	s28 =	sshll.u32 s8, $0x4  }
0x1fa: {  	(v2sf) =	vpush v1, $0xF;
	s19 =	sand.u32 $0xFFFFF80, s17;
	s11 =	sand.u32 $0xFFFFF80, s30;
	s3 =	sand.u32 $0xFFFFF80, s28  }
0x1fb: {  	[tilespmem:s7], [sflag:$0x1] =	stream.linear.gather [hbm4b:s0+s20], $0x400, $0x38;
	[tilespmem:$0x9400] =	vst v63  }
0x1fc: {  	s30 =	simm.s32 $0x3000;
	s7 =	spop (v2sf);
	s15 =	sadd.s32 s31, s3  }
0x1fd: {  	[tilespmem:s16], [sflag:$0x1] =	stream.linear.gather [hbm4b:s15+s20], $0x400, $0x38;
	[tilespmem:$0x9400] =	vst v63  }
0x1fe: {  	s0 =	sadd.s32 s31, s11;
	(v2sf) =	vpush v0, $0x4;
	s26 =	spop (v2sf);
	s11 =	sshll.u32 s7, $0x4  }
0x1ff: {  	[tilespmem:s18], [sflag:$0x1] =	stream.linear.gather [hbm4b:s0+s20], $0x400, $0x38;
	[tilespmem:$0x9400] =	vst v63  }
0x200: {  	s28 =	simm.s32 $0x2C00;
	s24 =	sshll.u32 s26, $0x4;
	s1 =	sand.u32 $0xFFFFF80, s11  }
0x201: {  	[tilespmem:s28], [sflag:$0x1] =	stream.linear.gather [hbm4b:s22+s20], $0x400, $0x38;
	[tilespmem:$0x9400] =	vst v63  }
0x202: {  	s11 =	simm.s32 $0x4800;
	s29 =	sand.u32 $0xFFFFF80, s24;
	s0 =	sadd.s32 s31, s19  }
0x203: {  	[tilespmem:s30], [sflag:$0x1] =	stream.linear.gather [hbm4b:s0+s20], $0x400, $0x38;
	[tilespmem:$0x9400] =	vst v63  }
0x204: {  	s1 =	sadd.s32 s31, s1;
	s3 =	sadd.s32 s31, s29;
	s22 =	spop (v2sf)  }
0x205: {  	[tilespmem:s5], [sflag:$0x1] =	stream.linear.gather [hbm4b:s3+s20], $0x400, $0x38;
	[tilespmem:$0x9400] =	vst v63  }
0x206: {  	s18 =	simm.s32 $0x3800;
	s0 =	sand.u32 $0xFFFFF80, s6;
	s16 =	spop (v2sf);
	(v2sf) =	vpush v0, $0x5  }
0x207: {  	s19 =	sshll.u32 s4, $0x4;
	s0 =	sadd.s32 s31, s0;
	s24 =	spop (v2sf)  }
0x208: {  	(v2sf) =	vpush v0, $0x6;
	[tilespmem:s18], [sflag:$0x1] =	stream.linear.gather [hbm4b:s0+s20], $0x400, $0x38;
	[tilespmem:$0x9400] =	vst v63  }
0x209: {  	s29 =	simm.s32 $0x3C00;
	s15 =	sshll.u32 s16, $0x4;
	s28 =	spop (v2sf)  }
0x20a: {  	s4 =	simm.s32 $0x4000;
	s2 =	sand.u32 $0xFFFFF80, s15;
	s17 =	sshll.u32 s28, $0x4  }
0x20b: {  	s30 =	sshll.u32 s22, $0x4;
	(v2sf) =	vpush v0, $0x7;
	s2 =	sadd.s32 s31, s2;
	s3 =	sand.u32 $0xFFFFF80, s17  }
0x20c: {  	[tilespmem:s29], [sflag:$0x1] =	stream.linear.gather [hbm4b:s2+s20], $0x400, $0x38;
	[tilespmem:$0x9400] =	vst v63  }
0x20d: {  	s0 =	sand.u32 $0xFFFFF80, s19;
	s17 =	spop (v2sf);
	s3 =	sadd.s32 s31, s3  }
0x20e: {  	(v2sf) =	vpush v0, $0x8;
	[tilespmem:s4], [sflag:$0x1] =	stream.linear.gather [hbm4b:s3+s20], $0x400, $0x38;
	[tilespmem:$0x9400] =	vst v63  }
0x20f: {  	s5 =	simm.s32 $0x4400;
	s18 =	simm.s32 $0x4C00;
	s0 =	sadd.s32 s31, s0  }
0x210: {  	[tilespmem:s5], [sflag:$0x1] =	stream.linear.gather [hbm4b:s0+s20], $0x400, $0x38;
	[tilespmem:$0x9400] =	vst v63  }
0x211: {  	s19 =	simm.s32 $0x5000;
	s6 =	sshll.u32 s24, $0x4;
	s2 =	sand.u32 $0xFFFFF80, s30  }
0x212: {  	[tilespmem:s11], [sflag:$0x1] =	stream.linear.gather [hbm4b:s1+s20], $0x400, $0x38;
	[tilespmem:$0x9400] =	vst v63  }
0x213: {  	s15 =	sshll.u32 s17, $0x4;
	s2 =	sadd.s32 s31, s2;
	s0 =	sand.u32 $0xFFFFF80, s6  }
0x214: {  	[tilespmem:s18], [sflag:$0x1] =	stream.linear.gather [hbm4b:s2+s20], $0x400, $0x38;
	[tilespmem:$0x9400] =	vst v63  }
0x215: {  	s4 =	simm.s32 $0x5400;
	s0 =	sadd.s32 s31, s0;
	s29 =	spop (v2sf);
	(v2sf) =	vpush v0, $0x9  }
0x216: {  	[tilespmem:s19], [sflag:$0x1] =	stream.linear.gather [hbm4b:s0+s20], $0x400, $0x38;
	[tilespmem:$0x9400] =	vst v63  }
0x217: {  	s6 =	simm.s32 $0x5800;
	s1 =	sand.u32 $0xFFFFF80, s15;
	s3 =	spop (v2sf);
	(v2sf) =	vpush v0, $0xA  }
0x218: {  	s1 =	sadd.s32 s31, s1;
	s18 =	simm.s32 $0x5C00;
	s30 =	sshll.u32 s29, $0x4  }
0x219: {  	[tilespmem:s4], [sflag:$0x1] =	stream.linear.gather [hbm4b:s1+s20], $0x400, $0x38;
	[tilespmem:$0x9400] =	vst v63  }
0x21a: {  	s0 =	sand.u32 $0xFFFFF80, s30;
	s5 =	sshll.u32 s3, $0x4;
	s15 =	spop (v2sf);
	(v2sf) =	vpush v0, $0xB  }
0x21b: {  	s1 =	sand.u32 $0xFFFFF80, s5;
	s0 =	sadd.s32 s31, s0;
	s19 =	sshll.u32 s15, $0x4  }
0x21c: {  	[tilespmem:s6], [sflag:$0x1] =	stream.linear.gather [hbm4b:s0+s20], $0x400, $0x38;
	[tilespmem:$0x9400] =	vst v63  }
0x21d: {  	s11 =	sadd.s32 s31, s1;
	s0 =	sand.u32 $0xFFFFF80, s19;
	s19 =	spop (v2sf)  }
0x21e: {  	[tilespmem:s18], [sflag:$0x1] =	stream.linear.gather [hbm4b:s11+s20], $0x400, $0x38;
	[tilespmem:$0x9400] =	vst v63  }
0x21f: {  	s30 =	simm.s32 $0x6000;
	s0 =	sadd.s32 s31, s0;
	s2 =	sshll.u32 s19, $0x4  }
0x220: {  	(v2sf) =	vpush v0, $0xC;
	[tilespmem:s30], [sflag:$0x1] =	stream.linear.gather [hbm4b:s0+s20], $0x400, $0x38;
	[tilespmem:$0x9400] =	vst v63  }
0x221: {  	s0 =	sand.u32 $0xFFFFF80, s2  }
0x222: {  	s4 =	simm.s32 $0x6400;
	s0 =	sadd.s32 s31, s0  }
0x223: {  	[tilespmem:s4], [sflag:$0x1] =	stream.linear.gather [hbm4b:s0+s20], $0x400, $0x38;
	[tilespmem:$0x9400] =	vst v63  }
0x224: {  	s6 =	spop (v2sf)  }
0x225: {  	(v2sf) =	vpush v0, $0xD;
	s5 =	sshll.u32 s6, $0x4  }
0x226: {  	s0 =	sand.u32 $0xFFFFF80, s5;
	s5 =	spop (v2sf)  }
0x227: {  	s11 =	simm.s32 $0x6800;
	s0 =	sadd.s32 s31, s0;
	s18 =	sshll.u32 s5, $0x4  }
0x228: {  	[tilespmem:s11], [sflag:$0x1] =	stream.linear.gather [hbm4b:s0+s20], $0x400, $0x38;
	[tilespmem:$0x9400] =	vst v63  }
0x229: {  	s2 =	spop (v2sf);
	s0 =	sand.u32 $0xFFFFF80, s18  }
0x22a: {  	s30 =	simm.s32 $0x6C00;
	(v2sf) =	vpush v0, $0xE;
	s1 =	sshll.u32 s2, $0x4;
	s0 =	sadd.s32 s31, s0  }
0x22b: {  	[tilespmem:s30], [sflag:$0x1] =	stream.linear.gather [hbm4b:s0+s20], $0x400, $0x38;
	[tilespmem:$0x9400] =	vst v63  }
0x22c: {  	s0 =	sand.u32 $0xFFFFF80, s1  }
0x22d: {  	s4 =	simm.s32 $0x7000;
	s0 =	sadd.s32 s31, s0  }
0x22e: {  	[tilespmem:s4], [sflag:$0x1] =	stream.linear.gather [hbm4b:s0+s20], $0x400, $0x38;
	[tilespmem:$0x9400] =	vst v63  }
0x22f: {  	(v2sf) =	vpush v0, $0xF;
	s0 =	spop (v2sf)  }
0x230: {  	s11 =	sshll.u32 s0, $0x4  }
0x231: {  	s1 =	sand.u32 $0xFFFFF80, s11  }
0x232: {  	s11 =	simm.s32 $0x7400;
	s1 =	sadd.s32 s31, s1  }
0x233: {  	[tilespmem:s11], [sflag:$0x1] =	stream.linear.gather [hbm4b:s1+s20], $0x400, $0x38;
	[tilespmem:$0x9400] =	vst v63  }
0x234: {  	s11 =	spop (v2sf)  }
0x235: {  	s18 =	sshll.u32 s11, $0x4  }
0x236: {  	s1 =	sand.u32 $0xFFFFF80, s18  }
0x237: {  	s18 =	simm.s32 $0x7800;
	s1 =	sadd.s32 s31, s1  }
0x238: {  	[tilespmem:s18], [sflag:$0x1] =	stream.linear.gather [hbm4b:s1+s20], $0x400, $0x38;
	[tilespmem:$0x9400] =	vst v63  }
0x239: {  	s18 =	spop (v2sf)  }
0x23a: {  	s30 =	sshll.u32 s18, $0x4  }
0x23b: {  	s1 =	sand.u32 $0xFFFFF80, s30  }
0x23c: {  	s30 =	simm.s32 $0x7C00;
	s1 =	sadd.s32 s31, s1  }
0x23d: {  	[tilespmem:s30], [sflag:$0x1] =	stream.linear.gather [hbm4b:s1+s20], $0x400, $0x38;
	[tilespmem:$0x9400] =	vst v63  }
0x23e: {  	s1 =	spop (v2sf)  }
0x23f: {  	s4 =	sshll.u32 s1, $0x4  }
0x240: {  	s30 =	sand.u32 $0xFFFFF80, s4  }
0x241: {  	s4 =	simm.s32 $0x8000;
	s30 =	sadd.s32 s31, s30  }
0x242: {  	[tilespmem:s4], [sflag:$0x1] =	stream.linear.gather [hbm4b:s30+s20], $0x400, $0x38;
	[tilespmem:$0x9400] =	vst v63  }
0x243: {  	s30 =	simm.s32 $0x1  }
0x244: {  	_ =	swait.ge [sflag:s30], $0x8000  }
0x245: {  	s21 =	sshll.u32 s21, $0x7;
	[sflag:s30] =	ssyncset.done $0x0  }
0x246: {  	s21 =	sand.u32 $0x380, s21;
	[sflag:s30] =	ssyncadd.s32 $0xFFFF8000  }
0x247: {  	v0 =	vld [tilespmem:s21+$0x400];
	_ =	sdelay $0x3  }
0x248: {  	s4 =	sshll.u32 s23, $0x7  }
0x249: {  	s21 =	sand.u32 $0x380, s4;
	[tilespmem:$0x8400] =	vst v0  }
0x24a: {  	v0 =	vld [tilespmem:s21+$0x800];
	_ =	sdelay $0x3  }
0x24b: {  	s9 =	sshll.u32 s9, $0x7  }
0x24c: {  	s9 =	sand.u32 $0x380, s9;
	[tilespmem:$0x8480] =	vst v0  }
0x24d: {  	v0 =	vld [tilespmem:s9+$0xC00]  }
0x24e: {  	s23 =	sld [smem:$0x7E7];
	_ =	sdelay $0x2  }
0x24f: {  	s30 =	sshll.u32 s23, $0x7  }
0x250: {  	s9 =	sand.u32 $0x380, s30;
	[tilespmem:$0x8500] =	vst v0  }
0x251: {  	v0 =	vld [tilespmem:s9+$0x1000];
	_ =	sdelay $0x3  }
0x252: {  	s4 =	sshll.u32 s25, $0x7  }
0x253: {  	s9 =	sand.u32 $0x380, s4;
	[tilespmem:$0x8580] =	vst v0  }
0x254: {  	v0 =	vld [tilespmem:s9+$0x1400]  }
0x255: {  	s9 =	sld [smem:$0x7E8];
	_ =	sdelay $0x2  }
0x256: {  	s4 =	sshll.u32 s9, $0x7  }
0x257: {  	s4 =	sand.u32 $0x380, s4;
	[tilespmem:$0x8600] =	vst v0  }
0x258: {  	v0 =	vld [tilespmem:s4+$0x1800];
	_ =	sdelay $0x3  }
0x259: {  	s13 =	sshll.u32 s13, $0x7  }
0x25a: {  	s4 =	sand.u32 $0x380, s13;
	[tilespmem:$0x8680] =	vst v0  }
0x25b: {  	v0 =	vld [tilespmem:s4+$0x1C00]  }
0x25c: {  	s21 =	sld [smem:$0x7E9];
	_ =	sdelay $0x2  }
0x25d: {  	s4 =	sshll.u32 s21, $0x7  }
0x25e: {  	s4 =	sand.u32 $0x380, s4;
	[tilespmem:$0x8700] =	vst v0  }
0x25f: {  	v0 =	vld [tilespmem:s4+$0x2000];
	_ =	sdelay $0x3  }
0x260: {  	s23 =	sshll.u32 s8, $0x7  }
0x261: {  	s4 =	sand.u32 $0x380, s23;
	[tilespmem:$0x8780] =	vst v0  }
0x262: {  	v0 =	vld [tilespmem:s4+$0x2400];
	_ =	sdelay $0x3  }
0x263: {  	s25 =	sshll.u32 s14, $0x7  }
0x264: {  	s4 =	sand.u32 $0x380, s25;
	[tilespmem:$0x8800] =	vst v0  }
0x265: {  	v0 =	vld [tilespmem:s4+$0x2800];
	_ =	sdelay $0x3  }
0x266: {  	s30 =	sshll.u32 s10, $0x7  }
0x267: {  	s4 =	sand.u32 $0x380, s30;
	[tilespmem:$0x8880] =	vst v0  }
0x268: {  	v0 =	vld [tilespmem:s4+$0x2C00];
	_ =	sdelay $0x3  }
0x269: {  	s8 =	sshll.u32 s12, $0x7  }
0x26a: {  	s4 =	sand.u32 $0x380, s8;
	[tilespmem:$0x8900] =	vst v0  }
0x26b: {  	v0 =	vld [tilespmem:s4+$0x3000];
	_ =	sdelay $0x3  }
0x26c: {  	s9 =	sshll.u32 s26, $0x7  }
0x26d: {  	s4 =	sand.u32 $0x380, s9;
	[tilespmem:$0x8980] =	vst v0  }
0x26e: {  	v0 =	vld [tilespmem:s4+$0x3400]  }
0x26f: {  	s10 =	sld [smem:$0x7EA];
	_ =	sdelay $0x2  }
0x270: {  	s4 =	sshll.u32 s10, $0x7  }
0x271: {  	s4 =	sand.u32 $0x380, s4;
	[tilespmem:$0x8A00] =	vst v0  }
0x272: {  	v0 =	vld [tilespmem:s4+$0x3800];
	_ =	sdelay $0x3  }
0x273: {  	s12 =	sshll.u32 s16, $0x7  }
0x274: {  	s4 =	sand.u32 $0x380, s12;
	[tilespmem:$0x8A80] =	vst v0  }
0x275: {  	v0 =	vld [tilespmem:s4+$0x3C00];
	_ =	sdelay $0x3  }
0x276: {  	s13 =	sshll.u32 s28, $0x7  }
0x277: {  	s4 =	sand.u32 $0x380, s13;
	[tilespmem:$0x8B00] =	vst v0  }
0x278: {  	v0 =	vld [tilespmem:s4+$0x4000]  }
0x279: {  	s14 =	sld [smem:$0x7EB];
	_ =	sdelay $0x2  }
0x27a: {  	s4 =	sshll.u32 s14, $0x7  }
0x27b: {  	s4 =	sand.u32 $0x380, s4;
	[tilespmem:$0x8B80] =	vst v0  }
0x27c: {  	v0 =	vld [tilespmem:s4+$0x4400];
	_ =	sdelay $0x3  }
0x27d: {  	s16 =	sshll.u32 s7, $0x7  }
0x27e: {  	s4 =	sand.u32 $0x380, s16;
	[tilespmem:$0x8C00] =	vst v0  }
0x27f: {  	v0 =	vld [tilespmem:s4+$0x4800];
	_ =	sdelay $0x3  }
0x280: {  	s21 =	sshll.u32 s22, $0x7  }
0x281: {  	s4 =	sand.u32 $0x380, s21;
	[tilespmem:$0x8C80] =	vst v0  }
0x282: {  	v0 =	vld [tilespmem:s4+$0x4C00];
	_ =	sdelay $0x3  }
0x283: {  	s22 =	sshll.u32 s24, $0x7  }
0x284: {  	s4 =	sand.u32 $0x380, s22;
	[tilespmem:$0x8D00] =	vst v0  }
0x285: {  	v0 =	vld [tilespmem:s4+$0x5000];
	_ =	sdelay $0x3  }
0x286: {  	s23 =	sshll.u32 s17, $0x7  }
0x287: {  	s4 =	sand.u32 $0x380, s23;
	[tilespmem:$0x8D80] =	vst v0  }
0x288: {  	v0 =	vld [tilespmem:s4+$0x5400];
	_ =	sdelay $0x3  }
0x289: {  	s24 =	sshll.u32 s29, $0x7  }
0x28a: {  	s4 =	sand.u32 $0x380, s24;
	[tilespmem:$0x8E00] =	vst v0  }
0x28b: {  	v0 =	vld [tilespmem:s4+$0x5800];
	_ =	sdelay $0x3  }
0x28c: {  	s3 =	sshll.u32 s3, $0x7  }
0x28d: {  	s3 =	sand.u32 $0x380, s3;
	[tilespmem:$0x8E80] =	vst v0  }
0x28e: {  	v0 =	vld [tilespmem:s3+$0x5C00];
	_ =	sdelay $0x3  }
0x28f: {  	s25 =	sshll.u32 s15, $0x7  }
0x290: {  	s3 =	sand.u32 $0x380, s25;
	[tilespmem:$0x8F00] =	vst v0  }
0x291: {  	v0 =	vld [tilespmem:s3+$0x6000];
	_ =	sdelay $0x3  }
0x292: {  	s26 =	sshll.u32 s19, $0x7  }
0x293: {  	s3 =	sand.u32 $0x380, s26;
	[tilespmem:$0x8F80] =	vst v0  }
0x294: {  	v0 =	vld [tilespmem:s3+$0x6400];
	_ =	sdelay $0x3  }
0x295: {  	s28 =	sshll.u32 s6, $0x7  }
0x296: {  	s3 =	sand.u32 $0x380, s28;
	[tilespmem:$0x9000] =	vst v0  }
0x297: {  	v0 =	vld [tilespmem:s3+$0x6800];
	_ =	sdelay $0x3  }
0x298: {  	s29 =	sshll.u32 s5, $0x7  }
0x299: {  	s3 =	sand.u32 $0x380, s29;
	[tilespmem:$0x9080] =	vst v0  }
0x29a: {  	v0 =	vld [tilespmem:s3+$0x6C00];
	_ =	sdelay $0x3  }
0x29b: {  	s2 =	sshll.u32 s2, $0x7  }
0x29c: {  	s2 =	sand.u32 $0x380, s2;
	[tilespmem:$0x9100] =	vst v0  }
0x29d: {  	v0 =	vld [tilespmem:s2+$0x7000];
	_ =	sdelay $0x1  }
0x29e: {  	s30 =	sld [smem:$0x7FB]  }
0x29f: {  	s0 =	sshll.u32 s0, $0x7  }
0x2a0: {  	s0 =	sand.u32 $0x380, s0  }
0x2a1: {  	s24 =	sshll.u32 s1, $0x7;
	s4 =	smov.u32 s30;
	s25 =	sshll.u32 s18, $0x7;
	[tilespmem:$0x9180] =	vst v0  }
0x2a2: {  	s26 =	sshll.u32 s11, $0x7;
	s3 =	smov.u32 s30;
	s2 =	simm.s32 $0x80;
	v0 =	vld [tilespmem:s0+$0x7400]  }
.LBB2_4:
0x2a3: {  	_ =	sdelay $0x3  }
0x2a4: {  	s1 =	sand.u32 $0x380, s26;
	[tilespmem:$0x9200] =	vst v0  }
0x2a5: {  	v0 =	vld [tilespmem:s1+$0x7800];
	_ =	sdelay $0x4  }
0x2a6: {  	s7 =	sand.u32 $0x380, s25;
	[tilespmem:$0x9280] =	vst v0  }
0x2a7: {  	v0 =	vld [tilespmem:s7+$0x7C00];
	_ =	sdelay $0x4  }
0x2a8: {  	s8 =	sand.u32 $0x380, s24;
	[tilespmem:$0x9300] =	vst v0  }
0x2a9: {  	v0 =	vld [tilespmem:s8+$0x8000];
	_ =	sdelay $0x2  }
0x2aa: {  	s4 =	sadd.s32 $0x200, s4  }
0x2ab: {  	s6 =	sadd.s32 $0x80, s2;
	[dreg:$0x8] =	wrdreg s4  }
0x2ac: {  	s9 =	simm.s32 $0x8400;
	s10 =	simm.s32 $0x2;
	[dreg:$0x5] =	wrdreg s6;
	[tilespmem:$0x9380] =	vst v0  }
0x2ad: {  	[hbm4b:s3+s20] =	stream.linear.scatter [tilespmem:s9], [sflag:$0x2], $0x1000, $0x38;
	[tilespmem:$0x9400] =	vst v63  }
0x2ae: {  	_ =	swait.ge [sflag:s10], $0x1000  }
0x2af: {  	s0 =	smov.u32 s2;
	[sflag:s10] =	ssyncset.done $0x0  }
0x2b0: {  	s0 =	sshra.s32 s0, $0x2;
	[sflag:s10] =	ssyncadd.s32 $0xFFFFF000  }
0x2b1: {  	v1 =	vld [tilespmem:s0+$0x200];
	_ =	sdelay $0x4  }
0x2b2: {  	(v2sf) =	vpush v1, $0x0;
	_ =	sdelay $0x1  }
0x2b3: {  	(v2sf) =	vpush v1, $0x2;
	_ =	sdelay $0x1  }
0x2b4: {  	(v2sf) =	vpush v1, $0x3;
	_ =	sdelay $0x1  }
0x2b5: {  	(v2sf) =	vpush v1, $0x1;
	_ =	sdelay $0x1  }
0x2b6: {  	(v2sf) =	vpush v1, $0x5  }
0x2b7: {  	(v2sf) =	vpush v1, $0xD  }
0x2b8: {  	v0 =	vld [tilespmem:s0+$0x210]  }
0x2b9: {  	(v2sf) =	vpush v1, $0x7;
	_ =	sdelay $0x2  }
0x2ba: {  	p0 =	sne.s32 s2, $0x780;
	s18 =	simm.s32 $0x400;
	(v2sf) =	vpush v1, $0x4  }
0x2bb: {  	s23 =	simm.s32 $0x800;
	s11 =	smov.u32 s4;
	(v2sf) =	vpush v0, $0x0;
	s12 =	spop (v2sf)  }
0x2bc: {  	s25 =	simm.s32 $0xC00;
	[dreg:$0xb] =	wrdreg s11;
	s0 =	sshll.u32 s12, $0x7  }
0x2bd: {  	(v2sf) =	vpush v1, $0x6;
	s13 =	sshll.u32 s12, $0x4;
	s14 =	spop (v2sf);
	[dreg:$0xe] =	wrdreg s0  }
0x2be: {  	s29 =	simm.s32 $0x1000;
	(v2sf) =	vpush v1, $0xA;
	[dreg:$0x12] =	wrdreg s14;
	s15 =	sand.u32 $0xFFFFF80, s13  }
0x2bf: {  	s16 =	sshll.u32 s14, $0x4;
	s17 =	spop (v2sf);
	s14 =	simm.s32 $0x1400  }
0x2c0: {  	[dreg:$0x17] =	wrdreg s17;
	s0 =	sadd.s32 s31, s15;
	s7 =	sand.u32 $0xFFFFF80, s16  }
0x2c1: {  	s4 =	spop (v2sf);
	s21 =	sshll.u32 s17, $0x4;
	s15 =	simm.s32 $0x1800  }
0x2c2: {  	[tilespmem:s18], [sflag:$0x1] =	stream.linear.gather [hbm4b:s0+s20], $0x400, $0x38;
	[tilespmem:$0x9400] =	vst v63  }
0x2c3: {  	s19 =	sshll.u32 s4, $0x4;
	s5 =	spop (v2sf);
	s8 =	sand.u32 $0xFFFFF80, s21  }
0x2c4: {  	(v2sf) =	vpush v1, $0xB;
	s7 =	sadd.s32 s31, s7;
	s0 =	sand.u32 $0xFFFFF80, s19;
	s13 =	spop (v2sf)  }
0x2c5: {  	s22 =	sshll.u32 s5, $0x4;
	s8 =	sadd.s32 s31, s8;
	s19 =	simm.s32 $0x1C00  }
0x2c6: {  	(v2sf) =	vpush v1, $0x9;
	[smem:$0x7E2] =	sst s13;
	s0 =	sadd.s32 s31, s0;
	s6 =	spop (v2sf)  }
0x2c7: {  	(v2sf) =	vpush v1, $0x8;
	[tilespmem:s23], [sflag:$0x1] =	stream.linear.gather [hbm4b:s0+s20], $0x400, $0x38;
	[tilespmem:$0x9400] =	vst v63  }
0x2c8: {  	s24 =	sand.u32 $0xFFFFF80, s22;
	s17 =	sshll.u32 s13, $0x4;
	s9 =	sshll.u32 s6, $0x4  }
0x2c9: {  	(v2sf) =	vpush v0, $0x1;
	s3 =	spop (v2sf);
	s0 =	sadd.s32 s31, s24;
	s23 =	simm.s32 $0x2000  }
0x2ca: {  	s10 =	sshll.u32 s3, $0x4;
	s2 =	spop (v2sf);
	s9 =	sand.u32 $0xFFFFF80, s9  }
0x2cb: {  	[tilespmem:s25], [sflag:$0x1] =	stream.linear.gather [hbm4b:s7+s20], $0x400, $0x38;
	[tilespmem:$0x9400] =	vst v63  }
0x2cc: {  	[smem:$0x7E3] =	sst s2;
	s26 =	sand.u32 $0xFFFFF80, s10;
	s12 =	spop (v2sf)  }
0x2cd: {  	s21 =	sadd.s32 s31, s9;
	s28 =	sshll.u32 s12, $0x4;
	s11 =	spop (v2sf)  }
0x2ce: {  	(v2sf) =	vpush v1, $0xC;
	[tilespmem:s29], [sflag:$0x1] =	stream.linear.gather [hbm4b:s8+s20], $0x400, $0x38;
	[tilespmem:$0x9400] =	vst v63  }
0x2cf: {  	s7 =	sadd.s32 s31, s26;
	s26 =	sand.u32 $0xFFFFF80, s17;
	[dreg:$0x1e] =	wrdreg s11  }
0x2d0: {  	[tilespmem:s14], [sflag:$0x1] =	stream.linear.gather [hbm4b:s7+s20], $0x400, $0x38;
	[tilespmem:$0x9400] =	vst v63  }
0x2d1: {  	s30 =	sand.u32 $0xFFFFF80, s28;
	s11 =	sshll.u32 s11, $0x4;
	s29 =	sshll.u32 s2, $0x4  }
0x2d2: {  	(v2sf) =	vpush v0, $0x2;
	[tilespmem:s15], [sflag:$0x1] =	stream.linear.gather [hbm4b:s0+s20], $0x400, $0x38;
	[tilespmem:$0x9400] =	vst v63  }
0x2d3: {  	s2 =	sshll.u32 s4, $0x7;
	s8 =	sadd.s32 s31, s30;
	s22 =	spop (v2sf)  }
0x2d4: {  	[tilespmem:s19], [sflag:$0x1] =	stream.linear.gather [hbm4b:s8+s20], $0x400, $0x38;
	[tilespmem:$0x9400] =	vst v63  }
0x2d5: {  	s4 =	simm.s32 $0x2800;
	s11 =	sand.u32 $0xFFFFF80, s11;
	s28 =	spop (v2sf)  }
0x2d6: {  	s30 =	simm.s32 $0x2400;
	[smem:$0x7E4] =	sst s2;
	(v2sf) =	vpush v1, $0xE;
	s7 =	spop (v2sf)  }
0x2d7: {  	[tilespmem:s23], [sflag:$0x1] =	stream.linear.gather [hbm4b:s21+s20], $0x400, $0x38;
	[tilespmem:$0x9400] =	vst v63  }
0x2d8: {  	s2 =	simm.s32 $0x3800;
	s8 =	sadd.s32 s31, s11;
	s25 =	spop (v2sf);
	(v2sf) =	vpush v0, $0x3  }
0x2d9: {  	s19 =	simm.s32 $0x3000;
	s16 =	sshll.u32 s22, $0x4;
	s14 =	sshll.u32 s7, $0x4;
	(v2sf) =	vpush v1, $0xF  }
0x2da: {  	s18 =	sshll.u32 s28, $0x4;
	s0 =	sand.u32 $0xFFFFF80, s16;
	s14 =	sand.u32 $0xFFFFF80, s14;
	(v2sf) =	vpush v0, $0x4  }
0x2db: {  	s23 =	simm.s32 $0x3400;
	s13 =	sand.u32 $0xFFFFF80, s18;
	s24 =	sadd.s32 s31, s14  }
0x2dc: {  	[tilespmem:s30], [sflag:$0x1] =	stream.linear.gather [hbm4b:s24+s20], $0x400, $0x38;
	[tilespmem:$0x9400] =	vst v63  }
0x2dd: {  	s18 =	sand.u32 $0xFFFFF80, s29;
	s13 =	sadd.s32 s31, s13;
	(v2sf) =	vpush v0, $0x5;
	s10 =	spop (v2sf)  }
0x2de: {  	[tilespmem:s4], [sflag:$0x1] =	stream.linear.gather [hbm4b:s13+s20], $0x400, $0x38;
	[tilespmem:$0x9400] =	vst v63  }
0x2df: {  	s0 =	sadd.s32 s31, s0;
	s14 =	simm.s32 $0x2C00;
	s11 =	sshll.u32 s10, $0x4  }
0x2e0: {  	(v2sf) =	vpush v0, $0x6;
	[tilespmem:s14], [sflag:$0x1] =	stream.linear.gather [hbm4b:s8+s20], $0x400, $0x38;
	[tilespmem:$0x9400] =	vst v63  }
0x2e1: {  	s16 =	sshll.u32 s25, $0x4;
	s13 =	spop (v2sf);
	(v2sf) =	vpush v0, $0x7;
	s15 =	sand.u32 $0xFFFFF80, s11  }
0x2e2: {  	[tilespmem:s19], [sflag:$0x1] =	stream.linear.gather [hbm4b:s0+s20], $0x400, $0x38;
	[tilespmem:$0x9400] =	vst v63  }
0x2e3: {  	s1 =	sadd.s32 s31, s18;
	s9 =	sand.u32 $0xFFFFF80, s16;
	s21 =	sadd.s32 s31, s15  }
0x2e4: {  	[tilespmem:s23], [sflag:$0x1] =	stream.linear.gather [hbm4b:s21+s20], $0x400, $0x38;
	[tilespmem:$0x9400] =	vst v63  }
0x2e5: {  	s24 =	sadd.s32 s31, s26;
	s17 =	sshll.u32 s13, $0x4;
	s14 =	spop (v2sf)  }
0x2e6: {  	[tilespmem:s2], [sflag:$0x1] =	stream.linear.gather [hbm4b:s24+s20], $0x400, $0x38;
	[tilespmem:$0x9400] =	vst v63  }
0x2e7: {  	s4 =	sand.u32 $0xFFFFF80, s17;
	(v2sf) =	vpush v0, $0x8;
	s26 =	sshll.u32 s14, $0x4;
	s8 =	spop (v2sf)  }
0x2e8: {  	s24 =	simm.s32 $0x3C00;
	s11 =	sand.u32 $0xFFFFF80, s26;
	s17 =	spop (v2sf)  }
0x2e9: {  	s29 =	sshll.u32 s8, $0x4;
	s11 =	sadd.s32 s31, s11;
	s16 =	spop (v2sf)  }
0x2ea: {  	(v2sf) =	vpush v0, $0x9;
	[tilespmem:s24], [sflag:$0x1] =	stream.linear.gather [hbm4b:s11+s20], $0x400, $0x38;
	[tilespmem:$0x9400] =	vst v63  }
0x2eb: {  	s19 =	sshll.u32 s17, $0x4;
	s21 =	sand.u32 $0xFFFFF80, s29;
	s30 =	sshll.u32 s16, $0x4  }
0x2ec: {  	s23 =	sand.u32 $0xFFFFF80, s19;
	s19 =	spop (v2sf);
	s26 =	sand.u32 $0xFFFFF80, s30  }
0x2ed: {  	(v2sf) =	vpush v0, $0xA;
	s15 =	sshll.u32 s19, $0x4;
	s29 =	sadd.s32 s31, s23;
	s30 =	simm.s32 $0x4000  }
0x2ee: {  	[tilespmem:s30], [sflag:$0x1] =	stream.linear.gather [hbm4b:s29+s20], $0x400, $0x38;
	[tilespmem:$0x9400] =	vst v63  }
0x2ef: {  	(v2sf) =	vpush v0, $0xB;
	s23 =	sand.u32 $0xFFFFF80, s15;
	s11 =	spop (v2sf);
	s15 =	simm.s32 $0x4400  }
0x2f0: {  	s29 =	sadd.s32 s31, s9;
	s2 =	sshll.u32 s11, $0x4;
	s18 =	spop (v2sf)  }
0x2f1: {  	[tilespmem:s15], [sflag:$0x1] =	stream.linear.gather [hbm4b:s1+s20], $0x400, $0x38;
	[tilespmem:$0x9400] =	vst v63  }
0x2f2: {  	s9 =	sand.u32 $0xFFFFF80, s2;
	s30 =	sshll.u32 s18, $0x4;
	s2 =	simm.s32 $0x4800  }
0x2f3: {  	[tilespmem:s2], [sflag:$0x1] =	stream.linear.gather [hbm4b:s29+s20], $0x400, $0x38;
	[tilespmem:$0x9400] =	vst v63  }
0x2f4: {  	s15 =	sadd.s32 s31, s4;
	s29 =	sand.u32 $0xFFFFF80, s30;
	s30 =	simm.s32 $0x4C00  }
0x2f5: {  	(v2sf) =	vpush v0, $0xC;
	[tilespmem:s30], [sflag:$0x1] =	stream.linear.gather [hbm4b:s15+s20], $0x400, $0x38;
	[tilespmem:$0x9400] =	vst v63  }
0x2f6: {  	s1 =	sadd.s32 s31, s21;
	s15 =	simm.s32 $0x5000;
	s24 =	spop (v2sf)  }
0x2f7: {  	(v2sf) =	vpush v0, $0xD;
	[tilespmem:s15], [sflag:$0x1] =	stream.linear.gather [hbm4b:s1+s20], $0x400, $0x38;
	[tilespmem:$0x9400] =	vst v63  }
0x2f8: {  	s26 =	sadd.s32 s31, s26;
	s15 =	sadd.s32 s31, s23;
	s2 =	sshll.u32 s24, $0x4  }
0x2f9: {  	s4 =	spop (v2sf);
	s21 =	sand.u32 $0xFFFFF80, s2;
	s2 =	simm.s32 $0x5400  }
0x2fa: {  	[tilespmem:s2], [sflag:$0x1] =	stream.linear.gather [hbm4b:s26+s20], $0x400, $0x38;
	[tilespmem:$0x9400] =	vst v63  }
0x2fb: {  	s1 =	sadd.s32 s31, s9;
	s30 =	sshll.u32 s4, $0x4;
	s26 =	simm.s32 $0x5800  }
0x2fc: {  	(v2sf) =	vpush v0, $0xE;
	s2 =	simm.s32 $0x5C00;
	s30 =	sand.u32 $0xFFFFF80, s30;
	s23 =	spop (v2sf)  }
0x2fd: {  	[tilespmem:s26], [sflag:$0x1] =	stream.linear.gather [hbm4b:s15+s20], $0x400, $0x38;
	[tilespmem:$0x9400] =	vst v63  }
0x2fe: {  	(v2sf) =	vpush v0, $0xF;
	s15 =	sadd.s32 s31, s29;
	s26 =	sshll.u32 s23, $0x4;
	s9 =	spop (v2sf)  }
0x2ff: {  	[tilespmem:s2], [sflag:$0x1] =	stream.linear.gather [hbm4b:s1+s20], $0x400, $0x38;
	[tilespmem:$0x9400] =	vst v63  }
0x300: {  	s29 =	simm.s32 $0x6000;
	s1 =	sand.u32 $0xFFFFF80, s26;
	s26 =	sshll.u32 s9, $0x4  }
0x301: {  	[tilespmem:s29], [sflag:$0x1] =	stream.linear.gather [hbm4b:s15+s20], $0x400, $0x38;
	[tilespmem:$0x9400] =	vst v63  }
0x302: {  	s2 =	sadd.s32 s31, s30;
	s15 =	sadd.s32 s31, s21;
	s29 =	simm.s32 $0x6400  }
0x303: {  	[tilespmem:s29], [sflag:$0x1] =	stream.linear.gather [hbm4b:s15+s20], $0x400, $0x38;
	[tilespmem:$0x9400] =	vst v63  }
0x304: {  	s21 =	sand.u32 $0xFFFFF80, s26;
	s26 =	spop (v2sf);
	s15 =	simm.s32 $0x6800  }
0x305: {  	[tilespmem:s15], [sflag:$0x1] =	stream.linear.gather [hbm4b:s2+s20], $0x400, $0x38;
	[tilespmem:$0x9400] =	vst v63  }
0x306: {  	s30 =	sshll.u32 s26, $0x4;
	s29 =	spop (v2sf);
	s2 =	sadd.s32 s31, s1  }
0x307: {  	s1 =	sand.u32 $0xFFFFF80, s30;
	s30 =	sshll.u32 s29, $0x4;
	s15 =	simm.s32 $0x6C00  }
0x308: {  	[tilespmem:s15], [sflag:$0x1] =	stream.linear.gather [hbm4b:s2+s20], $0x400, $0x38;
	[tilespmem:$0x9400] =	vst v63  }
0x309: {  	s21 =	sadd.s32 s31, s21;
	s15 =	sand.u32 $0xFFFFF80, s30;
	s30 =	simm.s32 $0x7000  }
0x30a: {  	[tilespmem:s30], [sflag:$0x1] =	stream.linear.gather [hbm4b:s21+s20], $0x400, $0x38;
	[tilespmem:$0x9400] =	vst v63  }
0x30b: {  	s1 =	sadd.s32 s31, s1;
	s2 =	simm.s32 $0x7400;
	s0 =	spop (v2sf)  }
0x30c: {  	[tilespmem:s2], [sflag:$0x1] =	stream.linear.gather [hbm4b:s1+s20], $0x400, $0x38;
	[tilespmem:$0x9400] =	vst v63  }
0x30d: {  	s21 =	sshll.u32 s0, $0x4;
	s30 =	spop (v2sf);
	s1 =	sadd.s32 s31, s15  }
0x30e: {  	s15 =	sand.u32 $0xFFFFF80, s21;
	s21 =	sshll.u32 s30, $0x4;
	s2 =	simm.s32 $0x7800  }
0x30f: {  	[tilespmem:s2], [sflag:$0x1] =	stream.linear.gather [hbm4b:s1+s20], $0x400, $0x38;
	[tilespmem:$0x9400] =	vst v63  }
0x310: {  	s1 =	sadd.s32 s31, s15;
	s15 =	sand.u32 $0xFFFFF80, s21;
	s21 =	rddreg [dreg:$0x12]  }
0x311: {  	s2 =	sshll.u32 s21, $0x7;
	s21 =	simm.s32 $0x7C00  }
0x312: {  	[tilespmem:s21], [sflag:$0x1] =	stream.linear.gather [hbm4b:s1+s20], $0x400, $0x38;
	[tilespmem:$0x9400] =	vst v63  }
0x313: {  	s21 =	rddreg [dreg:$0x17]  }
0x314: {  	s15 =	sadd.s32 s31, s15;
	s1 =	sshll.u32 s21, $0x7;
	s21 =	simm.s32 $0x8000  }
0x315: {  	[tilespmem:s21], [sflag:$0x1] =	stream.linear.gather [hbm4b:s15+s20], $0x400, $0x38;
	[tilespmem:$0x9400] =	vst v63  }
0x316: {  	s15 =	simm.s32 $0x1  }
0x317: {  	s25 =	sshll.u32 s25, $0x7;
	_ =	swait.ge [sflag:s15], $0x8000  }
0x318: {  	[sflag:s15] =	ssyncset.done $0x0;
	[smem:$0x7E5] =	sst s25  }
0x319: {  	[sflag:s15] =	ssyncadd.s32 $0xFFFF8000;
	s15 =	rddreg [dreg:$0xe]  }
0x31a: {  	s25 =	sld [smem:$0x7E3];
	s15 =	sand.u32 $0x380, s15  }
0x31b: {  	s8 =	sshll.u32 s8, $0x7;
	v0 =	vld [tilespmem:s15+$0x400]  }
0x31c: {  	[smem:$0x7E6] =	sst s8  }
0x31d: {  	s8 =	sshll.u32 s25, $0x7;
	s25 =	sld [smem:$0x7E4];
	_ =	sdelay $0x1  }
0x31e: {  	s24 =	sshll.u32 s24, $0x7  }
0x31f: {  	[dreg:$0x1f] =	wrdreg s24;
	s24 =	sand.u32 $0x380, s25;
	[tilespmem:$0x8400] =	vst v0  }
0x320: {  	v0 =	vld [tilespmem:s24+$0x800];
	_ =	sdelay $0x4  }
0x321: {  	s24 =	sshll.u32 s30, $0x7;
	s30 =	sand.u32 $0x380, s2;
	[tilespmem:$0x8480] =	vst v0  }
0x322: {  	v0 =	vld [tilespmem:s30+$0xC00];
	_ =	sdelay $0x3  }
0x323: {  	s26 =	sshll.u32 s26, $0x7  }
0x324: {  	[dreg:$0x14] =	wrdreg s26;
	s26 =	sshll.u32 s29, $0x7;
	s29 =	sand.u32 $0x380, s1;
	[tilespmem:$0x8500] =	vst v0  }
0x325: {  	v0 =	vld [tilespmem:s29+$0x1000];
	_ =	sdelay $0x3  }
0x326: {  	s3 =	sshll.u32 s3, $0x7  }
0x327: {  	s30 =	sand.u32 $0x380, s3;
	[tilespmem:$0x8580] =	vst v0  }
0x328: {  	v0 =	vld [tilespmem:s30+$0x1400];
	_ =	sdelay $0x3  }
0x329: {  	s5 =	sshll.u32 s5, $0x7  }
0x32a: {  	s1 =	sand.u32 $0x380, s5;
	[tilespmem:$0x8600] =	vst v0  }
0x32b: {  	v0 =	vld [tilespmem:s1+$0x1800];
	_ =	sdelay $0x3  }
0x32c: {  	s21 =	sshll.u32 s12, $0x7  }
0x32d: {  	s5 =	sand.u32 $0x380, s21;
	[tilespmem:$0x8680] =	vst v0  }
0x32e: {  	v0 =	vld [tilespmem:s5+$0x1C00];
	_ =	sdelay $0x3  }
0x32f: {  	s6 =	sshll.u32 s6, $0x7  }
0x330: {  	s6 =	sand.u32 $0x380, s6;
	[tilespmem:$0x8700] =	vst v0  }
0x331: {  	v0 =	vld [tilespmem:s6+$0x2000];
	_ =	sdelay $0x3  }
0x332: {  	s12 =	sshll.u32 s7, $0x7  }
0x333: {  	s12 =	sand.u32 $0x380, s12;
	[tilespmem:$0x8780] =	vst v0  }
0x334: {  	v0 =	vld [tilespmem:s12+$0x2400];
	_ =	sdelay $0x3  }
0x335: {  	s7 =	sshll.u32 s28, $0x7  }
0x336: {  	s21 =	sand.u32 $0x380, s7;
	[tilespmem:$0x8800] =	vst v0  }
0x337: {  	v0 =	vld [tilespmem:s21+$0x2800];
	_ =	sdelay $0x2  }
0x338: {  	s28 =	rddreg [dreg:$0x1e]  }
0x339: {  	s28 =	sshll.u32 s28, $0x7  }
0x33a: {  	s29 =	sand.u32 $0x380, s28;
	[tilespmem:$0x8880] =	vst v0  }
0x33b: {  	v0 =	vld [tilespmem:s29+$0x2C00];
	_ =	sdelay $0x3  }
0x33c: {  	s22 =	sshll.u32 s22, $0x7  }
0x33d: {  	s30 =	sand.u32 $0x380, s22;
	[tilespmem:$0x8900] =	vst v0  }
0x33e: {  	v0 =	vld [tilespmem:s30+$0x3000];
	_ =	sdelay $0x3  }
0x33f: {  	s10 =	sshll.u32 s10, $0x7  }
0x340: {  	s1 =	sand.u32 $0x380, s10;
	[tilespmem:$0x8980] =	vst v0  }
0x341: {  	v0 =	vld [tilespmem:s1+$0x3400]  }
0x342: {  	s15 =	sld [smem:$0x7E2];
	_ =	sdelay $0x2  }
0x343: {  	s15 =	sshll.u32 s15, $0x7  }
0x344: {  	s5 =	sand.u32 $0x380, s15;
	[tilespmem:$0x8A00] =	vst v0  }
0x345: {  	v0 =	vld [tilespmem:s5+$0x3800];
	_ =	sdelay $0x3  }
0x346: {  	s14 =	sshll.u32 s14, $0x7  }
0x347: {  	s6 =	sand.u32 $0x380, s14;
	[tilespmem:$0x8A80] =	vst v0  }
0x348: {  	v0 =	vld [tilespmem:s6+$0x3C00];
	_ =	sdelay $0x3  }
0x349: {  	s17 =	sshll.u32 s17, $0x7  }
0x34a: {  	s7 =	sand.u32 $0x380, s17;
	[tilespmem:$0x8B00] =	vst v0  }
0x34b: {  	v0 =	vld [tilespmem:s7+$0x4000];
	_ =	sdelay $0x4  }
0x34c: {  	s10 =	sand.u32 $0x380, s8;
	[tilespmem:$0x8B80] =	vst v0  }
0x34d: {  	v0 =	vld [tilespmem:s10+$0x4400];
	_ =	sdelay $0x1  }
0x34e: {  	s12 =	sld [smem:$0x7E5];
	_ =	sdelay $0x2  }
0x34f: {  	s25 =	sshll.u32 s0, $0x7;
	s0 =	sand.u32 $0x380, s12;
	[tilespmem:$0x8C00] =	vst v0  }
0x350: {  	v0 =	vld [tilespmem:s0+$0x4800];
	_ =	sdelay $0x3  }
0x351: {  	s13 =	sshll.u32 s13, $0x7  }
0x352: {  	s13 =	sand.u32 $0x380, s13;
	[tilespmem:$0x8C80] =	vst v0  }
0x353: {  	v0 =	vld [tilespmem:s13+$0x4C00];
	_ =	sdelay $0x1  }
0x354: {  	s14 =	sld [smem:$0x7E6];
	_ =	sdelay $0x2  }
0x355: {  	s0 =	sand.u32 $0x380, s14;
	[tilespmem:$0x8D00] =	vst v0  }
0x356: {  	v0 =	vld [tilespmem:s0+$0x5000];
	_ =	sdelay $0x3  }
0x357: {  	s16 =	sshll.u32 s16, $0x7  }
0x358: {  	s15 =	sand.u32 $0x380, s16;
	[tilespmem:$0x8D80] =	vst v0  }
0x359: {  	v0 =	vld [tilespmem:s15+$0x5400];
	_ =	sdelay $0x3  }
0x35a: {  	s19 =	sshll.u32 s19, $0x7  }
0x35b: {  	s16 =	sand.u32 $0x380, s19;
	[tilespmem:$0x8E00] =	vst v0  }
0x35c: {  	v0 =	vld [tilespmem:s16+$0x5800];
	_ =	sdelay $0x3  }
0x35d: {  	s11 =	sshll.u32 s11, $0x7  }
0x35e: {  	s17 =	sand.u32 $0x380, s11;
	[tilespmem:$0x8E80] =	vst v0  }
0x35f: {  	v0 =	vld [tilespmem:s17+$0x5C00];
	_ =	sdelay $0x3  }
0x360: {  	s18 =	sshll.u32 s18, $0x7  }
0x361: {  	s19 =	sand.u32 $0x380, s18;
	[tilespmem:$0x8F00] =	vst v0  }
0x362: {  	v0 =	vld [tilespmem:s19+$0x6000];
	_ =	sdelay $0x3  }
0x363: {  	s21 =	rddreg [dreg:$0x1f]  }
0x364: {  	s0 =	sand.u32 $0x380, s21;
	[tilespmem:$0x8F80] =	vst v0  }
0x365: {  	v0 =	vld [tilespmem:s0+$0x6400];
	_ =	sdelay $0x3  }
0x366: {  	s4 =	sshll.u32 s4, $0x7  }
0x367: {  	s22 =	sand.u32 $0x380, s4;
	[tilespmem:$0x9000] =	vst v0  }
0x368: {  	v0 =	vld [tilespmem:s22+$0x6800];
	_ =	sdelay $0x3  }
0x369: {  	s23 =	sshll.u32 s23, $0x7  }
0x36a: {  	s28 =	sand.u32 $0x380, s23;
	[tilespmem:$0x9080] =	vst v0  }
0x36b: {  	v0 =	vld [tilespmem:s28+$0x6C00];
	_ =	sdelay $0x3  }
0x36c: {  	s9 =	sshll.u32 s9, $0x7  }
0x36d: {  	s29 =	sand.u32 $0x380, s9;
	[tilespmem:$0x9100] =	vst v0  }
0x36e: {  	v0 =	vld [tilespmem:s29+$0x7000];
	_ =	sdelay $0x1  }
.Ltmp1:
0x36f: {  	_ = 	snop;
	(pc) =	sbr.rel @p0 .LBB2_4-.Ltmp1, $4  }
0x370: {  	s2 =	rddreg [dreg:$0x5]  }
0x371: {  	s30 =	rddreg [dreg:$0x14]  }
0x372: {  	s3 =	rddreg [dreg:$0xb];
	s0 =	sand.u32 $0x380, s30;
	[tilespmem:$0x9180] =	vst v0  }
0x373: {  	s4 =	rddreg [dreg:$0x8];
	v0 =	vld [tilespmem:s0+$0x7400]  }
0x374: {  	_ =	sdelay $0x3  }
0x375: {  	s0 =	sand.u32 $0x380, s26;
	[tilespmem:$0x9200] =	vst v0  }
0x376: {  	v0 =	vld [tilespmem:s0+$0x7800];
	_ =	sdelay $0x4  }
0x377: {  	s17 =	sand.u32 $0x380, s25;
	[tilespmem:$0x9280] =	vst v0  }
0x378: {  	v0 =	vld [tilespmem:s17+$0x7C00];
	_ =	sdelay $0x4  }
0x379: {  	s18 =	sand.u32 $0x380, s24;
	[tilespmem:$0x9300] =	vst v0  }
0x37a: {  	v0 =	vld [tilespmem:s18+$0x8000];
	_ =	sdelay $0x4  }
0x37b: {  	s19 =	simm.s32 $0x8400;
	s21 =	simm.s32 $0x2;
	[tilespmem:$0x9380] =	vst v0  }
0x37c: {  	[hbm4b:s3+s20] =	stream.linear.scatter [tilespmem:s19], [sflag:$0x2], $0x1000, $0x38;
	[tilespmem:$0x9400] =	vst v63  }
0x37d: {  	_ =	swait.ge [sflag:s21], $0x1000  }
0x37e: {  	[sflag:s21] =	ssyncset.done $0x0  }
0x37f: {  	s22 =	simm.s32 $0x0;
	[sflag:s21] =	ssyncadd.s32 $0xFFFFF000  }
0x380: {  	v1 =	vld [tilespmem:s22+$0x200];
	_ =	sdelay $0x4  }
0x381: {  	(v2sf) =	vpush v1, $0x0  }
0x382: {  	(v2sf) =	vpush v1, $0x2  }
0x383: {  	(v2sf) =	vpush v1, $0x3  }
0x384: {  	(v2sf) =	vpush v1, $0x1;
	_ =	sdelay $0x1  }
0x385: {  	(v2sf) =	vpush v1, $0x5;
	_ =	sdelay $0x1  }
0x386: {  	v0 =	vld [tilespmem:s22+$0x210];
	(v2sf) =	vpush v1, $0xD  }
0x387: {  	(v2sf) =	vpush v1, $0x7;
	_ =	sdelay $0x2  }
0x388: {  	(v2sf) =	vpush v1, $0x4  }
0x389: {  	(v2sf) =	vpush v0, $0x0  }
0x38a: {  	s29 =	simm.s32 $0x0;
	s1 =	simm.s32 $0x400  }
0x38b: {  	s26 =	simm.s32 $0x800;
	s5 =	simm.s32 $0xC00;
	s11 =	simm.s32 $0x1000;
	(v2sf) =	vpush v1, $0x6  }
0x38c: {  	s14 =	simm.s32 $0x1400;
	s15 =	sld [smem:$0x7F6];
	(v2sf) =	vpush v1, $0xA;
	s20 =	spop (v2sf)  }
0x38d: {  	s17 =	simm.s32 $0x1800;
	s23 =	sshll.u32 s20, $0x4;
	s9 =	spop (v2sf)  }
0x38e: {  	s0 =	sand.u32 $0xFFFFF80, s23;
	s6 =	spop (v2sf);
	s24 =	sshll.u32 s9, $0x4  }
0x38f: {  	s0 =	sadd.s32 s15, s0;
	s22 =	spop (v2sf);
	s2 =	sshll.u32 s6, $0x4  }
0x390: {  	[tilespmem:s1], [sflag:$0x1] =	stream.linear.gather [hbm4b:s0+s29], $0x400, $0x38;
	[tilespmem:$0x9400] =	vst v63  }
0x391: {  	s25 =	sshll.u32 s22, $0x4;
	s4 =	spop (v2sf);
	s0 =	sand.u32 $0xFFFFF80, s24  }
0x392: {  	(v2sf) =	vpush v1, $0xB;
	s28 =	sand.u32 $0xFFFFF80, s2;
	s24 =	simm.s32 $0x1C00;
	[smem:$0x7DD] =	sst s4  }
0x393: {  	(v2sf) =	vpush v1, $0x9;
	s1 =	sand.u32 $0xFFFFF80, s25;
	s7 =	spop (v2sf);
	s30 =	sshll.u32 s4, $0x4  }
0x394: {  	s0 =	sadd.s32 s15, s0;
	[smem:$0x7DF] =	sst s7;
	s8 =	spop (v2sf)  }
0x395: {  	(v2sf) =	vpush v1, $0x8;
	s1 =	sadd.s32 s15, s1;
	s12 =	sand.u32 $0xFFFFF80, s30;
	[smem:$0x7DE] =	sst s8  }
0x396: {  	[tilespmem:s26], [sflag:$0x1] =	stream.linear.gather [hbm4b:s1+s29], $0x400, $0x38;
	[tilespmem:$0x9400] =	vst v63  }
0x397: {  	(v2sf) =	vpush v0, $0x1;
	s23 =	spop (v2sf);
	s1 =	sadd.s32 s15, s28;
	s16 =	sshll.u32 s8, $0x4  }
0x398: {  	s26 =	simm.s32 $0x2000;
	s31 =	sshll.u32 s23, $0x4;
	s4 =	spop (v2sf)  }
0x399: {  	[tilespmem:s5], [sflag:$0x1] =	stream.linear.gather [hbm4b:s0+s29], $0x400, $0x38;
	[tilespmem:$0x9400] =	vst v63  }
0x39a: {  	(v2sf) =	vpush v1, $0xC;
	[smem:$0x7E0] =	sst s4;
	s5 =	sand.u32 $0xFFFFF80, s31;
	s13 =	spop (v2sf)  }
0x39b: {  	s31 =	simm.s32 $0x2400;
	s10 =	spop (v2sf);
	s0 =	sadd.s32 s15, s5  }
0x39c: {  	(v2sf) =	vpush v0, $0x2;
	[tilespmem:s11], [sflag:$0x1] =	stream.linear.gather [hbm4b:s1+s29], $0x400, $0x38;
	[tilespmem:$0x9400] =	vst v63  }
0x39d: {  	s18 =	sshll.u32 s13, $0x4;
	s1 =	sadd.s32 s15, s12;
	s19 =	sshll.u32 s10, $0x4  }
0x39e: {  	[tilespmem:s14], [sflag:$0x1] =	stream.linear.gather [hbm4b:s0+s29], $0x400, $0x38;
	[tilespmem:$0x9400] =	vst v63  }
0x39f: {  	s2 =	sand.u32 $0xFFFFF80, s19;
	s0 =	sand.u32 $0xFFFFF80, s16;
	s16 =	simm.s32 $0x2800  }
0x3a0: {  	[tilespmem:s17], [sflag:$0x1] =	stream.linear.gather [hbm4b:s1+s29], $0x400, $0x38;
	[tilespmem:$0x9400] =	vst v63  }
0x3a1: {  	s0 =	sadd.s32 s15, s0;
	s12 =	spop (v2sf);
	s1 =	sand.u32 $0xFFFFF80, s18  }
0x3a2: {  	s18 =	sadd.s32 s15, s2;
	s14 =	spop (v2sf);
	s1 =	sadd.s32 s15, s1  }
0x3a3: {  	[tilespmem:s24], [sflag:$0x1] =	stream.linear.gather [hbm4b:s1+s29], $0x400, $0x38;
	[tilespmem:$0x9400] =	vst v63  }
0x3a4: {  	(v2sf) =	vpush v1, $0xE;
	s11 =	sshll.u32 s12, $0x4;
	s8 =	spop (v2sf);
	s25 =	sshll.u32 s14, $0x4  }
0x3a5: {  	(v2sf) =	vpush v0, $0x3;
	s17 =	sand.u32 $0xFFFFF80, s11;
	s24 =	simm.s32 $0x2C00;
	s11 =	simm.s32 $0x3800  }
0x3a6: {  	s21 =	sshll.u32 s8, $0x4;
	s28 =	sand.u32 $0xFFFFF80, s25;
	s5 =	spop (v2sf)  }
0x3a7: {  	(v2sf) =	vpush v1, $0xF;
	[tilespmem:s26], [sflag:$0x1] =	stream.linear.gather [hbm4b:s0+s29], $0x400, $0x38;
	[tilespmem:$0x9400] =	vst v63  }
0x3a8: {  	s3 =	sand.u32 $0xFFFFF80, s21;
	[smem:$0x7E1] =	sst s5;
	s0 =	sadd.s32 s15, s28  }
0x3a9: {  	s25 =	spop (v2sf);
	s28 =	simm.s32 $0x3000;
	s30 =	sadd.s32 s15, s3  }
0x3aa: {  	[tilespmem:s31], [sflag:$0x1] =	stream.linear.gather [hbm4b:s30+s29], $0x400, $0x38;
	[tilespmem:$0x9400] =	vst v63  }
0x3ab: {  	s19 =	sshll.u32 s25, $0x4;
	s21 =	spop (v2sf);
	s3 =	sshll.u32 s7, $0x4  }
0x3ac: {  	[tilespmem:s16], [sflag:$0x1] =	stream.linear.gather [hbm4b:s0+s29], $0x400, $0x38;
	[tilespmem:$0x9400] =	vst v63  }
0x3ad: {  	(v2sf) =	vpush v0, $0x4;
	s26 =	sand.u32 $0xFFFFF80, s19;
	s30 =	sshll.u32 s5, $0x4;
	s31 =	simm.s32 $0x3400  }
0x3ae: {  	[tilespmem:s24], [sflag:$0x1] =	stream.linear.gather [hbm4b:s18+s29], $0x400, $0x38;
	[tilespmem:$0x9400] =	vst v63  }
0x3af: {  	s19 =	simm.s32 $0x3C00;
	s1 =	sadd.s32 s15, s26;
	s0 =	sadd.s32 s15, s17  }
0x3b0: {  	[tilespmem:s28], [sflag:$0x1] =	stream.linear.gather [hbm4b:s0+s29], $0x400, $0x38;
	[tilespmem:$0x9400] =	vst v63  }
0x3b1: {  	(v2sf) =	vpush v0, $0x5;
	s26 =	sshll.u32 s21, $0x4;
	s18 =	sshll.u32 s4, $0x4;
	s0 =	sand.u32 $0xFFFFF80, s30  }
0x3b2: {  	[tilespmem:s31], [sflag:$0x1] =	stream.linear.gather [hbm4b:s1+s29], $0x400, $0x38;
	[tilespmem:$0x9400] =	vst v63  }
0x3b3: {  	s28 =	simm.s32 $0x4000;
	s1 =	sand.u32 $0xFFFFF80, s3;
	s16 =	spop (v2sf)  }
0x3b4: {  	s0 =	sadd.s32 s15, s0;
	s1 =	sadd.s32 s15, s1;
	s24 =	spop (v2sf)  }
0x3b5: {  	(v2sf) =	vpush v0, $0x6;
	[tilespmem:s11], [sflag:$0x1] =	stream.linear.gather [hbm4b:s1+s29], $0x400, $0x38;
	[tilespmem:$0x9400] =	vst v63  }
0x3b6: {  	s31 =	simm.s32 $0x4400;
	s5 =	sshll.u32 s16, $0x4;
	s17 =	spop (v2sf)  }
0x3b7: {  	(v2sf) =	vpush v0, $0x7;
	s1 =	sand.u32 $0xFFFFF80, s18;
	s2 =	sand.u32 $0xFFFFF80, s5;
	s7 =	sshll.u32 s17, $0x4  }
0x3b8: {  	s11 =	simm.s32 $0x4C00;
	s2 =	sadd.s32 s15, s2;
	s3 =	sand.u32 $0xFFFFF80, s7  }
0x3b9: {  	(v2sf) =	vpush v0, $0x8;
	[tilespmem:s19], [sflag:$0x1] =	stream.linear.gather [hbm4b:s2+s29], $0x400, $0x38;
	[tilespmem:$0x9400] =	vst v63  }
0x3ba: {  	s30 =	sshll.u32 s24, $0x4;
	s1 =	sadd.s32 s15, s1;
	s3 =	sadd.s32 s15, s3  }
0x3bb: {  	[tilespmem:s28], [sflag:$0x1] =	stream.linear.gather [hbm4b:s3+s29], $0x400, $0x38;
	[tilespmem:$0x9400] =	vst v63  }
0x3bc: {  	s5 =	simm.s32 $0x4800;
	s2 =	sand.u32 $0xFFFFF80, s26;
	s26 =	spop (v2sf)  }
0x3bd: {  	(v2sf) =	vpush v0, $0x9;
	[tilespmem:s31], [sflag:$0x1] =	stream.linear.gather [hbm4b:s1+s29], $0x400, $0x38;
	[tilespmem:$0x9400] =	vst v63  }
0x3be: {  	s4 =	sand.u32 $0xFFFFF80, s30;
	s19 =	simm.s32 $0x5000;
	s7 =	sshll.u32 s26, $0x4  }
0x3bf: {  	[tilespmem:s5], [sflag:$0x1] =	stream.linear.gather [hbm4b:s0+s29], $0x400, $0x38;
	[tilespmem:$0x9400] =	vst v63  }
0x3c0: {  	s2 =	sadd.s32 s15, s2;
	s28 =	spop (v2sf);
	s3 =	simm.s32 $0x5400  }
0x3c1: {  	[tilespmem:s11], [sflag:$0x1] =	stream.linear.gather [hbm4b:s2+s29], $0x400, $0x38;
	[tilespmem:$0x9400] =	vst v63  }
0x3c2: {  	s18 =	sshll.u32 s28, $0x4;
	s1 =	sadd.s32 s15, s4;
	s0 =	sand.u32 $0xFFFFF80, s7  }
0x3c3: {  	[tilespmem:s19], [sflag:$0x1] =	stream.linear.gather [hbm4b:s1+s29], $0x400, $0x38;
	[tilespmem:$0x9400] =	vst v63  }
0x3c4: {  	s30 =	sand.u32 $0xFFFFF80, s18;
	s0 =	sadd.s32 s15, s0;
	s31 =	spop (v2sf);
	(v2sf) =	vpush v0, $0xA  }
0x3c5: {  	[tilespmem:s3], [sflag:$0x1] =	stream.linear.gather [hbm4b:s0+s29], $0x400, $0x38;
	[tilespmem:$0x9400] =	vst v63  }
0x3c6: {  	s5 =	simm.s32 $0x5800;
	s11 =	simm.s32 $0x5C00;
	s3 =	spop (v2sf);
	(v2sf) =	vpush v0, $0xB  }
0x3c7: {  	s1 =	sadd.s32 s15, s30;
	s30 =	simm.s32 $0x6000;
	s4 =	sshll.u32 s31, $0x4  }
0x3c8: {  	s0 =	sand.u32 $0xFFFFF80, s4;
	s7 =	sshll.u32 s3, $0x4;
	s19 =	spop (v2sf)  }
0x3c9: {  	[tilespmem:s5], [sflag:$0x1] =	stream.linear.gather [hbm4b:s1+s29], $0x400, $0x38;
	[tilespmem:$0x9400] =	vst v63  }
0x3ca: {  	s1 =	sand.u32 $0xFFFFF80, s7;
	s0 =	sadd.s32 s15, s0;
	s2 =	sshll.u32 s19, $0x4  }
0x3cb: {  	[tilespmem:s11], [sflag:$0x1] =	stream.linear.gather [hbm4b:s0+s29], $0x400, $0x38;
	[tilespmem:$0x9400] =	vst v63  }
0x3cc: {  	(v2sf) =	vpush v0, $0xC;
	s18 =	sadd.s32 s15, s1;
	s7 =	spop (v2sf);
	s0 =	sand.u32 $0xFFFFF80, s2  }
0x3cd: {  	[tilespmem:s30], [sflag:$0x1] =	stream.linear.gather [hbm4b:s18+s29], $0x400, $0x38;
	[tilespmem:$0x9400] =	vst v63  }
0x3ce: {  	s4 =	simm.s32 $0x6400;
	s5 =	sshll.u32 s7, $0x4;
	s0 =	sadd.s32 s15, s0  }
0x3cf: {  	[tilespmem:s4], [sflag:$0x1] =	stream.linear.gather [hbm4b:s0+s29], $0x400, $0x38;
	[tilespmem:$0x9400] =	vst v63  }
0x3d0: {  	s0 =	sand.u32 $0xFFFFF80, s5  }
0x3d1: {  	(v2sf) =	vpush v0, $0xD;
	s11 =	simm.s32 $0x6800;
	s0 =	sadd.s32 s15, s0  }
0x3d2: {  	[tilespmem:s11], [sflag:$0x1] =	stream.linear.gather [hbm4b:s0+s29], $0x400, $0x38;
	[tilespmem:$0x9400] =	vst v63  }
0x3d3: {  	s5 =	spop (v2sf)  }
0x3d4: {  	s18 =	sshll.u32 s5, $0x4  }
0x3d5: {  	s2 =	spop (v2sf);
	s0 =	sand.u32 $0xFFFFF80, s18  }
0x3d6: {  	s30 =	simm.s32 $0x6C00;
	(v2sf) =	vpush v0, $0xE;
	s1 =	sshll.u32 s2, $0x4;
	s0 =	sadd.s32 s15, s0  }
0x3d7: {  	[tilespmem:s30], [sflag:$0x1] =	stream.linear.gather [hbm4b:s0+s29], $0x400, $0x38;
	[tilespmem:$0x9400] =	vst v63  }
0x3d8: {  	s0 =	sand.u32 $0xFFFFF80, s1  }
0x3d9: {  	s4 =	simm.s32 $0x7000;
	s0 =	sadd.s32 s15, s0  }
0x3da: {  	[tilespmem:s4], [sflag:$0x1] =	stream.linear.gather [hbm4b:s0+s29], $0x400, $0x38;
	[tilespmem:$0x9400] =	vst v63  }
0x3db: {  	(v2sf) =	vpush v0, $0xF;
	s0 =	spop (v2sf)  }
0x3dc: {  	s11 =	sshll.u32 s0, $0x4  }
0x3dd: {  	s1 =	sand.u32 $0xFFFFF80, s11  }
0x3de: {  	s11 =	simm.s32 $0x7400;
	s1 =	sadd.s32 s15, s1  }
0x3df: {  	[tilespmem:s11], [sflag:$0x1] =	stream.linear.gather [hbm4b:s1+s29], $0x400, $0x38;
	[tilespmem:$0x9400] =	vst v63  }
0x3e0: {  	s11 =	spop (v2sf)  }
0x3e1: {  	s18 =	sshll.u32 s11, $0x4  }
0x3e2: {  	s1 =	sand.u32 $0xFFFFF80, s18  }
0x3e3: {  	s18 =	simm.s32 $0x7800;
	s1 =	sadd.s32 s15, s1  }
0x3e4: {  	[tilespmem:s18], [sflag:$0x1] =	stream.linear.gather [hbm4b:s1+s29], $0x400, $0x38;
	[tilespmem:$0x9400] =	vst v63  }
0x3e5: {  	s18 =	spop (v2sf)  }
0x3e6: {  	s30 =	sshll.u32 s18, $0x4  }
0x3e7: {  	s1 =	sand.u32 $0xFFFFF80, s30  }
0x3e8: {  	s30 =	simm.s32 $0x7C00;
	s1 =	sadd.s32 s15, s1  }
0x3e9: {  	[tilespmem:s30], [sflag:$0x1] =	stream.linear.gather [hbm4b:s1+s29], $0x400, $0x38;
	[tilespmem:$0x9400] =	vst v63  }
0x3ea: {  	s1 =	spop (v2sf)  }
0x3eb: {  	s4 =	sshll.u32 s1, $0x4  }
0x3ec: {  	s30 =	sand.u32 $0xFFFFF80, s4  }
0x3ed: {  	s4 =	simm.s32 $0x8000;
	s30 =	sadd.s32 s15, s30  }
0x3ee: {  	[tilespmem:s4], [sflag:$0x1] =	stream.linear.gather [hbm4b:s30+s29], $0x400, $0x38;
	[tilespmem:$0x9400] =	vst v63  }
0x3ef: {  	s30 =	simm.s32 $0x1  }
0x3f0: {  	_ =	swait.ge [sflag:s30], $0x8000  }
0x3f1: {  	s20 =	sshll.u32 s20, $0x7;
	[sflag:s30] =	ssyncset.done $0x0  }
0x3f2: {  	s20 =	sand.u32 $0x380, s20;
	[sflag:s30] =	ssyncadd.s32 $0xFFFF8000  }
0x3f3: {  	v0 =	vld [tilespmem:s20+$0x400];
	_ =	sdelay $0x3  }
0x3f4: {  	s4 =	sshll.u32 s22, $0x7  }
0x3f5: {  	s20 =	sand.u32 $0x380, s4;
	[tilespmem:$0x8400] =	vst v0  }
0x3f6: {  	v0 =	vld [tilespmem:s20+$0x800];
	_ =	sdelay $0x3  }
0x3f7: {  	s9 =	sshll.u32 s9, $0x7  }
0x3f8: {  	s9 =	sand.u32 $0x380, s9;
	[tilespmem:$0x8480] =	vst v0  }
0x3f9: {  	v0 =	vld [tilespmem:s9+$0xC00];
	_ =	sdelay $0x3  }
0x3fa: {  	s6 =	sshll.u32 s6, $0x7  }
0x3fb: {  	s6 =	sand.u32 $0x380, s6;
	[tilespmem:$0x8500] =	vst v0  }
0x3fc: {  	v0 =	vld [tilespmem:s6+$0x1000];
	_ =	sdelay $0x3  }
0x3fd: {  	s9 =	sshll.u32 s23, $0x7  }
0x3fe: {  	s6 =	sand.u32 $0x380, s9;
	[tilespmem:$0x8580] =	vst v0  }
0x3ff: {  	v0 =	vld [tilespmem:s6+$0x1400]  }
0x400: {  	s20 =	sld [smem:$0x7DD];
	_ =	sdelay $0x2  }
0x401: {  	s4 =	sshll.u32 s20, $0x7  }
0x402: {  	s4 =	sand.u32 $0x380, s4;
	[tilespmem:$0x8600] =	vst v0  }
0x403: {  	v0 =	vld [tilespmem:s4+$0x1800];
	_ =	sdelay $0x3  }
0x404: {  	s22 =	sshll.u32 s13, $0x7  }
0x405: {  	s4 =	sand.u32 $0x380, s22;
	[tilespmem:$0x8680] =	vst v0  }
0x406: {  	v0 =	vld [tilespmem:s4+$0x1C00]  }
0x407: {  	s23 =	sld [smem:$0x7DE];
	_ =	sdelay $0x2  }
0x408: {  	s4 =	sshll.u32 s23, $0x7  }
0x409: {  	s4 =	sand.u32 $0x380, s4;
	[tilespmem:$0x8700] =	vst v0  }
0x40a: {  	v0 =	vld [tilespmem:s4+$0x2000];
	_ =	sdelay $0x3  }
0x40b: {  	s30 =	sshll.u32 s8, $0x7  }
0x40c: {  	s4 =	sand.u32 $0x380, s30;
	[tilespmem:$0x8780] =	vst v0  }
0x40d: {  	v0 =	vld [tilespmem:s4+$0x2400];
	_ =	sdelay $0x3  }
0x40e: {  	s6 =	sshll.u32 s14, $0x7  }
0x40f: {  	s4 =	sand.u32 $0x380, s6;
	[tilespmem:$0x8800] =	vst v0  }
0x410: {  	v0 =	vld [tilespmem:s4+$0x2800];
	_ =	sdelay $0x3  }
0x411: {  	s8 =	sshll.u32 s10, $0x7  }
0x412: {  	s4 =	sand.u32 $0x380, s8;
	[tilespmem:$0x8880] =	vst v0  }
0x413: {  	v0 =	vld [tilespmem:s4+$0x2C00];
	_ =	sdelay $0x3  }
0x414: {  	s9 =	sshll.u32 s12, $0x7  }
0x415: {  	s4 =	sand.u32 $0x380, s9;
	[tilespmem:$0x8900] =	vst v0  }
0x416: {  	v0 =	vld [tilespmem:s4+$0x3000];
	_ =	sdelay $0x3  }
0x417: {  	s10 =	sshll.u32 s25, $0x7  }
0x418: {  	s4 =	sand.u32 $0x380, s10;
	[tilespmem:$0x8980] =	vst v0  }
0x419: {  	v0 =	vld [tilespmem:s4+$0x3400]  }
0x41a: {  	s12 =	sld [smem:$0x7DF];
	_ =	sdelay $0x2  }
0x41b: {  	s4 =	sshll.u32 s12, $0x7  }
0x41c: {  	s4 =	sand.u32 $0x380, s4;
	[tilespmem:$0x8A00] =	vst v0  }
0x41d: {  	v0 =	vld [tilespmem:s4+$0x3800];
	_ =	sdelay $0x3  }
0x41e: {  	s13 =	sshll.u32 s16, $0x7  }
0x41f: {  	s4 =	sand.u32 $0x380, s13;
	[tilespmem:$0x8A80] =	vst v0  }
0x420: {  	v0 =	vld [tilespmem:s4+$0x3C00];
	_ =	sdelay $0x3  }
0x421: {  	s14 =	sshll.u32 s17, $0x7  }
0x422: {  	s4 =	sand.u32 $0x380, s14;
	[tilespmem:$0x8B00] =	vst v0  }
0x423: {  	v0 =	vld [tilespmem:s4+$0x4000]  }
0x424: {  	s16 =	sld [smem:$0x7E0];
	_ =	sdelay $0x2  }
0x425: {  	s4 =	sshll.u32 s16, $0x7  }
0x426: {  	s4 =	sand.u32 $0x380, s4;
	[tilespmem:$0x8B80] =	vst v0  }
0x427: {  	v0 =	vld [tilespmem:s4+$0x4400]  }
0x428: {  	s17 =	sld [smem:$0x7E1];
	_ =	sdelay $0x2  }
0x429: {  	s4 =	sshll.u32 s17, $0x7  }
0x42a: {  	s4 =	sand.u32 $0x380, s4;
	[tilespmem:$0x8C00] =	vst v0  }
0x42b: {  	v0 =	vld [tilespmem:s4+$0x4800];
	_ =	sdelay $0x3  }
0x42c: {  	s20 =	sshll.u32 s21, $0x7  }
0x42d: {  	s4 =	sand.u32 $0x380, s20;
	[tilespmem:$0x8C80] =	vst v0  }
0x42e: {  	v0 =	vld [tilespmem:s4+$0x4C00];
	_ =	sdelay $0x3  }
0x42f: {  	s21 =	sshll.u32 s24, $0x7  }
0x430: {  	s4 =	sand.u32 $0x380, s21;
	[tilespmem:$0x8D00] =	vst v0  }
0x431: {  	v0 =	vld [tilespmem:s4+$0x5000];
	_ =	sdelay $0x3  }
0x432: {  	s22 =	sshll.u32 s26, $0x7  }
0x433: {  	s4 =	sand.u32 $0x380, s22;
	[tilespmem:$0x8D80] =	vst v0  }
0x434: {  	v0 =	vld [tilespmem:s4+$0x5400];
	_ =	sdelay $0x3  }
0x435: {  	s23 =	sshll.u32 s28, $0x7  }
0x436: {  	s4 =	sand.u32 $0x380, s23;
	[tilespmem:$0x8E00] =	vst v0  }
0x437: {  	v0 =	vld [tilespmem:s4+$0x5800];
	_ =	sdelay $0x3  }
0x438: {  	s24 =	sshll.u32 s31, $0x7  }
0x439: {  	s4 =	sand.u32 $0x380, s24;
	[tilespmem:$0x8E80] =	vst v0  }
0x43a: {  	v0 =	vld [tilespmem:s4+$0x5C00];
	_ =	sdelay $0x3  }
0x43b: {  	s3 =	sshll.u32 s3, $0x7  }
0x43c: {  	s3 =	sand.u32 $0x380, s3;
	[tilespmem:$0x8F00] =	vst v0  }
0x43d: {  	v0 =	vld [tilespmem:s3+$0x6000];
	_ =	sdelay $0x3  }
0x43e: {  	s25 =	sshll.u32 s19, $0x7  }
0x43f: {  	s3 =	sand.u32 $0x380, s25;
	[tilespmem:$0x8F80] =	vst v0  }
0x440: {  	v0 =	vld [tilespmem:s3+$0x6400];
	_ =	sdelay $0x3  }
0x441: {  	s26 =	sshll.u32 s7, $0x7  }
0x442: {  	s3 =	sand.u32 $0x380, s26;
	[tilespmem:$0x9000] =	vst v0  }
0x443: {  	v0 =	vld [tilespmem:s3+$0x6800];
	_ =	sdelay $0x3  }
0x444: {  	s28 =	sshll.u32 s5, $0x7  }
0x445: {  	s3 =	sand.u32 $0x380, s28;
	[tilespmem:$0x9080] =	vst v0  }
0x446: {  	v0 =	vld [tilespmem:s3+$0x6C00];
	_ =	sdelay $0x3  }
0x447: {  	s2 =	sshll.u32 s2, $0x7  }
0x448: {  	s2 =	sand.u32 $0x380, s2;
	[tilespmem:$0x9100] =	vst v0  }
0x449: {  	v0 =	vld [tilespmem:s2+$0x7000]  }
0x44a: {  	s31 =	sld [smem:$0x7FC];
	_ =	sdelay $0x2  }
0x44b: {  	s0 =	sshll.u32 s0, $0x7;
	s5 =	smov.u32 s31  }
0x44c: {  	s30 =	sand.u32 $0x380, s0;
	s0 =	sshll.u32 s18, $0x7;
	s23 =	sshll.u32 s1, $0x7;
	[tilespmem:$0x9180] =	vst v0  }
0x44d: {  	s4 =	smov.u32 s31;
	s25 =	sshll.u32 s11, $0x7;
	s3 =	simm.s32 $0x80;
	v0 =	vld [tilespmem:s30+$0x7400]  }
.LBB2_6:
0x44e: {  	_ =	sdelay $0x3  }
0x44f: {  	s2 =	sand.u32 $0x380, s25;
	[tilespmem:$0x9200] =	vst v0  }
0x450: {  	v0 =	vld [tilespmem:s2+$0x7800];
	_ =	sdelay $0x4  }
0x451: {  	s0 =	sand.u32 $0x380, s0;
	[tilespmem:$0x9280] =	vst v0  }
0x452: {  	v0 =	vld [tilespmem:s0+$0x7C00];
	_ =	sdelay $0x4  }
0x453: {  	s7 =	sand.u32 $0x380, s23;
	[tilespmem:$0x9300] =	vst v0  }
0x454: {  	v0 =	vld [tilespmem:s7+$0x8000];
	_ =	sdelay $0x2  }
0x455: {  	s5 =	sadd.s32 $0x200, s5  }
0x456: {  	s6 =	sadd.s32 $0x80, s3;
	[dreg:$0x9] =	wrdreg s5  }
0x457: {  	s8 =	simm.s32 $0x8400;
	s10 =	simm.s32 $0x2;
	[dreg:$0x6] =	wrdreg s6;
	[tilespmem:$0x9380] =	vst v0  }
0x458: {  	[hbm4b:s4+s29] =	stream.linear.scatter [tilespmem:s8], [sflag:$0x2], $0x1000, $0x38;
	[tilespmem:$0x9400] =	vst v63  }
0x459: {  	_ =	swait.ge [sflag:s10], $0x1000  }
0x45a: {  	s1 =	smov.u32 s3;
	[sflag:s10] =	ssyncset.done $0x0  }
0x45b: {  	s9 =	sshra.s32 s1, $0x2;
	[sflag:s10] =	ssyncadd.s32 $0xFFFFF000  }
0x45c: {  	v1 =	vld [tilespmem:s9+$0x200];
	_ =	sdelay $0x4  }
0x45d: {  	(v2sf) =	vpush v1, $0x0;
	_ =	sdelay $0x1  }
0x45e: {  	(v2sf) =	vpush v1, $0x2  }
0x45f: {  	(v2sf) =	vpush v1, $0x3;
	_ =	sdelay $0x1  }
0x460: {  	(v2sf) =	vpush v1, $0x1;
	_ =	sdelay $0x1  }
0x461: {  	(v2sf) =	vpush v1, $0x5;
	_ =	sdelay $0x1  }
0x462: {  	(v2sf) =	vpush v1, $0xD  }
0x463: {  	v0 =	vld [tilespmem:s9+$0x210];
	_ =	sdelay $0x1  }
0x464: {  	(v2sf) =	vpush v1, $0x7;
	_ =	sdelay $0x1  }
0x465: {  	p0 =	sne.s32 s3, $0x780;
	(v2sf) =	vpush v1, $0x4  }
0x466: {  	s19 =	simm.s32 $0x400;
	s11 =	smov.u32 s5;
	(v2sf) =	vpush v0, $0x0;
	s12 =	spop (v2sf)  }
0x467: {  	s24 =	simm.s32 $0x800;
	[dreg:$0xa] =	wrdreg s11;
	s0 =	sshll.u32 s12, $0x7  }
0x468: {  	s28 =	simm.s32 $0xC00;
	s14 =	spop (v2sf);
	[dreg:$0xf] =	wrdreg s0  }
0x469: {  	(v2sf) =	vpush v1, $0x6;
	s13 =	sshll.u32 s12, $0x4;
	[dreg:$0x13] =	wrdreg s14;
	s17 =	spop (v2sf)  }
0x46a: {  	(v2sf) =	vpush v1, $0xA;
	s16 =	sand.u32 $0xFFFFF80, s13;
	s2 =	sshll.u32 s14, $0x4;
	[dreg:$0x18] =	wrdreg s17  }
0x46b: {  	s0 =	sadd.s32 s15, s16;
	s18 =	sand.u32 $0xFFFFF80, s2;
	s4 =	spop (v2sf)  }
0x46c: {  	[tilespmem:s19], [sflag:$0x1] =	stream.linear.gather [hbm4b:s0+s29], $0x400, $0x38;
	[tilespmem:$0x9400] =	vst v63  }
0x46d: {  	s21 =	sshll.u32 s17, $0x4;
	s20 =	sshll.u32 s4, $0x4;
	s22 =	spop (v2sf)  }
0x46e: {  	s6 =	sand.u32 $0xFFFFF80, s21;
	s3 =	sadd.s32 s15, s18;
	s18 =	simm.s32 $0x1000  }
0x46f: {  	[dreg:$0x1a] =	wrdreg s22;
	s0 =	sand.u32 $0xFFFFF80, s20;
	s11 =	spop (v2sf)  }
0x470: {  	s23 =	sshll.u32 s22, $0x4;
	s6 =	sadd.s32 s15, s6;
	s20 =	simm.s32 $0x1400  }
0x471: {  	(v2sf) =	vpush v1, $0xB;
	s22 =	simm.s32 $0x1800;
	[smem:$0x7D8] =	sst s11;
	s0 =	sadd.s32 s15, s0  }
0x472: {  	s9 =	spop (v2sf);
	s25 =	sand.u32 $0xFFFFF80, s23;
	s11 =	sshll.u32 s11, $0x4  }
0x473: {  	(v2sf) =	vpush v1, $0x9;
	[tilespmem:s24], [sflag:$0x1] =	stream.linear.gather [hbm4b:s0+s29], $0x400, $0x38;
	[tilespmem:$0x9400] =	vst v63  }
0x474: {  	(v2sf) =	vpush v1, $0x8;
	s7 =	sshll.u32 s9, $0x4;
	s5 =	spop (v2sf);
	s0 =	sadd.s32 s15, s25  }
0x475: {  	s25 =	simm.s32 $0x1C00;
	s11 =	sand.u32 $0xFFFFF80, s11;
	s2 =	spop (v2sf)  }
0x476: {  	(v2sf) =	vpush v0, $0x1;
	s8 =	sshll.u32 s5, $0x4;
	s31 =	sand.u32 $0xFFFFF80, s7;
	[smem:$0x7D9] =	sst s2  }
0x477: {  	[tilespmem:s28], [sflag:$0x1] =	stream.linear.gather [hbm4b:s3+s29], $0x400, $0x38;
	[tilespmem:$0x9400] =	vst v63  }
0x478: {  	s30 =	sand.u32 $0xFFFFF80, s8;
	s12 =	spop (v2sf);
	s8 =	sadd.s32 s15, s31  }
0x479: {  	s31 =	simm.s32 $0x2000;
	s17 =	sshll.u32 s12, $0x4;
	s26 =	spop (v2sf)  }
0x47a: {  	(v2sf) =	vpush v1, $0xC;
	[tilespmem:s18], [sflag:$0x1] =	stream.linear.gather [hbm4b:s6+s29], $0x400, $0x38;
	[tilespmem:$0x9400] =	vst v63  }
0x47b: {  	s3 =	sadd.s32 s15, s30;
	s10 =	sand.u32 $0xFFFFF80, s17;
	s19 =	sshll.u32 s26, $0x4  }
0x47c: {  	s17 =	sshll.u32 s2, $0x4;
	s18 =	simm.s32 $0x2400;
	s2 =	sadd.s32 s15, s11  }
0x47d: {  	[tilespmem:s20], [sflag:$0x1] =	stream.linear.gather [hbm4b:s3+s29], $0x400, $0x38;
	[tilespmem:$0x9400] =	vst v63  }
0x47e: {  	(v2sf) =	vpush v0, $0x2;
	s10 =	sadd.s32 s15, s10;
	s3 =	sand.u32 $0xFFFFF80, s19;
	s19 =	sshll.u32 s4, $0x7  }
0x47f: {  	[tilespmem:s22], [sflag:$0x1] =	stream.linear.gather [hbm4b:s0+s29], $0x400, $0x38;
	[tilespmem:$0x9400] =	vst v63  }
0x480: {  	s20 =	simm.s32 $0x2800;
	[smem:$0x7DA] =	sst s19;
	s21 =	spop (v2sf)  }
0x481: {  	[tilespmem:s25], [sflag:$0x1] =	stream.linear.gather [hbm4b:s10+s29], $0x400, $0x38;
	[tilespmem:$0x9400] =	vst v63  }
0x482: {  	s3 =	sadd.s32 s15, s3;
	s22 =	simm.s32 $0x2C00;
	s6 =	spop (v2sf);
	(v2sf) =	vpush v1, $0xE  }
0x483: {  	s25 =	simm.s32 $0x3000;
	[smem:$0x7D7] =	sst s21;
	s7 =	spop (v2sf)  }
0x484: {  	[tilespmem:s31], [sflag:$0x1] =	stream.linear.gather [hbm4b:s8+s29], $0x400, $0x38;
	[tilespmem:$0x9400] =	vst v63  }
0x485: {  	s23 =	sshll.u32 s21, $0x4;
	s24 =	sshll.u32 s7, $0x4;
	s30 =	spop (v2sf);
	(v2sf) =	vpush v0, $0x3  }
0x486: {  	s13 =	sshll.u32 s6, $0x4;
	s16 =	sshll.u32 s30, $0x4;
	(v2sf) =	vpush v1, $0xF;
	s28 =	sand.u32 $0xFFFFF80, s24  }
0x487: {  	s13 =	sand.u32 $0xFFFFF80, s13;
	(v2sf) =	vpush v0, $0x4;
	s0 =	sand.u32 $0xFFFFF80, s16;
	s16 =	sadd.s32 s15, s28  }
0x488: {  	[tilespmem:s18], [sflag:$0x1] =	stream.linear.gather [hbm4b:s16+s29], $0x400, $0x38;
	[tilespmem:$0x9400] =	vst v63  }
0x489: {  	s14 =	sand.u32 $0xFFFFF80, s23;
	s13 =	sadd.s32 s15, s13;
	(v2sf) =	vpush v0, $0x5;
	s10 =	spop (v2sf)  }
0x48a: {  	[tilespmem:s20], [sflag:$0x1] =	stream.linear.gather [hbm4b:s13+s29], $0x400, $0x38;
	[tilespmem:$0x9400] =	vst v63  }
0x48b: {  	s31 =	simm.s32 $0x3400;
	s23 =	sadd.s32 s15, s14;
	(v2sf) =	vpush v0, $0x6;
	s21 =	sshll.u32 s10, $0x4  }
0x48c: {  	[tilespmem:s22], [sflag:$0x1] =	stream.linear.gather [hbm4b:s3+s29], $0x400, $0x38;
	[tilespmem:$0x9400] =	vst v63  }
0x48d: {  	s18 =	sand.u32 $0xFFFFF80, s17;
	s13 =	spop (v2sf);
	(v2sf) =	vpush v0, $0x7;
	s4 =	sand.u32 $0xFFFFF80, s21  }
0x48e: {  	[tilespmem:s25], [sflag:$0x1] =	stream.linear.gather [hbm4b:s23+s29], $0x400, $0x38;
	[tilespmem:$0x9400] =	vst v63  }
0x48f: {  	s0 =	sadd.s32 s15, s0;
	s24 =	sshll.u32 s13, $0x4;
	s28 =	sadd.s32 s15, s4  }
0x490: {  	[tilespmem:s31], [sflag:$0x1] =	stream.linear.gather [hbm4b:s28+s29], $0x400, $0x38;
	[tilespmem:$0x9400] =	vst v63  }
0x491: {  	s4 =	sand.u32 $0xFFFFF80, s24;
	s24 =	simm.s32 $0x3800;
	s14 =	spop (v2sf)  }
0x492: {  	[tilespmem:s24], [sflag:$0x1] =	stream.linear.gather [hbm4b:s2+s29], $0x400, $0x38;
	[tilespmem:$0x9400] =	vst v63  }
0x493: {  	s4 =	sadd.s32 s15, s4;
	s31 =	simm.s32 $0x3C00;
	(v2sf) =	vpush v0, $0x8;
	s22 =	sshll.u32 s14, $0x4  }
0x494: {  	s24 =	sadd.s32 s15, s18;
	s8 =	spop (v2sf);
	s11 =	sand.u32 $0xFFFFF80, s22  }
0x495: {  	s23 =	sshll.u32 s8, $0x4;
	s17 =	spop (v2sf);
	s25 =	sadd.s32 s15, s11  }
0x496: {  	(v2sf) =	vpush v0, $0x9;
	s19 =	sshll.u32 s17, $0x4;
	s20 =	sand.u32 $0xFFFFF80, s23;
	s16 =	spop (v2sf)  }
0x497: {  	[tilespmem:s31], [sflag:$0x1] =	stream.linear.gather [hbm4b:s25+s29], $0x400, $0x38;
	[tilespmem:$0x9400] =	vst v63  }
0x498: {  	s21 =	sand.u32 $0xFFFFF80, s19;
	s22 =	sshll.u32 s16, $0x4;
	s19 =	spop (v2sf)  }
0x499: {  	s22 =	sand.u32 $0xFFFFF80, s22;
	s28 =	sshll.u32 s19, $0x4;
	s2 =	sadd.s32 s15, s21  }
0x49a: {  	(v2sf) =	vpush v0, $0xA;
	s21 =	simm.s32 $0x4000;
	s23 =	sand.u32 $0xFFFFF80, s28;
	s11 =	spop (v2sf)  }
0x49b: {  	[tilespmem:s21], [sflag:$0x1] =	stream.linear.gather [hbm4b:s2+s29], $0x400, $0x38;
	[tilespmem:$0x9400] =	vst v63  }
0x49c: {  	(v2sf) =	vpush v0, $0xB;
	s28 =	simm.s32 $0x4400;
	s25 =	sshll.u32 s11, $0x4;
	s18 =	spop (v2sf)  }
0x49d: {  	[tilespmem:s28], [sflag:$0x1] =	stream.linear.gather [hbm4b:s24+s29], $0x400, $0x38;
	[tilespmem:$0x9400] =	vst v63  }
0x49e: {  	s2 =	simm.s32 $0x4800;
	s3 =	sand.u32 $0xFFFFF80, s25;
	s31 =	sshll.u32 s18, $0x4  }
0x49f: {  	[tilespmem:s2], [sflag:$0x1] =	stream.linear.gather [hbm4b:s0+s29], $0x400, $0x38;
	[tilespmem:$0x9400] =	vst v63  }
0x4a0: {  	s25 =	simm.s32 $0x4C00;
	s28 =	sadd.s32 s15, s20;
	s24 =	sand.u32 $0xFFFFF80, s31  }
0x4a1: {  	(v2sf) =	vpush v0, $0xC;
	[tilespmem:s25], [sflag:$0x1] =	stream.linear.gather [hbm4b:s4+s29], $0x400, $0x38;
	[tilespmem:$0x9400] =	vst v63  }
0x4a2: {  	s2 =	simm.s32 $0x5000;
	s25 =	sadd.s32 s15, s22;
	s21 =	spop (v2sf)  }
0x4a3: {  	(v2sf) =	vpush v0, $0xD;
	[tilespmem:s2], [sflag:$0x1] =	stream.linear.gather [hbm4b:s28+s29], $0x400, $0x38;
	[tilespmem:$0x9400] =	vst v63  }
0x4a4: {  	s22 =	simm.s32 $0x5800;
	s2 =	sadd.s32 s15, s23;
	s31 =	sshll.u32 s21, $0x4  }
0x4a5: {  	s4 =	spop (v2sf);
	s20 =	sand.u32 $0xFFFFF80, s31;
	s31 =	simm.s32 $0x5400  }
0x4a6: {  	(v2sf) =	vpush v0, $0xE;
	[tilespmem:s31], [sflag:$0x1] =	stream.linear.gather [hbm4b:s25+s29], $0x400, $0x38;
	[tilespmem:$0x9400] =	vst v63  }
0x4a7: {  	s28 =	sshll.u32 s4, $0x4;
	s25 =	sadd.s32 s15, s3;
	s20 =	sadd.s32 s15, s20  }
0x4a8: {  	[tilespmem:s22], [sflag:$0x1] =	stream.linear.gather [hbm4b:s2+s29], $0x400, $0x38;
	[tilespmem:$0x9400] =	vst v63  }
0x4a9: {  	s28 =	sand.u32 $0xFFFFF80, s28;
	s23 =	spop (v2sf);
	s2 =	simm.s32 $0x5C00  }
0x4aa: {  	(v2sf) =	vpush v0, $0xF;
	[tilespmem:s2], [sflag:$0x1] =	stream.linear.gather [hbm4b:s25+s29], $0x400, $0x38;
	[tilespmem:$0x9400] =	vst v63  }
0x4ab: {  	s31 =	sshll.u32 s23, $0x4;
	s22 =	spop (v2sf);
	s25 =	sadd.s32 s15, s24  }
0x4ac: {  	s3 =	sand.u32 $0xFFFFF80, s31;
	s31 =	sshll.u32 s22, $0x4;
	s2 =	simm.s32 $0x6000  }
0x4ad: {  	[tilespmem:s2], [sflag:$0x1] =	stream.linear.gather [hbm4b:s25+s29], $0x400, $0x38;
	[tilespmem:$0x9400] =	vst v63  }
0x4ae: {  	s1 =	sadd.s32 s15, s28;
	s24 =	sand.u32 $0xFFFFF80, s31;
	s31 =	simm.s32 $0x6400  }
0x4af: {  	[tilespmem:s31], [sflag:$0x1] =	stream.linear.gather [hbm4b:s20+s29], $0x400, $0x38;
	[tilespmem:$0x9400] =	vst v63  }
0x4b0: {  	s25 =	spop (v2sf);
	s24 =	sadd.s32 s15, s24;
	s31 =	simm.s32 $0x6800  }
0x4b1: {  	[tilespmem:s31], [sflag:$0x1] =	stream.linear.gather [hbm4b:s1+s29], $0x400, $0x38;
	[tilespmem:$0x9400] =	vst v63  }
0x4b2: {  	s2 =	sshll.u32 s25, $0x4;
	s20 =	spop (v2sf);
	s1 =	sadd.s32 s15, s3  }
0x4b3: {  	s3 =	sand.u32 $0xFFFFF80, s2;
	s31 =	sshll.u32 s20, $0x4;
	s2 =	simm.s32 $0x6C00  }
0x4b4: {  	[tilespmem:s2], [sflag:$0x1] =	stream.linear.gather [hbm4b:s1+s29], $0x400, $0x38;
	[tilespmem:$0x9400] =	vst v63  }
0x4b5: {  	s28 =	sand.u32 $0xFFFFF80, s31;
	s31 =	simm.s32 $0x7000;
	s1 =	spop (v2sf)  }
0x4b6: {  	[tilespmem:s31], [sflag:$0x1] =	stream.linear.gather [hbm4b:s24+s29], $0x400, $0x38;
	[tilespmem:$0x9400] =	vst v63  }
0x4b7: {  	s3 =	sadd.s32 s15, s3;
	s2 =	simm.s32 $0x7400;
	s31 =	sshll.u32 s1, $0x4  }
0x4b8: {  	[tilespmem:s2], [sflag:$0x1] =	stream.linear.gather [hbm4b:s3+s29], $0x400, $0x38;
	[tilespmem:$0x9400] =	vst v63  }
0x4b9: {  	s0 =	sadd.s32 s15, s28;
	s24 =	spop (v2sf);
	s28 =	sand.u32 $0xFFFFF80, s31  }
0x4ba: {  	s31 =	sshll.u32 s24, $0x4;
	s2 =	simm.s32 $0x7800;
	s3 =	sadd.s32 s15, s28  }
0x4bb: {  	[tilespmem:s2], [sflag:$0x1] =	stream.linear.gather [hbm4b:s0+s29], $0x400, $0x38;
	[tilespmem:$0x9400] =	vst v63  }
0x4bc: {  	s28 =	sand.u32 $0xFFFFF80, s31;
	s31 =	rddreg [dreg:$0x13];
	s2 =	simm.s32 $0x7C00  }
0x4bd: {  	[tilespmem:s2], [sflag:$0x1] =	stream.linear.gather [hbm4b:s3+s29], $0x400, $0x38;
	[tilespmem:$0x9400] =	vst v63  }
0x4be: {  	s0 =	simm.s32 $0x1;
	s3 =	sadd.s32 s15, s28;
	s28 =	simm.s32 $0x8000  }
0x4bf: {  	[tilespmem:s28], [sflag:$0x1] =	stream.linear.gather [hbm4b:s3+s29], $0x400, $0x38;
	[tilespmem:$0x9400] =	vst v63  }
0x4c0: {  	s2 =	rddreg [dreg:$0x18];
	s3 =	sshll.u32 s12, $0x7;
	_ =	swait.ge [sflag:s0], $0x8000  }
0x4c1: {  	s12 =	sshll.u32 s7, $0x7;
	[sflag:s0] =	ssyncset.done $0x0;
	s7 =	rddreg [dreg:$0xf]  }
0x4c2: {  	[sflag:s0] =	ssyncadd.s32 $0xFFFF8000;
	s0 =	sand.u32 $0x380, s7  }
0x4c3: {  	v0 =	vld [tilespmem:s0+$0x400];
	s0 =	sld [smem:$0x7D8];
	_ =	sdelay $0x2  }
0x4c4: {  	s0 =	sshll.u32 s0, $0x7  }
0x4c5: {  	[smem:$0x7DB] =	sst s0  }
0x4c6: {  	s0 =	sld [smem:$0x7DA];
	_ =	sdelay $0x2  }
0x4c7: {  	[tilespmem:$0x8400] =	vst v0;
	s0 =	sand.u32 $0x380, s0  }
0x4c8: {  	v0 =	vld [tilespmem:s0+$0x800];
	_ =	sdelay $0x3  }
0x4c9: {  	s31 =	sshll.u32 s31, $0x7  }
0x4ca: {  	s31 =	sand.u32 $0x380, s31;
	[tilespmem:$0x8480] =	vst v0  }
0x4cb: {  	v0 =	vld [tilespmem:s31+$0xC00];
	_ =	sdelay $0x3  }
0x4cc: {  	s25 =	sshll.u32 s25, $0x7;
	s2 =	sshll.u32 s2, $0x7  }
0x4cd: {  	[dreg:$0x15] =	wrdreg s25;
	s25 =	sshll.u32 s20, $0x7;
	s20 =	sand.u32 $0x380, s2;
	[tilespmem:$0x8500] =	vst v0  }
0x4ce: {  	v0 =	vld [tilespmem:s20+$0x1000];
	_ =	sdelay $0x3  }
0x4cf: {  	s5 =	sshll.u32 s5, $0x7;
	s23 =	sshll.u32 s23, $0x7  }
0x4d0: {  	[dreg:$0x1c] =	wrdreg s23;
	s23 =	sshll.u32 s24, $0x7;
	s24 =	sand.u32 $0x380, s5;
	[tilespmem:$0x8580] =	vst v0  }
0x4d1: {  	v0 =	vld [tilespmem:s24+$0x1400];
	_ =	sdelay $0x2  }
0x4d2: {  	s28 =	rddreg [dreg:$0x1a]  }
0x4d3: {  	s28 =	sshll.u32 s28, $0x7  }
0x4d4: {  	s31 =	sand.u32 $0x380, s28;
	[tilespmem:$0x8600] =	vst v0  }
0x4d5: {  	v0 =	vld [tilespmem:s31+$0x1800];
	_ =	sdelay $0x4  }
0x4d6: {  	s2 =	sand.u32 $0x380, s3;
	[tilespmem:$0x8680] =	vst v0  }
0x4d7: {  	v0 =	vld [tilespmem:s2+$0x1C00];
	_ =	sdelay $0x3  }
0x4d8: {  	s9 =	sshll.u32 s9, $0x7  }
0x4d9: {  	s9 =	sand.u32 $0x380, s9;
	[tilespmem:$0x8700] =	vst v0  }
0x4da: {  	v0 =	vld [tilespmem:s9+$0x2000];
	_ =	sdelay $0x4  }
0x4db: {  	s20 =	sand.u32 $0x380, s12;
	[tilespmem:$0x8780] =	vst v0  }
0x4dc: {  	v0 =	vld [tilespmem:s20+$0x2400];
	_ =	sdelay $0x3  }
0x4dd: {  	s6 =	sshll.u32 s6, $0x7  }
0x4de: {  	s24 =	sand.u32 $0x380, s6;
	[tilespmem:$0x8800] =	vst v0  }
0x4df: {  	v0 =	vld [tilespmem:s24+$0x2800];
	_ =	sdelay $0x3  }
0x4e0: {  	s26 =	sshll.u32 s26, $0x7  }
0x4e1: {  	s28 =	sand.u32 $0x380, s26;
	[tilespmem:$0x8880] =	vst v0  }
0x4e2: {  	v0 =	vld [tilespmem:s28+$0x2C00]  }
0x4e3: {  	s7 =	sld [smem:$0x7D7];
	_ =	sdelay $0x2  }
0x4e4: {  	s7 =	sshll.u32 s7, $0x7  }
0x4e5: {  	s31 =	sand.u32 $0x380, s7;
	[tilespmem:$0x8900] =	vst v0  }
0x4e6: {  	v0 =	vld [tilespmem:s31+$0x3000];
	_ =	sdelay $0x3  }
0x4e7: {  	s10 =	sshll.u32 s10, $0x7  }
0x4e8: {  	s2 =	sand.u32 $0x380, s10;
	[tilespmem:$0x8980] =	vst v0  }
0x4e9: {  	v0 =	vld [tilespmem:s2+$0x3400];
	_ =	sdelay $0x1  }
0x4ea: {  	s6 =	sld [smem:$0x7DB];
	_ =	sdelay $0x2  }
0x4eb: {  	s0 =	sshll.u32 s1, $0x7;
	s1 =	sand.u32 $0x380, s6;
	[tilespmem:$0x8A00] =	vst v0  }
0x4ec: {  	v0 =	vld [tilespmem:s1+$0x3800];
	_ =	sdelay $0x3  }
0x4ed: {  	s14 =	sshll.u32 s14, $0x7  }
0x4ee: {  	s7 =	sand.u32 $0x380, s14;
	[tilespmem:$0x8A80] =	vst v0  }
0x4ef: {  	v0 =	vld [tilespmem:s7+$0x3C00];
	_ =	sdelay $0x3  }
0x4f0: {  	s17 =	sshll.u32 s17, $0x7  }
0x4f1: {  	s30 =	sshll.u32 s30, $0x7;
	s9 =	sand.u32 $0x380, s17;
	[tilespmem:$0x8B00] =	vst v0  }
0x4f2: {  	[smem:$0x7DC] =	sst s30;
	v0 =	vld [tilespmem:s9+$0x4000]  }
0x4f3: {  	s30 =	sshll.u32 s8, $0x7;
	s8 =	sld [smem:$0x7D9];
	_ =	sdelay $0x2  }
0x4f4: {  	s8 =	sshll.u32 s8, $0x7  }
0x4f5: {  	s10 =	sand.u32 $0x380, s8;
	[tilespmem:$0x8B80] =	vst v0  }
0x4f6: {  	v0 =	vld [tilespmem:s10+$0x4400];
	_ =	sdelay $0x1  }
0x4f7: {  	s12 =	sld [smem:$0x7DC];
	_ =	sdelay $0x2  }
0x4f8: {  	s1 =	sand.u32 $0x380, s12;
	[tilespmem:$0x8C00] =	vst v0  }
0x4f9: {  	v0 =	vld [tilespmem:s1+$0x4800];
	_ =	sdelay $0x3  }
0x4fa: {  	s13 =	sshll.u32 s13, $0x7  }
0x4fb: {  	s13 =	sand.u32 $0x380, s13;
	[tilespmem:$0x8C80] =	vst v0  }
0x4fc: {  	v0 =	vld [tilespmem:s13+$0x4C00];
	_ =	sdelay $0x4  }
0x4fd: {  	s14 =	sand.u32 $0x380, s30;
	[tilespmem:$0x8D00] =	vst v0  }
0x4fe: {  	v0 =	vld [tilespmem:s14+$0x5000];
	_ =	sdelay $0x3  }
0x4ff: {  	s16 =	sshll.u32 s16, $0x7  }
0x500: {  	s16 =	sand.u32 $0x380, s16;
	[tilespmem:$0x8D80] =	vst v0  }
0x501: {  	v0 =	vld [tilespmem:s16+$0x5400];
	_ =	sdelay $0x3  }
0x502: {  	s19 =	sshll.u32 s19, $0x7  }
0x503: {  	s17 =	sand.u32 $0x380, s19;
	[tilespmem:$0x8E00] =	vst v0  }
0x504: {  	v0 =	vld [tilespmem:s17+$0x5800];
	_ =	sdelay $0x3  }
0x505: {  	s11 =	sshll.u32 s11, $0x7  }
0x506: {  	s19 =	sand.u32 $0x380, s11;
	[tilespmem:$0x8E80] =	vst v0  }
0x507: {  	v0 =	vld [tilespmem:s19+$0x5C00];
	_ =	sdelay $0x3  }
0x508: {  	s18 =	sshll.u32 s18, $0x7  }
0x509: {  	s20 =	sand.u32 $0x380, s18;
	[tilespmem:$0x8F00] =	vst v0  }
0x50a: {  	v0 =	vld [tilespmem:s20+$0x6000];
	_ =	sdelay $0x3  }
0x50b: {  	s21 =	sshll.u32 s21, $0x7  }
0x50c: {  	s24 =	sand.u32 $0x380, s21;
	[tilespmem:$0x8F80] =	vst v0  }
0x50d: {  	v0 =	vld [tilespmem:s24+$0x6400];
	_ =	sdelay $0x3  }
0x50e: {  	s4 =	sshll.u32 s4, $0x7  }
0x50f: {  	s26 =	sand.u32 $0x380, s4;
	[tilespmem:$0x9000] =	vst v0  }
0x510: {  	v0 =	vld [tilespmem:s26+$0x6800];
	_ =	sdelay $0x3  }
0x511: {  	s28 =	rddreg [dreg:$0x1c]  }
0x512: {  	s1 =	sand.u32 $0x380, s28;
	[tilespmem:$0x9080] =	vst v0  }
0x513: {  	v0 =	vld [tilespmem:s1+$0x6C00];
	_ =	sdelay $0x3  }
0x514: {  	s22 =	sshll.u32 s22, $0x7  }
0x515: {  	s30 =	sand.u32 $0x380, s22;
	[tilespmem:$0x9100] =	vst v0  }
0x516: {  	v0 =	vld [tilespmem:s30+$0x7000];
	_ =	sdelay $0x1  }
.Ltmp2:
0x517: {  	_ = 	snop;
	(pc) =	sbr.rel @p0 .LBB2_6-.Ltmp2, $4  }
0x518: {  	s5 =	rddreg [dreg:$0x9]  }
0x519: {  	s31 =	rddreg [dreg:$0x15]  }
0x51a: {  	s3 =	rddreg [dreg:$0x6];
	s1 =	sand.u32 $0x380, s31;
	[tilespmem:$0x9180] =	vst v0  }
0x51b: {  	s4 =	rddreg [dreg:$0xa];
	v0 =	vld [tilespmem:s1+$0x7400]  }
0x51c: {  	_ =	sdelay $0x3  }
0x51d: {  	s1 =	sand.u32 $0x380, s25;
	[tilespmem:$0x9200] =	vst v0  }
0x51e: {  	v0 =	vld [tilespmem:s1+$0x7800];
	_ =	sdelay $0x4  }
0x51f: {  	s0 =	sand.u32 $0x380, s0;
	[tilespmem:$0x9280] =	vst v0  }
0x520: {  	v0 =	vld [tilespmem:s0+$0x7C00];
	_ =	sdelay $0x4  }
0x521: {  	s24 =	sand.u32 $0x380, s23;
	[tilespmem:$0x9300] =	vst v0  }
0x522: {  	v0 =	vld [tilespmem:s24+$0x8000];
	_ =	sdelay $0x4  }
0x523: {  	s25 =	simm.s32 $0x8400;
	s26 =	simm.s32 $0x2;
	[tilespmem:$0x9380] =	vst v0  }
0x524: {  	[hbm4b:s4+s29] =	stream.linear.scatter [tilespmem:s25], [sflag:$0x2], $0x1000, $0x38;
	[tilespmem:$0x9400] =	vst v63  }
0x525: {  	_ =	swait.ge [sflag:s26], $0x1000  }
0x526: {  	s2 =	sld [smem:$0x7F1]  }
0x527: {  	s31 =	sld [smem:$0x7F9];
	_ =	sdelay $0x1  }
0x528: {  	s2 =	sadd.s32 $0x1, s2  }
0x529: {  	s8 =	simm.s32 $0x0;
	p0 =	sne.s32 s2, s31  }
.Ltmp3:
0x52a: {  	s11 =	simm.s32 $0x400;
	s15 =	simm.s32 $0x800;
	(pc) =	sbr.rel @p0 .LBB2_1-.Ltmp3, $4  }
0x52b: {  	s16 =	simm.s32 $0xC00;
	s17 =	simm.s32 $0x1000;
	s18 =	simm.s32 $0x1400  }
0x52c: {  	s19 =	simm.s32 $0x1800;
	s20 =	simm.s32 $0x1C00;
	s28 =	simm.s32 $0x2400  }
0x52d: {  	s30 =	simm.s32 $0x2C00;
	s29 =	simm.s32 $0x2800;
	[sflag:s26] =	ssyncset.done $0x0  }
0x52e: {  	s10 =	sld [smem:$0x7FD];
	[sflag:s26] =	ssyncadd.s32 $0xFFFFF000;
	s26 =	simm.s32 $0x2000  }
0x52f: {  	_ =	sfence.sel $0x180000  }
0x530: {  	[bflag:$0x0] =	sbarrier.arrive $0xFFFF  }
0x531: {  	_ =	strace $0x90000047  }
0x532: {  	s0 =	stileid.u32;
	[bflag:$0x2] =	sbarrier.arrive $0xFFFF  }
0x533: {  	p0 =	sne.s32 s0, $0x0;
	s0 =	rddreg [dreg:$0x3]  }
0x534: {  	s0 =	sadd.s32 @!p0 $0x100000, s0  }
0x535: {  	[sflag:s0] =	ssyncadd.tile.s32 @!p0 $0x1;
	_ =	shalt  }
.Lfunc_end2:
_tile_overlayer_lowered:
.L_overlay_start_2:
0x536: {  	(tag) =	ssettag $0x2  }
0x537: {  	s0 =	rddreg [dreg:$0x0];
	s2 =	stileid.u32  }
0x538: {  	s1 =	rddreg [dreg:$0x1];
	p0 =	sne.s32 s2, $0x0  }
0x539: {  	s3 =	rddreg [dreg:$0x2];
	[bflag:$0x3] =	sbarrier.arrive $0xFFFF;
	s2 =	simm.s32 @!p0 $0x1C02  }
0x53a: {  	[timem:s3], [sflag:s2] =	dma.local @!p0 [hbm:s0], s1  }
0x53b: {  	s0 =	simm.s32 @!p0 $0x2  }
0x53c: {  	_ =	swait.ge @!p0 [sflag:s0], s1  }
0x53d: {  	s1 =	ssub.s32 @!p0 $0x0, s1;
	[sflag:s0] =	ssyncset.done @!p0 $0x0  }
0x53e: {  	[sflag:s0] =	ssyncadd.s32 @!p0 s1  }
0x53f: {  	[bflag:$0x3] =	sbarrier.arrive $0xFFFF  }
0x540: {  	_ =	shalt  }

</sc_bundles>
